<compile_context>
chip_gen: v7x
topology: tpu7x:2x2x1
jax: 0.10.2.dev20260603
libtpu: 0.0.44.dev20260713+nightly
codegen_flags: <defaults>
</compile_context>

<pallas_src>
import functools

import numpy as np
import jax
import jax.numpy as jnp
from jax import lax
from jax.experimental import pallas as pl
from jax.experimental.pallas import tpu as pltpu
from jax.experimental.pallas import tpu_sc as plsc

U = 8192
I = 2048
NNZ = 131072

H_LO = np.array([0.035226291882100656, -0.08544127388224149, -0.13501102001039084,
                 0.4598775021193313, 0.8068915093133388, 0.3326705529509569], np.float32)
H_HI = np.array([-0.3326705529509569, 0.8068915093133388, -0.4598775021193313,
                 -0.13501102001039084, 0.08544127388224149, 0.035226291882100656], np.float32)
KL = H_LO[::-1].copy()
KH = H_HI[::-1].copy()

LOG1P_TAB_NP = np.log1p(np.arange(NNZ + 1, dtype=np.float64)).astype(np.float32)



def _geom(N):
    NA = N // 8
    PL_ = NA + 8
    n1 = (N + 4) // 2 + 1
    n2 = (n1 + 4) // 2 + 1
    n3 = (n2 + 4) // 2 + 1
    A1 = -(-n1 // 4)
    B2 = -(-n2 // 2)
    return NA, PL_, n1, n2, n3, A1, B2


U_NA, U_PL, U_N1, U_N2, U_N3, U_A1, U_B2 = _geom(I)
I_NA, I_PL, I_N1, I_N2, I_N3, I_A1, I_B2 = _geom(U)

UW = 8 * U_PL
IW = 8 * I_PL
UB = U * UW
IB = I * IW

UB32 = UB // 32
IB32 = IB // 32

NC, NS = 2, 16



def _sc_a_body(ui2_h, ii2_h, vv2_h, tab_h, zc1_h, ubuf_h, ibuf_h,
               pop_h, pv_h,
               ii_v, uu_v, vv_v, iis_v, uus_v, vvs_v,
               pv_v, fuall_v, fiall_v, lcall_v, pcall_v,
               cnt_v, cidx_v, lc_v,
               ones_v, zzf_v, counts_sh, pop_sh, lc_sh, sem):
    cid = lax.axis_index("c")
    sid = lax.axis_index("s")
    wid = sid * NC + cid

    pltpu.sync_copy(zc1_h, zzf_v)
    for kk in range(8):
        ones_v[pl.ds(kk * 16, 16)] = jnp.ones((16,), jnp.float32)

    pltpu.sync_copy(zzf_v.at[pl.ds(0, 128)], counts_sh.at[pl.ds(sid * 128, 128)])
    pltpu.sync_copy(zzf_v.at[pl.ds(0, 128)], pop_sh.at[pl.ds(sid * 128, 128)])

    pltpu.sync_copy(ii2_h.at[pl.ds(sid * 64, 64)], ii_v)
    pltpu.sync_copy(vv2_h.at[pl.ds(sid * 64, 64)], vv_v)
    base = wid * 32
    pltpu.sync_copy(ii2_h.at[pl.ds(base, 32)], iis_v)
    pltpu.sync_copy(ui2_h.at[pl.ds(base, 32)], uus_v)
    pltpu.sync_copy(vv2_h.at[pl.ds(base, 32)], vvs_v)

    def fidx(j, _):
        for kk in range(8):
            u16 = uus_v[j, pl.ds(kk * 16, 16)]
            i16 = iis_v[j, pl.ds(kk * 16, 16)]
            fuall_v[j, pl.ds(kk * 16, 16)] = (
                jnp.bitwise_and(i16, 7) * (U * U_PL) + u16 * U_PL +
                jnp.right_shift(i16, 3) + 1)
            fiall_v[j, pl.ds(kk * 16, 16)] = (
                jnp.bitwise_and(u16, 7) * (I * I_PL) + i16 * I_PL +
                jnp.right_shift(u16, 3) + 1)
        return 0
    lax.fori_loop(0, 32, fidx, 0)

    def sbody(g, _):
        ds_ = []
        for b in range(4):
            j = g * 4 + b
            ds_.append(pltpu.async_copy(vvs_v.at[j], ubuf_h.at[fuall_v.at[j]], sem))
            ds_.append(pltpu.async_copy(vvs_v.at[j], ibuf_h.at[fiall_v.at[j]], sem))
        for d in ds_:
            d.wait()
        return 0
    lax.fori_loop(0, 8, sbody, 0)

    plsc.subcore_barrier()

    def cbody(g, _):
        ds_ = [pltpu.async_copy(ones_v, counts_sh.at[ii_v.at[g * 8 + b]],
                                sem, add=True) for b in range(8)]
        for d in ds_:
            d.wait()
        return 0
    lax.fori_loop(0, 8, cbody, 0)
    plsc.subcore_barrier()

    pltpu.sync_copy(counts_sh.at[pl.ds(sid * 128, 128)], cnt_v)
    for kk in range(8):
        cidx_v[pl.ds(kk * 16, 16)] = cnt_v[pl.ds(kk * 16, 16)].astype(jnp.int32)
    pltpu.sync_copy(tab_h.at[cidx_v], lc_v)
    pltpu.sync_copy(lc_v, lc_sh.at[pl.ds(sid * 128, 128)])
    plsc.subcore_barrier()

    def lga(g, _):
        ds_ = [pltpu.async_copy(lc_sh.at[ii_v.at[g * 8 + b]],
                                lcall_v.at[g * 8 + b], sem) for b in range(8)]
        for d in ds_:
            d.wait()
        return 0
    lax.fori_loop(0, 8, lga, 0)

    def pcb(j, _):
        for kk in range(8):
            pcall_v[j, pl.ds(kk * 16, 16)] = (
                lcall_v[j, pl.ds(kk * 16, 16)] * vv_v[j, pl.ds(kk * 16, 16)])
        return 0
    lax.fori_loop(0, 64, pcb, 0)

    def psc(g, _):
        ds_ = [pltpu.async_copy(pcall_v.at[g * 8 + b],
                                pop_sh.at[ii_v.at[g * 8 + b]], sem, add=True)
               for b in range(8)]
        for d in ds_:
            d.wait()
        return 0
    lax.fori_loop(0, 8, psc, 0)
    plsc.subcore_barrier()

    @pl.when(jnp.logical_and(cid == 0, sid == 0))
    def _():
        pltpu.sync_copy(pop_sh, pop_h)

    def gbody(g, _):
        ds_ = [pltpu.async_copy(pop_sh.at[iis_v.at[g * 8 + b]],
                                pv_v.at[g * 8 + b], sem) for b in range(8)]
        for d in ds_:
            d.wait()
        return 0
    lax.fori_loop(0, 4, gbody, 0)
    pltpu.sync_copy(pv_v, pv_h.at[pl.ds(base, 32)])


def _make_sc_a():
    mesh = plsc.VectorSubcoreMesh(core_axis_name="c", subcore_axis_name="s")
    return pl.kernel(
        _sc_a_body,
        out_type=[
            jax.ShapeDtypeStruct((I,), jnp.float32),
            jax.ShapeDtypeStruct((1024, 128), jnp.float32),
        ],
        mesh=mesh,
        scratch_types=[
            pltpu.VMEM((64, 128), jnp.int32),
            pltpu.VMEM((64, 128), jnp.int32),
            pltpu.VMEM((64, 128), jnp.float32),
            pltpu.VMEM((32, 128), jnp.int32),
            pltpu.VMEM((32, 128), jnp.int32),
            pltpu.VMEM((32, 128), jnp.float32),
            pltpu.VMEM((32, 128), jnp.float32),
            pltpu.VMEM((32, 128), jnp.int32),
            pltpu.VMEM((32, 128), jnp.int32),
            pltpu.VMEM((64, 128), jnp.float32),
            pltpu.VMEM((64, 128), jnp.float32),
            pltpu.VMEM((128,), jnp.float32),
            pltpu.VMEM((128,), jnp.int32),
            pltpu.VMEM((128,), jnp.float32),
            pltpu.VMEM((128,), jnp.float32),
            pltpu.VMEM((8192,), jnp.float32),
            pltpu.VMEM_SHARED((I,), jnp.float32),
            pltpu.VMEM_SHARED((I,), jnp.float32),
            pltpu.VMEM_SHARED((I,), jnp.float32),
            pltpu.SemaphoreType.DMA,
        ],
    )



def _sc_c_body(ui2_h, t2_h, zc_h, acto_h,
               uu_v, tt_v, zsrc_v, act_sh, sem):
    cid = lax.axis_index("c")
    sid = lax.axis_index("s")

    pltpu.sync_copy(zc_h, zsrc_v)
    pltpu.sync_copy(zsrc_v, act_sh.at[pl.ds(sid * 512, 512)])

    row0 = cid * 512 + sid * 32
    pltpu.sync_copy(ui2_h.at[pl.ds(row0, 32)], uu_v)
    pltpu.sync_copy(t2_h.at[pl.ds(row0, 32)], tt_v)
    plsc.subcore_barrier()

    def abody(g, _):
        ds_ = [pltpu.async_copy(tt_v.at[g * 8 + b], act_sh.at[uu_v.at[g * 8 + b]],
                                sem, add=True) for b in range(8)]
        for d in ds_:
            d.wait()
        return 0
    lax.fori_loop(0, 4, abody, 0)
    plsc.subcore_barrier()

    @pl.when(sid == 0)
    def _():
        pltpu.sync_copy(act_sh, acto_h.at[cid])


def _make_sc_c():
    mesh = plsc.VectorSubcoreMesh(core_axis_name="c", subcore_axis_name="s")
    return pl.kernel(
        _sc_c_body,
        out_type=[jax.ShapeDtypeStruct((2, U), jnp.float32)],
        mesh=mesh,
        scratch_types=[
            pltpu.VMEM((32, 128), jnp.int32),
            pltpu.VMEM((32, 128), jnp.float32),
            pltpu.VMEM((512,), jnp.float32),
            pltpu.VMEM_SHARED((U,), jnp.float32),
            pltpu.SemaphoreType.DMA,
        ],
    )



def _tc_b_body(pop_ref, pv_ref, vv_ref, popo_ref, t_ref):
    p = pop_ref[...]
    nrm = jnp.sqrt(jnp.sum(p * p)) + 1e-8
    popo_ref[...] = p / nrm
    pv = pv_ref[...] / nrm + 1e-8
    t_ref[...] = vv_ref[...] / jnp.log1p(pv)


def _tc_b(pop_un, pv_un, vv):
    return pl.pallas_call(
        _tc_b_body,
        out_shape=[
            jax.ShapeDtypeStruct((16, 128), jnp.float32),
            jax.ShapeDtypeStruct((1024, 128), jnp.float32),
        ],
    )(pop_un, pv_un, vv)



def _band_body(x_ref, lo_ref, e1_ref, e2_ref, e3_ref, *, R, A1, B2, n3):
    X = x_ref[...]

    def lvl1(k):
        outs = []
        for r in range(4):
            acc = None
            for t in range(6):
                s = 2 * r + t - 5
                term = k[t] * X[s % 8, :, 1 + (s >> 3):1 + (s >> 3) + A1]
                acc = term if acc is None else acc + term
            outs.append(acc)
        return outs

    hi1 = lvl1(KH)
    e1 = sum(jnp.sum(h * h, axis=1) for h in hi1)
    lo1 = lvl1(KL)
    zR2 = jnp.zeros((R, 2), jnp.float32)
    zR1 = jnp.zeros((R, 1), jnp.float32)
    P1 = [jnp.concatenate([zR2, lo, zR1], axis=1) for lo in lo1]

    def lvl2(k):
        outs = []
        for r2 in range(2):
            acc = None
            for t in range(6):
                s2 = 2 * r2 + t - 5
                term = k[t] * P1[s2 % 4][:, 2 + (s2 >> 2):2 + (s2 >> 2) + B2]
                acc = term if acc is None else acc + term
            outs.append(acc)
        return outs

    hi2 = lvl2(KH)
    e2 = sum(jnp.sum(h * h, axis=1) for h in hi2)
    lo2 = lvl2(KL)
    zR3 = jnp.zeros((R, 3), jnp.float32)
    P2 = [jnp.concatenate([zR3, lo, zR3], axis=1) for lo in lo2]

    def lvl3(k):
        acc = None
        for t in range(6):
            s3 = t - 5
            term = k[t] * P2[s3 % 2][:, 3 + (s3 >> 1):3 + (s3 >> 1) + n3]
            acc = term if acc is None else acc + term
        return acc

    hi3 = lvl3(KH)
    e3 = jnp.sum(hi3 * hi3, axis=1)
    lo3 = lvl3(KL)

    lo_ref[...] = jnp.sum(lo3, axis=1)
    e1_ref[...] = e1
    e2_ref[...] = e2
    e3_ref[...] = e3


def _tc_bands(buf3, rows, R, PL_, A1, B2, n3):
    body = functools.partial(_band_body, R=R, A1=A1, B2=B2, n3=n3)
    grid = (rows // R,)
    return pl.pallas_call(
        body,
        grid=grid,
        in_specs=[pl.BlockSpec((8, R, PL_), lambda i: (0, i, 0))],
        out_specs=[pl.BlockSpec((R,), lambda i: (i,))] * 4,
        out_shape=[jax.ShapeDtypeStruct((rows,), jnp.float32)] * 4,
        compiler_params=pltpu.CompilerParams(
            dimension_semantics=("arbitrary",)),
    )(buf3)



def _tc_e_body(lu_ref, e1u_ref, e2u_ref, e3u_ref, act2_ref,
               li_ref, e1i_ref, e2i_ref, e3i_ref, pop_ref,
               upw_ref, unw_ref, ipw_ref, inw_ref, act_ref):
    au = act2_ref[0] + act2_ref[1]
    act = au / (jnp.sqrt(jnp.sum(au * au)) + 1e-8)
    act_ref[...] = act

    def bands(low_s, e1, e2, e3, s, n3):
        low = low_s * s / n3
        s2 = s * s
        high = (jnp.sqrt(e1 * s2 + 1e-12) + jnp.sqrt(e2 * s2 + 1e-12)
                + jnp.sqrt(e3 * s2 + 1e-12))
        a1 = jnp.maximum(low, 1e-6)
        a2 = jnp.maximum(high, 1e-6)
        w = a1 / (a1 + a2)
        return w

    su = 1.0 + act
    upw = bands(lu_ref[...], e1u_ref[...], e2u_ref[...], e3u_ref[...], su, U_N3)
    upw_ref[...] = upw
    unw_ref[...] = 1.0 - upw

    sp = 1.0 + pop_ref[...]
    ipw = bands(li_ref[...], e1i_ref[...], e2i_ref[...], e3i_ref[...], sp, I_N3)
    ipw_ref[...] = ipw
    inw_ref[...] = 1.0 - ipw


def _tc_e(lu, e1u, e2u, e3u, act2, li, e1i, e2i, e3i, pop):
    return pl.pallas_call(
        _tc_e_body,
        out_shape=[
            jax.ShapeDtypeStruct((64, 128), jnp.float32),
            jax.ShapeDtypeStruct((64, 128), jnp.float32),
            jax.ShapeDtypeStruct((16, 128), jnp.float32),
            jax.ShapeDtypeStruct((16, 128), jnp.float32),
            jax.ShapeDtypeStruct((64, 128), jnp.float32),
        ],
    )(lu, e1u, e2u, e3u, act2, li, e1i, e2i, e3i, pop)



def kernel(user_idx, item_idx, values):
    ui1 = user_idx.astype(jnp.int32)
    ii1 = item_idx.astype(jnp.int32)
    vv1 = values.astype(jnp.float32)
    ui2 = ui1.reshape(1024, 128)
    ii2 = ii1.reshape(1024, 128)
    vv2 = vv1.reshape(1024, 128)
    tab = jnp.asarray(LOG1P_TAB_NP)
    zc1 = jnp.zeros((8192,), jnp.float32)
    zc512 = jnp.zeros((512,), jnp.float32)

    ubuf_ref = jax.new_ref(jnp.zeros((UB,), jnp.float32))
    ibuf_ref = jax.new_ref(jnp.zeros((IB,), jnp.float32))

    sc_a = _make_sc_a()
    pop_un, pv_un = sc_a(ui2, ii2, vv2, tab, zc1, ubuf_ref, ibuf_ref)

    pop2, t2 = _tc_b(pop_un.reshape(16, 128), pv_un, vv2)

    sc_c = _make_sc_c()
    (act2,) = sc_c(ui2, t2, zc512)

    ubuf = ubuf_ref[...]
    ibuf = ibuf_ref[...]
    lu, e1u, e2u, e3u = _tc_bands(ubuf.reshape(8, U, U_PL), U, 256, U_PL,
                                  U_A1, U_B2, U_N3)
    li, e1i, e2i, e3i = _tc_bands(ibuf.reshape(8, I, I_PL), I, 128, I_PL,
                                  I_A1, I_B2, I_N3)

    upw, unw, ipw, inw, act = _tc_e(
        lu.reshape(64, 128), e1u.reshape(64, 128), e2u.reshape(64, 128),
        e3u.reshape(64, 128), act2.reshape(2, 64, 128),
        li.reshape(16, 128), e1i.reshape(16, 128), e2i.reshape(16, 128),
        e3i.reshape(16, 128), pop2.reshape(16, 128))

    return (upw.reshape(-1), unw.reshape(-1), ipw.reshape(-1),
            inw.reshape(-1), act.reshape(-1), pop2.reshape(-1))

# --- scband reference (transcript-rebuilt; emitter-appended) ---
"""Pipeline reference for scband-popular-niche-graph-builder-395136991848 (READ-ONLY COPY).

The authoritative reference and input builder live on the scoring server;
editing this copy changes nothing except your own understanding.
"""

import jax, jax.numpy as jnp
import numpy as np

U = 8192
I = 2048
NNZ = 131072
LEVEL = 3
# db3 decomposition filters (pywt dec_lo / dec_hi)
H_LO = jnp.array([0.035226291882100656, -0.08544127388224149, -0.13501102001039084, 0.4598775021193313, 0.8068915093133388, 0.3326705529509569], dtype=jnp.float32)
H_HI = jnp.array([-0.3326705529509569, 0.8068915093133388, -0.4598775021193313, -0.13501102001039084, 0.08544127388224149, 0.035226291882100656], dtype=jnp.float32)


def _conv_down2(x, filt):
    # true convolution (filter flipped) with zero padding, stride-2 downsample
    k = filt[::-1][None, None, :]
    p = filt.shape[0] - 1
    y = jax.lax.conv_general_dilated(x[:, None, :], k, (2,), [(p, p)], dimension_numbers=('NCH', 'OIH', 'NCH'))
    return y[:, 0, :]


def _dwt(x, J):
    lo = x
    highs = []
    for _ in range(J):
        hi = _conv_down2(lo, H_HI)
        lo = _conv_down2(lo, H_LO)
        highs.append(hi)
    return lo, highs


def setup_inputs(seed: int = 0):
    key = jax.random.key(seed)
    k1, k2, k3 = jax.random.split(key, 3)
    user_idx = jax.random.randint(k1, (NNZ,), 0, U)
    item_idx = jax.random.randint(k2, (NNZ,), 0, I)
    values = jax.random.uniform(k3, (NNZ,), dtype=jnp.float32)
    return {"user_idx": user_idx, "item_idx": item_idx, "values": values}


def reference(user_idx, item_idx, values):
    # _compute_item_popularity
    counts = jnp.bincount(item_idx, length=I)
    log_counts = jnp.log1p(counts.astype(jnp.float32))
    pop = jnp.zeros(I, jnp.float32).at[item_idx].add(values * log_counts[item_idx])
    pop = pop / (jnp.linalg.norm(pop) + 1e-8)
    # _compute_user_activity
    pop_vals = pop[item_idx] + 1e-8
    act = jnp.zeros(U, jnp.float32).at[user_idx].add(values / jnp.log1p(pop_vals))
    act = act / (jnp.linalg.norm(act) + 1e-8)
    # dense per-entity signals (vectorized over the per-index python loop)
    user_sig = jnp.zeros((U, I), jnp.float32).at[user_idx, item_idx].set(values) * (1.0 + act)[:, None]
    item_sig = jnp.zeros((I, U), jnp.float32).at[item_idx, user_idx].set(values) * (1.0 + pop)[:, None]

    def bands(sig):
        lo, highs = _dwt(sig, LEVEL)
        low_freq = jnp.mean(lo, axis=1)
        high_freq = sum(jnp.sqrt(jnp.sum(h * h, axis=1) + 1e-12) for h in highs)
        return low_freq, high_freq

    ul, uh = bands(user_sig)
    il, ih = bands(item_sig)

    def dweight(low, high):
        a1 = jnp.maximum(low, 1e-6)
        a2 = jnp.maximum(high, 1e-6)
        s = a1 + a2
        # deterministic Dirichlet expectation: E[Dir(10*a1, 10*a2)[0]] = a1/(a1+a2)
        return a1 / s

    upw = dweight(ul, uh)
    ipw = dweight(il, ih)
    return (upw, 1.0 - upw, ipw, 1.0 - ipw, act, pop)

if __name__ == "__main__":
    import jax
    _d = setup_inputs()
    print(jax.jit(kernel)(*tuple(_d.values())))

</pallas_src>

<mosaic_0001>
#map = affine_map<(d0, d1) -> (0, 0)>
#map1 = affine_map<(d0, d1) -> (0)>
module attributes {stable_mosaic.version = 14 : i64} {
  func.func @new_body(%arg0: i32, %arg1: i32, %arg2: memref<1024x128xi32, #tpu.memory_space<hbm>>, %arg3: memref<1024x128xi32, #tpu.memory_space<hbm>>, %arg4: memref<1024x128xf32, #tpu.memory_space<hbm>>, %arg5: memref<131073xf32, #tpu.memory_space<hbm>>, %arg6: memref<8192xf32, #tpu.memory_space<hbm>>, %arg7: memref<17301504xf32, #tpu.memory_space<hbm>>, %arg8: memref<16908288xf32, #tpu.memory_space<hbm>>, %arg9: memref<2048xf32, #tpu.memory_space<hbm>>, %arg10: memref<1024x128xf32, #tpu.memory_space<hbm>>, %arg11: memref<17301504xf32, #tpu.memory_space<hbm>>, %arg12: memref<16908288xf32, #tpu.memory_space<hbm>>, %arg13: memref<64x128xi32, #tpu.memory_space<vmem>>, %arg14: memref<64x128xi32, #tpu.memory_space<vmem>>, %arg15: memref<64x128xf32, #tpu.memory_space<vmem>>, %arg16: memref<32x128xi32, #tpu.memory_space<vmem>>, %arg17: memref<32x128xi32, #tpu.memory_space<vmem>>, %arg18: memref<32x128xf32, #tpu.memory_space<vmem>>, %arg19: memref<32x128xf32, #tpu.memory_space<vmem>>, %arg20: memref<32x128xi32, #tpu.memory_space<vmem>>, %arg21: memref<32x128xi32, #tpu.memory_space<vmem>>, %arg22: memref<64x128xf32, #tpu.memory_space<vmem>>, %arg23: memref<64x128xf32, #tpu.memory_space<vmem>>, %arg24: memref<128xf32, #tpu.memory_space<vmem>>, %arg25: memref<128xi32, #tpu.memory_space<vmem>>, %arg26: memref<128xf32, #tpu.memory_space<vmem>>, %arg27: memref<128xf32, #tpu.memory_space<vmem>>, %arg28: memref<8192xf32, #tpu.memory_space<vmem>>, %arg29: memref<2048xf32, #tpu.memory_space<vmem_shared>>, %arg30: memref<2048xf32, #tpu.memory_space<vmem_shared>>, %arg31: memref<2048xf32, #tpu.memory_space<vmem_shared>>, %arg32: memref<!tpu.dma_semaphore, #tpu.memory_space<semaphore_mem>>) attributes {dimension_semantics = [#tpu.dimension_semantics<core_parallel>, #tpu.dimension_semantics<subcore_parallel>], iteration_bounds = array<i64: 2, 16>, scalar_prefetch = 0 : i64, scratch_operands = 20 : i64, tpu.core_type = #tpu.core_type<sc_vector_subcore>, window_params = [{transform_indices = #map}, {transform_indices = #map}, {transform_indices = #map}, {transform_indices = #map1}, {transform_indices = #map1}, {transform_indices = #map1}, {transform_indices = #map1}, {transform_indices = #map1}, {transform_indices = #map}, {transform_indices = #map1}, {transform_indices = #map1}]} {
    %mul3A = arith.constant 2 : i32
    %mul3A_0 = arith.muli %arg1, %mul3A : i32
    %add3A = arith.addi %mul3A_0, %arg0 : i32
    "tpu.region"() ({
      %run_scoped3A = tpu.sem_alloc : memref<!tpu.dma_semaphore, #tpu.memory_space<semaphore_mem>>
      tpu.enqueue_dma source(%arg6 : memref<8192xf32, #tpu.memory_space<hbm>>) target(%arg28 : memref<8192xf32, #tpu.memory_space<vmem>>) target_semaphore(%run_scoped3A : memref<!tpu.dma_semaphore, #tpu.memory_space<semaphore_mem>>)
      tpu.wait_dma2 semaphore(%run_scoped3A : memref<!tpu.dma_semaphore, #tpu.memory_space<semaphore_mem>>) src(%arg6 : memref<8192xf32, #tpu.memory_space<hbm>>) dst(%arg28 : memref<8192xf32, #tpu.memory_space<vmem>>)
      tpu.yield
    }) : () -> ()
    %broadcast_in_dim3A = arith.constant 1.000000e+00 : f32
    %broadcast_in_dim3A_1 = vector.broadcast %broadcast_in_dim3A : f32 to vector<16xf32>
    %swap3A = arith.constant 0 : index
    %swap3A_2 = tpu.vector_load %arg27[%swap3A] {strides = array<i32>} : memref<128xf32, #tpu.memory_space<vmem>>, vector<16xf32>,
    %swap3A_3 = vector.shape_cast %swap3A_2 : vector<16xf32> to vector<16xf32>
    %swap3A_4 = vector.shape_cast %broadcast_in_dim3A_1 : vector<16xf32> to vector<16xf32>
    tpu.vector_store %arg27[%swap3A], %swap3A_4 {strides = array<i32>} : memref<128xf32, #tpu.memory_space<vmem>>, vector<16xf32>,
    %broadcast_in_dim3A_5 = arith.constant 1.000000e+00 : f32
    %broadcast_in_dim3A_6 = vector.broadcast %broadcast_in_dim3A_5 : f32 to vector<16xf32>
    %swap3A_7 = arith.constant 16 : index
    %swap3A_8 = tpu.vector_load %arg27[%swap3A_7] {strides = array<i32>} : memref<128xf32, #tpu.memory_space<vmem>>, vector<16xf32>,
    %swap3A_9 = vector.shape_cast %swap3A_8 : vector<16xf32> to vector<16xf32>
    %swap3A_10 = vector.shape_cast %broadcast_in_dim3A_6 : vector<16xf32> to vector<16xf32>
    tpu.vector_store %arg27[%swap3A_7], %swap3A_10 {strides = array<i32>} : memref<128xf32, #tpu.memory_space<vmem>>, vector<16xf32>,
    %broadcast_in_dim3A_11 = arith.constant 1.000000e+00 : f32
    %broadcast_in_dim3A_12 = vector.broadcast %broadcast_in_dim3A_11 : f32 to vector<16xf32>
    %swap3A_13 = arith.constant 32 : index
    %swap3A_14 = tpu.vector_load %arg27[%swap3A_13] {strides = array<i32>} : memref<128xf32, #tpu.memory_space<vmem>>, vector<16xf32>,
    %swap3A_15 = vector.shape_cast %swap3A_14 : vector<16xf32> to vector<16xf32>
    %swap3A_16 = vector.shape_cast %broadcast_in_dim3A_12 : vector<16xf32> to vector<16xf32>
    tpu.vector_store %arg27[%swap3A_13], %swap3A_16 {strides = array<i32>} : memref<128xf32, #tpu.memory_space<vmem>>, vector<16xf32>,
    %broadcast_in_dim3A_17 = arith.constant 1.000000e+00 : f32
    %broadcast_in_dim3A_18 = vector.broadcast %broadcast_in_dim3A_17 : f32 to vector<16xf32>
    %swap3A_19 = arith.constant 48 : index
    %swap3A_20 = tpu.vector_load %arg27[%swap3A_19] {strides = array<i32>} : memref<128xf32, #tpu.memory_space<vmem>>, vector<16xf32>,
    %swap3A_21 = vector.shape_cast %swap3A_20 : vector<16xf32> to vector<16xf32>
    %swap3A_22 = vector.shape_cast %broadcast_in_dim3A_18 : vector<16xf32> to vector<16xf32>
    tpu.vector_store %arg27[%swap3A_19], %swap3A_22 {strides = array<i32>} : memref<128xf32, #tpu.memory_space<vmem>>, vector<16xf32>,
    %broadcast_in_dim3A_23 = arith.constant 1.000000e+00 : f32
    %broadcast_in_dim3A_24 = vector.broadcast %broadcast_in_dim3A_23 : f32 to vector<16xf32>
    %swap3A_25 = arith.constant 64 : index
    %swap3A_26 = tpu.vector_load %arg27[%swap3A_25] {strides = array<i32>} : memref<128xf32, #tpu.memory_space<vmem>>, vector<16xf32>,
    %swap3A_27 = vector.shape_cast %swap3A_26 : vector<16xf32> to vector<16xf32>
    %swap3A_28 = vector.shape_cast %broadcast_in_dim3A_24 : vector<16xf32> to vector<16xf32>
    tpu.vector_store %arg27[%swap3A_25], %swap3A_28 {strides = array<i32>} : memref<128xf32, #tpu.memory_space<vmem>>, vector<16xf32>,
    %broadcast_in_dim3A_29 = arith.constant 1.000000e+00 : f32
    %broadcast_in_dim3A_30 = vector.broadcast %broadcast_in_dim3A_29 : f32 to vector<16xf32>
    %swap3A_31 = arith.constant 80 : index
    %swap3A_32 = tpu.vector_load %arg27[%swap3A_31] {strides = array<i32>} : memref<128xf32, #tpu.memory_space<vmem>>, vector<16xf32>,
    %swap3A_33 = vector.shape_cast %swap3A_32 : vector<16xf32> to vector<16xf32>
    %swap3A_34 = vector.shape_cast %broadcast_in_dim3A_30 : vector<16xf32> to vector<16xf32>
    tpu.vector_store %arg27[%swap3A_31], %swap3A_34 {strides = array<i32>} : memref<128xf32, #tpu.memory_space<vmem>>, vector<16xf32>,
    %broadcast_in_dim3A_35 = arith.constant 1.000000e+00 : f32
    %broadcast_in_dim3A_36 = vector.broadcast %broadcast_in_dim3A_35 : f32 to vector<16xf32>
    %swap3A_37 = arith.constant 96 : index
    %swap3A_38 = tpu.vector_load %arg27[%swap3A_37] {strides = array<i32>} : memref<128xf32, #tpu.memory_space<vmem>>, vector<16xf32>,
    %swap3A_39 = vector.shape_cast %swap3A_38 : vector<16xf32> to vector<16xf32>
    %swap3A_40 = vector.shape_cast %broadcast_in_dim3A_36 : vector<16xf32> to vector<16xf32>
    tpu.vector_store %arg27[%swap3A_37], %swap3A_40 {strides = array<i32>} : memref<128xf32, #tpu.memory_space<vmem>>, vector<16xf32>,
    %broadcast_in_dim3A_41 = arith.constant 1.000000e+00 : f32
    %broadcast_in_dim3A_42 = vector.broadcast %broadcast_in_dim3A_41 : f32 to vector<16xf32>
    %swap3A_43 = arith.constant 112 : index
    %swap3A_44 = tpu.vector_load %arg27[%swap3A_43] {strides = array<i32>} : memref<128xf32, #tpu.memory_space<vmem>>, vector<16xf32>,
    %swap3A_45 = vector.shape_cast %swap3A_44 : vector<16xf32> to vector<16xf32>
    %swap3A_46 = vector.shape_cast %broadcast_in_dim3A_42 : vector<16xf32> to vector<16xf32>
    tpu.vector_store %arg27[%swap3A_43], %swap3A_46 {strides = array<i32>} : memref<128xf32, #tpu.memory_space<vmem>>, vector<16xf32>,
    %mul3A_47 = arith.constant 128 : i32
    %mul3A_48 = arith.muli %arg1, %mul3A_47 : i32
    "tpu.region"() ({
      %run_scoped3A = tpu.sem_alloc : memref<!tpu.dma_semaphore, #tpu.memory_space<semaphore_mem>>
      %dma_start3A = arith.constant 0 : i32
      %dma_start3A_179 = tpu.memref_slice %arg28[%dma_start3A] : memref<8192xf32, #tpu.memory_space<vmem>> -> memref<128xf32, #tpu.memory_space<vmem>>
      %dma_start3A_180 = tpu.memref_slice %arg29[%mul3A_48] : memref<2048xf32, #tpu.memory_space<vmem_shared>> -> memref<128xf32, #tpu.memory_space<vmem_shared>>
      %dma_start3A_181 = tpu.memref_slice %arg29[%mul3A_48] : memref<2048xf32, #tpu.memory_space<vmem_shared>> -> memref<128xf32, #tpu.memory_space<vmem_shared>>
      %dma_start3A_182 = arith.constant 0 : i32
      %dma_start3A_183 = tpu.memref_slice %arg28[%dma_start3A_182] : memref<8192xf32, #tpu.memory_space<vmem>> -> memref<128xf32, #tpu.memory_space<vmem>>
      tpu.enqueue_dma source(%dma_start3A_183 : memref<128xf32, #tpu.memory_space<vmem>>) target(%dma_start3A_181 : memref<128xf32, #tpu.memory_space<vmem_shared>>) target_semaphore(%run_scoped3A : memref<!tpu.dma_semaphore, #tpu.memory_space<semaphore_mem>>)
      %dma_wait3A = arith.constant 0 : i32
      %dma_wait3A_184 = tpu.memref_slice %arg28[%dma_wait3A] : memref<8192xf32, #tpu.memory_space<vmem>> -> memref<128xf32, #tpu.memory_space<vmem>>
      %dma_wait3A_185 = tpu.memref_slice %arg29[%mul3A_48] : memref<2048xf32, #tpu.memory_space<vmem_shared>> -> memref<128xf32, #tpu.memory_space<vmem_shared>>
      %dma_wait3A_186 = tpu.memref_slice %arg29[%mul3A_48] : memref<2048xf32, #tpu.memory_space<vmem_shared>> -> memref<128xf32, #tpu.memory_space<vmem_shared>>
      %dma_wait3A_187 = arith.constant 0 : i32
      %dma_wait3A_188 = tpu.memref_slice %arg28[%dma_wait3A_187] : memref<8192xf32, #tpu.memory_space<vmem>> -> memref<128xf32, #tpu.memory_space<vmem>>
      tpu.wait_dma2 semaphore(%run_scoped3A : memref<!tpu.dma_semaphore, #tpu.memory_space<semaphore_mem>>) src(%dma_wait3A_188 : memref<128xf32, #tpu.memory_space<vmem>>) dst(%dma_wait3A_186 : memref<128xf32, #tpu.memory_space<vmem_shared>>)
      tpu.yield
    }) : () -> ()
    %mul3A_49 = arith.constant 128 : i32
    %mul3A_50 = arith.muli %arg1, %mul3A_49 : i32
    "tpu.region"() ({
      %run_scoped3A = tpu.sem_alloc : memref<!tpu.dma_semaphore, #tpu.memory_space<semaphore_mem>>
      %dma_start3A = arith.constant 0 : i32
      %dma_start3A_179 = tpu.memref_slice %arg28[%dma_start3A] : memref<8192xf32, #tpu.memory_space<vmem>> -> memref<128xf32, #tpu.memory_space<vmem>>
      %dma_start3A_180 = tpu.memref_slice %arg30[%mul3A_50] : memref<2048xf32, #tpu.memory_space<vmem_shared>> -> memref<128xf32, #tpu.memory_space<vmem_shared>>
      %dma_start3A_181 = tpu.memref_slice %arg30[%mul3A_50] : memref<2048xf32, #tpu.memory_space<vmem_shared>> -> memref<128xf32, #tpu.memory_space<vmem_shared>>
      %dma_start3A_182 = arith.constant 0 : i32
      %dma_start3A_183 = tpu.memref_slice %arg28[%dma_start3A_182] : memref<8192xf32, #tpu.memory_space<vmem>> -> memref<128xf32, #tpu.memory_space<vmem>>
      tpu.enqueue_dma source(%dma_start3A_183 : memref<128xf32, #tpu.memory_space<vmem>>) target(%dma_start3A_181 : memref<128xf32, #tpu.memory_space<vmem_shared>>) target_semaphore(%run_scoped3A : memref<!tpu.dma_semaphore, #tpu.memory_space<semaphore_mem>>)
      %dma_wait3A = arith.constant 0 : i32
      %dma_wait3A_184 = tpu.memref_slice %arg28[%dma_wait3A] : memref<8192xf32, #tpu.memory_space<vmem>> -> memref<128xf32, #tpu.memory_space<vmem>>
      %dma_wait3A_185 = tpu.memref_slice %arg30[%mul3A_50] : memref<2048xf32, #tpu.memory_space<vmem_shared>> -> memref<128xf32, #tpu.memory_space<vmem_shared>>
      %dma_wait3A_186 = tpu.memref_slice %arg30[%mul3A_50] : memref<2048xf32, #tpu.memory_space<vmem_shared>> -> memref<128xf32, #tpu.memory_space<vmem_shared>>
      %dma_wait3A_187 = arith.constant 0 : i32
      %dma_wait3A_188 = tpu.memref_slice %arg28[%dma_wait3A_187] : memref<8192xf32, #tpu.memory_space<vmem>> -> memref<128xf32, #tpu.memory_space<vmem>>
      tpu.wait_dma2 semaphore(%run_scoped3A : memref<!tpu.dma_semaphore, #tpu.memory_space<semaphore_mem>>) src(%dma_wait3A_188 : memref<128xf32, #tpu.memory_space<vmem>>) dst(%dma_wait3A_186 : memref<128xf32, #tpu.memory_space<vmem_shared>>)
      tpu.yield
    }) : () -> ()
    %mul3A_51 = arith.constant 64 : i32
    %mul3A_52 = arith.muli %arg1, %mul3A_51 : i32
    "tpu.region"() ({
      %run_scoped3A = tpu.sem_alloc : memref<!tpu.dma_semaphore, #tpu.memory_space<semaphore_mem>>
      %dma_start3A = arith.constant 0 : i32
      %dma_start3A_179 = tpu.memref_slice %arg3[%mul3A_52, %dma_start3A] : memref<1024x128xi32, #tpu.memory_space<hbm>> -> memref<64x128xi32, #tpu.memory_space<hbm>>
      %dma_start3A_180 = arith.constant 0 : i32
      %dma_start3A_181 = tpu.memref_slice %arg3[%mul3A_52, %dma_start3A_180] : memref<1024x128xi32, #tpu.memory_space<hbm>> -> memref<64x128xi32, #tpu.memory_space<hbm>>
      tpu.enqueue_dma source(%dma_start3A_181 : memref<64x128xi32, #tpu.memory_space<hbm>>) target(%arg13 : memref<64x128xi32, #tpu.memory_space<vmem>>) target_semaphore(%run_scoped3A : memref<!tpu.dma_semaphore, #tpu.memory_space<semaphore_mem>>)
      %dma_wait3A = arith.constant 0 : i32
      %dma_wait3A_182 = tpu.memref_slice %arg3[%mul3A_52, %dma_wait3A] : memref<1024x128xi32, #tpu.memory_space<hbm>> -> memref<64x128xi32, #tpu.memory_space<hbm>>
      %dma_wait3A_183 = arith.constant 0 : i32
      %dma_wait3A_184 = tpu.memref_slice %arg3[%mul3A_52, %dma_wait3A_183] : memref<1024x128xi32, #tpu.memory_space<hbm>> -> memref<64x128xi32, #tpu.memory_space<hbm>>
      tpu.wait_dma2 semaphore(%run_scoped3A : memref<!tpu.dma_semaphore, #tpu.memory_space<semaphore_mem>>) src(%dma_wait3A_184 : memref<64x128xi32, #tpu.memory_space<hbm>>) dst(%arg13 : memref<64x128xi32, #tpu.memory_space<vmem>>)
      tpu.yield
    }) : () -> ()
    %mul3A_53 = arith.constant 64 : i32
    %mul3A_54 = arith.muli %arg1, %mul3A_53 : i32
    "tpu.region"() ({
      %run_scoped3A = tpu.sem_alloc : memref<!tpu.dma_semaphore, #tpu.memory_space<semaphore_mem>>
      %dma_start3A = arith.constant 0 : i32
      %dma_start3A_179 = tpu.memref_slice %arg4[%mul3A_54, %dma_start3A] : memref<1024x128xf32, #tpu.memory_space<hbm>> -> memref<64x128xf32, #tpu.memory_space<hbm>>
      %dma_start3A_180 = arith.constant 0 : i32
      %dma_start3A_181 = tpu.memref_slice %arg4[%mul3A_54, %dma_start3A_180] : memref<1024x128xf32, #tpu.memory_space<hbm>> -> memref<64x128xf32, #tpu.memory_space<hbm>>
      tpu.enqueue_dma source(%dma_start3A_181 : memref<64x128xf32, #tpu.memory_space<hbm>>) target(%arg15 : memref<64x128xf32, #tpu.memory_space<vmem>>) target_semaphore(%run_scoped3A : memref<!tpu.dma_semaphore, #tpu.memory_space<semaphore_mem>>)
      %dma_wait3A = arith.constant 0 : i32
      %dma_wait3A_182 = tpu.memref_slice %arg4[%mul3A_54, %dma_wait3A] : memref<1024x128xf32, #tpu.memory_space<hbm>> -> memref<64x128xf32, #tpu.memory_space<hbm>>
      %dma_wait3A_183 = arith.constant 0 : i32
      %dma_wait3A_184 = tpu.memref_slice %arg4[%mul3A_54, %dma_wait3A_183] : memref<1024x128xf32, #tpu.memory_space<hbm>> -> memref<64x128xf32, #tpu.memory_space<hbm>>
      tpu.wait_dma2 semaphore(%run_scoped3A : memref<!tpu.dma_semaphore, #tpu.memory_space<semaphore_mem>>) src(%dma_wait3A_184 : memref<64x128xf32, #tpu.memory_space<hbm>>) dst(%arg15 : memref<64x128xf32, #tpu.memory_space<vmem>>)
      tpu.yield
    }) : () -> ()
    %mul3A_55 = arith.constant 32 : i32
    %mul3A_56 = arith.muli %add3A, %mul3A_55 : i32
    "tpu.region"() ({
      %run_scoped3A = tpu.sem_alloc : memref<!tpu.dma_semaphore, #tpu.memory_space<semaphore_mem>>
      %dma_start3A = arith.constant 0 : i32
      %dma_start3A_179 = tpu.memref_slice %arg3[%mul3A_56, %dma_start3A] : memref<1024x128xi32, #tpu.memory_space<hbm>> -> memref<32x128xi32, #tpu.memory_space<hbm>>
      %dma_start3A_180 = arith.constant 0 : i32
      %dma_start3A_181 = tpu.memref_slice %arg3[%mul3A_56, %dma_start3A_180] : memref<1024x128xi32, #tpu.memory_space<hbm>> -> memref<32x128xi32, #tpu.memory_space<hbm>>
      tpu.enqueue_dma source(%dma_start3A_181 : memref<32x128xi32, #tpu.memory_space<hbm>>) target(%arg16 : memref<32x128xi32, #tpu.memory_space<vmem>>) target_semaphore(%run_scoped3A : memref<!tpu.dma_semaphore, #tpu.memory_space<semaphore_mem>>)
      %dma_wait3A = arith.constant 0 : i32
      %dma_wait3A_182 = tpu.memref_slice %arg3[%mul3A_56, %dma_wait3A] : memref<1024x128xi32, #tpu.memory_space<hbm>> -> memref<32x128xi32, #tpu.memory_space<hbm>>
      %dma_wait3A_183 = arith.constant 0 : i32
      %dma_wait3A_184 = tpu.memref_slice %arg3[%mul3A_56, %dma_wait3A_183] : memref<1024x128xi32, #tpu.memory_space<hbm>> -> memref<32x128xi32, #tpu.memory_space<hbm>>
      tpu.wait_dma2 semaphore(%run_scoped3A : memref<!tpu.dma_semaphore, #tpu.memory_space<semaphore_mem>>) src(%dma_wait3A_184 : memref<32x128xi32, #tpu.memory_space<hbm>>) dst(%arg16 : memref<32x128xi32, #tpu.memory_space<vmem>>)
      tpu.yield
    }) : () -> ()
    "tpu.region"() ({
      %run_scoped3A = tpu.sem_alloc : memref<!tpu.dma_semaphore, #tpu.memory_space<semaphore_mem>>
      %dma_start3A = arith.constant 0 : i32
      %dma_start3A_179 = tpu.memref_slice %arg2[%mul3A_56, %dma_start3A] : memref<1024x128xi32, #tpu.memory_space<hbm>> -> memref<32x128xi32, #tpu.memory_space<hbm>>
      %dma_start3A_180 = arith.constant 0 : i32
      %dma_start3A_181 = tpu.memref_slice %arg2[%mul3A_56, %dma_start3A_180] : memref<1024x128xi32, #tpu.memory_space<hbm>> -> memref<32x128xi32, #tpu.memory_space<hbm>>
      tpu.enqueue_dma source(%dma_start3A_181 : memref<32x128xi32, #tpu.memory_space<hbm>>) target(%arg17 : memref<32x128xi32, #tpu.memory_space<vmem>>) target_semaphore(%run_scoped3A : memref<!tpu.dma_semaphore, #tpu.memory_space<semaphore_mem>>)
      %dma_wait3A = arith.constant 0 : i32
      %dma_wait3A_182 = tpu.memref_slice %arg2[%mul3A_56, %dma_wait3A] : memref<1024x128xi32, #tpu.memory_space<hbm>> -> memref<32x128xi32, #tpu.memory_space<hbm>>
      %dma_wait3A_183 = arith.constant 0 : i32
      %dma_wait3A_184 = tpu.memref_slice %arg2[%mul3A_56, %dma_wait3A_183] : memref<1024x128xi32, #tpu.memory_space<hbm>> -> memref<32x128xi32, #tpu.memory_space<hbm>>
      tpu.wait_dma2 semaphore(%run_scoped3A : memref<!tpu.dma_semaphore, #tpu.memory_space<semaphore_mem>>) src(%dma_wait3A_184 : memref<32x128xi32, #tpu.memory_space<hbm>>) dst(%arg17 : memref<32x128xi32, #tpu.memory_space<vmem>>)
      tpu.yield
    }) : () -> ()
    "tpu.region"() ({
      %run_scoped3A = tpu.sem_alloc : memref<!tpu.dma_semaphore, #tpu.memory_space<semaphore_mem>>
      %dma_start3A = arith.constant 0 : i32
      %dma_start3A_179 = tpu.memref_slice %arg4[%mul3A_56, %dma_start3A] : memref<1024x128xf32, #tpu.memory_space<hbm>> -> memref<32x128xf32, #tpu.memory_space<hbm>>
      %dma_start3A_180 = arith.constant 0 : i32
      %dma_start3A_181 = tpu.memref_slice %arg4[%mul3A_56, %dma_start3A_180] : memref<1024x128xf32, #tpu.memory_space<hbm>> -> memref<32x128xf32, #tpu.memory_space<hbm>>
      tpu.enqueue_dma source(%dma_start3A_181 : memref<32x128xf32, #tpu.memory_space<hbm>>) target(%arg18 : memref<32x128xf32, #tpu.memory_space<vmem>>) target_semaphore(%run_scoped3A : memref<!tpu.dma_semaphore, #tpu.memory_space<semaphore_mem>>)
      %dma_wait3A = arith.constant 0 : i32
      %dma_wait3A_182 = tpu.memref_slice %arg4[%mul3A_56, %dma_wait3A] : memref<1024x128xf32, #tpu.memory_space<hbm>> -> memref<32x128xf32, #tpu.memory_space<hbm>>
      %dma_wait3A_183 = arith.constant 0 : i32
      %dma_wait3A_184 = tpu.memref_slice %arg4[%mul3A_56, %dma_wait3A_183] : memref<1024x128xf32, #tpu.memory_space<hbm>> -> memref<32x128xf32, #tpu.memory_space<hbm>>
      tpu.wait_dma2 semaphore(%run_scoped3A : memref<!tpu.dma_semaphore, #tpu.memory_space<semaphore_mem>>) src(%dma_wait3A_184 : memref<32x128xf32, #tpu.memory_space<hbm>>) dst(%arg18 : memref<32x128xf32, #tpu.memory_space<vmem>>)
      tpu.yield
    }) : () -> ()
    %scan3A = arith.constant 0 : i32
    %scan3A_57 = arith.constant 0 : i32
    %scan3A_58 = arith.constant 32 : i32
    %scan3A_59 = arith.addi %scan3A_57, %scan3A_58 : i32
    %scan3A_60 = arith.constant 1 : i32
    %scan3A_61 = scf.for %scan3A_179 = %scan3A_57 to %scan3A_59 step %scan3A_60 iter_args(%scan3A_180 = %scan3A) -> (i32)  : i32 {
      %get3A_181 = arith.index_cast %scan3A_179 : i32 to index
      %get3A_182 = arith.constant 0 : index
      %get3A_183 = tpu.vector_load %arg17[%get3A_181, %get3A_182] {strides = array<i32>} : memref<32x128xi32, #tpu.memory_space<vmem>>, vector<1x16xi32>,
      %get3A_184 = vector.shape_cast %get3A_183 : vector<1x16xi32> to vector<16xi32>
      %get3A_185 = arith.index_cast %scan3A_179 : i32 to index
      %get3A_186 = arith.constant 0 : index
      %get3A_187 = tpu.vector_load %arg16[%get3A_185, %get3A_186] {strides = array<i32>} : memref<32x128xi32, #tpu.memory_space<vmem>>, vector<1x16xi32>,
      %get3A_188 = vector.shape_cast %get3A_187 : vector<1x16xi32> to vector<16xi32>
      %and3A_189 = arith.constant 7 : i32
      %and3A_190 = vector.broadcast %and3A_189 : i32 to vector<16xi32>
      %and3A_191 = arith.andi %get3A_188, %and3A_190 : vector<16xi32>
      %mul3A_192 = arith.constant 2162688 : i32
      %mul3A_193 = vector.broadcast %mul3A_192 : i32 to vector<16xi32>
      %mul3A_194 = arith.muli %and3A_191, %mul3A_193 : vector<16xi32>
      %mul3A_195 = arith.constant 264 : i32
      %mul3A_196 = vector.broadcast %mul3A_195 : i32 to vector<16xi32>
      %mul3A_197 = arith.muli %get3A_184, %mul3A_196 : vector<16xi32>
      %add3A_198 = arith.addi %mul3A_194, %mul3A_197 : vector<16xi32>
      %shift_right_arithmetic3A = arith.constant 3 : i32
      %shift_right_arithmetic3A_199 = vector.broadcast %shift_right_arithmetic3A : i32 to vector<16xi32>
      %shift_right_arithmetic3A_200 = arith.shrsi %get3A_188, %shift_right_arithmetic3A_199 : vector<16xi32>
      %add3A_201 = arith.addi %add3A_198, %shift_right_arithmetic3A_200 : vector<16xi32>
      %add3A_202 = arith.constant 1 : i32
      %add3A_203 = vector.broadcast %add3A_202 : i32 to vector<16xi32>
      %add3A_204 = arith.addi %add3A_201, %add3A_203 : vector<16xi32>
      %swap3A_205 = arith.index_cast %scan3A_179 : i32 to index
      %swap3A_206 = arith.constant 0 : index
      %swap3A_207 = tpu.vector_load %arg20[%swap3A_205, %swap3A_206] {strides = array<i32>} : memref<32x128xi32, #tpu.memory_space<vmem>>, vector<1x16xi32>,
      %swap3A_208 = vector.shape_cast %swap3A_207 : vector<1x16xi32> to vector<16xi32>
      %swap3A_209 = vector.shape_cast %add3A_204 : vector<16xi32> to vector<1x16xi32>
      tpu.vector_store %arg20[%swap3A_205, %swap3A_206], %swap3A_209 {strides = array<i32>} : memref<32x128xi32, #tpu.memory_space<vmem>>, vector<1x16xi32>,
      %and3A_210 = arith.constant 7 : i32
      %and3A_211 = vector.broadcast %and3A_210 : i32 to vector<16xi32>
      %and3A_212 = arith.andi %get3A_184, %and3A_211 : vector<16xi32>
      %mul3A_213 = arith.constant 2113536 : i32
      %mul3A_214 = vector.broadcast %mul3A_213 : i32 to vector<16xi32>
      %mul3A_215 = arith.muli %and3A_212, %mul3A_214 : vector<16xi32>
      %mul3A_216 = arith.constant 1032 : i32
      %mul3A_217 = vector.broadcast %mul3A_216 : i32 to vector<16xi32>
      %mul3A_218 = arith.muli %get3A_188, %mul3A_217 : vector<16xi32>
      %add3A_219 = arith.addi %mul3A_215, %mul3A_218 : vector<16xi32>
      %shift_right_arithmetic3A_220 = arith.constant 3 : i32
      %shift_right_arithmetic3A_221 = vector.broadcast %shift_right_arithmetic3A_220 : i32 to vector<16xi32>
      %shift_right_arithmetic3A_222 = arith.shrsi %get3A_184, %shift_right_arithmetic3A_221 : vector<16xi32>
      %add3A_223 = arith.addi %add3A_219, %shift_right_arithmetic3A_222 : vector<16xi32>
      %add3A_224 = arith.constant 1 : i32
      %add3A_225 = vector.broadcast %add3A_224 : i32 to vector<16xi32>
      %add3A_226 = arith.addi %add3A_223, %add3A_225 : vector<16xi32>
      %swap3A_227 = arith.index_cast %scan3A_179 : i32 to index
      %swap3A_228 = arith.constant 0 : index
      %swap3A_229 = tpu.vector_load %arg21[%swap3A_227, %swap3A_228] {strides = array<i32>} : memref<32x128xi32, #tpu.memory_space<vmem>>, vector<1x16xi32>,
      %swap3A_230 = vector.shape_cast %swap3A_229 : vector<1x16xi32> to vector<16xi32>
      %swap3A_231 = vector.shape_cast %add3A_226 : vector<16xi32> to vector<1x16xi32>
      tpu.vector_store %arg21[%swap3A_227, %swap3A_228], %swap3A_231 {strides = array<i32>} : memref<32x128xi32, #tpu.memory_space<vmem>>, vector<1x16xi32>,
      %get3A_232 = arith.index_cast %scan3A_179 : i32 to index
      %get3A_233 = arith.constant 16 : index
      %get3A_234 = tpu.vector_load %arg17[%get3A_232, %get3A_233] {strides = array<i32>} : memref<32x128xi32, #tpu.memory_space<vmem>>, vector<1x16xi32>,
      %get3A_235 = vector.shape_cast %get3A_234 : vector<1x16xi32> to vector<16xi32>
      %get3A_236 = arith.index_cast %scan3A_179 : i32 to index
      %get3A_237 = arith.constant 16 : index
      %get3A_238 = tpu.vector_load %arg16[%get3A_236, %get3A_237] {strides = array<i32>} : memref<32x128xi32, #tpu.memory_space<vmem>>, vector<1x16xi32>,
      %get3A_239 = vector.shape_cast %get3A_238 : vector<1x16xi32> to vector<16xi32>
      %and3A_240 = arith.constant 7 : i32
      %and3A_241 = vector.broadcast %and3A_240 : i32 to vector<16xi32>
      %and3A_242 = arith.andi %get3A_239, %and3A_241 : vector<16xi32>
      %mul3A_243 = arith.constant 2162688 : i32
      %mul3A_244 = vector.broadcast %mul3A_243 : i32 to vector<16xi32>
      %mul3A_245 = arith.muli %and3A_242, %mul3A_244 : vector<16xi32>
      %mul3A_246 = arith.constant 264 : i32
      %mul3A_247 = vector.broadcast %mul3A_246 : i32 to vector<16xi32>
      %mul3A_248 = arith.muli %get3A_235, %mul3A_247 : vector<16xi32>
      %add3A_249 = arith.addi %mul3A_245, %mul3A_248 : vector<16xi32>
      %shift_right_arithmetic3A_250 = arith.constant 3 : i32
      %shift_right_arithmetic3A_251 = vector.broadcast %shift_right_arithmetic3A_250 : i32 to vector<16xi32>
      %shift_right_arithmetic3A_252 = arith.shrsi %get3A_239, %shift_right_arithmetic3A_251 : vector<16xi32>
      %add3A_253 = arith.addi %add3A_249, %shift_right_arithmetic3A_252 : vector<16xi32>
      %add3A_254 = arith.constant 1 : i32
      %add3A_255 = vector.broadcast %add3A_254 : i32 to vector<16xi32>
      %add3A_256 = arith.addi %add3A_253, %add3A_255 : vector<16xi32>
      %swap3A_257 = arith.index_cast %scan3A_179 : i32 to index
      %swap3A_258 = arith.constant 16 : index
      %swap3A_259 = tpu.vector_load %arg20[%swap3A_257, %swap3A_258] {strides = array<i32>} : memref<32x128xi32, #tpu.memory_space<vmem>>, vector<1x16xi32>,
      %swap3A_260 = vector.shape_cast %swap3A_259 : vector<1x16xi32> to vector<16xi32>
      %swap3A_261 = vector.shape_cast %add3A_256 : vector<16xi32> to vector<1x16xi32>
      tpu.vector_store %arg20[%swap3A_257, %swap3A_258], %swap3A_261 {strides = array<i32>} : memref<32x128xi32, #tpu.memory_space<vmem>>, vector<1x16xi32>,
      %and3A_262 = arith.constant 7 : i32
      %and3A_263 = vector.broadcast %and3A_262 : i32 to vector<16xi32>
      %and3A_264 = arith.andi %get3A_235, %and3A_263 : vector<16xi32>
      %mul3A_265 = arith.constant 2113536 : i32
      %mul3A_266 = vector.broadcast %mul3A_265 : i32 to vector<16xi32>
      %mul3A_267 = arith.muli %and3A_264, %mul3A_266 : vector<16xi32>
      %mul3A_268 = arith.constant 1032 : i32
      %mul3A_269 = vector.broadcast %mul3A_268 : i32 to vector<16xi32>
      %mul3A_270 = arith.muli %get3A_239, %mul3A_269 : vector<16xi32>
      %add3A_271 = arith.addi %mul3A_267, %mul3A_270 : vector<16xi32>
      %shift_right_arithmetic3A_272 = arith.constant 3 : i32
      %shift_right_arithmetic3A_273 = vector.broadcast %shift_right_arithmetic3A_272 : i32 to vector<16xi32>
      %shift_right_arithmetic3A_274 = arith.shrsi %get3A_235, %shift_right_arithmetic3A_273 : vector<16xi32>
      %add3A_275 = arith.addi %add3A_271, %shift_right_arithmetic3A_274 : vector<16xi32>
      %add3A_276 = arith.constant 1 : i32
      %add3A_277 = vector.broadcast %add3A_276 : i32 to vector<16xi32>
      %add3A_278 = arith.addi %add3A_275, %add3A_277 : vector<16xi32>
      %swap3A_279 = arith.index_cast %scan3A_179 : i32 to index
      %swap3A_280 = arith.constant 16 : index
      %swap3A_281 = tpu.vector_load %arg21[%swap3A_279, %swap3A_280] {strides = array<i32>} : memref<32x128xi32, #tpu.memory_space<vmem>>, vector<1x16xi32>,
      %swap3A_282 = vector.shape_cast %swap3A_281 : vector<1x16xi32> to vector<16xi32>
      %swap3A_283 = vector.shape_cast %add3A_278 : vector<16xi32> to vector<1x16xi32>
      tpu.vector_store %arg21[%swap3A_279, %swap3A_280], %swap3A_283 {strides = array<i32>} : memref<32x128xi32, #tpu.memory_space<vmem>>, vector<1x16xi32>,
      %get3A_284 = arith.index_cast %scan3A_179 : i32 to index
      %get3A_285 = arith.constant 32 : index
      %get3A_286 = tpu.vector_load %arg17[%get3A_284, %get3A_285] {strides = array<i32>} : memref<32x128xi32, #tpu.memory_space<vmem>>, vector<1x16xi32>,
      %get3A_287 = vector.shape_cast %get3A_286 : vector<1x16xi32> to vector<16xi32>
      %get3A_288 = arith.index_cast %scan3A_179 : i32 to index
      %get3A_289 = arith.constant 32 : index
      %get3A_290 = tpu.vector_load %arg16[%get3A_288, %get3A_289] {strides = array<i32>} : memref<32x128xi32, #tpu.memory_space<vmem>>, vector<1x16xi32>,
      %get3A_291 = vector.shape_cast %get3A_290 : vector<1x16xi32> to vector<16xi32>
      %and3A_292 = arith.constant 7 : i32
      %and3A_293 = vector.broadcast %and3A_292 : i32 to vector<16xi32>
      %and3A_294 = arith.andi %get3A_291, %and3A_293 : vector<16xi32>
      %mul3A_295 = arith.constant 2162688 : i32
      %mul3A_296 = vector.broadcast %mul3A_295 : i32 to vector<16xi32>
      %mul3A_297 = arith.muli %and3A_294, %mul3A_296 : vector<16xi32>
      %mul3A_298 = arith.constant 264 : i32
      %mul3A_299 = vector.broadcast %mul3A_298 : i32 to vector<16xi32>
      %mul3A_300 = arith.muli %get3A_287, %mul3A_299 : vector<16xi32>
      %add3A_301 = arith.addi %mul3A_297, %mul3A_300 : vector<16xi32>
      %shift_right_arithmetic3A_302 = arith.constant 3 : i32
      %shift_right_arithmetic3A_303 = vector.broadcast %shift_right_arithmetic3A_302 : i32 to vector<16xi32>
      %shift_right_arithmetic3A_304 = arith.shrsi %get3A_291, %shift_right_arithmetic3A_303 : vector<16xi32>
      %add3A_305 = arith.addi %add3A_301, %shift_right_arithmetic3A_304 : vector<16xi32>
      %add3A_306 = arith.constant 1 : i32
      %add3A_307 = vector.broadcast %add3A_306 : i32 to vector<16xi32>
      %add3A_308 = arith.addi %add3A_305, %add3A_307 : vector<16xi32>
      %swap3A_309 = arith.index_cast %scan3A_179 : i32 to index
      %swap3A_310 = arith.constant 32 : index
      %swap3A_311 = tpu.vector_load %arg20[%swap3A_309, %swap3A_310] {strides = array<i32>} : memref<32x128xi32, #tpu.memory_space<vmem>>, vector<1x16xi32>,
      %swap3A_312 = vector.shape_cast %swap3A_311 : vector<1x16xi32> to vector<16xi32>
      %swap3A_313 = vector.shape_cast %add3A_308 : vector<16xi32> to vector<1x16xi32>
      tpu.vector_store %arg20[%swap3A_309, %swap3A_310], %swap3A_313 {strides = array<i32>} : memref<32x128xi32, #tpu.memory_space<vmem>>, vector<1x16xi32>,
      %and3A_314 = arith.constant 7 : i32
      %and3A_315 = vector.broadcast %and3A_314 : i32 to vector<16xi32>
      %and3A_316 = arith.andi %get3A_287, %and3A_315 : vector<16xi32>
      %mul3A_317 = arith.constant 2113536 : i32
      %mul3A_318 = vector.broadcast %mul3A_317 : i32 to vector<16xi32>
      %mul3A_319 = arith.muli %and3A_316, %mul3A_318 : vector<16xi32>
      %mul3A_320 = arith.constant 1032 : i32
      %mul3A_321 = vector.broadcast %mul3A_320 : i32 to vector<16xi32>
      %mul3A_322 = arith.muli %get3A_291, %mul3A_321 : vector<16xi32>
      %add3A_323 = arith.addi %mul3A_319, %mul3A_322 : vector<16xi32>
      %shift_right_arithmetic3A_324 = arith.constant 3 : i32
      %shift_right_arithmetic3A_325 = vector.broadcast %shift_right_arithmetic3A_324 : i32 to vector<16xi32>
      %shift_right_arithmetic3A_326 = arith.shrsi %get3A_287, %shift_right_arithmetic3A_325 : vector<16xi32>
      %add3A_327 = arith.addi %add3A_323, %shift_right_arithmetic3A_326 : vector<16xi32>
      %add3A_328 = arith.constant 1 : i32
      %add3A_329 = vector.broadcast %add3A_328 : i32 to vector<16xi32>
      %add3A_330 = arith.addi %add3A_327, %add3A_329 : vector<16xi32>
      %swap3A_331 = arith.index_cast %scan3A_179 : i32 to index
      %swap3A_332 = arith.constant 32 : index
      %swap3A_333 = tpu.vector_load %arg21[%swap3A_331, %swap3A_332] {strides = array<i32>} : memref<32x128xi32, #tpu.memory_space<vmem>>, vector<1x16xi32>,
      %swap3A_334 = vector.shape_cast %swap3A_333 : vector<1x16xi32> to vector<16xi32>
      %swap3A_335 = vector.shape_cast %add3A_330 : vector<16xi32> to vector<1x16xi32>
      tpu.vector_store %arg21[%swap3A_331, %swap3A_332], %swap3A_335 {strides = array<i32>} : memref<32x128xi32, #tpu.memory_space<vmem>>, vector<1x16xi32>,
      %get3A_336 = arith.index_cast %scan3A_179 : i32 to index
      %get3A_337 = arith.constant 48 : index
      %get3A_338 = tpu.vector_load %arg17[%get3A_336, %get3A_337] {strides = array<i32>} : memref<32x128xi32, #tpu.memory_space<vmem>>, vector<1x16xi32>,
      %get3A_339 = vector.shape_cast %get3A_338 : vector<1x16xi32> to vector<16xi32>
      %get3A_340 = arith.index_cast %scan3A_179 : i32 to index
      %get3A_341 = arith.constant 48 : index
      %get3A_342 = tpu.vector_load %arg16[%get3A_340, %get3A_341] {strides = array<i32>} : memref<32x128xi32, #tpu.memory_space<vmem>>, vector<1x16xi32>,
      %get3A_343 = vector.shape_cast %get3A_342 : vector<1x16xi32> to vector<16xi32>
      %and3A_344 = arith.constant 7 : i32
      %and3A_345 = vector.broadcast %and3A_344 : i32 to vector<16xi32>
      %and3A_346 = arith.andi %get3A_343, %and3A_345 : vector<16xi32>
      %mul3A_347 = arith.constant 2162688 : i32
      %mul3A_348 = vector.broadcast %mul3A_347 : i32 to vector<16xi32>
      %mul3A_349 = arith.muli %and3A_346, %mul3A_348 : vector<16xi32>
      %mul3A_350 = arith.constant 264 : i32
      %mul3A_351 = vector.broadcast %mul3A_350 : i32 to vector<16xi32>
      %mul3A_352 = arith.muli %get3A_339, %mul3A_351 : vector<16xi32>
      %add3A_353 = arith.addi %mul3A_349, %mul3A_352 : vector<16xi32>
      %shift_right_arithmetic3A_354 = arith.constant 3 : i32
      %shift_right_arithmetic3A_355 = vector.broadcast %shift_right_arithmetic3A_354 : i32 to vector<16xi32>
      %shift_right_arithmetic3A_356 = arith.shrsi %get3A_343, %shift_right_arithmetic3A_355 : vector<16xi32>
      %add3A_357 = arith.addi %add3A_353, %shift_right_arithmetic3A_356 : vector<16xi32>
      %add3A_358 = arith.constant 1 : i32
      %add3A_359 = vector.broadcast %add3A_358 : i32 to vector<16xi32>
      %add3A_360 = arith.addi %add3A_357, %add3A_359 : vector<16xi32>
      %swap3A_361 = arith.index_cast %scan3A_179 : i32 to index
      %swap3A_362 = arith.constant 48 : index
      %swap3A_363 = tpu.vector_load %arg20[%swap3A_361, %swap3A_362] {strides = array<i32>} : memref<32x128xi32, #tpu.memory_space<vmem>>, vector<1x16xi32>,
      %swap3A_364 = vector.shape_cast %swap3A_363 : vector<1x16xi32> to vector<16xi32>
      %swap3A_365 = vector.shape_cast %add3A_360 : vector<16xi32> to vector<1x16xi32>
      tpu.vector_store %arg20[%swap3A_361, %swap3A_362], %swap3A_365 {strides = array<i32>} : memref<32x128xi32, #tpu.memory_space<vmem>>, vector<1x16xi32>,
      %and3A_366 = arith.constant 7 : i32
      %and3A_367 = vector.broadcast %and3A_366 : i32 to vector<16xi32>
      %and3A_368 = arith.andi %get3A_339, %and3A_367 : vector<16xi32>
      %mul3A_369 = arith.constant 2113536 : i32
      %mul3A_370 = vector.broadcast %mul3A_369 : i32 to vector<16xi32>
      %mul3A_371 = arith.muli %and3A_368, %mul3A_370 : vector<16xi32>
      %mul3A_372 = arith.constant 1032 : i32
      %mul3A_373 = vector.broadcast %mul3A_372 : i32 to vector<16xi32>
      %mul3A_374 = arith.muli %get3A_343, %mul3A_373 : vector<16xi32>
      %add3A_375 = arith.addi %mul3A_371, %mul3A_374 : vector<16xi32>
      %shift_right_arithmetic3A_376 = arith.constant 3 : i32
      %shift_right_arithmetic3A_377 = vector.broadcast %shift_right_arithmetic3A_376 : i32 to vector<16xi32>
      %shift_right_arithmetic3A_378 = arith.shrsi %get3A_339, %shift_right_arithmetic3A_377 : vector<16xi32>
      %add3A_379 = arith.addi %add3A_375, %shift_right_arithmetic3A_378 : vector<16xi32>
      %add3A_380 = arith.constant 1 : i32
      %add3A_381 = vector.broadcast %add3A_380 : i32 to vector<16xi32>
      %add3A_382 = arith.addi %add3A_379, %add3A_381 : vector<16xi32>
      %swap3A_383 = arith.index_cast %scan3A_179 : i32 to index
      %swap3A_384 = arith.constant 48 : index
      %swap3A_385 = tpu.vector_load %arg21[%swap3A_383, %swap3A_384] {strides = array<i32>} : memref<32x128xi32, #tpu.memory_space<vmem>>, vector<1x16xi32>,
      %swap3A_386 = vector.shape_cast %swap3A_385 : vector<1x16xi32> to vector<16xi32>
      %swap3A_387 = vector.shape_cast %add3A_382 : vector<16xi32> to vector<1x16xi32>
      tpu.vector_store %arg21[%swap3A_383, %swap3A_384], %swap3A_387 {strides = array<i32>} : memref<32x128xi32, #tpu.memory_space<vmem>>, vector<1x16xi32>,
      %get3A_388 = arith.index_cast %scan3A_179 : i32 to index
      %get3A_389 = arith.constant 64 : index
      %get3A_390 = tpu.vector_load %arg17[%get3A_388, %get3A_389] {strides = array<i32>} : memref<32x128xi32, #tpu.memory_space<vmem>>, vector<1x16xi32>,
      %get3A_391 = vector.shape_cast %get3A_390 : vector<1x16xi32> to vector<16xi32>
      %get3A_392 = arith.index_cast %scan3A_179 : i32 to index
      %get3A_393 = arith.constant 64 : index
      %get3A_394 = tpu.vector_load %arg16[%get3A_392, %get3A_393] {strides = array<i32>} : memref<32x128xi32, #tpu.memory_space<vmem>>, vector<1x16xi32>,
      %get3A_395 = vector.shape_cast %get3A_394 : vector<1x16xi32> to vector<16xi32>
      %and3A_396 = arith.constant 7 : i32
      %and3A_397 = vector.broadcast %and3A_396 : i32 to vector<16xi32>
      %and3A_398 = arith.andi %get3A_395, %and3A_397 : vector<16xi32>
      %mul3A_399 = arith.constant 2162688 : i32
      %mul3A_400 = vector.broadcast %mul3A_399 : i32 to vector<16xi32>
      %mul3A_401 = arith.muli %and3A_398, %mul3A_400 : vector<16xi32>
      %mul3A_402 = arith.constant 264 : i32
      %mul3A_403 = vector.broadcast %mul3A_402 : i32 to vector<16xi32>
      %mul3A_404 = arith.muli %get3A_391, %mul3A_403 : vector<16xi32>
      %add3A_405 = arith.addi %mul3A_401, %mul3A_404 : vector<16xi32>
      %shift_right_arithmetic3A_406 = arith.constant 3 : i32
      %shift_right_arithmetic3A_407 = vector.broadcast %shift_right_arithmetic3A_406 : i32 to vector<16xi32>
      %shift_right_arithmetic3A_408 = arith.shrsi %get3A_395, %shift_right_arithmetic3A_407 : vector<16xi32>
      %add3A_409 = arith.addi %add3A_405, %shift_right_arithmetic3A_408 : vector<16xi32>
      %add3A_410 = arith.constant 1 : i32
      %add3A_411 = vector.broadcast %add3A_410 : i32 to vector<16xi32>
      %add3A_412 = arith.addi %add3A_409, %add3A_411 : vector<16xi32>
      %swap3A_413 = arith.index_cast %scan3A_179 : i32 to index
      %swap3A_414 = arith.constant 64 : index
      %swap3A_415 = tpu.vector_load %arg20[%swap3A_413, %swap3A_414] {strides = array<i32>} : memref<32x128xi32, #tpu.memory_space<vmem>>, vector<1x16xi32>,
      %swap3A_416 = vector.shape_cast %swap3A_415 : vector<1x16xi32> to vector<16xi32>
      %swap3A_417 = vector.shape_cast %add3A_412 : vector<16xi32> to vector<1x16xi32>
      tpu.vector_store %arg20[%swap3A_413, %swap3A_414], %swap3A_417 {strides = array<i32>} : memref<32x128xi32, #tpu.memory_space<vmem>>, vector<1x16xi32>,
      %and3A_418 = arith.constant 7 : i32
      %and3A_419 = vector.broadcast %and3A_418 : i32 to vector<16xi32>
      %and3A_420 = arith.andi %get3A_391, %and3A_419 : vector<16xi32>
      %mul3A_421 = arith.constant 2113536 : i32
      %mul3A_422 = vector.broadcast %mul3A_421 : i32 to vector<16xi32>
      %mul3A_423 = arith.muli %and3A_420, %mul3A_422 : vector<16xi32>
      %mul3A_424 = arith.constant 1032 : i32
      %mul3A_425 = vector.broadcast %mul3A_424 : i32 to vector<16xi32>
      %mul3A_426 = arith.muli %get3A_395, %mul3A_425 : vector<16xi32>
      %add3A_427 = arith.addi %mul3A_423, %mul3A_426 : vector<16xi32>
      %shift_right_arithmetic3A_428 = arith.constant 3 : i32
      %shift_right_arithmetic3A_429 = vector.broadcast %shift_right_arithmetic3A_428 : i32 to vector<16xi32>
      %shift_right_arithmetic3A_430 = arith.shrsi %get3A_391, %shift_right_arithmetic3A_429 : vector<16xi32>
      %add3A_431 = arith.addi %add3A_427, %shift_right_arithmetic3A_430 : vector<16xi32>
      %add3A_432 = arith.constant 1 : i32
      %add3A_433 = vector.broadcast %add3A_432 : i32 to vector<16xi32>
      %add3A_434 = arith.addi %add3A_431, %add3A_433 : vector<16xi32>
      %swap3A_435 = arith.index_cast %scan3A_179 : i32 to index
      %swap3A_436 = arith.constant 64 : index
      %swap3A_437 = tpu.vector_load %arg21[%swap3A_435, %swap3A_436] {strides = array<i32>} : memref<32x128xi32, #tpu.memory_space<vmem>>, vector<1x16xi32>,
      %swap3A_438 = vector.shape_cast %swap3A_437 : vector<1x16xi32> to vector<16xi32>
      %swap3A_439 = vector.shape_cast %add3A_434 : vector<16xi32> to vector<1x16xi32>
      tpu.vector_store %arg21[%swap3A_435, %swap3A_436], %swap3A_439 {strides = array<i32>} : memref<32x128xi32, #tpu.memory_space<vmem>>, vector<1x16xi32>,
      %get3A_440 = arith.index_cast %scan3A_179 : i32 to index
      %get3A_441 = arith.constant 80 : index
      %get3A_442 = tpu.vector_load %arg17[%get3A_440, %get3A_441] {strides = array<i32>} : memref<32x128xi32, #tpu.memory_space<vmem>>, vector<1x16xi32>,
      %get3A_443 = vector.shape_cast %get3A_442 : vector<1x16xi32> to vector<16xi32>
      %get3A_444 = arith.index_cast %scan3A_179 : i32 to index
      %get3A_445 = arith.constant 80 : index
      %get3A_446 = tpu.vector_load %arg16[%get3A_444, %get3A_445] {strides = array<i32>} : memref<32x128xi32, #tpu.memory_space<vmem>>, vector<1x16xi32>,
      %get3A_447 = vector.shape_cast %get3A_446 : vector<1x16xi32> to vector<16xi32>
      %and3A_448 = arith.constant 7 : i32
      %and3A_449 = vector.broadcast %and3A_448 : i32 to vector<16xi32>
      %and3A_450 = arith.andi %get3A_447, %and3A_449 : vector<16xi32>
      %mul3A_451 = arith.constant 2162688 : i32
      %mul3A_452 = vector.broadcast %mul3A_451 : i32 to vector<16xi32>
      %mul3A_453 = arith.muli %and3A_450, %mul3A_452 : vector<16xi32>
      %mul3A_454 = arith.constant 264 : i32
      %mul3A_455 = vector.broadcast %mul3A_454 : i32 to vector<16xi32>
      %mul3A_456 = arith.muli %get3A_443, %mul3A_455 : vector<16xi32>
      %add3A_457 = arith.addi %mul3A_453, %mul3A_456 : vector<16xi32>
      %shift_right_arithmetic3A_458 = arith.constant 3 : i32
      %shift_right_arithmetic3A_459 = vector.broadcast %shift_right_arithmetic3A_458 : i32 to vector<16xi32>
      %shift_right_arithmetic3A_460 = arith.shrsi %get3A_447, %shift_right_arithmetic3A_459 : vector<16xi32>
      %add3A_461 = arith.addi %add3A_457, %shift_right_arithmetic3A_460 : vector<16xi32>
      %add3A_462 = arith.constant 1 : i32
      %add3A_463 = vector.broadcast %add3A_462 : i32 to vector<16xi32>
      %add3A_464 = arith.addi %add3A_461, %add3A_463 : vector<16xi32>
      %swap3A_465 = arith.index_cast %scan3A_179 : i32 to index
      %swap3A_466 = arith.constant 80 : index
      %swap3A_467 = tpu.vector_load %arg20[%swap3A_465, %swap3A_466] {strides = array<i32>} : memref<32x128xi32, #tpu.memory_space<vmem>>, vector<1x16xi32>,
      %swap3A_468 = vector.shape_cast %swap3A_467 : vector<1x16xi32> to vector<16xi32>
      %swap3A_469 = vector.shape_cast %add3A_464 : vector<16xi32> to vector<1x16xi32>
      tpu.vector_store %arg20[%swap3A_465, %swap3A_466], %swap3A_469 {strides = array<i32>} : memref<32x128xi32, #tpu.memory_space<vmem>>, vector<1x16xi32>,
      %and3A_470 = arith.constant 7 : i32
      %and3A_471 = vector.broadcast %and3A_470 : i32 to vector<16xi32>
      %and3A_472 = arith.andi %get3A_443, %and3A_471 : vector<16xi32>
      %mul3A_473 = arith.constant 2113536 : i32
      %mul3A_474 = vector.broadcast %mul3A_473 : i32 to vector<16xi32>
      %mul3A_475 = arith.muli %and3A_472, %mul3A_474 : vector<16xi32>
      %mul3A_476 = arith.constant 1032 : i32
      %mul3A_477 = vector.broadcast %mul3A_476 : i32 to vector<16xi32>
      %mul3A_478 = arith.muli %get3A_447, %mul3A_477 : vector<16xi32>
      %add3A_479 = arith.addi %mul3A_475, %mul3A_478 : vector<16xi32>
      %shift_right_arithmetic3A_480 = arith.constant 3 : i32
      %shift_right_arithmetic3A_481 = vector.broadcast %shift_right_arithmetic3A_480 : i32 to vector<16xi32>
      %shift_right_arithmetic3A_482 = arith.shrsi %get3A_443, %shift_right_arithmetic3A_481 : vector<16xi32>
      %add3A_483 = arith.addi %add3A_479, %shift_right_arithmetic3A_482 : vector<16xi32>
      %add3A_484 = arith.constant 1 : i32
      %add3A_485 = vector.broadcast %add3A_484 : i32 to vector<16xi32>
      %add3A_486 = arith.addi %add3A_483, %add3A_485 : vector<16xi32>
      %swap3A_487 = arith.index_cast %scan3A_179 : i32 to index
      %swap3A_488 = arith.constant 80 : index
      %swap3A_489 = tpu.vector_load %arg21[%swap3A_487, %swap3A_488] {strides = array<i32>} : memref<32x128xi32, #tpu.memory_space<vmem>>, vector<1x16xi32>,
      %swap3A_490 = vector.shape_cast %swap3A_489 : vector<1x16xi32> to vector<16xi32>
      %swap3A_491 = vector.shape_cast %add3A_486 : vector<16xi32> to vector<1x16xi32>
      tpu.vector_store %arg21[%swap3A_487, %swap3A_488], %swap3A_491 {strides = array<i32>} : memref<32x128xi32, #tpu.memory_space<vmem>>, vector<1x16xi32>,
      %get3A_492 = arith.index_cast %scan3A_179 : i32 to index
      %get3A_493 = arith.constant 96 : index
      %get3A_494 = tpu.vector_load %arg17[%get3A_492, %get3A_493] {strides = array<i32>} : memref<32x128xi32, #tpu.memory_space<vmem>>, vector<1x16xi32>,
      %get3A_495 = vector.shape_cast %get3A_494 : vector<1x16xi32> to vector<16xi32>
      %get3A_496 = arith.index_cast %scan3A_179 : i32 to index
      %get3A_497 = arith.constant 96 : index
      %get3A_498 = tpu.vector_load %arg16[%get3A_496, %get3A_497] {strides = array<i32>} : memref<32x128xi32, #tpu.memory_space<vmem>>, vector<1x16xi32>,
      %get3A_499 = vector.shape_cast %get3A_498 : vector<1x16xi32> to vector<16xi32>
      %and3A_500 = arith.constant 7 : i32
      %and3A_501 = vector.broadcast %and3A_500 : i32 to vector<16xi32>
      %and3A_502 = arith.andi %get3A_499, %and3A_501 : vector<16xi32>
      %mul3A_503 = arith.constant 2162688 : i32
      %mul3A_504 = vector.broadcast %mul3A_503 : i32 to vector<16xi32>
      %mul3A_505 = arith.muli %and3A_502, %mul3A_504 : vector<16xi32>
      %mul3A_506 = arith.constant 264 : i32
      %mul3A_507 = vector.broadcast %mul3A_506 : i32 to vector<16xi32>
      %mul3A_508 = arith.muli %get3A_495, %mul3A_507 : vector<16xi32>
      %add3A_509 = arith.addi %mul3A_505, %mul3A_508 : vector<16xi32>
      %shift_right_arithmetic3A_510 = arith.constant 3 : i32
      %shift_right_arithmetic3A_511 = vector.broadcast %shift_right_arithmetic3A_510 : i32 to vector<16xi32>
      %shift_right_arithmetic3A_512 = arith.shrsi %get3A_499, %shift_right_arithmetic3A_511 : vector<16xi32>
      %add3A_513 = arith.addi %add3A_509, %shift_right_arithmetic3A_512 : vector<16xi32>
      %add3A_514 = arith.constant 1 : i32
      %add3A_515 = vector.broadcast %add3A_514 : i32 to vector<16xi32>
      %add3A_516 = arith.addi %add3A_513, %add3A_515 : vector<16xi32>
      %swap3A_517 = arith.index_cast %scan3A_179 : i32 to index
      %swap3A_518 = arith.constant 96 : index
      %swap3A_519 = tpu.vector_load %arg20[%swap3A_517, %swap3A_518] {strides = array<i32>} : memref<32x128xi32, #tpu.memory_space<vmem>>, vector<1x16xi32>,
      %swap3A_520 = vector.shape_cast %swap3A_519 : vector<1x16xi32> to vector<16xi32>
      %swap3A_521 = vector.shape_cast %add3A_516 : vector<16xi32> to vector<1x16xi32>
      tpu.vector_store %arg20[%swap3A_517, %swap3A_518], %swap3A_521 {strides = array<i32>} : memref<32x128xi32, #tpu.memory_space<vmem>>, vector<1x16xi32>,
      %and3A_522 = arith.constant 7 : i32
      %and3A_523 = vector.broadcast %and3A_522 : i32 to vector<16xi32>
      %and3A_524 = arith.andi %get3A_495, %and3A_523 : vector<16xi32>
      %mul3A_525 = arith.constant 2113536 : i32
      %mul3A_526 = vector.broadcast %mul3A_525 : i32 to vector<16xi32>
      %mul3A_527 = arith.muli %and3A_524, %mul3A_526 : vector<16xi32>
      %mul3A_528 = arith.constant 1032 : i32
      %mul3A_529 = vector.broadcast %mul3A_528 : i32 to vector<16xi32>
      %mul3A_530 = arith.muli %get3A_499, %mul3A_529 : vector<16xi32>
      %add3A_531 = arith.addi %mul3A_527, %mul3A_530 : vector<16xi32>
      %shift_right_arithmetic3A_532 = arith.constant 3 : i32
      %shift_right_arithmetic3A_533 = vector.broadcast %shift_right_arithmetic3A_532 : i32 to vector<16xi32>
      %shift_right_arithmetic3A_534 = arith.shrsi %get3A_495, %shift_right_arithmetic3A_533 : vector<16xi32>
      %add3A_535 = arith.addi %add3A_531, %shift_right_arithmetic3A_534 : vector<16xi32>
      %add3A_536 = arith.constant 1 : i32
      %add3A_537 = vector.broadcast %add3A_536 : i32 to vector<16xi32>
      %add3A_538 = arith.addi %add3A_535, %add3A_537 : vector<16xi32>
      %swap3A_539 = arith.index_cast %scan3A_179 : i32 to index
      %swap3A_540 = arith.constant 96 : index
      %swap3A_541 = tpu.vector_load %arg21[%swap3A_539, %swap3A_540] {strides = array<i32>} : memref<32x128xi32, #tpu.memory_space<vmem>>, vector<1x16xi32>,
      %swap3A_542 = vector.shape_cast %swap3A_541 : vector<1x16xi32> to vector<16xi32>
      %swap3A_543 = vector.shape_cast %add3A_538 : vector<16xi32> to vector<1x16xi32>
      tpu.vector_store %arg21[%swap3A_539, %swap3A_540], %swap3A_543 {strides = array<i32>} : memref<32x128xi32, #tpu.memory_space<vmem>>, vector<1x16xi32>,
      %get3A_544 = arith.index_cast %scan3A_179 : i32 to index
      %get3A_545 = arith.constant 112 : index
      %get3A_546 = tpu.vector_load %arg17[%get3A_544, %get3A_545] {strides = array<i32>} : memref<32x128xi32, #tpu.memory_space<vmem>>, vector<1x16xi32>,
      %get3A_547 = vector.shape_cast %get3A_546 : vector<1x16xi32> to vector<16xi32>
      %get3A_548 = arith.index_cast %scan3A_179 : i32 to index
      %get3A_549 = arith.constant 112 : index
      %get3A_550 = tpu.vector_load %arg16[%get3A_548, %get3A_549] {strides = array<i32>} : memref<32x128xi32, #tpu.memory_space<vmem>>, vector<1x16xi32>,
      %get3A_551 = vector.shape_cast %get3A_550 : vector<1x16xi32> to vector<16xi32>
      %and3A_552 = arith.constant 7 : i32
      %and3A_553 = vector.broadcast %and3A_552 : i32 to vector<16xi32>
      %and3A_554 = arith.andi %get3A_551, %and3A_553 : vector<16xi32>
      %mul3A_555 = arith.constant 2162688 : i32
      %mul3A_556 = vector.broadcast %mul3A_555 : i32 to vector<16xi32>
      %mul3A_557 = arith.muli %and3A_554, %mul3A_556 : vector<16xi32>
      %mul3A_558 = arith.constant 264 : i32
      %mul3A_559 = vector.broadcast %mul3A_558 : i32 to vector<16xi32>
      %mul3A_560 = arith.muli %get3A_547, %mul3A_559 : vector<16xi32>
      %add3A_561 = arith.addi %mul3A_557, %mul3A_560 : vector<16xi32>
      %shift_right_arithmetic3A_562 = arith.constant 3 : i32
      %shift_right_arithmetic3A_563 = vector.broadcast %shift_right_arithmetic3A_562 : i32 to vector<16xi32>
      %shift_right_arithmetic3A_564 = arith.shrsi %get3A_551, %shift_right_arithmetic3A_563 : vector<16xi32>
      %add3A_565 = arith.addi %add3A_561, %shift_right_arithmetic3A_564 : vector<16xi32>
      %add3A_566 = arith.constant 1 : i32
      %add3A_567 = vector.broadcast %add3A_566 : i32 to vector<16xi32>
      %add3A_568 = arith.addi %add3A_565, %add3A_567 : vector<16xi32>
      %swap3A_569 = arith.index_cast %scan3A_179 : i32 to index
      %swap3A_570 = arith.constant 112 : index
      %swap3A_571 = tpu.vector_load %arg20[%swap3A_569, %swap3A_570] {strides = array<i32>} : memref<32x128xi32, #tpu.memory_space<vmem>>, vector<1x16xi32>,
      %swap3A_572 = vector.shape_cast %swap3A_571 : vector<1x16xi32> to vector<16xi32>
      %swap3A_573 = vector.shape_cast %add3A_568 : vector<16xi32> to vector<1x16xi32>
      tpu.vector_store %arg20[%swap3A_569, %swap3A_570], %swap3A_573 {strides = array<i32>} : memref<32x128xi32, #tpu.memory_space<vmem>>, vector<1x16xi32>,
      %and3A_574 = arith.constant 7 : i32
      %and3A_575 = vector.broadcast %and3A_574 : i32 to vector<16xi32>
      %and3A_576 = arith.andi %get3A_547, %and3A_575 : vector<16xi32>
      %mul3A_577 = arith.constant 2113536 : i32
      %mul3A_578 = vector.broadcast %mul3A_577 : i32 to vector<16xi32>
      %mul3A_579 = arith.muli %and3A_576, %mul3A_578 : vector<16xi32>
      %mul3A_580 = arith.constant 1032 : i32
      %mul3A_581 = vector.broadcast %mul3A_580 : i32 to vector<16xi32>
      %mul3A_582 = arith.muli %get3A_551, %mul3A_581 : vector<16xi32>
      %add3A_583 = arith.addi %mul3A_579, %mul3A_582 : vector<16xi32>
      %shift_right_arithmetic3A_584 = arith.constant 3 : i32
      %shift_right_arithmetic3A_585 = vector.broadcast %shift_right_arithmetic3A_584 : i32 to vector<16xi32>
      %shift_right_arithmetic3A_586 = arith.shrsi %get3A_547, %shift_right_arithmetic3A_585 : vector<16xi32>
      %add3A_587 = arith.addi %add3A_583, %shift_right_arithmetic3A_586 : vector<16xi32>
      %add3A_588 = arith.constant 1 : i32
      %add3A_589 = vector.broadcast %add3A_588 : i32 to vector<16xi32>
      %add3A_590 = arith.addi %add3A_587, %add3A_589 : vector<16xi32>
      %swap3A_591 = arith.index_cast %scan3A_179 : i32 to index
      %swap3A_592 = arith.constant 112 : index
      %swap3A_593 = tpu.vector_load %arg21[%swap3A_591, %swap3A_592] {strides = array<i32>} : memref<32x128xi32, #tpu.memory_space<vmem>>, vector<1x16xi32>,
      %swap3A_594 = vector.shape_cast %swap3A_593 : vector<1x16xi32> to vector<16xi32>
      %swap3A_595 = vector.shape_cast %add3A_590 : vector<16xi32> to vector<1x16xi32>
      tpu.vector_store %arg21[%swap3A_591, %swap3A_592], %swap3A_595 {strides = array<i32>} : memref<32x128xi32, #tpu.memory_space<vmem>>, vector<1x16xi32>,
      %scan3A_596 = arith.constant 0 : i32
      scf.yield %scan3A_596 : i32
    }
    %scan3A_62 = arith.constant 32 : i32
    %scan3A_63 = arith.constant 0 : i32
    %scan3A_64 = arith.constant 0 : i32
    %scan3A_65 = arith.constant 8 : i32
    %scan3A_66 = arith.addi %scan3A_64, %scan3A_65 : i32
    %scan3A_67 = arith.constant 1 : i32
    %scan3A_68 = scf.for %scan3A_179 = %scan3A_64 to %scan3A_66 step %scan3A_67 iter_args(%scan3A_180 = %scan3A_63) -> (i32)  : i32 {
      %mul3A_181 = arith.constant 4 : i32
      %mul3A_182 = arith.muli %scan3A_179, %mul3A_181 : i32
      %add3A_183 = arith.constant 0 : i32
      %add3A_184 = arith.addi %mul3A_182, %add3A_183 : i32
      %dma_start3A = arith.constant 0 : i32
      %dma_start3A_185 = tpu.memref_slice %arg18[%add3A_184, %dma_start3A] : memref<32x128xf32, #tpu.memory_space<vmem>> -> memref<1x128xf32, #tpu.memory_space<vmem>>
      %dma_start3A_186 = tpu.memref_squeeze %dma_start3A_185 : memref<1x128xf32, #tpu.memory_space<vmem>> -> memref<128xf32, #tpu.memory_space<vmem>>
      %dma_start3A_187 = arith.constant 0 : i32
      %dma_start3A_188 = tpu.memref_slice %arg20[%add3A_184, %dma_start3A_187] : memref<32x128xi32, #tpu.memory_space<vmem>> -> memref<1x128xi32, #tpu.memory_space<vmem>>
      %dma_start3A_189 = tpu.memref_squeeze %dma_start3A_188 : memref<1x128xi32, #tpu.memory_space<vmem>> -> memref<128xi32, #tpu.memory_space<vmem>>
      %dma_start3A_190 = arith.constant 0 : i32
      %dma_start3A_191 = tpu.memref_slice %arg7[%dma_start3A_190] : memref<17301504xf32, #tpu.memory_space<hbm>> -> memref<17301504xf32, #tpu.memory_space<hbm>>
      tpu.enqueue_indirect_dma source(%dma_start3A_186 : memref<128xf32, #tpu.memory_space<vmem>>) target(%dma_start3A_191 : memref<17301504xf32, #tpu.memory_space<hbm>>) offsets(%dma_start3A_189 : memref<128xi32, #tpu.memory_space<vmem>>) semaphore(%arg32 : memref<!tpu.dma_semaphore, #tpu.memory_space<semaphore_mem>>)
      %dma_start3A_192 = arith.constant 0 : i32
      %dma_start3A_193 = tpu.memref_slice %arg18[%add3A_184, %dma_start3A_192] : memref<32x128xf32, #tpu.memory_space<vmem>> -> memref<1x128xf32, #tpu.memory_space<vmem>>
      %dma_start3A_194 = tpu.memref_squeeze %dma_start3A_193 : memref<1x128xf32, #tpu.memory_space<vmem>> -> memref<128xf32, #tpu.memory_space<vmem>>
      %dma_start3A_195 = arith.constant 0 : i32
      %dma_start3A_196 = tpu.memref_slice %arg21[%add3A_184, %dma_start3A_195] : memref<32x128xi32, #tpu.memory_space<vmem>> -> memref<1x128xi32, #tpu.memory_space<vmem>>
      %dma_start3A_197 = tpu.memref_squeeze %dma_start3A_196 : memref<1x128xi32, #tpu.memory_space<vmem>> -> memref<128xi32, #tpu.memory_space<vmem>>
      %dma_start3A_198 = arith.constant 0 : i32
      %dma_start3A_199 = tpu.memref_slice %arg8[%dma_start3A_198] : memref<16908288xf32, #tpu.memory_space<hbm>> -> memref<16908288xf32, #tpu.memory_space<hbm>>
      tpu.enqueue_indirect_dma source(%dma_start3A_194 : memref<128xf32, #tpu.memory_space<vmem>>) target(%dma_start3A_199 : memref<16908288xf32, #tpu.memory_space<hbm>>) offsets(%dma_start3A_197 : memref<128xi32, #tpu.memory_space<vmem>>) semaphore(%arg32 : memref<!tpu.dma_semaphore, #tpu.memory_space<semaphore_mem>>)
      %mul3A_200 = arith.constant 4 : i32
      %mul3A_201 = arith.muli %scan3A_179, %mul3A_200 : i32
      %add3A_202 = arith.constant 1 : i32
      %add3A_203 = arith.addi %mul3A_201, %add3A_202 : i32
      %dma_start3A_204 = arith.constant 0 : i32
      %dma_start3A_205 = tpu.memref_slice %arg18[%add3A_203, %dma_start3A_204] : memref<32x128xf32, #tpu.memory_space<vmem>> -> memref<1x128xf32, #tpu.memory_space<vmem>>
      %dma_start3A_206 = tpu.memref_squeeze %dma_start3A_205 : memref<1x128xf32, #tpu.memory_space<vmem>> -> memref<128xf32, #tpu.memory_space<vmem>>
      %dma_start3A_207 = arith.constant 0 : i32
      %dma_start3A_208 = tpu.memref_slice %arg20[%add3A_203, %dma_start3A_207] : memref<32x128xi32, #tpu.memory_space<vmem>> -> memref<1x128xi32, #tpu.memory_space<vmem>>
      %dma_start3A_209 = tpu.memref_squeeze %dma_start3A_208 : memref<1x128xi32, #tpu.memory_space<vmem>> -> memref<128xi32, #tpu.memory_space<vmem>>
      %dma_start3A_210 = arith.constant 0 : i32
      %dma_start3A_211 = tpu.memref_slice %arg7[%dma_start3A_210] : memref<17301504xf32, #tpu.memory_space<hbm>> -> memref<17301504xf32, #tpu.memory_space<hbm>>
      tpu.enqueue_indirect_dma source(%dma_start3A_206 : memref<128xf32, #tpu.memory_space<vmem>>) target(%dma_start3A_211 : memref<17301504xf32, #tpu.memory_space<hbm>>) offsets(%dma_start3A_209 : memref<128xi32, #tpu.memory_space<vmem>>) semaphore(%arg32 : memref<!tpu.dma_semaphore, #tpu.memory_space<semaphore_mem>>)
      %dma_start3A_212 = arith.constant 0 : i32
      %dma_start3A_213 = tpu.memref_slice %arg18[%add3A_203, %dma_start3A_212] : memref<32x128xf32, #tpu.memory_space<vmem>> -> memref<1x128xf32, #tpu.memory_space<vmem>>
      %dma_start3A_214 = tpu.memref_squeeze %dma_start3A_213 : memref<1x128xf32, #tpu.memory_space<vmem>> -> memref<128xf32, #tpu.memory_space<vmem>>
      %dma_start3A_215 = arith.constant 0 : i32
      %dma_start3A_216 = tpu.memref_slice %arg21[%add3A_203, %dma_start3A_215] : memref<32x128xi32, #tpu.memory_space<vmem>> -> memref<1x128xi32, #tpu.memory_space<vmem>>
      %dma_start3A_217 = tpu.memref_squeeze %dma_start3A_216 : memref<1x128xi32, #tpu.memory_space<vmem>> -> memref<128xi32, #tpu.memory_space<vmem>>
      %dma_start3A_218 = arith.constant 0 : i32
      %dma_start3A_219 = tpu.memref_slice %arg8[%dma_start3A_218] : memref<16908288xf32, #tpu.memory_space<hbm>> -> memref<16908288xf32, #tpu.memory_space<hbm>>
      tpu.enqueue_indirect_dma source(%dma_start3A_214 : memref<128xf32, #tpu.memory_space<vmem>>) target(%dma_start3A_219 : memref<16908288xf32, #tpu.memory_space<hbm>>) offsets(%dma_start3A_217 : memref<128xi32, #tpu.memory_space<vmem>>) semaphore(%arg32 : memref<!tpu.dma_semaphore, #tpu.memory_space<semaphore_mem>>)
      %mul3A_220 = arith.constant 4 : i32
      %mul3A_221 = arith.muli %scan3A_179, %mul3A_220 : i32
      %add3A_222 = arith.constant 2 : i32
      %add3A_223 = arith.addi %mul3A_221, %add3A_222 : i32
      %dma_start3A_224 = arith.constant 0 : i32
      %dma_start3A_225 = tpu.memref_slice %arg18[%add3A_223, %dma_start3A_224] : memref<32x128xf32, #tpu.memory_space<vmem>> -> memref<1x128xf32, #tpu.memory_space<vmem>>
      %dma_start3A_226 = tpu.memref_squeeze %dma_start3A_225 : memref<1x128xf32, #tpu.memory_space<vmem>> -> memref<128xf32, #tpu.memory_space<vmem>>
      %dma_start3A_227 = arith.constant 0 : i32
      %dma_start3A_228 = tpu.memref_slice %arg20[%add3A_223, %dma_start3A_227] : memref<32x128xi32, #tpu.memory_space<vmem>> -> memref<1x128xi32, #tpu.memory_space<vmem>>
      %dma_start3A_229 = tpu.memref_squeeze %dma_start3A_228 : memref<1x128xi32, #tpu.memory_space<vmem>> -> memref<128xi32, #tpu.memory_space<vmem>>
      %dma_start3A_230 = arith.constant 0 : i32
      %dma_start3A_231 = tpu.memref_slice %arg7[%dma_start3A_230] : memref<17301504xf32, #tpu.memory_space<hbm>> -> memref<17301504xf32, #tpu.memory_space<hbm>>
      tpu.enqueue_indirect_dma source(%dma_start3A_226 : memref<128xf32, #tpu.memory_space<vmem>>) target(%dma_start3A_231 : memref<17301504xf32, #tpu.memory_space<hbm>>) offsets(%dma_start3A_229 : memref<128xi32, #tpu.memory_space<vmem>>) semaphore(%arg32 : memref<!tpu.dma_semaphore, #tpu.memory_space<semaphore_mem>>)
      %dma_start3A_232 = arith.constant 0 : i32
      %dma_start3A_233 = tpu.memref_slice %arg18[%add3A_223, %dma_start3A_232] : memref<32x128xf32, #tpu.memory_space<vmem>> -> memref<1x128xf32, #tpu.memory_space<vmem>>
      %dma_start3A_234 = tpu.memref_squeeze %dma_start3A_233 : memref<1x128xf32, #tpu.memory_space<vmem>> -> memref<128xf32, #tpu.memory_space<vmem>>
      %dma_start3A_235 = arith.constant 0 : i32
      %dma_start3A_236 = tpu.memref_slice %arg21[%add3A_223, %dma_start3A_235] : memref<32x128xi32, #tpu.memory_space<vmem>> -> memref<1x128xi32, #tpu.memory_space<vmem>>
      %dma_start3A_237 = tpu.memref_squeeze %dma_start3A_236 : memref<1x128xi32, #tpu.memory_space<vmem>> -> memref<128xi32, #tpu.memory_space<vmem>>
      %dma_start3A_238 = arith.constant 0 : i32
      %dma_start3A_239 = tpu.memref_slice %arg8[%dma_start3A_238] : memref<16908288xf32, #tpu.memory_space<hbm>> -> memref<16908288xf32, #tpu.memory_space<hbm>>
      tpu.enqueue_indirect_dma source(%dma_start3A_234 : memref<128xf32, #tpu.memory_space<vmem>>) target(%dma_start3A_239 : memref<16908288xf32, #tpu.memory_space<hbm>>) offsets(%dma_start3A_237 : memref<128xi32, #tpu.memory_space<vmem>>) semaphore(%arg32 : memref<!tpu.dma_semaphore, #tpu.memory_space<semaphore_mem>>)
      %mul3A_240 = arith.constant 4 : i32
      %mul3A_241 = arith.muli %scan3A_179, %mul3A_240 : i32
      %add3A_242 = arith.constant 3 : i32
      %add3A_243 = arith.addi %mul3A_241, %add3A_242 : i32
      %dma_start3A_244 = arith.constant 0 : i32
      %dma_start3A_245 = tpu.memref_slice %arg18[%add3A_243, %dma_start3A_244] : memref<32x128xf32, #tpu.memory_space<vmem>> -> memref<1x128xf32, #tpu.memory_space<vmem>>
      %dma_start3A_246 = tpu.memref_squeeze %dma_start3A_245 : memref<1x128xf32, #tpu.memory_space<vmem>> -> memref<128xf32, #tpu.memory_space<vmem>>
      %dma_start3A_247 = arith.constant 0 : i32
      %dma_start3A_248 = tpu.memref_slice %arg20[%add3A_243, %dma_start3A_247] : memref<32x128xi32, #tpu.memory_space<vmem>> -> memref<1x128xi32, #tpu.memory_space<vmem>>
      %dma_start3A_249 = tpu.memref_squeeze %dma_start3A_248 : memref<1x128xi32, #tpu.memory_space<vmem>> -> memref<128xi32, #tpu.memory_space<vmem>>
      %dma_start3A_250 = arith.constant 0 : i32
      %dma_start3A_251 = tpu.memref_slice %arg7[%dma_start3A_250] : memref<17301504xf32, #tpu.memory_space<hbm>> -> memref<17301504xf32, #tpu.memory_space<hbm>>
      tpu.enqueue_indirect_dma source(%dma_start3A_246 : memref<128xf32, #tpu.memory_space<vmem>>) target(%dma_start3A_251 : memref<17301504xf32, #tpu.memory_space<hbm>>) offsets(%dma_start3A_249 : memref<128xi32, #tpu.memory_space<vmem>>) semaphore(%arg32 : memref<!tpu.dma_semaphore, #tpu.memory_space<semaphore_mem>>)
      %dma_start3A_252 = arith.constant 0 : i32
      %dma_start3A_253 = tpu.memref_slice %arg18[%add3A_243, %dma_start3A_252] : memref<32x128xf32, #tpu.memory_space<vmem>> -> memref<1x128xf32, #tpu.memory_space<vmem>>
      %dma_start3A_254 = tpu.memref_squeeze %dma_start3A_253 : memref<1x128xf32, #tpu.memory_space<vmem>> -> memref<128xf32, #tpu.memory_space<vmem>>
      %dma_start3A_255 = arith.constant 0 : i32
      %dma_start3A_256 = tpu.memref_slice %arg21[%add3A_243, %dma_start3A_255] : memref<32x128xi32, #tpu.memory_space<vmem>> -> memref<1x128xi32, #tpu.memory_space<vmem>>
      %dma_start3A_257 = tpu.memref_squeeze %dma_start3A_256 : memref<1x128xi32, #tpu.memory_space<vmem>> -> memref<128xi32, #tpu.memory_space<vmem>>
      %dma_start3A_258 = arith.constant 0 : i32
      %dma_start3A_259 = tpu.memref_slice %arg8[%dma_start3A_258] : memref<16908288xf32, #tpu.memory_space<hbm>> -> memref<16908288xf32, #tpu.memory_space<hbm>>
      tpu.enqueue_indirect_dma source(%dma_start3A_254 : memref<128xf32, #tpu.memory_space<vmem>>) target(%dma_start3A_259 : memref<16908288xf32, #tpu.memory_space<hbm>>) offsets(%dma_start3A_257 : memref<128xi32, #tpu.memory_space<vmem>>) semaphore(%arg32 : memref<!tpu.dma_semaphore, #tpu.memory_space<semaphore_mem>>)
      %dma_wait3A = arith.constant 0 : i32
      %dma_wait3A_260 = tpu.memref_slice %arg18[%add3A_184, %dma_wait3A] : memref<32x128xf32, #tpu.memory_space<vmem>> -> memref<1x128xf32, #tpu.memory_space<vmem>>
      %dma_wait3A_261 = tpu.memref_squeeze %dma_wait3A_260 : memref<1x128xf32, #tpu.memory_space<vmem>> -> memref<128xf32, #tpu.memory_space<vmem>>
      %dma_wait3A_262 = arith.constant 0 : i32
      %dma_wait3A_263 = tpu.memref_slice %arg20[%add3A_184, %dma_wait3A_262] : memref<32x128xi32, #tpu.memory_space<vmem>> -> memref<1x128xi32, #tpu.memory_space<vmem>>
      %dma_wait3A_264 = tpu.memref_squeeze %dma_wait3A_263 : memref<1x128xi32, #tpu.memory_space<vmem>> -> memref<128xi32, #tpu.memory_space<vmem>>
      %dma_wait3A_265 = arith.constant 0 : i32
      %dma_wait3A_266 = tpu.memref_slice %arg7[%dma_wait3A_265] : memref<17301504xf32, #tpu.memory_space<hbm>> -> memref<17301504xf32, #tpu.memory_space<hbm>>
      tpu.wait_indirect_dma semaphore(%arg32 : memref<!tpu.dma_semaphore, #tpu.memory_space<semaphore_mem>>) src(%dma_wait3A_261 : memref<128xf32, #tpu.memory_space<vmem>>) dst(%dma_wait3A_266 : memref<17301504xf32, #tpu.memory_space<hbm>>)
      %dma_wait3A_267 = arith.constant 0 : i32
      %dma_wait3A_268 = tpu.memref_slice %arg18[%add3A_184, %dma_wait3A_267] : memref<32x128xf32, #tpu.memory_space<vmem>> -> memref<1x128xf32, #tpu.memory_space<vmem>>
      %dma_wait3A_269 = tpu.memref_squeeze %dma_wait3A_268 : memref<1x128xf32, #tpu.memory_space<vmem>> -> memref<128xf32, #tpu.memory_space<vmem>>
      %dma_wait3A_270 = arith.constant 0 : i32
      %dma_wait3A_271 = tpu.memref_slice %arg21[%add3A_184, %dma_wait3A_270] : memref<32x128xi32, #tpu.memory_space<vmem>> -> memref<1x128xi32, #tpu.memory_space<vmem>>
      %dma_wait3A_272 = tpu.memref_squeeze %dma_wait3A_271 : memref<1x128xi32, #tpu.memory_space<vmem>> -> memref<128xi32, #tpu.memory_space<vmem>>
      %dma_wait3A_273 = arith.constant 0 : i32
      %dma_wait3A_274 = tpu.memref_slice %arg8[%dma_wait3A_273] : memref<16908288xf32, #tpu.memory_space<hbm>> -> memref<16908288xf32, #tpu.memory_space<hbm>>
      tpu.wait_indirect_dma semaphore(%arg32 : memref<!tpu.dma_semaphore, #tpu.memory_space<semaphore_mem>>) src(%dma_wait3A_269 : memref<128xf32, #tpu.memory_space<vmem>>) dst(%dma_wait3A_274 : memref<16908288xf32, #tpu.memory_space<hbm>>)
      %dma_wait3A_275 = arith.constant 0 : i32
      %dma_wait3A_276 = tpu.memref_slice %arg18[%add3A_203, %dma_wait3A_275] : memref<32x128xf32, #tpu.memory_space<vmem>> -> memref<1x128xf32, #tpu.memory_space<vmem>>
      %dma_wait3A_277 = tpu.memref_squeeze %dma_wait3A_276 : memref<1x128xf32, #tpu.memory_space<vmem>> -> memref<128xf32, #tpu.memory_space<vmem>>
      %dma_wait3A_278 = arith.constant 0 : i32
      %dma_wait3A_279 = tpu.memref_slice %arg20[%add3A_203, %dma_wait3A_278] : memref<32x128xi32, #tpu.memory_space<vmem>> -> memref<1x128xi32, #tpu.memory_space<vmem>>
      %dma_wait3A_280 = tpu.memref_squeeze %dma_wait3A_279 : memref<1x128xi32, #tpu.memory_space<vmem>> -> memref<128xi32, #tpu.memory_space<vmem>>
      %dma_wait3A_281 = arith.constant 0 : i32
      %dma_wait3A_282 = tpu.memref_slice %arg7[%dma_wait3A_281] : memref<17301504xf32, #tpu.memory_space<hbm>> -> memref<17301504xf32, #tpu.memory_space<hbm>>
      tpu.wait_indirect_dma semaphore(%arg32 : memref<!tpu.dma_semaphore, #tpu.memory_space<semaphore_mem>>) src(%dma_wait3A_277 : memref<128xf32, #tpu.memory_space<vmem>>) dst(%dma_wait3A_282 : memref<17301504xf32, #tpu.memory_space<hbm>>)
      %dma_wait3A_283 = arith.constant 0 : i32
      %dma_wait3A_284 = tpu.memref_slice %arg18[%add3A_203, %dma_wait3A_283] : memref<32x128xf32, #tpu.memory_space<vmem>> -> memref<1x128xf32, #tpu.memory_space<vmem>>
      %dma_wait3A_285 = tpu.memref_squeeze %dma_wait3A_284 : memref<1x128xf32, #tpu.memory_space<vmem>> -> memref<128xf32, #tpu.memory_space<vmem>>
      %dma_wait3A_286 = arith.constant 0 : i32
      %dma_wait3A_287 = tpu.memref_slice %arg21[%add3A_203, %dma_wait3A_286] : memref<32x128xi32, #tpu.memory_space<vmem>> -> memref<1x128xi32, #tpu.memory_space<vmem>>
      %dma_wait3A_288 = tpu.memref_squeeze %dma_wait3A_287 : memref<1x128xi32, #tpu.memory_space<vmem>> -> memref<128xi32, #tpu.memory_space<vmem>>
      %dma_wait3A_289 = arith.constant 0 : i32
      %dma_wait3A_290 = tpu.memref_slice %arg8[%dma_wait3A_289] : memref<16908288xf32, #tpu.memory_space<hbm>> -> memref<16908288xf32, #tpu.memory_space<hbm>>
      tpu.wait_indirect_dma semaphore(%arg32 : memref<!tpu.dma_semaphore, #tpu.memory_space<semaphore_mem>>) src(%dma_wait3A_285 : memref<128xf32, #tpu.memory_space<vmem>>) dst(%dma_wait3A_290 : memref<16908288xf32, #tpu.memory_space<hbm>>)
      %dma_wait3A_291 = arith.constant 0 : i32
      %dma_wait3A_292 = tpu.memref_slice %arg18[%add3A_223, %dma_wait3A_291] : memref<32x128xf32, #tpu.memory_space<vmem>> -> memref<1x128xf32, #tpu.memory_space<vmem>>
      %dma_wait3A_293 = tpu.memref_squeeze %dma_wait3A_292 : memref<1x128xf32, #tpu.memory_space<vmem>> -> memref<128xf32, #tpu.memory_space<vmem>>
      %dma_wait3A_294 = arith.constant 0 : i32
      %dma_wait3A_295 = tpu.memref_slice %arg20[%add3A_223, %dma_wait3A_294] : memref<32x128xi32, #tpu.memory_space<vmem>> -> memref<1x128xi32, #tpu.memory_space<vmem>>
      %dma_wait3A_296 = tpu.memref_squeeze %dma_wait3A_295 : memref<1x128xi32, #tpu.memory_space<vmem>> -> memref<128xi32, #tpu.memory_space<vmem>>
      %dma_wait3A_297 = arith.constant 0 : i32
      %dma_wait3A_298 = tpu.memref_slice %arg7[%dma_wait3A_297] : memref<17301504xf32, #tpu.memory_space<hbm>> -> memref<17301504xf32, #tpu.memory_space<hbm>>
      tpu.wait_indirect_dma semaphore(%arg32 : memref<!tpu.dma_semaphore, #tpu.memory_space<semaphore_mem>>) src(%dma_wait3A_293 : memref<128xf32, #tpu.memory_space<vmem>>) dst(%dma_wait3A_298 : memref<17301504xf32, #tpu.memory_space<hbm>>)
      %dma_wait3A_299 = arith.constant 0 : i32
      %dma_wait3A_300 = tpu.memref_slice %arg18[%add3A_223, %dma_wait3A_299] : memref<32x128xf32, #tpu.memory_space<vmem>> -> memref<1x128xf32, #tpu.memory_space<vmem>>
      %dma_wait3A_301 = tpu.memref_squeeze %dma_wait3A_300 : memref<1x128xf32, #tpu.memory_space<vmem>> -> memref<128xf32, #tpu.memory_space<vmem>>
      %dma_wait3A_302 = arith.constant 0 : i32
      %dma_wait3A_303 = tpu.memref_slice %arg21[%add3A_223, %dma_wait3A_302] : memref<32x128xi32, #tpu.memory_space<vmem>> -> memref<1x128xi32, #tpu.memory_space<vmem>>
      %dma_wait3A_304 = tpu.memref_squeeze %dma_wait3A_303 : memref<1x128xi32, #tpu.memory_space<vmem>> -> memref<128xi32, #tpu.memory_space<vmem>>
      %dma_wait3A_305 = arith.constant 0 : i32
      %dma_wait3A_306 = tpu.memref_slice %arg8[%dma_wait3A_305] : memref<16908288xf32, #tpu.memory_space<hbm>> -> memref<16908288xf32, #tpu.memory_space<hbm>>
      tpu.wait_indirect_dma semaphore(%arg32 : memref<!tpu.dma_semaphore, #tpu.memory_space<semaphore_mem>>) src(%dma_wait3A_301 : memref<128xf32, #tpu.memory_space<vmem>>) dst(%dma_wait3A_306 : memref<16908288xf32, #tpu.memory_space<hbm>>)
      %dma_wait3A_307 = arith.constant 0 : i32
      %dma_wait3A_308 = tpu.memref_slice %arg18[%add3A_243, %dma_wait3A_307] : memref<32x128xf32, #tpu.memory_space<vmem>> -> memref<1x128xf32, #tpu.memory_space<vmem>>
      %dma_wait3A_309 = tpu.memref_squeeze %dma_wait3A_308 : memref<1x128xf32, #tpu.memory_space<vmem>> -> memref<128xf32, #tpu.memory_space<vmem>>
      %dma_wait3A_310 = arith.constant 0 : i32
      %dma_wait3A_311 = tpu.memref_slice %arg20[%add3A_243, %dma_wait3A_310] : memref<32x128xi32, #tpu.memory_space<vmem>> -> memref<1x128xi32, #tpu.memory_space<vmem>>
      %dma_wait3A_312 = tpu.memref_squeeze %dma_wait3A_311 : memref<1x128xi32, #tpu.memory_space<vmem>> -> memref<128xi32, #tpu.memory_space<vmem>>
      %dma_wait3A_313 = arith.constant 0 : i32
      %dma_wait3A_314 = tpu.memref_slice %arg7[%dma_wait3A_313] : memref<17301504xf32, #tpu.memory_space<hbm>> -> memref<17301504xf32, #tpu.memory_space<hbm>>
      tpu.wait_indirect_dma semaphore(%arg32 : memref<!tpu.dma_semaphore, #tpu.memory_space<semaphore_mem>>) src(%dma_wait3A_309 : memref<128xf32, #tpu.memory_space<vmem>>) dst(%dma_wait3A_314 : memref<17301504xf32, #tpu.memory_space<hbm>>)
      %dma_wait3A_315 = arith.constant 0 : i32
      %dma_wait3A_316 = tpu.memref_slice %arg18[%add3A_243, %dma_wait3A_315] : memref<32x128xf32, #tpu.memory_space<vmem>> -> memref<1x128xf32, #tpu.memory_space<vmem>>
      %dma_wait3A_317 = tpu.memref_squeeze %dma_wait3A_316 : memref<1x128xf32, #tpu.memory_space<vmem>> -> memref<128xf32, #tpu.memory_space<vmem>>
      %dma_wait3A_318 = arith.constant 0 : i32
      %dma_wait3A_319 = tpu.memref_slice %arg21[%add3A_243, %dma_wait3A_318] : memref<32x128xi32, #tpu.memory_space<vmem>> -> memref<1x128xi32, #tpu.memory_space<vmem>>
      %dma_wait3A_320 = tpu.memref_squeeze %dma_wait3A_319 : memref<1x128xi32, #tpu.memory_space<vmem>> -> memref<128xi32, #tpu.memory_space<vmem>>
      %dma_wait3A_321 = arith.constant 0 : i32
      %dma_wait3A_322 = tpu.memref_slice %arg8[%dma_wait3A_321] : memref<16908288xf32, #tpu.memory_space<hbm>> -> memref<16908288xf32, #tpu.memory_space<hbm>>
      tpu.wait_indirect_dma semaphore(%arg32 : memref<!tpu.dma_semaphore, #tpu.memory_space<semaphore_mem>>) src(%dma_wait3A_317 : memref<128xf32, #tpu.memory_space<vmem>>) dst(%dma_wait3A_322 : memref<16908288xf32, #tpu.memory_space<hbm>>)
      %scan3A_323 = arith.constant 0 : i32
      scf.yield %scan3A_323 : i32
    }
    %scan3A_69 = arith.constant 8 : i32
    %barrier3A = arith.constant 0 : index
    tpu.barrier barrier_id(%barrier3A)
    %scan3A_70 = arith.constant 0 : i32
    %scan3A_71 = arith.constant 0 : i32
    %scan3A_72 = arith.constant 8 : i32
    %scan3A_73 = arith.addi %scan3A_71, %scan3A_72 : i32
    %scan3A_74 = arith.constant 1 : i32
    %scan3A_75 = scf.for %scan3A_179 = %scan3A_71 to %scan3A_73 step %scan3A_74 iter_args(%scan3A_180 = %scan3A_70) -> (i32)  : i32 {
      %mul3A_181 = arith.constant 8 : i32
      %mul3A_182 = arith.muli %scan3A_179, %mul3A_181 : i32
      %add3A_183 = arith.constant 0 : i32
      %add3A_184 = arith.addi %mul3A_182, %add3A_183 : i32
      %dma_start3A = arith.constant 0 : i32
      %dma_start3A_185 = tpu.memref_slice %arg13[%add3A_184, %dma_start3A] : memref<64x128xi32, #tpu.memory_space<vmem>> -> memref<1x128xi32, #tpu.memory_space<vmem>>
      %dma_start3A_186 = tpu.memref_squeeze %dma_start3A_185 : memref<1x128xi32, #tpu.memory_space<vmem>> -> memref<128xi32, #tpu.memory_space<vmem>>
      %dma_start3A_187 = arith.constant 0 : i32
      %dma_start3A_188 = tpu.memref_slice %arg29[%dma_start3A_187] : memref<2048xf32, #tpu.memory_space<vmem_shared>> -> memref<2048xf32, #tpu.memory_space<vmem_shared>>
      tpu.enqueue_indirect_dma source(%arg27 : memref<128xf32, #tpu.memory_space<vmem>>) target(%dma_start3A_188 : memref<2048xf32, #tpu.memory_space<vmem_shared>>) offsets(%dma_start3A_186 : memref<128xi32, #tpu.memory_space<vmem>>) semaphore(%arg32 : memref<!tpu.dma_semaphore, #tpu.memory_space<semaphore_mem>>) {add = true}
      %mul3A_189 = arith.constant 8 : i32
      %mul3A_190 = arith.muli %scan3A_179, %mul3A_189 : i32
      %add3A_191 = arith.constant 1 : i32
      %add3A_192 = arith.addi %mul3A_190, %add3A_191 : i32
      %dma_start3A_193 = arith.constant 0 : i32
      %dma_start3A_194 = tpu.memref_slice %arg13[%add3A_192, %dma_start3A_193] : memref<64x128xi32, #tpu.memory_space<vmem>> -> memref<1x128xi32, #tpu.memory_space<vmem>>
      %dma_start3A_195 = tpu.memref_squeeze %dma_start3A_194 : memref<1x128xi32, #tpu.memory_space<vmem>> -> memref<128xi32, #tpu.memory_space<vmem>>
      %dma_start3A_196 = arith.constant 0 : i32
      %dma_start3A_197 = tpu.memref_slice %arg29[%dma_start3A_196] : memref<2048xf32, #tpu.memory_space<vmem_shared>> -> memref<2048xf32, #tpu.memory_space<vmem_shared>>
      tpu.enqueue_indirect_dma source(%arg27 : memref<128xf32, #tpu.memory_space<vmem>>) target(%dma_start3A_197 : memref<2048xf32, #tpu.memory_space<vmem_shared>>) offsets(%dma_start3A_195 : memref<128xi32, #tpu.memory_space<vmem>>) semaphore(%arg32 : memref<!tpu.dma_semaphore, #tpu.memory_space<semaphore_mem>>) {add = true}
      %mul3A_198 = arith.constant 8 : i32
      %mul3A_199 = arith.muli %scan3A_179, %mul3A_198 : i32
      %add3A_200 = arith.constant 2 : i32
      %add3A_201 = arith.addi %mul3A_199, %add3A_200 : i32
      %dma_start3A_202 = arith.constant 0 : i32
      %dma_start3A_203 = tpu.memref_slice %arg13[%add3A_201, %dma_start3A_202] : memref<64x128xi32, #tpu.memory_space<vmem>> -> memref<1x128xi32, #tpu.memory_space<vmem>>
      %dma_start3A_204 = tpu.memref_squeeze %dma_start3A_203 : memref<1x128xi32, #tpu.memory_space<vmem>> -> memref<128xi32, #tpu.memory_space<vmem>>
      %dma_start3A_205 = arith.constant 0 : i32
      %dma_start3A_206 = tpu.memref_slice %arg29[%dma_start3A_205] : memref<2048xf32, #tpu.memory_space<vmem_shared>> -> memref<2048xf32, #tpu.memory_space<vmem_shared>>
      tpu.enqueue_indirect_dma source(%arg27 : memref<128xf32, #tpu.memory_space<vmem>>) target(%dma_start3A_206 : memref<2048xf32, #tpu.memory_space<vmem_shared>>) offsets(%dma_start3A_204 : memref<128xi32, #tpu.memory_space<vmem>>) semaphore(%arg32 : memref<!tpu.dma_semaphore, #tpu.memory_space<semaphore_mem>>) {add = true}
      %mul3A_207 = arith.constant 8 : i32
      %mul3A_208 = arith.muli %scan3A_179, %mul3A_207 : i32
      %add3A_209 = arith.constant 3 : i32
      %add3A_210 = arith.addi %mul3A_208, %add3A_209 : i32
      %dma_start3A_211 = arith.constant 0 : i32
      %dma_start3A_212 = tpu.memref_slice %arg13[%add3A_210, %dma_start3A_211] : memref<64x128xi32, #tpu.memory_space<vmem>> -> memref<1x128xi32, #tpu.memory_space<vmem>>
      %dma_start3A_213 = tpu.memref_squeeze %dma_start3A_212 : memref<1x128xi32, #tpu.memory_space<vmem>> -> memref<128xi32, #tpu.memory_space<vmem>>
      %dma_start3A_214 = arith.constant 0 : i32
      %dma_start3A_215 = tpu.memref_slice %arg29[%dma_start3A_214] : memref<2048xf32, #tpu.memory_space<vmem_shared>> -> memref<2048xf32, #tpu.memory_space<vmem_shared>>
      tpu.enqueue_indirect_dma source(%arg27 : memref<128xf32, #tpu.memory_space<vmem>>) target(%dma_start3A_215 : memref<2048xf32, #tpu.memory_space<vmem_shared>>) offsets(%dma_start3A_213 : memref<128xi32, #tpu.memory_space<vmem>>) semaphore(%arg32 : memref<!tpu.dma_semaphore, #tpu.memory_space<semaphore_mem>>) {add = true}
      %mul3A_216 = arith.constant 8 : i32
      %mul3A_217 = arith.muli %scan3A_179, %mul3A_216 : i32
      %add3A_218 = arith.constant 4 : i32
      %add3A_219 = arith.addi %mul3A_217, %add3A_218 : i32
      %dma_start3A_220 = arith.constant 0 : i32
      %dma_start3A_221 = tpu.memref_slice %arg13[%add3A_219, %dma_start3A_220] : memref<64x128xi32, #tpu.memory_space<vmem>> -> memref<1x128xi32, #tpu.memory_space<vmem>>
      %dma_start3A_222 = tpu.memref_squeeze %dma_start3A_221 : memref<1x128xi32, #tpu.memory_space<vmem>> -> memref<128xi32, #tpu.memory_space<vmem>>
      %dma_start3A_223 = arith.constant 0 : i32
      %dma_start3A_224 = tpu.memref_slice %arg29[%dma_start3A_223] : memref<2048xf32, #tpu.memory_space<vmem_shared>> -> memref<2048xf32, #tpu.memory_space<vmem_shared>>
      tpu.enqueue_indirect_dma source(%arg27 : memref<128xf32, #tpu.memory_space<vmem>>) target(%dma_start3A_224 : memref<2048xf32, #tpu.memory_space<vmem_shared>>) offsets(%dma_start3A_222 : memref<128xi32, #tpu.memory_space<vmem>>) semaphore(%arg32 : memref<!tpu.dma_semaphore, #tpu.memory_space<semaphore_mem>>) {add = true}
      %mul3A_225 = arith.constant 8 : i32
      %mul3A_226 = arith.muli %scan3A_179, %mul3A_225 : i32
      %add3A_227 = arith.constant 5 : i32
      %add3A_228 = arith.addi %mul3A_226, %add3A_227 : i32
      %dma_start3A_229 = arith.constant 0 : i32
      %dma_start3A_230 = tpu.memref_slice %arg13[%add3A_228, %dma_start3A_229] : memref<64x128xi32, #tpu.memory_space<vmem>> -> memref<1x128xi32, #tpu.memory_space<vmem>>
      %dma_start3A_231 = tpu.memref_squeeze %dma_start3A_230 : memref<1x128xi32, #tpu.memory_space<vmem>> -> memref<128xi32, #tpu.memory_space<vmem>>
      %dma_start3A_232 = arith.constant 0 : i32
      %dma_start3A_233 = tpu.memref_slice %arg29[%dma_start3A_232] : memref<2048xf32, #tpu.memory_space<vmem_shared>> -> memref<2048xf32, #tpu.memory_space<vmem_shared>>
      tpu.enqueue_indirect_dma source(%arg27 : memref<128xf32, #tpu.memory_space<vmem>>) target(%dma_start3A_233 : memref<2048xf32, #tpu.memory_space<vmem_shared>>) offsets(%dma_start3A_231 : memref<128xi32, #tpu.memory_space<vmem>>) semaphore(%arg32 : memref<!tpu.dma_semaphore, #tpu.memory_space<semaphore_mem>>) {add = true}
      %mul3A_234 = arith.constant 8 : i32
      %mul3A_235 = arith.muli %scan3A_179, %mul3A_234 : i32
      %add3A_236 = arith.constant 6 : i32
      %add3A_237 = arith.addi %mul3A_235, %add3A_236 : i32
      %dma_start3A_238 = arith.constant 0 : i32
      %dma_start3A_239 = tpu.memref_slice %arg13[%add3A_237, %dma_start3A_238] : memref<64x128xi32, #tpu.memory_space<vmem>> -> memref<1x128xi32, #tpu.memory_space<vmem>>
      %dma_start3A_240 = tpu.memref_squeeze %dma_start3A_239 : memref<1x128xi32, #tpu.memory_space<vmem>> -> memref<128xi32, #tpu.memory_space<vmem>>
      %dma_start3A_241 = arith.constant 0 : i32
      %dma_start3A_242 = tpu.memref_slice %arg29[%dma_start3A_241] : memref<2048xf32, #tpu.memory_space<vmem_shared>> -> memref<2048xf32, #tpu.memory_space<vmem_shared>>
      tpu.enqueue_indirect_dma source(%arg27 : memref<128xf32, #tpu.memory_space<vmem>>) target(%dma_start3A_242 : memref<2048xf32, #tpu.memory_space<vmem_shared>>) offsets(%dma_start3A_240 : memref<128xi32, #tpu.memory_space<vmem>>) semaphore(%arg32 : memref<!tpu.dma_semaphore, #tpu.memory_space<semaphore_mem>>) {add = true}
      %mul3A_243 = arith.constant 8 : i32
      %mul3A_244 = arith.muli %scan3A_179, %mul3A_243 : i32
      %add3A_245 = arith.constant 7 : i32
      %add3A_246 = arith.addi %mul3A_244, %add3A_245 : i32
      %dma_start3A_247 = arith.constant 0 : i32
      %dma_start3A_248 = tpu.memref_slice %arg13[%add3A_246, %dma_start3A_247] : memref<64x128xi32, #tpu.memory_space<vmem>> -> memref<1x128xi32, #tpu.memory_space<vmem>>
      %dma_start3A_249 = tpu.memref_squeeze %dma_start3A_248 : memref<1x128xi32, #tpu.memory_space<vmem>> -> memref<128xi32, #tpu.memory_space<vmem>>
      %dma_start3A_250 = arith.constant 0 : i32
      %dma_start3A_251 = tpu.memref_slice %arg29[%dma_start3A_250] : memref<2048xf32, #tpu.memory_space<vmem_shared>> -> memref<2048xf32, #tpu.memory_space<vmem_shared>>
      tpu.enqueue_indirect_dma source(%arg27 : memref<128xf32, #tpu.memory_space<vmem>>) target(%dma_start3A_251 : memref<2048xf32, #tpu.memory_space<vmem_shared>>) offsets(%dma_start3A_249 : memref<128xi32, #tpu.memory_space<vmem>>) semaphore(%arg32 : memref<!tpu.dma_semaphore, #tpu.memory_space<semaphore_mem>>) {add = true}
      %dma_wait3A = arith.constant 0 : i32
      %dma_wait3A_252 = tpu.memref_slice %arg13[%add3A_184, %dma_wait3A] : memref<64x128xi32, #tpu.memory_space<vmem>> -> memref<1x128xi32, #tpu.memory_space<vmem>>
      %dma_wait3A_253 = tpu.memref_squeeze %dma_wait3A_252 : memref<1x128xi32, #tpu.memory_space<vmem>> -> memref<128xi32, #tpu.memory_space<vmem>>
      %dma_wait3A_254 = arith.constant 0 : i32
      %dma_wait3A_255 = tpu.memref_slice %arg29[%dma_wait3A_254] : memref<2048xf32, #tpu.memory_space<vmem_shared>> -> memref<2048xf32, #tpu.memory_space<vmem_shared>>
      tpu.wait_indirect_dma semaphore(%arg32 : memref<!tpu.dma_semaphore, #tpu.memory_space<semaphore_mem>>) src(%arg27 : memref<128xf32, #tpu.memory_space<vmem>>) dst(%dma_wait3A_255 : memref<2048xf32, #tpu.memory_space<vmem_shared>>)
      %dma_wait3A_256 = arith.constant 0 : i32
      %dma_wait3A_257 = tpu.memref_slice %arg13[%add3A_192, %dma_wait3A_256] : memref<64x128xi32, #tpu.memory_space<vmem>> -> memref<1x128xi32, #tpu.memory_space<vmem>>
      %dma_wait3A_258 = tpu.memref_squeeze %dma_wait3A_257 : memref<1x128xi32, #tpu.memory_space<vmem>> -> memref<128xi32, #tpu.memory_space<vmem>>
      %dma_wait3A_259 = arith.constant 0 : i32
      %dma_wait3A_260 = tpu.memref_slice %arg29[%dma_wait3A_259] : memref<2048xf32, #tpu.memory_space<vmem_shared>> -> memref<2048xf32, #tpu.memory_space<vmem_shared>>
      tpu.wait_indirect_dma semaphore(%arg32 : memref<!tpu.dma_semaphore, #tpu.memory_space<semaphore_mem>>) src(%arg27 : memref<128xf32, #tpu.memory_space<vmem>>) dst(%dma_wait3A_260 : memref<2048xf32, #tpu.memory_space<vmem_shared>>)
      %dma_wait3A_261 = arith.constant 0 : i32
      %dma_wait3A_262 = tpu.memref_slice %arg13[%add3A_201, %dma_wait3A_261] : memref<64x128xi32, #tpu.memory_space<vmem>> -> memref<1x128xi32, #tpu.memory_space<vmem>>
      %dma_wait3A_263 = tpu.memref_squeeze %dma_wait3A_262 : memref<1x128xi32, #tpu.memory_space<vmem>> -> memref<128xi32, #tpu.memory_space<vmem>>
      %dma_wait3A_264 = arith.constant 0 : i32
      %dma_wait3A_265 = tpu.memref_slice %arg29[%dma_wait3A_264] : memref<2048xf32, #tpu.memory_space<vmem_shared>> -> memref<2048xf32, #tpu.memory_space<vmem_shared>>
      tpu.wait_indirect_dma semaphore(%arg32 : memref<!tpu.dma_semaphore, #tpu.memory_space<semaphore_mem>>) src(%arg27 : memref<128xf32, #tpu.memory_space<vmem>>) dst(%dma_wait3A_265 : memref<2048xf32, #tpu.memory_space<vmem_shared>>)
      %dma_wait3A_266 = arith.constant 0 : i32
      %dma_wait3A_267 = tpu.memref_slice %arg13[%add3A_210, %dma_wait3A_266] : memref<64x128xi32, #tpu.memory_space<vmem>> -> memref<1x128xi32, #tpu.memory_space<vmem>>
      %dma_wait3A_268 = tpu.memref_squeeze %dma_wait3A_267 : memref<1x128xi32, #tpu.memory_space<vmem>> -> memref<128xi32, #tpu.memory_space<vmem>>
      %dma_wait3A_269 = arith.constant 0 : i32
      %dma_wait3A_270 = tpu.memref_slice %arg29[%dma_wait3A_269] : memref<2048xf32, #tpu.memory_space<vmem_shared>> -> memref<2048xf32, #tpu.memory_space<vmem_shared>>
      tpu.wait_indirect_dma semaphore(%arg32 : memref<!tpu.dma_semaphore, #tpu.memory_space<semaphore_mem>>) src(%arg27 : memref<128xf32, #tpu.memory_space<vmem>>) dst(%dma_wait3A_270 : memref<2048xf32, #tpu.memory_space<vmem_shared>>)
      %dma_wait3A_271 = arith.constant 0 : i32
      %dma_wait3A_272 = tpu.memref_slice %arg13[%add3A_219, %dma_wait3A_271] : memref<64x128xi32, #tpu.memory_space<vmem>> -> memref<1x128xi32, #tpu.memory_space<vmem>>
      %dma_wait3A_273 = tpu.memref_squeeze %dma_wait3A_272 : memref<1x128xi32, #tpu.memory_space<vmem>> -> memref<128xi32, #tpu.memory_space<vmem>>
      %dma_wait3A_274 = arith.constant 0 : i32
      %dma_wait3A_275 = tpu.memref_slice %arg29[%dma_wait3A_274] : memref<2048xf32, #tpu.memory_space<vmem_shared>> -> memref<2048xf32, #tpu.memory_space<vmem_shared>>
      tpu.wait_indirect_dma semaphore(%arg32 : memref<!tpu.dma_semaphore, #tpu.memory_space<semaphore_mem>>) src(%arg27 : memref<128xf32, #tpu.memory_space<vmem>>) dst(%dma_wait3A_275 : memref<2048xf32, #tpu.memory_space<vmem_shared>>)
      %dma_wait3A_276 = arith.constant 0 : i32
      %dma_wait3A_277 = tpu.memref_slice %arg13[%add3A_228, %dma_wait3A_276] : memref<64x128xi32, #tpu.memory_space<vmem>> -> memref<1x128xi32, #tpu.memory_space<vmem>>
      %dma_wait3A_278 = tpu.memref_squeeze %dma_wait3A_277 : memref<1x128xi32, #tpu.memory_space<vmem>> -> memref<128xi32, #tpu.memory_space<vmem>>
      %dma_wait3A_279 = arith.constant 0 : i32
      %dma_wait3A_280 = tpu.memref_slice %arg29[%dma_wait3A_279] : memref<2048xf32, #tpu.memory_space<vmem_shared>> -> memref<2048xf32, #tpu.memory_space<vmem_shared>>
      tpu.wait_indirect_dma semaphore(%arg32 : memref<!tpu.dma_semaphore, #tpu.memory_space<semaphore_mem>>) src(%arg27 : memref<128xf32, #tpu.memory_space<vmem>>) dst(%dma_wait3A_280 : memref<2048xf32, #tpu.memory_space<vmem_shared>>)
      %dma_wait3A_281 = arith.constant 0 : i32
      %dma_wait3A_282 = tpu.memref_slice %arg13[%add3A_237, %dma_wait3A_281] : memref<64x128xi32, #tpu.memory_space<vmem>> -> memref<1x128xi32, #tpu.memory_space<vmem>>
      %dma_wait3A_283 = tpu.memref_squeeze %dma_wait3A_282 : memref<1x128xi32, #tpu.memory_space<vmem>> -> memref<128xi32, #tpu.memory_space<vmem>>
      %dma_wait3A_284 = arith.constant 0 : i32
      %dma_wait3A_285 = tpu.memref_slice %arg29[%dma_wait3A_284] : memref<2048xf32, #tpu.memory_space<vmem_shared>> -> memref<2048xf32, #tpu.memory_space<vmem_shared>>
      tpu.wait_indirect_dma semaphore(%arg32 : memref<!tpu.dma_semaphore, #tpu.memory_space<semaphore_mem>>) src(%arg27 : memref<128xf32, #tpu.memory_space<vmem>>) dst(%dma_wait3A_285 : memref<2048xf32, #tpu.memory_space<vmem_shared>>)
      %dma_wait3A_286 = arith.constant 0 : i32
      %dma_wait3A_287 = tpu.memref_slice %arg13[%add3A_246, %dma_wait3A_286] : memref<64x128xi32, #tpu.memory_space<vmem>> -> memref<1x128xi32, #tpu.memory_space<vmem>>
      %dma_wait3A_288 = tpu.memref_squeeze %dma_wait3A_287 : memref<1x128xi32, #tpu.memory_space<vmem>> -> memref<128xi32, #tpu.memory_space<vmem>>
      %dma_wait3A_289 = arith.constant 0 : i32
      %dma_wait3A_290 = tpu.memref_slice %arg29[%dma_wait3A_289] : memref<2048xf32, #tpu.memory_space<vmem_shared>> -> memref<2048xf32, #tpu.memory_space<vmem_shared>>
      tpu.wait_indirect_dma semaphore(%arg32 : memref<!tpu.dma_semaphore, #tpu.memory_space<semaphore_mem>>) src(%arg27 : memref<128xf32, #tpu.memory_space<vmem>>) dst(%dma_wait3A_290 : memref<2048xf32, #tpu.memory_space<vmem_shared>>)
      %scan3A_291 = arith.constant 0 : i32
      scf.yield %scan3A_291 : i32
    }
    %scan3A_76 = arith.constant 8 : i32
    %barrier3A_77 = arith.constant 0 : index
    tpu.barrier barrier_id(%barrier3A_77)
    %mul3A_78 = arith.constant 128 : i32
    %mul3A_79 = arith.muli %arg1, %mul3A_78 : i32
    "tpu.region"() ({
      %run_scoped3A = tpu.sem_alloc : memref<!tpu.dma_semaphore, #tpu.memory_space<semaphore_mem>>
      %dma_start3A = tpu.memref_slice %arg29[%mul3A_79] : memref<2048xf32, #tpu.memory_space<vmem_shared>> -> memref<128xf32, #tpu.memory_space<vmem_shared>>
      %dma_start3A_179 = tpu.memref_slice %arg29[%mul3A_79] : memref<2048xf32, #tpu.memory_space<vmem_shared>> -> memref<128xf32, #tpu.memory_space<vmem_shared>>
      tpu.enqueue_dma source(%dma_start3A_179 : memref<128xf32, #tpu.memory_space<vmem_shared>>) target(%arg24 : memref<128xf32, #tpu.memory_space<vmem>>) target_semaphore(%run_scoped3A : memref<!tpu.dma_semaphore, #tpu.memory_space<semaphore_mem>>)
      %dma_wait3A = tpu.memref_slice %arg29[%mul3A_79] : memref<2048xf32, #tpu.memory_space<vmem_shared>> -> memref<128xf32, #tpu.memory_space<vmem_shared>>
      %dma_wait3A_180 = tpu.memref_slice %arg29[%mul3A_79] : memref<2048xf32, #tpu.memory_space<vmem_shared>> -> memref<128xf32, #tpu.memory_space<vmem_shared>>
      tpu.wait_dma2 semaphore(%run_scoped3A : memref<!tpu.dma_semaphore, #tpu.memory_space<semaphore_mem>>) src(%dma_wait3A_180 : memref<128xf32, #tpu.memory_space<vmem_shared>>) dst(%arg24 : memref<128xf32, #tpu.memory_space<vmem>>)
      tpu.yield
    }) : () -> ()
    %get3A = arith.constant 0 : index
    %get3A_80 = tpu.vector_load %arg24[%get3A] {strides = array<i32>} : memref<128xf32, #tpu.memory_space<vmem>>, vector<16xf32>,
    %get3A_81 = vector.shape_cast %get3A_80 : vector<16xf32> to vector<16xf32>
    %convert_element_type3A = arith.fptosi %get3A_81 : vector<16xf32> to vector<16xi32>
    %swap3A_82 = arith.constant 0 : index
    %swap3A_83 = tpu.vector_load %arg25[%swap3A_82] {strides = array<i32>} : memref<128xi32, #tpu.memory_space<vmem>>, vector<16xi32>,
    %swap3A_84 = vector.shape_cast %swap3A_83 : vector<16xi32> to vector<16xi32>
    %swap3A_85 = vector.shape_cast %convert_element_type3A : vector<16xi32> to vector<16xi32>
    tpu.vector_store %arg25[%swap3A_82], %swap3A_85 {strides = array<i32>} : memref<128xi32, #tpu.memory_space<vmem>>, vector<16xi32>,
    %get3A_86 = arith.constant 16 : index
    %get3A_87 = tpu.vector_load %arg24[%get3A_86] {strides = array<i32>} : memref<128xf32, #tpu.memory_space<vmem>>, vector<16xf32>,
    %get3A_88 = vector.shape_cast %get3A_87 : vector<16xf32> to vector<16xf32>
    %convert_element_type3A_89 = arith.fptosi %get3A_88 : vector<16xf32> to vector<16xi32>
    %swap3A_90 = arith.constant 16 : index
    %swap3A_91 = tpu.vector_load %arg25[%swap3A_90] {strides = array<i32>} : memref<128xi32, #tpu.memory_space<vmem>>, vector<16xi32>,
    %swap3A_92 = vector.shape_cast %swap3A_91 : vector<16xi32> to vector<16xi32>
    %swap3A_93 = vector.shape_cast %convert_element_type3A_89 : vector<16xi32> to vector<16xi32>
    tpu.vector_store %arg25[%swap3A_90], %swap3A_93 {strides = array<i32>} : memref<128xi32, #tpu.memory_space<vmem>>, vector<16xi32>,
    %get3A_94 = arith.constant 32 : index
    %get3A_95 = tpu.vector_load %arg24[%get3A_94] {strides = array<i32>} : memref<128xf32, #tpu.memory_space<vmem>>, vector<16xf32>,
    %get3A_96 = vector.shape_cast %get3A_95 : vector<16xf32> to vector<16xf32>
    %convert_element_type3A_97 = arith.fptosi %get3A_96 : vector<16xf32> to vector<16xi32>
    %swap3A_98 = arith.constant 32 : index
    %swap3A_99 = tpu.vector_load %arg25[%swap3A_98] {strides = array<i32>} : memref<128xi32, #tpu.memory_space<vmem>>, vector<16xi32>,
    %swap3A_100 = vector.shape_cast %swap3A_99 : vector<16xi32> to vector<16xi32>
    %swap3A_101 = vector.shape_cast %convert_element_type3A_97 : vector<16xi32> to vector<16xi32>
    tpu.vector_store %arg25[%swap3A_98], %swap3A_101 {strides = array<i32>} : memref<128xi32, #tpu.memory_space<vmem>>, vector<16xi32>,
    %get3A_102 = arith.constant 48 : index
    %get3A_103 = tpu.vector_load %arg24[%get3A_102] {strides = array<i32>} : memref<128xf32, #tpu.memory_space<vmem>>, vector<16xf32>,
    %get3A_104 = vector.shape_cast %get3A_103 : vector<16xf32> to vector<16xf32>
    %convert_element_type3A_105 = arith.fptosi %get3A_104 : vector<16xf32> to vector<16xi32>
    %swap3A_106 = arith.constant 48 : index
    %swap3A_107 = tpu.vector_load %arg25[%swap3A_106] {strides = array<i32>} : memref<128xi32, #tpu.memory_space<vmem>>, vector<16xi32>,
    %swap3A_108 = vector.shape_cast %swap3A_107 : vector<16xi32> to vector<16xi32>
    %swap3A_109 = vector.shape_cast %convert_element_type3A_105 : vector<16xi32> to vector<16xi32>
    tpu.vector_store %arg25[%swap3A_106], %swap3A_109 {strides = array<i32>} : memref<128xi32, #tpu.memory_space<vmem>>, vector<16xi32>,
    %get3A_110 = arith.constant 64 : index
    %get3A_111 = tpu.vector_load %arg24[%get3A_110] {strides = array<i32>} : memref<128xf32, #tpu.memory_space<vmem>>, vector<16xf32>,
    %get3A_112 = vector.shape_cast %get3A_111 : vector<16xf32> to vector<16xf32>
    %convert_element_type3A_113 = arith.fptosi %get3A_112 : vector<16xf32> to vector<16xi32>
    %swap3A_114 = arith.constant 64 : index
    %swap3A_115 = tpu.vector_load %arg25[%swap3A_114] {strides = array<i32>} : memref<128xi32, #tpu.memory_space<vmem>>, vector<16xi32>,
    %swap3A_116 = vector.shape_cast %swap3A_115 : vector<16xi32> to vector<16xi32>
    %swap3A_117 = vector.shape_cast %convert_element_type3A_113 : vector<16xi32> to vector<16xi32>
    tpu.vector_store %arg25[%swap3A_114], %swap3A_117 {strides = array<i32>} : memref<128xi32, #tpu.memory_space<vmem>>, vector<16xi32>,
    %get3A_118 = arith.constant 80 : index
    %get3A_119 = tpu.vector_load %arg24[%get3A_118] {strides = array<i32>} : memref<128xf32, #tpu.memory_space<vmem>>, vector<16xf32>,
    %get3A_120 = vector.shape_cast %get3A_119 : vector<16xf32> to vector<16xf32>
    %convert_element_type3A_121 = arith.fptosi %get3A_120 : vector<16xf32> to vector<16xi32>
    %swap3A_122 = arith.constant 80 : index
    %swap3A_123 = tpu.vector_load %arg25[%swap3A_122] {strides = array<i32>} : memref<128xi32, #tpu.memory_space<vmem>>, vector<16xi32>,
    %swap3A_124 = vector.shape_cast %swap3A_123 : vector<16xi32> to vector<16xi32>
    %swap3A_125 = vector.shape_cast %convert_element_type3A_121 : vector<16xi32> to vector<16xi32>
    tpu.vector_store %arg25[%swap3A_122], %swap3A_125 {strides = array<i32>} : memref<128xi32, #tpu.memory_space<vmem>>, vector<16xi32>,
    %get3A_126 = arith.constant 96 : index
    %get3A_127 = tpu.vector_load %arg24[%get3A_126] {strides = array<i32>} : memref<128xf32, #tpu.memory_space<vmem>>, vector<16xf32>,
    %get3A_128 = vector.shape_cast %get3A_127 : vector<16xf32> to vector<16xf32>
    %convert_element_type3A_129 = arith.fptosi %get3A_128 : vector<16xf32> to vector<16xi32>
    %swap3A_130 = arith.constant 96 : index
    %swap3A_131 = tpu.vector_load %arg25[%swap3A_130] {strides = array<i32>} : memref<128xi32, #tpu.memory_space<vmem>>, vector<16xi32>,
    %swap3A_132 = vector.shape_cast %swap3A_131 : vector<16xi32> to vector<16xi32>
    %swap3A_133 = vector.shape_cast %convert_element_type3A_129 : vector<16xi32> to vector<16xi32>
    tpu.vector_store %arg25[%swap3A_130], %swap3A_133 {strides = array<i32>} : memref<128xi32, #tpu.memory_space<vmem>>, vector<16xi32>,
    %get3A_134 = arith.constant 112 : index
    %get3A_135 = tpu.vector_load %arg24[%get3A_134] {strides = array<i32>} : memref<128xf32, #tpu.memory_space<vmem>>, vector<16xf32>,
    %get3A_136 = vector.shape_cast %get3A_135 : vector<16xf32> to vector<16xf32>
    %convert_element_type3A_137 = arith.fptosi %get3A_136 : vector<16xf32> to vector<16xi32>
    %swap3A_138 = arith.constant 112 : index
    %swap3A_139 = tpu.vector_load %arg25[%swap3A_138] {strides = array<i32>} : memref<128xi32, #tpu.memory_space<vmem>>, vector<16xi32>,
    %swap3A_140 = vector.shape_cast %swap3A_139 : vector<16xi32> to vector<16xi32>
    %swap3A_141 = vector.shape_cast %convert_element_type3A_137 : vector<16xi32> to vector<16xi32>
    tpu.vector_store %arg25[%swap3A_138], %swap3A_141 {strides = array<i32>} : memref<128xi32, #tpu.memory_space<vmem>>, vector<16xi32>,
    "tpu.region"() ({
      %run_scoped3A = tpu.sem_alloc : memref<!tpu.dma_semaphore, #tpu.memory_space<semaphore_mem>>
      %dma_start3A = arith.constant 0 : i32
      %dma_start3A_179 = tpu.memref_slice %arg5[%dma_start3A] : memref<131073xf32, #tpu.memory_space<hbm>> -> memref<131073xf32, #tpu.memory_space<hbm>>
      tpu.enqueue_indirect_dma source(%dma_start3A_179 : memref<131073xf32, #tpu.memory_space<hbm>>) target(%arg26 : memref<128xf32, #tpu.memory_space<vmem>>) offsets(%arg25 : memref<128xi32, #tpu.memory_space<vmem>>) semaphore(%run_scoped3A : memref<!tpu.dma_semaphore, #tpu.memory_space<semaphore_mem>>)
      %dma_wait3A = arith.constant 0 : i32
      %dma_wait3A_180 = tpu.memref_slice %arg5[%dma_wait3A] : memref<131073xf32, #tpu.memory_space<hbm>> -> memref<131073xf32, #tpu.memory_space<hbm>>
      tpu.wait_indirect_dma semaphore(%run_scoped3A : memref<!tpu.dma_semaphore, #tpu.memory_space<semaphore_mem>>) src(%dma_wait3A_180 : memref<131073xf32, #tpu.memory_space<hbm>>) dst(%arg26 : memref<128xf32, #tpu.memory_space<vmem>>)
      tpu.yield
    }) : () -> ()
    %mul3A_142 = arith.constant 128 : i32
    %mul3A_143 = arith.muli %arg1, %mul3A_142 : i32
    "tpu.region"() ({
      %run_scoped3A = tpu.sem_alloc : memref<!tpu.dma_semaphore, #tpu.memory_space<semaphore_mem>>
      %dma_start3A = tpu.memref_slice %arg31[%mul3A_143] : memref<2048xf32, #tpu.memory_space<vmem_shared>> -> memref<128xf32, #tpu.memory_space<vmem_shared>>
      %dma_start3A_179 = tpu.memref_slice %arg31[%mul3A_143] : memref<2048xf32, #tpu.memory_space<vmem_shared>> -> memref<128xf32, #tpu.memory_space<vmem_shared>>
      tpu.enqueue_dma source(%arg26 : memref<128xf32, #tpu.memory_space<vmem>>) target(%dma_start3A_179 : memref<128xf32, #tpu.memory_space<vmem_shared>>) target_semaphore(%run_scoped3A : memref<!tpu.dma_semaphore, #tpu.memory_space<semaphore_mem>>)
      %dma_wait3A = tpu.memref_slice %arg31[%mul3A_143] : memref<2048xf32, #tpu.memory_space<vmem_shared>> -> memref<128xf32, #tpu.memory_space<vmem_shared>>
      %dma_wait3A_180 = tpu.memref_slice %arg31[%mul3A_143] : memref<2048xf32, #tpu.memory_space<vmem_shared>> -> memref<128xf32, #tpu.memory_space<vmem_shared>>
      tpu.wait_dma2 semaphore(%run_scoped3A : memref<!tpu.dma_semaphore, #tpu.memory_space<semaphore_mem>>) src(%arg26 : memref<128xf32, #tpu.memory_space<vmem>>) dst(%dma_wait3A_180 : memref<128xf32, #tpu.memory_space<vmem_shared>>)
      tpu.yield
    }) : () -> ()
    %barrier3A_144 = arith.constant 0 : index
    tpu.barrier barrier_id(%barrier3A_144)
    %scan3A_145 = arith.constant 0 : i32
    %scan3A_146 = arith.constant 0 : i32
    %scan3A_147 = arith.constant 8 : i32
    %scan3A_148 = arith.addi %scan3A_146, %scan3A_147 : i32
    %scan3A_149 = arith.constant 1 : i32
    %scan3A_150 = scf.for %scan3A_179 = %scan3A_146 to %scan3A_148 step %scan3A_149 iter_args(%scan3A_180 = %scan3A_145) -> (i32)  : i32 {
      %mul3A_181 = arith.constant 8 : i32
      %mul3A_182 = arith.muli %scan3A_179, %mul3A_181 : i32
      %add3A_183 = arith.constant 0 : i32
      %add3A_184 = arith.addi %mul3A_182, %add3A_183 : i32
      %mul3A_185 = arith.constant 8 : i32
      %mul3A_186 = arith.muli %scan3A_179, %mul3A_185 : i32
      %add3A_187 = arith.constant 0 : i32
      %add3A_188 = arith.addi %mul3A_186, %add3A_187 : i32
      %dma_start3A = arith.constant 0 : i32
      %dma_start3A_189 = tpu.memref_slice %arg22[%add3A_188, %dma_start3A] : memref<64x128xf32, #tpu.memory_space<vmem>> -> memref<1x128xf32, #tpu.memory_space<vmem>>
      %dma_start3A_190 = tpu.memref_squeeze %dma_start3A_189 : memref<1x128xf32, #tpu.memory_space<vmem>> -> memref<128xf32, #tpu.memory_space<vmem>>
      %dma_start3A_191 = arith.constant 0 : i32
      %dma_start3A_192 = tpu.memref_slice %arg13[%add3A_184, %dma_start3A_191] : memref<64x128xi32, #tpu.memory_space<vmem>> -> memref<1x128xi32, #tpu.memory_space<vmem>>
      %dma_start3A_193 = tpu.memref_squeeze %dma_start3A_192 : memref<1x128xi32, #tpu.memory_space<vmem>> -> memref<128xi32, #tpu.memory_space<vmem>>
      %dma_start3A_194 = arith.constant 0 : i32
      %dma_start3A_195 = tpu.memref_slice %arg31[%dma_start3A_194] : memref<2048xf32, #tpu.memory_space<vmem_shared>> -> memref<2048xf32, #tpu.memory_space<vmem_shared>>
      tpu.enqueue_indirect_dma source(%dma_start3A_195 : memref<2048xf32, #tpu.memory_space<vmem_shared>>) target(%dma_start3A_190 : memref<128xf32, #tpu.memory_space<vmem>>) offsets(%dma_start3A_193 : memref<128xi32, #tpu.memory_space<vmem>>) semaphore(%arg32 : memref<!tpu.dma_semaphore, #tpu.memory_space<semaphore_mem>>)
      %mul3A_196 = arith.constant 8 : i32
      %mul3A_197 = arith.muli %scan3A_179, %mul3A_196 : i32
      %add3A_198 = arith.constant 1 : i32
      %add3A_199 = arith.addi %mul3A_197, %add3A_198 : i32
      %mul3A_200 = arith.constant 8 : i32
      %mul3A_201 = arith.muli %scan3A_179, %mul3A_200 : i32
      %add3A_202 = arith.constant 1 : i32
      %add3A_203 = arith.addi %mul3A_201, %add3A_202 : i32
      %dma_start3A_204 = arith.constant 0 : i32
      %dma_start3A_205 = tpu.memref_slice %arg22[%add3A_203, %dma_start3A_204] : memref<64x128xf32, #tpu.memory_space<vmem>> -> memref<1x128xf32, #tpu.memory_space<vmem>>
      %dma_start3A_206 = tpu.memref_squeeze %dma_start3A_205 : memref<1x128xf32, #tpu.memory_space<vmem>> -> memref<128xf32, #tpu.memory_space<vmem>>
      %dma_start3A_207 = arith.constant 0 : i32
      %dma_start3A_208 = tpu.memref_slice %arg13[%add3A_199, %dma_start3A_207] : memref<64x128xi32, #tpu.memory_space<vmem>> -> memref<1x128xi32, #tpu.memory_space<vmem>>
      %dma_start3A_209 = tpu.memref_squeeze %dma_start3A_208 : memref<1x128xi32, #tpu.memory_space<vmem>> -> memref<128xi32, #tpu.memory_space<vmem>>
      %dma_start3A_210 = arith.constant 0 : i32
      %dma_start3A_211 = tpu.memref_slice %arg31[%dma_start3A_210] : memref<2048xf32, #tpu.memory_space<vmem_shared>> -> memref<2048xf32, #tpu.memory_space<vmem_shared>>
      tpu.enqueue_indirect_dma source(%dma_start3A_211 : memref<2048xf32, #tpu.memory_space<vmem_shared>>) target(%dma_start3A_206 : memref<128xf32, #tpu.memory_space<vmem>>) offsets(%dma_start3A_209 : memref<128xi32, #tpu.memory_space<vmem>>) semaphore(%arg32 : memref<!tpu.dma_semaphore, #tpu.memory_space<semaphore_mem>>)
      %mul3A_212 = arith.constant 8 : i32
      %mul3A_213 = arith.muli %scan3A_179, %mul3A_212 : i32
      %add3A_214 = arith.constant 2 : i32
      %add3A_215 = arith.addi %mul3A_213, %add3A_214 : i32
      %mul3A_216 = arith.constant 8 : i32
      %mul3A_217 = arith.muli %scan3A_179, %mul3A_216 : i32
      %add3A_218 = arith.constant 2 : i32
      %add3A_219 = arith.addi %mul3A_217, %add3A_218 : i32
      %dma_start3A_220 = arith.constant 0 : i32
      %dma_start3A_221 = tpu.memref_slice %arg22[%add3A_219, %dma_start3A_220] : memref<64x128xf32, #tpu.memory_space<vmem>> -> memref<1x128xf32, #tpu.memory_space<vmem>>
      %dma_start3A_222 = tpu.memref_squeeze %dma_start3A_221 : memref<1x128xf32, #tpu.memory_space<vmem>> -> memref<128xf32, #tpu.memory_space<vmem>>
      %dma_start3A_223 = arith.constant 0 : i32
      %dma_start3A_224 = tpu.memref_slice %arg13[%add3A_215, %dma_start3A_223] : memref<64x128xi32, #tpu.memory_space<vmem>> -> memref<1x128xi32, #tpu.memory_space<vmem>>
      %dma_start3A_225 = tpu.memref_squeeze %dma_start3A_224 : memref<1x128xi32, #tpu.memory_space<vmem>> -> memref<128xi32, #tpu.memory_space<vmem>>
      %dma_start3A_226 = arith.constant 0 : i32
      %dma_start3A_227 = tpu.memref_slice %arg31[%dma_start3A_226] : memref<2048xf32, #tpu.memory_space<vmem_shared>> -> memref<2048xf32, #tpu.memory_space<vmem_shared>>
      tpu.enqueue_indirect_dma source(%dma_start3A_227 : memref<2048xf32, #tpu.memory_space<vmem_shared>>) target(%dma_start3A_222 : memref<128xf32, #tpu.memory_space<vmem>>) offsets(%dma_start3A_225 : memref<128xi32, #tpu.memory_space<vmem>>) semaphore(%arg32 : memref<!tpu.dma_semaphore, #tpu.memory_space<semaphore_mem>>)
      %mul3A_228 = arith.constant 8 : i32
      %mul3A_229 = arith.muli %scan3A_179, %mul3A_228 : i32
      %add3A_230 = arith.constant 3 : i32
      %add3A_231 = arith.addi %mul3A_229, %add3A_230 : i32
      %mul3A_232 = arith.constant 8 : i32
      %mul3A_233 = arith.muli %scan3A_179, %mul3A_232 : i32
      %add3A_234 = arith.constant 3 : i32
      %add3A_235 = arith.addi %mul3A_233, %add3A_234 : i32
      %dma_start3A_236 = arith.constant 0 : i32
      %dma_start3A_237 = tpu.memref_slice %arg22[%add3A_235, %dma_start3A_236] : memref<64x128xf32, #tpu.memory_space<vmem>> -> memref<1x128xf32, #tpu.memory_space<vmem>>
      %dma_start3A_238 = tpu.memref_squeeze %dma_start3A_237 : memref<1x128xf32, #tpu.memory_space<vmem>> -> memref<128xf32, #tpu.memory_space<vmem>>
      %dma_start3A_239 = arith.constant 0 : i32
      %dma_start3A_240 = tpu.memref_slice %arg13[%add3A_231, %dma_start3A_239] : memref<64x128xi32, #tpu.memory_space<vmem>> -> memref<1x128xi32, #tpu.memory_space<vmem>>
      %dma_start3A_241 = tpu.memref_squeeze %dma_start3A_240 : memref<1x128xi32, #tpu.memory_space<vmem>> -> memref<128xi32, #tpu.memory_space<vmem>>
      %dma_start3A_242 = arith.constant 0 : i32
      %dma_start3A_243 = tpu.memref_slice %arg31[%dma_start3A_242] : memref<2048xf32, #tpu.memory_space<vmem_shared>> -> memref<2048xf32, #tpu.memory_space<vmem_shared>>
      tpu.enqueue_indirect_dma source(%dma_start3A_243 : memref<2048xf32, #tpu.memory_space<vmem_shared>>) target(%dma_start3A_238 : memref<128xf32, #tpu.memory_space<vmem>>) offsets(%dma_start3A_241 : memref<128xi32, #tpu.memory_space<vmem>>) semaphore(%arg32 : memref<!tpu.dma_semaphore, #tpu.memory_space<semaphore_mem>>)
      %mul3A_244 = arith.constant 8 : i32
      %mul3A_245 = arith.muli %scan3A_179, %mul3A_244 : i32
      %add3A_246 = arith.constant 4 : i32
      %add3A_247 = arith.addi %mul3A_245, %add3A_246 : i32
      %mul3A_248 = arith.constant 8 : i32
      %mul3A_249 = arith.muli %scan3A_179, %mul3A_248 : i32
      %add3A_250 = arith.constant 4 : i32
      %add3A_251 = arith.addi %mul3A_249, %add3A_250 : i32
      %dma_start3A_252 = arith.constant 0 : i32
      %dma_start3A_253 = tpu.memref_slice %arg22[%add3A_251, %dma_start3A_252] : memref<64x128xf32, #tpu.memory_space<vmem>> -> memref<1x128xf32, #tpu.memory_space<vmem>>
      %dma_start3A_254 = tpu.memref_squeeze %dma_start3A_253 : memref<1x128xf32, #tpu.memory_space<vmem>> -> memref<128xf32, #tpu.memory_space<vmem>>
      %dma_start3A_255 = arith.constant 0 : i32
      %dma_start3A_256 = tpu.memref_slice %arg13[%add3A_247, %dma_start3A_255] : memref<64x128xi32, #tpu.memory_space<vmem>> -> memref<1x128xi32, #tpu.memory_space<vmem>>
      %dma_start3A_257 = tpu.memref_squeeze %dma_start3A_256 : memref<1x128xi32, #tpu.memory_space<vmem>> -> memref<128xi32, #tpu.memory_space<vmem>>
      %dma_start3A_258 = arith.constant 0 : i32
      %dma_start3A_259 = tpu.memref_slice %arg31[%dma_start3A_258] : memref<2048xf32, #tpu.memory_space<vmem_shared>> -> memref<2048xf32, #tpu.memory_space<vmem_shared>>
      tpu.enqueue_indirect_dma source(%dma_start3A_259 : memref<2048xf32, #tpu.memory_space<vmem_shared>>) target(%dma_start3A_254 : memref<128xf32, #tpu.memory_space<vmem>>) offsets(%dma_start3A_257 : memref<128xi32, #tpu.memory_space<vmem>>) semaphore(%arg32 : memref<!tpu.dma_semaphore, #tpu.memory_space<semaphore_mem>>)
      %mul3A_260 = arith.constant 8 : i32
      %mul3A_261 = arith.muli %scan3A_179, %mul3A_260 : i32
      %add3A_262 = arith.constant 5 : i32
      %add3A_263 = arith.addi %mul3A_261, %add3A_262 : i32
      %mul3A_264 = arith.constant 8 : i32
      %mul3A_265 = arith.muli %scan3A_179, %mul3A_264 : i32
      %add3A_266 = arith.constant 5 : i32
      %add3A_267 = arith.addi %mul3A_265, %add3A_266 : i32
      %dma_start3A_268 = arith.constant 0 : i32
      %dma_start3A_269 = tpu.memref_slice %arg22[%add3A_267, %dma_start3A_268] : memref<64x128xf32, #tpu.memory_space<vmem>> -> memref<1x128xf32, #tpu.memory_space<vmem>>
      %dma_start3A_270 = tpu.memref_squeeze %dma_start3A_269 : memref<1x128xf32, #tpu.memory_space<vmem>> -> memref<128xf32, #tpu.memory_space<vmem>>
      %dma_start3A_271 = arith.constant 0 : i32
      %dma_start3A_272 = tpu.memref_slice %arg13[%add3A_263, %dma_start3A_271] : memref<64x128xi32, #tpu.memory_space<vmem>> -> memref<1x128xi32, #tpu.memory_space<vmem>>
      %dma_start3A_273 = tpu.memref_squeeze %dma_start3A_272 : memref<1x128xi32, #tpu.memory_space<vmem>> -> memref<128xi32, #tpu.memory_space<vmem>>
      %dma_start3A_274 = arith.constant 0 : i32
      %dma_start3A_275 = tpu.memref_slice %arg31[%dma_start3A_274] : memref<2048xf32, #tpu.memory_space<vmem_shared>> -> memref<2048xf32, #tpu.memory_space<vmem_shared>>
      tpu.enqueue_indirect_dma source(%dma_start3A_275 : memref<2048xf32, #tpu.memory_space<vmem_shared>>) target(%dma_start3A_270 : memref<128xf32, #tpu.memory_space<vmem>>) offsets(%dma_start3A_273 : memref<128xi32, #tpu.memory_space<vmem>>) semaphore(%arg32 : memref<!tpu.dma_semaphore, #tpu.memory_space<semaphore_mem>>)
      %mul3A_276 = arith.constant 8 : i32
      %mul3A_277 = arith.muli %scan3A_179, %mul3A_276 : i32
      %add3A_278 = arith.constant 6 : i32
      %add3A_279 = arith.addi %mul3A_277, %add3A_278 : i32
      %mul3A_280 = arith.constant 8 : i32
      %mul3A_281 = arith.muli %scan3A_179, %mul3A_280 : i32
      %add3A_282 = arith.constant 6 : i32
      %add3A_283 = arith.addi %mul3A_281, %add3A_282 : i32
      %dma_start3A_284 = arith.constant 0 : i32
      %dma_start3A_285 = tpu.memref_slice %arg22[%add3A_283, %dma_start3A_284] : memref<64x128xf32, #tpu.memory_space<vmem>> -> memref<1x128xf32, #tpu.memory_space<vmem>>
      %dma_start3A_286 = tpu.memref_squeeze %dma_start3A_285 : memref<1x128xf32, #tpu.memory_space<vmem>> -> memref<128xf32, #tpu.memory_space<vmem>>
      %dma_start3A_287 = arith.constant 0 : i32
      %dma_start3A_288 = tpu.memref_slice %arg13[%add3A_279, %dma_start3A_287] : memref<64x128xi32, #tpu.memory_space<vmem>> -> memref<1x128xi32, #tpu.memory_space<vmem>>
      %dma_start3A_289 = tpu.memref_squeeze %dma_start3A_288 : memref<1x128xi32, #tpu.memory_space<vmem>> -> memref<128xi32, #tpu.memory_space<vmem>>
      %dma_start3A_290 = arith.constant 0 : i32
      %dma_start3A_291 = tpu.memref_slice %arg31[%dma_start3A_290] : memref<2048xf32, #tpu.memory_space<vmem_shared>> -> memref<2048xf32, #tpu.memory_space<vmem_shared>>
      tpu.enqueue_indirect_dma source(%dma_start3A_291 : memref<2048xf32, #tpu.memory_space<vmem_shared>>) target(%dma_start3A_286 : memref<128xf32, #tpu.memory_space<vmem>>) offsets(%dma_start3A_289 : memref<128xi32, #tpu.memory_space<vmem>>) semaphore(%arg32 : memref<!tpu.dma_semaphore, #tpu.memory_space<semaphore_mem>>)
      %mul3A_292 = arith.constant 8 : i32
      %mul3A_293 = arith.muli %scan3A_179, %mul3A_292 : i32
      %add3A_294 = arith.constant 7 : i32
      %add3A_295 = arith.addi %mul3A_293, %add3A_294 : i32
      %mul3A_296 = arith.constant 8 : i32
      %mul3A_297 = arith.muli %scan3A_179, %mul3A_296 : i32
      %add3A_298 = arith.constant 7 : i32
      %add3A_299 = arith.addi %mul3A_297, %add3A_298 : i32
      %dma_start3A_300 = arith.constant 0 : i32
      %dma_start3A_301 = tpu.memref_slice %arg22[%add3A_299, %dma_start3A_300] : memref<64x128xf32, #tpu.memory_space<vmem>> -> memref<1x128xf32, #tpu.memory_space<vmem>>
      %dma_start3A_302 = tpu.memref_squeeze %dma_start3A_301 : memref<1x128xf32, #tpu.memory_space<vmem>> -> memref<128xf32, #tpu.memory_space<vmem>>
      %dma_start3A_303 = arith.constant 0 : i32
      %dma_start3A_304 = tpu.memref_slice %arg13[%add3A_295, %dma_start3A_303] : memref<64x128xi32, #tpu.memory_space<vmem>> -> memref<1x128xi32, #tpu.memory_space<vmem>>
      %dma_start3A_305 = tpu.memref_squeeze %dma_start3A_304 : memref<1x128xi32, #tpu.memory_space<vmem>> -> memref<128xi32, #tpu.memory_space<vmem>>
      %dma_start3A_306 = arith.constant 0 : i32
      %dma_start3A_307 = tpu.memref_slice %arg31[%dma_start3A_306] : memref<2048xf32, #tpu.memory_space<vmem_shared>> -> memref<2048xf32, #tpu.memory_space<vmem_shared>>
      tpu.enqueue_indirect_dma source(%dma_start3A_307 : memref<2048xf32, #tpu.memory_space<vmem_shared>>) target(%dma_start3A_302 : memref<128xf32, #tpu.memory_space<vmem>>) offsets(%dma_start3A_305 : memref<128xi32, #tpu.memory_space<vmem>>) semaphore(%arg32 : memref<!tpu.dma_semaphore, #tpu.memory_space<semaphore_mem>>)
      %dma_wait3A = arith.constant 0 : i32
      %dma_wait3A_308 = tpu.memref_slice %arg22[%add3A_188, %dma_wait3A] : memref<64x128xf32, #tpu.memory_space<vmem>> -> memref<1x128xf32, #tpu.memory_space<vmem>>
      %dma_wait3A_309 = tpu.memref_squeeze %dma_wait3A_308 : memref<1x128xf32, #tpu.memory_space<vmem>> -> memref<128xf32, #tpu.memory_space<vmem>>
      %dma_wait3A_310 = arith.constant 0 : i32
      %dma_wait3A_311 = tpu.memref_slice %arg13[%add3A_184, %dma_wait3A_310] : memref<64x128xi32, #tpu.memory_space<vmem>> -> memref<1x128xi32, #tpu.memory_space<vmem>>
      %dma_wait3A_312 = tpu.memref_squeeze %dma_wait3A_311 : memref<1x128xi32, #tpu.memory_space<vmem>> -> memref<128xi32, #tpu.memory_space<vmem>>
      %dma_wait3A_313 = arith.constant 0 : i32
      %dma_wait3A_314 = tpu.memref_slice %arg31[%dma_wait3A_313] : memref<2048xf32, #tpu.memory_space<vmem_shared>> -> memref<2048xf32, #tpu.memory_space<vmem_shared>>
      tpu.wait_indirect_dma semaphore(%arg32 : memref<!tpu.dma_semaphore, #tpu.memory_space<semaphore_mem>>) src(%dma_wait3A_314 : memref<2048xf32, #tpu.memory_space<vmem_shared>>) dst(%dma_wait3A_309 : memref<128xf32, #tpu.memory_space<vmem>>)
      %dma_wait3A_315 = arith.constant 0 : i32
      %dma_wait3A_316 = tpu.memref_slice %arg22[%add3A_203, %dma_wait3A_315] : memref<64x128xf32, #tpu.memory_space<vmem>> -> memref<1x128xf32, #tpu.memory_space<vmem>>
      %dma_wait3A_317 = tpu.memref_squeeze %dma_wait3A_316 : memref<1x128xf32, #tpu.memory_space<vmem>> -> memref<128xf32, #tpu.memory_space<vmem>>
      %dma_wait3A_318 = arith.constant 0 : i32
      %dma_wait3A_319 = tpu.memref_slice %arg13[%add3A_199, %dma_wait3A_318] : memref<64x128xi32, #tpu.memory_space<vmem>> -> memref<1x128xi32, #tpu.memory_space<vmem>>
      %dma_wait3A_320 = tpu.memref_squeeze %dma_wait3A_319 : memref<1x128xi32, #tpu.memory_space<vmem>> -> memref<128xi32, #tpu.memory_space<vmem>>
      %dma_wait3A_321 = arith.constant 0 : i32
      %dma_wait3A_322 = tpu.memref_slice %arg31[%dma_wait3A_321] : memref<2048xf32, #tpu.memory_space<vmem_shared>> -> memref<2048xf32, #tpu.memory_space<vmem_shared>>
      tpu.wait_indirect_dma semaphore(%arg32 : memref<!tpu.dma_semaphore, #tpu.memory_space<semaphore_mem>>) src(%dma_wait3A_322 : memref<2048xf32, #tpu.memory_space<vmem_shared>>) dst(%dma_wait3A_317 : memref<128xf32, #tpu.memory_space<vmem>>)
      %dma_wait3A_323 = arith.constant 0 : i32
      %dma_wait3A_324 = tpu.memref_slice %arg22[%add3A_219, %dma_wait3A_323] : memref<64x128xf32, #tpu.memory_space<vmem>> -> memref<1x128xf32, #tpu.memory_space<vmem>>
      %dma_wait3A_325 = tpu.memref_squeeze %dma_wait3A_324 : memref<1x128xf32, #tpu.memory_space<vmem>> -> memref<128xf32, #tpu.memory_space<vmem>>
      %dma_wait3A_326 = arith.constant 0 : i32
      %dma_wait3A_327 = tpu.memref_slice %arg13[%add3A_215, %dma_wait3A_326] : memref<64x128xi32, #tpu.memory_space<vmem>> -> memref<1x128xi32, #tpu.memory_space<vmem>>
      %dma_wait3A_328 = tpu.memref_squeeze %dma_wait3A_327 : memref<1x128xi32, #tpu.memory_space<vmem>> -> memref<128xi32, #tpu.memory_space<vmem>>
      %dma_wait3A_329 = arith.constant 0 : i32
      %dma_wait3A_330 = tpu.memref_slice %arg31[%dma_wait3A_329] : memref<2048xf32, #tpu.memory_space<vmem_shared>> -> memref<2048xf32, #tpu.memory_space<vmem_shared>>
      tpu.wait_indirect_dma semaphore(%arg32 : memref<!tpu.dma_semaphore, #tpu.memory_space<semaphore_mem>>) src(%dma_wait3A_330 : memref<2048xf32, #tpu.memory_space<vmem_shared>>) dst(%dma_wait3A_325 : memref<128xf32, #tpu.memory_space<vmem>>)
      %dma_wait3A_331 = arith.constant 0 : i32
      %dma_wait3A_332 = tpu.memref_slice %arg22[%add3A_235, %dma_wait3A_331] : memref<64x128xf32, #tpu.memory_space<vmem>> -> memref<1x128xf32, #tpu.memory_space<vmem>>
      %dma_wait3A_333 = tpu.memref_squeeze %dma_wait3A_332 : memref<1x128xf32, #tpu.memory_space<vmem>> -> memref<128xf32, #tpu.memory_space<vmem>>
      %dma_wait3A_334 = arith.constant 0 : i32
      %dma_wait3A_335 = tpu.memref_slice %arg13[%add3A_231, %dma_wait3A_334] : memref<64x128xi32, #tpu.memory_space<vmem>> -> memref<1x128xi32, #tpu.memory_space<vmem>>
      %dma_wait3A_336 = tpu.memref_squeeze %dma_wait3A_335 : memref<1x128xi32, #tpu.memory_space<vmem>> -> memref<128xi32, #tpu.memory_space<vmem>>
      %dma_wait3A_337 = arith.constant 0 : i32
      %dma_wait3A_338 = tpu.memref_slice %arg31[%dma_wait3A_337] : memref<2048xf32, #tpu.memory_space<vmem_shared>> -> memref<2048xf32, #tpu.memory_space<vmem_shared>>
      tpu.wait_indirect_dma semaphore(%arg32 : memref<!tpu.dma_semaphore, #tpu.memory_space<semaphore_mem>>) src(%dma_wait3A_338 : memref<2048xf32, #tpu.memory_space<vmem_shared>>) dst(%dma_wait3A_333 : memref<128xf32, #tpu.memory_space<vmem>>)
      %dma_wait3A_339 = arith.constant 0 : i32
      %dma_wait3A_340 = tpu.memref_slice %arg22[%add3A_251, %dma_wait3A_339] : memref<64x128xf32, #tpu.memory_space<vmem>> -> memref<1x128xf32, #tpu.memory_space<vmem>>
      %dma_wait3A_341 = tpu.memref_squeeze %dma_wait3A_340 : memref<1x128xf32, #tpu.memory_space<vmem>> -> memref<128xf32, #tpu.memory_space<vmem>>
      %dma_wait3A_342 = arith.constant 0 : i32
      %dma_wait3A_343 = tpu.memref_slice %arg13[%add3A_247, %dma_wait3A_342] : memref<64x128xi32, #tpu.memory_space<vmem>> -> memref<1x128xi32, #tpu.memory_space<vmem>>
      %dma_wait3A_344 = tpu.memref_squeeze %dma_wait3A_343 : memref<1x128xi32, #tpu.memory_space<vmem>> -> memref<128xi32, #tpu.memory_space<vmem>>
      %dma_wait3A_345 = arith.constant 0 : i32
      %dma_wait3A_346 = tpu.memref_slice %arg31[%dma_wait3A_345] : memref<2048xf32, #tpu.memory_space<vmem_shared>> -> memref<2048xf32, #tpu.memory_space<vmem_shared>>
      tpu.wait_indirect_dma semaphore(%arg32 : memref<!tpu.dma_semaphore, #tpu.memory_space<semaphore_mem>>) src(%dma_wait3A_346 : memref<2048xf32, #tpu.memory_space<vmem_shared>>) dst(%dma_wait3A_341 : memref<128xf32, #tpu.memory_space<vmem>>)
      %dma_wait3A_347 = arith.constant 0 : i32
      %dma_wait3A_348 = tpu.memref_slice %arg22[%add3A_267, %dma_wait3A_347] : memref<64x128xf32, #tpu.memory_space<vmem>> -> memref<1x128xf32, #tpu.memory_space<vmem>>
      %dma_wait3A_349 = tpu.memref_squeeze %dma_wait3A_348 : memref<1x128xf32, #tpu.memory_space<vmem>> -> memref<128xf32, #tpu.memory_space<vmem>>
      %dma_wait3A_350 = arith.constant 0 : i32
      %dma_wait3A_351 = tpu.memref_slice %arg13[%add3A_263, %dma_wait3A_350] : memref<64x128xi32, #tpu.memory_space<vmem>> -> memref<1x128xi32, #tpu.memory_space<vmem>>
      %dma_wait3A_352 = tpu.memref_squeeze %dma_wait3A_351 : memref<1x128xi32, #tpu.memory_space<vmem>> -> memref<128xi32, #tpu.memory_space<vmem>>
      %dma_wait3A_353 = arith.constant 0 : i32
      %dma_wait3A_354 = tpu.memref_slice %arg31[%dma_wait3A_353] : memref<2048xf32, #tpu.memory_space<vmem_shared>> -> memref<2048xf32, #tpu.memory_space<vmem_shared>>
      tpu.wait_indirect_dma semaphore(%arg32 : memref<!tpu.dma_semaphore, #tpu.memory_space<semaphore_mem>>) src(%dma_wait3A_354 : memref<2048xf32, #tpu.memory_space<vmem_shared>>) dst(%dma_wait3A_349 : memref<128xf32, #tpu.memory_space<vmem>>)
      %dma_wait3A_355 = arith.constant 0 : i32
      %dma_wait3A_356 = tpu.memref_slice %arg22[%add3A_283, %dma_wait3A_355] : memref<64x128xf32, #tpu.memory_space<vmem>> -> memref<1x128xf32, #tpu.memory_space<vmem>>
      %dma_wait3A_357 = tpu.memref_squeeze %dma_wait3A_356 : memref<1x128xf32, #tpu.memory_space<vmem>> -> memref<128xf32, #tpu.memory_space<vmem>>
      %dma_wait3A_358 = arith.constant 0 : i32
      %dma_wait3A_359 = tpu.memref_slice %arg13[%add3A_279, %dma_wait3A_358] : memref<64x128xi32, #tpu.memory_space<vmem>> -> memref<1x128xi32, #tpu.memory_space<vmem>>
      %dma_wait3A_360 = tpu.memref_squeeze %dma_wait3A_359 : memref<1x128xi32, #tpu.memory_space<vmem>> -> memref<128xi32, #tpu.memory_space<vmem>>
      %dma_wait3A_361 = arith.constant 0 : i32
      %dma_wait3A_362 = tpu.memref_slice %arg31[%dma_wait3A_361] : memref<2048xf32, #tpu.memory_space<vmem_shared>> -> memref<2048xf32, #tpu.memory_space<vmem_shared>>
      tpu.wait_indirect_dma semaphore(%arg32 : memref<!tpu.dma_semaphore, #tpu.memory_space<semaphore_mem>>) src(%dma_wait3A_362 : memref<2048xf32, #tpu.memory_space<vmem_shared>>) dst(%dma_wait3A_357 : memref<128xf32, #tpu.memory_space<vmem>>)
      %dma_wait3A_363 = arith.constant 0 : i32
      %dma_wait3A_364 = tpu.memref_slice %arg22[%add3A_299, %dma_wait3A_363] : memref<64x128xf32, #tpu.memory_space<vmem>> -> memref<1x128xf32, #tpu.memory_space<vmem>>
      %dma_wait3A_365 = tpu.memref_squeeze %dma_wait3A_364 : memref<1x128xf32, #tpu.memory_space<vmem>> -> memref<128xf32, #tpu.memory_space<vmem>>
      %dma_wait3A_366 = arith.constant 0 : i32
      %dma_wait3A_367 = tpu.memref_slice %arg13[%add3A_295, %dma_wait3A_366] : memref<64x128xi32, #tpu.memory_space<vmem>> -> memref<1x128xi32, #tpu.memory_space<vmem>>
      %dma_wait3A_368 = tpu.memref_squeeze %dma_wait3A_367 : memref<1x128xi32, #tpu.memory_space<vmem>> -> memref<128xi32, #tpu.memory_space<vmem>>
      %dma_wait3A_369 = arith.constant 0 : i32
      %dma_wait3A_370 = tpu.memref_slice %arg31[%dma_wait3A_369] : memref<2048xf32, #tpu.memory_space<vmem_shared>> -> memref<2048xf32, #tpu.memory_space<vmem_shared>>
      tpu.wait_indirect_dma semaphore(%arg32 : memref<!tpu.dma_semaphore, #tpu.memory_space<semaphore_mem>>) src(%dma_wait3A_370 : memref<2048xf32, #tpu.memory_space<vmem_shared>>) dst(%dma_wait3A_365 : memref<128xf32, #tpu.memory_space<vmem>>)
      %scan3A_371 = arith.constant 0 : i32
      scf.yield %scan3A_371 : i32
    }
    %scan3A_151 = arith.constant 8 : i32
    %scan3A_152 = arith.constant 0 : i32
    %scan3A_153 = arith.constant 0 : i32
    %scan3A_154 = arith.constant 64 : i32
    %scan3A_155 = arith.addi %scan3A_153, %scan3A_154 : i32
    %scan3A_156 = arith.constant 1 : i32
    %scan3A_157 = scf.for %scan3A_179 = %scan3A_153 to %scan3A_155 step %scan3A_156 iter_args(%scan3A_180 = %scan3A_152) -> (i32)  : i32 {
      %get3A_181 = arith.index_cast %scan3A_179 : i32 to index
      %get3A_182 = arith.constant 0 : index
      %get3A_183 = tpu.vector_load %arg22[%get3A_181, %get3A_182] {strides = array<i32>} : memref<64x128xf32, #tpu.memory_space<vmem>>, vector<1x16xf32>,
      %get3A_184 = vector.shape_cast %get3A_183 : vector<1x16xf32> to vector<16xf32>
      %get3A_185 = arith.index_cast %scan3A_179 : i32 to index
      %get3A_186 = arith.constant 0 : index
      %get3A_187 = tpu.vector_load %arg15[%get3A_185, %get3A_186] {strides = array<i32>} : memref<64x128xf32, #tpu.memory_space<vmem>>, vector<1x16xf32>,
      %get3A_188 = vector.shape_cast %get3A_187 : vector<1x16xf32> to vector<16xf32>
      %mul3A_189 = arith.mulf %get3A_184, %get3A_188 : vector<16xf32>
      %swap3A_190 = arith.index_cast %scan3A_179 : i32 to index
      %swap3A_191 = arith.constant 0 : index
      %swap3A_192 = tpu.vector_load %arg23[%swap3A_190, %swap3A_191] {strides = array<i32>} : memref<64x128xf32, #tpu.memory_space<vmem>>, vector<1x16xf32>,
      %swap3A_193 = vector.shape_cast %swap3A_192 : vector<1x16xf32> to vector<16xf32>
      %swap3A_194 = vector.shape_cast %mul3A_189 : vector<16xf32> to vector<1x16xf32>
      tpu.vector_store %arg23[%swap3A_190, %swap3A_191], %swap3A_194 {strides = array<i32>} : memref<64x128xf32, #tpu.memory_space<vmem>>, vector<1x16xf32>,
      %get3A_195 = arith.index_cast %scan3A_179 : i32 to index
      %get3A_196 = arith.constant 16 : index
      %get3A_197 = tpu.vector_load %arg22[%get3A_195, %get3A_196] {strides = array<i32>} : memref<64x128xf32, #tpu.memory_space<vmem>>, vector<1x16xf32>,
      %get3A_198 = vector.shape_cast %get3A_197 : vector<1x16xf32> to vector<16xf32>
      %get3A_199 = arith.index_cast %scan3A_179 : i32 to index
      %get3A_200 = arith.constant 16 : index
      %get3A_201 = tpu.vector_load %arg15[%get3A_199, %get3A_200] {strides = array<i32>} : memref<64x128xf32, #tpu.memory_space<vmem>>, vector<1x16xf32>,
      %get3A_202 = vector.shape_cast %get3A_201 : vector<1x16xf32> to vector<16xf32>
      %mul3A_203 = arith.mulf %get3A_198, %get3A_202 : vector<16xf32>
      %swap3A_204 = arith.index_cast %scan3A_179 : i32 to index
      %swap3A_205 = arith.constant 16 : index
      %swap3A_206 = tpu.vector_load %arg23[%swap3A_204, %swap3A_205] {strides = array<i32>} : memref<64x128xf32, #tpu.memory_space<vmem>>, vector<1x16xf32>,
      %swap3A_207 = vector.shape_cast %swap3A_206 : vector<1x16xf32> to vector<16xf32>
      %swap3A_208 = vector.shape_cast %mul3A_203 : vector<16xf32> to vector<1x16xf32>
      tpu.vector_store %arg23[%swap3A_204, %swap3A_205], %swap3A_208 {strides = array<i32>} : memref<64x128xf32, #tpu.memory_space<vmem>>, vector<1x16xf32>,
      %get3A_209 = arith.index_cast %scan3A_179 : i32 to index
      %get3A_210 = arith.constant 32 : index
      %get3A_211 = tpu.vector_load %arg22[%get3A_209, %get3A_210] {strides = array<i32>} : memref<64x128xf32, #tpu.memory_space<vmem>>, vector<1x16xf32>,
      %get3A_212 = vector.shape_cast %get3A_211 : vector<1x16xf32> to vector<16xf32>
      %get3A_213 = arith.index_cast %scan3A_179 : i32 to index
      %get3A_214 = arith.constant 32 : index
      %get3A_215 = tpu.vector_load %arg15[%get3A_213, %get3A_214] {strides = array<i32>} : memref<64x128xf32, #tpu.memory_space<vmem>>, vector<1x16xf32>,
      %get3A_216 = vector.shape_cast %get3A_215 : vector<1x16xf32> to vector<16xf32>
      %mul3A_217 = arith.mulf %get3A_212, %get3A_216 : vector<16xf32>
      %swap3A_218 = arith.index_cast %scan3A_179 : i32 to index
      %swap3A_219 = arith.constant 32 : index
      %swap3A_220 = tpu.vector_load %arg23[%swap3A_218, %swap3A_219] {strides = array<i32>} : memref<64x128xf32, #tpu.memory_space<vmem>>, vector<1x16xf32>,
      %swap3A_221 = vector.shape_cast %swap3A_220 : vector<1x16xf32> to vector<16xf32>
      %swap3A_222 = vector.shape_cast %mul3A_217 : vector<16xf32> to vector<1x16xf32>
      tpu.vector_store %arg23[%swap3A_218, %swap3A_219], %swap3A_222 {strides = array<i32>} : memref<64x128xf32, #tpu.memory_space<vmem>>, vector<1x16xf32>,
      %get3A_223 = arith.index_cast %scan3A_179 : i32 to index
      %get3A_224 = arith.constant 48 : index
      %get3A_225 = tpu.vector_load %arg22[%get3A_223, %get3A_224] {strides = array<i32>} : memref<64x128xf32, #tpu.memory_space<vmem>>, vector<1x16xf32>,
      %get3A_226 = vector.shape_cast %get3A_225 : vector<1x16xf32> to vector<16xf32>
      %get3A_227 = arith.index_cast %scan3A_179 : i32 to index
      %get3A_228 = arith.constant 48 : index
      %get3A_229 = tpu.vector_load %arg15[%get3A_227, %get3A_228] {strides = array<i32>} : memref<64x128xf32, #tpu.memory_space<vmem>>, vector<1x16xf32>,
      %get3A_230 = vector.shape_cast %get3A_229 : vector<1x16xf32> to vector<16xf32>
      %mul3A_231 = arith.mulf %get3A_226, %get3A_230 : vector<16xf32>
      %swap3A_232 = arith.index_cast %scan3A_179 : i32 to index
      %swap3A_233 = arith.constant 48 : index
      %swap3A_234 = tpu.vector_load %arg23[%swap3A_232, %swap3A_233] {strides = array<i32>} : memref<64x128xf32, #tpu.memory_space<vmem>>, vector<1x16xf32>,
      %swap3A_235 = vector.shape_cast %swap3A_234 : vector<1x16xf32> to vector<16xf32>
      %swap3A_236 = vector.shape_cast %mul3A_231 : vector<16xf32> to vector<1x16xf32>
      tpu.vector_store %arg23[%swap3A_232, %swap3A_233], %swap3A_236 {strides = array<i32>} : memref<64x128xf32, #tpu.memory_space<vmem>>, vector<1x16xf32>,
      %get3A_237 = arith.index_cast %scan3A_179 : i32 to index
      %get3A_238 = arith.constant 64 : index
      %get3A_239 = tpu.vector_load %arg22[%get3A_237, %get3A_238] {strides = array<i32>} : memref<64x128xf32, #tpu.memory_space<vmem>>, vector<1x16xf32>,
      %get3A_240 = vector.shape_cast %get3A_239 : vector<1x16xf32> to vector<16xf32>
      %get3A_241 = arith.index_cast %scan3A_179 : i32 to index
      %get3A_242 = arith.constant 64 : index
      %get3A_243 = tpu.vector_load %arg15[%get3A_241, %get3A_242] {strides = array<i32>} : memref<64x128xf32, #tpu.memory_space<vmem>>, vector<1x16xf32>,
      %get3A_244 = vector.shape_cast %get3A_243 : vector<1x16xf32> to vector<16xf32>
      %mul3A_245 = arith.mulf %get3A_240, %get3A_244 : vector<16xf32>
      %swap3A_246 = arith.index_cast %scan3A_179 : i32 to index
      %swap3A_247 = arith.constant 64 : index
      %swap3A_248 = tpu.vector_load %arg23[%swap3A_246, %swap3A_247] {strides = array<i32>} : memref<64x128xf32, #tpu.memory_space<vmem>>, vector<1x16xf32>,
      %swap3A_249 = vector.shape_cast %swap3A_248 : vector<1x16xf32> to vector<16xf32>
      %swap3A_250 = vector.shape_cast %mul3A_245 : vector<16xf32> to vector<1x16xf32>
      tpu.vector_store %arg23[%swap3A_246, %swap3A_247], %swap3A_250 {strides = array<i32>} : memref<64x128xf32, #tpu.memory_space<vmem>>, vector<1x16xf32>,
      %get3A_251 = arith.index_cast %scan3A_179 : i32 to index
      %get3A_252 = arith.constant 80 : index
      %get3A_253 = tpu.vector_load %arg22[%get3A_251, %get3A_252] {strides = array<i32>} : memref<64x128xf32, #tpu.memory_space<vmem>>, vector<1x16xf32>,
      %get3A_254 = vector.shape_cast %get3A_253 : vector<1x16xf32> to vector<16xf32>
      %get3A_255 = arith.index_cast %scan3A_179 : i32 to index
      %get3A_256 = arith.constant 80 : index
      %get3A_257 = tpu.vector_load %arg15[%get3A_255, %get3A_256] {strides = array<i32>} : memref<64x128xf32, #tpu.memory_space<vmem>>, vector<1x16xf32>,
      %get3A_258 = vector.shape_cast %get3A_257 : vector<1x16xf32> to vector<16xf32>
      %mul3A_259 = arith.mulf %get3A_254, %get3A_258 : vector<16xf32>
      %swap3A_260 = arith.index_cast %scan3A_179 : i32 to index
      %swap3A_261 = arith.constant 80 : index
      %swap3A_262 = tpu.vector_load %arg23[%swap3A_260, %swap3A_261] {strides = array<i32>} : memref<64x128xf32, #tpu.memory_space<vmem>>, vector<1x16xf32>,
      %swap3A_263 = vector.shape_cast %swap3A_262 : vector<1x16xf32> to vector<16xf32>
      %swap3A_264 = vector.shape_cast %mul3A_259 : vector<16xf32> to vector<1x16xf32>
      tpu.vector_store %arg23[%swap3A_260, %swap3A_261], %swap3A_264 {strides = array<i32>} : memref<64x128xf32, #tpu.memory_space<vmem>>, vector<1x16xf32>,
      %get3A_265 = arith.index_cast %scan3A_179 : i32 to index
      %get3A_266 = arith.constant 96 : index
      %get3A_267 = tpu.vector_load %arg22[%get3A_265, %get3A_266] {strides = array<i32>} : memref<64x128xf32, #tpu.memory_space<vmem>>, vector<1x16xf32>,
      %get3A_268 = vector.shape_cast %get3A_267 : vector<1x16xf32> to vector<16xf32>
      %get3A_269 = arith.index_cast %scan3A_179 : i32 to index
      %get3A_270 = arith.constant 96 : index
      %get3A_271 = tpu.vector_load %arg15[%get3A_269, %get3A_270] {strides = array<i32>} : memref<64x128xf32, #tpu.memory_space<vmem>>, vector<1x16xf32>,
      %get3A_272 = vector.shape_cast %get3A_271 : vector<1x16xf32> to vector<16xf32>
      %mul3A_273 = arith.mulf %get3A_268, %get3A_272 : vector<16xf32>
      %swap3A_274 = arith.index_cast %scan3A_179 : i32 to index
      %swap3A_275 = arith.constant 96 : index
      %swap3A_276 = tpu.vector_load %arg23[%swap3A_274, %swap3A_275] {strides = array<i32>} : memref<64x128xf32, #tpu.memory_space<vmem>>, vector<1x16xf32>,
      %swap3A_277 = vector.shape_cast %swap3A_276 : vector<1x16xf32> to vector<16xf32>
      %swap3A_278 = vector.shape_cast %mul3A_273 : vector<16xf32> to vector<1x16xf32>
      tpu.vector_store %arg23[%swap3A_274, %swap3A_275], %swap3A_278 {strides = array<i32>} : memref<64x128xf32, #tpu.memory_space<vmem>>, vector<1x16xf32>,
      %get3A_279 = arith.index_cast %scan3A_179 : i32 to index
      %get3A_280 = arith.constant 112 : index
      %get3A_281 = tpu.vector_load %arg22[%get3A_279, %get3A_280] {strides = array<i32>} : memref<64x128xf32, #tpu.memory_space<vmem>>, vector<1x16xf32>,
      %get3A_282 = vector.shape_cast %get3A_281 : vector<1x16xf32> to vector<16xf32>
      %get3A_283 = arith.index_cast %scan3A_179 : i32 to index
      %get3A_284 = arith.constant 112 : index
      %get3A_285 = tpu.vector_load %arg15[%get3A_283, %get3A_284] {strides = array<i32>} : memref<64x128xf32, #tpu.memory_space<vmem>>, vector<1x16xf32>,
      %get3A_286 = vector.shape_cast %get3A_285 : vector<1x16xf32> to vector<16xf32>
      %mul3A_287 = arith.mulf %get3A_282, %get3A_286 : vector<16xf32>
      %swap3A_288 = arith.index_cast %scan3A_179 : i32 to index
      %swap3A_289 = arith.constant 112 : index
      %swap3A_290 = tpu.vector_load %arg23[%swap3A_288, %swap3A_289] {strides = array<i32>} : memref<64x128xf32, #tpu.memory_space<vmem>>, vector<1x16xf32>,
      %swap3A_291 = vector.shape_cast %swap3A_290 : vector<1x16xf32> to vector<16xf32>
      %swap3A_292 = vector.shape_cast %mul3A_287 : vector<16xf32> to vector<1x16xf32>
      tpu.vector_store %arg23[%swap3A_288, %swap3A_289], %swap3A_292 {strides = array<i32>} : memref<64x128xf32, #tpu.memory_space<vmem>>, vector<1x16xf32>,
      %scan3A_293 = arith.constant 0 : i32
      scf.yield %scan3A_293 : i32
    }
    %scan3A_158 = arith.constant 64 : i32
    %scan3A_159 = arith.constant 0 : i32
    %scan3A_160 = arith.constant 0 : i32
    %scan3A_161 = arith.constant 8 : i32
    %scan3A_162 = arith.addi %scan3A_160, %scan3A_161 : i32
    %scan3A_163 = arith.constant 1 : i32
    %scan3A_164 = scf.for %scan3A_179 = %scan3A_160 to %scan3A_162 step %scan3A_163 iter_args(%scan3A_180 = %scan3A_159) -> (i32)  : i32 {
      %mul3A_181 = arith.constant 8 : i32
      %mul3A_182 = arith.muli %scan3A_179, %mul3A_181 : i32
      %add3A_183 = arith.constant 0 : i32
      %add3A_184 = arith.addi %mul3A_182, %add3A_183 : i32
      %mul3A_185 = arith.constant 8 : i32
      %mul3A_186 = arith.muli %scan3A_179, %mul3A_185 : i32
      %add3A_187 = arith.constant 0 : i32
      %add3A_188 = arith.addi %mul3A_186, %add3A_187 : i32
      %dma_start3A = arith.constant 0 : i32
      %dma_start3A_189 = tpu.memref_slice %arg23[%add3A_184, %dma_start3A] : memref<64x128xf32, #tpu.memory_space<vmem>> -> memref<1x128xf32, #tpu.memory_space<vmem>>
      %dma_start3A_190 = tpu.memref_squeeze %dma_start3A_189 : memref<1x128xf32, #tpu.memory_space<vmem>> -> memref<128xf32, #tpu.memory_space<vmem>>
      %dma_start3A_191 = arith.constant 0 : i32
      %dma_start3A_192 = tpu.memref_slice %arg13[%add3A_188, %dma_start3A_191] : memref<64x128xi32, #tpu.memory_space<vmem>> -> memref<1x128xi32, #tpu.memory_space<vmem>>
      %dma_start3A_193 = tpu.memref_squeeze %dma_start3A_192 : memref<1x128xi32, #tpu.memory_space<vmem>> -> memref<128xi32, #tpu.memory_space<vmem>>
      %dma_start3A_194 = arith.constant 0 : i32
      %dma_start3A_195 = tpu.memref_slice %arg30[%dma_start3A_194] : memref<2048xf32, #tpu.memory_space<vmem_shared>> -> memref<2048xf32, #tpu.memory_space<vmem_shared>>
      tpu.enqueue_indirect_dma source(%dma_start3A_190 : memref<128xf32, #tpu.memory_space<vmem>>) target(%dma_start3A_195 : memref<2048xf32, #tpu.memory_space<vmem_shared>>) offsets(%dma_start3A_193 : memref<128xi32, #tpu.memory_space<vmem>>) semaphore(%arg32 : memref<!tpu.dma_semaphore, #tpu.memory_space<semaphore_mem>>) {add = true}
      %mul3A_196 = arith.constant 8 : i32
      %mul3A_197 = arith.muli %scan3A_179, %mul3A_196 : i32
      %add3A_198 = arith.constant 1 : i32
      %add3A_199 = arith.addi %mul3A_197, %add3A_198 : i32
      %mul3A_200 = arith.constant 8 : i32
      %mul3A_201 = arith.muli %scan3A_179, %mul3A_200 : i32
      %add3A_202 = arith.constant 1 : i32
      %add3A_203 = arith.addi %mul3A_201, %add3A_202 : i32
      %dma_start3A_204 = arith.constant 0 : i32
      %dma_start3A_205 = tpu.memref_slice %arg23[%add3A_199, %dma_start3A_204] : memref<64x128xf32, #tpu.memory_space<vmem>> -> memref<1x128xf32, #tpu.memory_space<vmem>>
      %dma_start3A_206 = tpu.memref_squeeze %dma_start3A_205 : memref<1x128xf32, #tpu.memory_space<vmem>> -> memref<128xf32, #tpu.memory_space<vmem>>
      %dma_start3A_207 = arith.constant 0 : i32
      %dma_start3A_208 = tpu.memref_slice %arg13[%add3A_203, %dma_start3A_207] : memref<64x128xi32, #tpu.memory_space<vmem>> -> memref<1x128xi32, #tpu.memory_space<vmem>>
      %dma_start3A_209 = tpu.memref_squeeze %dma_start3A_208 : memref<1x128xi32, #tpu.memory_space<vmem>> -> memref<128xi32, #tpu.memory_space<vmem>>
      %dma_start3A_210 = arith.constant 0 : i32
      %dma_start3A_211 = tpu.memref_slice %arg30[%dma_start3A_210] : memref<2048xf32, #tpu.memory_space<vmem_shared>> -> memref<2048xf32, #tpu.memory_space<vmem_shared>>
      tpu.enqueue_indirect_dma source(%dma_start3A_206 : memref<128xf32, #tpu.memory_space<vmem>>) target(%dma_start3A_211 : memref<2048xf32, #tpu.memory_space<vmem_shared>>) offsets(%dma_start3A_209 : memref<128xi32, #tpu.memory_space<vmem>>) semaphore(%arg32 : memref<!tpu.dma_semaphore, #tpu.memory_space<semaphore_mem>>) {add = true}
      %mul3A_212 = arith.constant 8 : i32
      %mul3A_213 = arith.muli %scan3A_179, %mul3A_212 : i32
      %add3A_214 = arith.constant 2 : i32
      %add3A_215 = arith.addi %mul3A_213, %add3A_214 : i32
      %mul3A_216 = arith.constant 8 : i32
      %mul3A_217 = arith.muli %scan3A_179, %mul3A_216 : i32
      %add3A_218 = arith.constant 2 : i32
      %add3A_219 = arith.addi %mul3A_217, %add3A_218 : i32
      %dma_start3A_220 = arith.constant 0 : i32
      %dma_start3A_221 = tpu.memref_slice %arg23[%add3A_215, %dma_start3A_220] : memref<64x128xf32, #tpu.memory_space<vmem>> -> memref<1x128xf32, #tpu.memory_space<vmem>>
      %dma_start3A_222 = tpu.memref_squeeze %dma_start3A_221 : memref<1x128xf32, #tpu.memory_space<vmem>> -> memref<128xf32, #tpu.memory_space<vmem>>
      %dma_start3A_223 = arith.constant 0 : i32
      %dma_start3A_224 = tpu.memref_slice %arg13[%add3A_219, %dma_start3A_223] : memref<64x128xi32, #tpu.memory_space<vmem>> -> memref<1x128xi32, #tpu.memory_space<vmem>>
      %dma_start3A_225 = tpu.memref_squeeze %dma_start3A_224 : memref<1x128xi32, #tpu.memory_space<vmem>> -> memref<128xi32, #tpu.memory_space<vmem>>
      %dma_start3A_226 = arith.constant 0 : i32
      %dma_start3A_227 = tpu.memref_slice %arg30[%dma_start3A_226] : memref<2048xf32, #tpu.memory_space<vmem_shared>> -> memref<2048xf32, #tpu.memory_space<vmem_shared>>
      tpu.enqueue_indirect_dma source(%dma_start3A_222 : memref<128xf32, #tpu.memory_space<vmem>>) target(%dma_start3A_227 : memref<2048xf32, #tpu.memory_space<vmem_shared>>) offsets(%dma_start3A_225 : memref<128xi32, #tpu.memory_space<vmem>>) semaphore(%arg32 : memref<!tpu.dma_semaphore, #tpu.memory_space<semaphore_mem>>) {add = true}
      %mul3A_228 = arith.constant 8 : i32
      %mul3A_229 = arith.muli %scan3A_179, %mul3A_228 : i32
      %add3A_230 = arith.constant 3 : i32
      %add3A_231 = arith.addi %mul3A_229, %add3A_230 : i32
      %mul3A_232 = arith.constant 8 : i32
      %mul3A_233 = arith.muli %scan3A_179, %mul3A_232 : i32
      %add3A_234 = arith.constant 3 : i32
      %add3A_235 = arith.addi %mul3A_233, %add3A_234 : i32
      %dma_start3A_236 = arith.constant 0 : i32
      %dma_start3A_237 = tpu.memref_slice %arg23[%add3A_231, %dma_start3A_236] : memref<64x128xf32, #tpu.memory_space<vmem>> -> memref<1x128xf32, #tpu.memory_space<vmem>>
      %dma_start3A_238 = tpu.memref_squeeze %dma_start3A_237 : memref<1x128xf32, #tpu.memory_space<vmem>> -> memref<128xf32, #tpu.memory_space<vmem>>
      %dma_start3A_239 = arith.constant 0 : i32
      %dma_start3A_240 = tpu.memref_slice %arg13[%add3A_235, %dma_start3A_239] : memref<64x128xi32, #tpu.memory_space<vmem>> -> memref<1x128xi32, #tpu.memory_space<vmem>>
      %dma_start3A_241 = tpu.memref_squeeze %dma_start3A_240 : memref<1x128xi32, #tpu.memory_space<vmem>> -> memref<128xi32, #tpu.memory_space<vmem>>
      %dma_start3A_242 = arith.constant 0 : i32
      %dma_start3A_243 = tpu.memref_slice %arg30[%dma_start3A_242] : memref<2048xf32, #tpu.memory_space<vmem_shared>> -> memref<2048xf32, #tpu.memory_space<vmem_shared>>
      tpu.enqueue_indirect_dma source(%dma_start3A_238 : memref<128xf32, #tpu.memory_space<vmem>>) target(%dma_start3A_243 : memref<2048xf32, #tpu.memory_space<vmem_shared>>) offsets(%dma_start3A_241 : memref<128xi32, #tpu.memory_space<vmem>>) semaphore(%arg32 : memref<!tpu.dma_semaphore, #tpu.memory_space<semaphore_mem>>) {add = true}
      %mul3A_244 = arith.constant 8 : i32
      %mul3A_245 = arith.muli %scan3A_179, %mul3A_244 : i32
      %add3A_246 = arith.constant 4 : i32
      %add3A_247 = arith.addi %mul3A_245, %add3A_246 : i32
      %mul3A_248 = arith.constant 8 : i32
      %mul3A_249 = arith.muli %scan3A_179, %mul3A_248 : i32
      %add3A_250 = arith.constant 4 : i32
      %add3A_251 = arith.addi %mul3A_249, %add3A_250 : i32
      %dma_start3A_252 = arith.constant 0 : i32
      %dma_start3A_253 = tpu.memref_slice %arg23[%add3A_247, %dma_start3A_252] : memref<64x128xf32, #tpu.memory_space<vmem>> -> memref<1x128xf32, #tpu.memory_space<vmem>>
      %dma_start3A_254 = tpu.memref_squeeze %dma_start3A_253 : memref<1x128xf32, #tpu.memory_space<vmem>> -> memref<128xf32, #tpu.memory_space<vmem>>
      %dma_start3A_255 = arith.constant 0 : i32
      %dma_start3A_256 = tpu.memref_slice %arg13[%add3A_251, %dma_start3A_255] : memref<64x128xi32, #tpu.memory_space<vmem>> -> memref<1x128xi32, #tpu.memory_space<vmem>>
      %dma_start3A_257 = tpu.memref_squeeze %dma_start3A_256 : memref<1x128xi32, #tpu.memory_space<vmem>> -> memref<128xi32, #tpu.memory_space<vmem>>
      %dma_start3A_258 = arith.constant 0 : i32
      %dma_start3A_259 = tpu.memref_slice %arg30[%dma_start3A_258] : memref<2048xf32, #tpu.memory_space<vmem_shared>> -> memref<2048xf32, #tpu.memory_space<vmem_shared>>
      tpu.enqueue_indirect_dma source(%dma_start3A_254 : memref<128xf32, #tpu.memory_space<vmem>>) target(%dma_start3A_259 : memref<2048xf32, #tpu.memory_space<vmem_shared>>) offsets(%dma_start3A_257 : memref<128xi32, #tpu.memory_space<vmem>>) semaphore(%arg32 : memref<!tpu.dma_semaphore, #tpu.memory_space<semaphore_mem>>) {add = true}
      %mul3A_260 = arith.constant 8 : i32
      %mul3A_261 = arith.muli %scan3A_179, %mul3A_260 : i32
      %add3A_262 = arith.constant 5 : i32
      %add3A_263 = arith.addi %mul3A_261, %add3A_262 : i32
      %mul3A_264 = arith.constant 8 : i32
      %mul3A_265 = arith.muli %scan3A_179, %mul3A_264 : i32
      %add3A_266 = arith.constant 5 : i32
      %add3A_267 = arith.addi %mul3A_265, %add3A_266 : i32
      %dma_start3A_268 = arith.constant 0 : i32
      %dma_start3A_269 = tpu.memref_slice %arg23[%add3A_263, %dma_start3A_268] : memref<64x128xf32, #tpu.memory_space<vmem>> -> memref<1x128xf32, #tpu.memory_space<vmem>>
      %dma_start3A_270 = tpu.memref_squeeze %dma_start3A_269 : memref<1x128xf32, #tpu.memory_space<vmem>> -> memref<128xf32, #tpu.memory_space<vmem>>
      %dma_start3A_271 = arith.constant 0 : i32
      %dma_start3A_272 = tpu.memref_slice %arg13[%add3A_267, %dma_start3A_271] : memref<64x128xi32, #tpu.memory_space<vmem>> -> memref<1x128xi32, #tpu.memory_space<vmem>>
      %dma_start3A_273 = tpu.memref_squeeze %dma_start3A_272 : memref<1x128xi32, #tpu.memory_space<vmem>> -> memref<128xi32, #tpu.memory_space<vmem>>
      %dma_start3A_274 = arith.constant 0 : i32
      %dma_start3A_275 = tpu.memref_slice %arg30[%dma_start3A_274] : memref<2048xf32, #tpu.memory_space<vmem_shared>> -> memref<2048xf32, #tpu.memory_space<vmem_shared>>
      tpu.enqueue_indirect_dma source(%dma_start3A_270 : memref<128xf32, #tpu.memory_space<vmem>>) target(%dma_start3A_275 : memref<2048xf32, #tpu.memory_space<vmem_shared>>) offsets(%dma_start3A_273 : memref<128xi32, #tpu.memory_space<vmem>>) semaphore(%arg32 : memref<!tpu.dma_semaphore, #tpu.memory_space<semaphore_mem>>) {add = true}
      %mul3A_276 = arith.constant 8 : i32
      %mul3A_277 = arith.muli %scan3A_179, %mul3A_276 : i32
      %add3A_278 = arith.constant 6 : i32
      %add3A_279 = arith.addi %mul3A_277, %add3A_278 : i32
      %mul3A_280 = arith.constant 8 : i32
      %mul3A_281 = arith.muli %scan3A_179, %mul3A_280 : i32
      %add3A_282 = arith.constant 6 : i32
      %add3A_283 = arith.addi %mul3A_281, %add3A_282 : i32
      %dma_start3A_284 = arith.constant 0 : i32
      %dma_start3A_285 = tpu.memref_slice %arg23[%add3A_279, %dma_start3A_284] : memref<64x128xf32, #tpu.memory_space<vmem>> -> memref<1x128xf32, #tpu.memory_space<vmem>>
      %dma_start3A_286 = tpu.memref_squeeze %dma_start3A_285 : memref<1x128xf32, #tpu.memory_space<vmem>> -> memref<128xf32, #tpu.memory_space<vmem>>
      %dma_start3A_287 = arith.constant 0 : i32
      %dma_start3A_288 = tpu.memref_slice %arg13[%add3A_283, %dma_start3A_287] : memref<64x128xi32, #tpu.memory_space<vmem>> -> memref<1x128xi32, #tpu.memory_space<vmem>>
      %dma_start3A_289 = tpu.memref_squeeze %dma_start3A_288 : memref<1x128xi32, #tpu.memory_space<vmem>> -> memref<128xi32, #tpu.memory_space<vmem>>
      %dma_start3A_290 = arith.constant 0 : i32
      %dma_start3A_291 = tpu.memref_slice %arg30[%dma_start3A_290] : memref<2048xf32, #tpu.memory_space<vmem_shared>> -> memref<2048xf32, #tpu.memory_space<vmem_shared>>
      tpu.enqueue_indirect_dma source(%dma_start3A_286 : memref<128xf32, #tpu.memory_space<vmem>>) target(%dma_start3A_291 : memref<2048xf32, #tpu.memory_space<vmem_shared>>) offsets(%dma_start3A_289 : memref<128xi32, #tpu.memory_space<vmem>>) semaphore(%arg32 : memref<!tpu.dma_semaphore, #tpu.memory_space<semaphore_mem>>) {add = true}
      %mul3A_292 = arith.constant 8 : i32
      %mul3A_293 = arith.muli %scan3A_179, %mul3A_292 : i32
      %add3A_294 = arith.constant 7 : i32
      %add3A_295 = arith.addi %mul3A_293, %add3A_294 : i32
      %mul3A_296 = arith.constant 8 : i32
      %mul3A_297 = arith.muli %scan3A_179, %mul3A_296 : i32
      %add3A_298 = arith.constant 7 : i32
      %add3A_299 = arith.addi %mul3A_297, %add3A_298 : i32
      %dma_start3A_300 = arith.constant 0 : i32
      %dma_start3A_301 = tpu.memref_slice %arg23[%add3A_295, %dma_start3A_300] : memref<64x128xf32, #tpu.memory_space<vmem>> -> memref<1x128xf32, #tpu.memory_space<vmem>>
      %dma_start3A_302 = tpu.memref_squeeze %dma_start3A_301 : memref<1x128xf32, #tpu.memory_space<vmem>> -> memref<128xf32, #tpu.memory_space<vmem>>
      %dma_start3A_303 = arith.constant 0 : i32
      %dma_start3A_304 = tpu.memref_slice %arg13[%add3A_299, %dma_start3A_303] : memref<64x128xi32, #tpu.memory_space<vmem>> -> memref<1x128xi32, #tpu.memory_space<vmem>>
      %dma_start3A_305 = tpu.memref_squeeze %dma_start3A_304 : memref<1x128xi32, #tpu.memory_space<vmem>> -> memref<128xi32, #tpu.memory_space<vmem>>
      %dma_start3A_306 = arith.constant 0 : i32
      %dma_start3A_307 = tpu.memref_slice %arg30[%dma_start3A_306] : memref<2048xf32, #tpu.memory_space<vmem_shared>> -> memref<2048xf32, #tpu.memory_space<vmem_shared>>
      tpu.enqueue_indirect_dma source(%dma_start3A_302 : memref<128xf32, #tpu.memory_space<vmem>>) target(%dma_start3A_307 : memref<2048xf32, #tpu.memory_space<vmem_shared>>) offsets(%dma_start3A_305 : memref<128xi32, #tpu.memory_space<vmem>>) semaphore(%arg32 : memref<!tpu.dma_semaphore, #tpu.memory_space<semaphore_mem>>) {add = true}
      %dma_wait3A = arith.constant 0 : i32
      %dma_wait3A_308 = tpu.memref_slice %arg23[%add3A_184, %dma_wait3A] : memref<64x128xf32, #tpu.memory_space<vmem>> -> memref<1x128xf32, #tpu.memory_space<vmem>>
      %dma_wait3A_309 = tpu.memref_squeeze %dma_wait3A_308 : memref<1x128xf32, #tpu.memory_space<vmem>> -> memref<128xf32, #tpu.memory_space<vmem>>
      %dma_wait3A_310 = arith.constant 0 : i32
      %dma_wait3A_311 = tpu.memref_slice %arg13[%add3A_188, %dma_wait3A_310] : memref<64x128xi32, #tpu.memory_space<vmem>> -> memref<1x128xi32, #tpu.memory_space<vmem>>
      %dma_wait3A_312 = tpu.memref_squeeze %dma_wait3A_311 : memref<1x128xi32, #tpu.memory_space<vmem>> -> memref<128xi32, #tpu.memory_space<vmem>>
      %dma_wait3A_313 = arith.constant 0 : i32
      %dma_wait3A_314 = tpu.memref_slice %arg30[%dma_wait3A_313] : memref<2048xf32, #tpu.memory_space<vmem_shared>> -> memref<2048xf32, #tpu.memory_space<vmem_shared>>
      tpu.wait_indirect_dma semaphore(%arg32 : memref<!tpu.dma_semaphore, #tpu.memory_space<semaphore_mem>>) src(%dma_wait3A_309 : memref<128xf32, #tpu.memory_space<vmem>>) dst(%dma_wait3A_314 : memref<2048xf32, #tpu.memory_space<vmem_shared>>)
      %dma_wait3A_315 = arith.constant 0 : i32
      %dma_wait3A_316 = tpu.memref_slice %arg23[%add3A_199, %dma_wait3A_315] : memref<64x128xf32, #tpu.memory_space<vmem>> -> memref<1x128xf32, #tpu.memory_space<vmem>>
      %dma_wait3A_317 = tpu.memref_squeeze %dma_wait3A_316 : memref<1x128xf32, #tpu.memory_space<vmem>> -> memref<128xf32, #tpu.memory_space<vmem>>
      %dma_wait3A_318 = arith.constant 0 : i32
      %dma_wait3A_319 = tpu.memref_slice %arg13[%add3A_203, %dma_wait3A_318] : memref<64x128xi32, #tpu.memory_space<vmem>> -> memref<1x128xi32, #tpu.memory_space<vmem>>
      %dma_wait3A_320 = tpu.memref_squeeze %dma_wait3A_319 : memref<1x128xi32, #tpu.memory_space<vmem>> -> memref<128xi32, #tpu.memory_space<vmem>>
      %dma_wait3A_321 = arith.constant 0 : i32
      %dma_wait3A_322 = tpu.memref_slice %arg30[%dma_wait3A_321] : memref<2048xf32, #tpu.memory_space<vmem_shared>> -> memref<2048xf32, #tpu.memory_space<vmem_shared>>
      tpu.wait_indirect_dma semaphore(%arg32 : memref<!tpu.dma_semaphore, #tpu.memory_space<semaphore_mem>>) src(%dma_wait3A_317 : memref<128xf32, #tpu.memory_space<vmem>>) dst(%dma_wait3A_322 : memref<2048xf32, #tpu.memory_space<vmem_shared>>)
      %dma_wait3A_323 = arith.constant 0 : i32
      %dma_wait3A_324 = tpu.memref_slice %arg23[%add3A_215, %dma_wait3A_323] : memref<64x128xf32, #tpu.memory_space<vmem>> -> memref<1x128xf32, #tpu.memory_space<vmem>>
      %dma_wait3A_325 = tpu.memref_squeeze %dma_wait3A_324 : memref<1x128xf32, #tpu.memory_space<vmem>> -> memref<128xf32, #tpu.memory_space<vmem>>
      %dma_wait3A_326 = arith.constant 0 : i32
      %dma_wait3A_327 = tpu.memref_slice %arg13[%add3A_219, %dma_wait3A_326] : memref<64x128xi32, #tpu.memory_space<vmem>> -> memref<1x128xi32, #tpu.memory_space<vmem>>
      %dma_wait3A_328 = tpu.memref_squeeze %dma_wait3A_327 : memref<1x128xi32, #tpu.memory_space<vmem>> -> memref<128xi32, #tpu.memory_space<vmem>>
      %dma_wait3A_329 = arith.constant 0 : i32
      %dma_wait3A_330 = tpu.memref_slice %arg30[%dma_wait3A_329] : memref<2048xf32, #tpu.memory_space<vmem_shared>> -> memref<2048xf32, #tpu.memory_space<vmem_shared>>
      tpu.wait_indirect_dma semaphore(%arg32 : memref<!tpu.dma_semaphore, #tpu.memory_space<semaphore_mem>>) src(%dma_wait3A_325 : memref<128xf32, #tpu.memory_space<vmem>>) dst(%dma_wait3A_330 : memref<2048xf32, #tpu.memory_space<vmem_shared>>)
      %dma_wait3A_331 = arith.constant 0 : i32
      %dma_wait3A_332 = tpu.memref_slice %arg23[%add3A_231, %dma_wait3A_331] : memref<64x128xf32, #tpu.memory_space<vmem>> -> memref<1x128xf32, #tpu.memory_space<vmem>>
      %dma_wait3A_333 = tpu.memref_squeeze %dma_wait3A_332 : memref<1x128xf32, #tpu.memory_space<vmem>> -> memref<128xf32, #tpu.memory_space<vmem>>
      %dma_wait3A_334 = arith.constant 0 : i32
      %dma_wait3A_335 = tpu.memref_slice %arg13[%add3A_235, %dma_wait3A_334] : memref<64x128xi32, #tpu.memory_space<vmem>> -> memref<1x128xi32, #tpu.memory_space<vmem>>
      %dma_wait3A_336 = tpu.memref_squeeze %dma_wait3A_335 : memref<1x128xi32, #tpu.memory_space<vmem>> -> memref<128xi32, #tpu.memory_space<vmem>>
      %dma_wait3A_337 = arith.constant 0 : i32
      %dma_wait3A_338 = tpu.memref_slice %arg30[%dma_wait3A_337] : memref<2048xf32, #tpu.memory_space<vmem_shared>> -> memref<2048xf32, #tpu.memory_space<vmem_shared>>
      tpu.wait_indirect_dma semaphore(%arg32 : memref<!tpu.dma_semaphore, #tpu.memory_space<semaphore_mem>>) src(%dma_wait3A_333 : memref<128xf32, #tpu.memory_space<vmem>>) dst(%dma_wait3A_338 : memref<2048xf32, #tpu.memory_space<vmem_shared>>)
      %dma_wait3A_339 = arith.constant 0 : i32
      %dma_wait3A_340 = tpu.memref_slice %arg23[%add3A_247, %dma_wait3A_339] : memref<64x128xf32, #tpu.memory_space<vmem>> -> memref<1x128xf32, #tpu.memory_space<vmem>>
      %dma_wait3A_341 = tpu.memref_squeeze %dma_wait3A_340 : memref<1x128xf32, #tpu.memory_space<vmem>> -> memref<128xf32, #tpu.memory_space<vmem>>
      %dma_wait3A_342 = arith.constant 0 : i32
      %dma_wait3A_343 = tpu.memref_slice %arg13[%add3A_251, %dma_wait3A_342] : memref<64x128xi32, #tpu.memory_space<vmem>> -> memref<1x128xi32, #tpu.memory_space<vmem>>
      %dma_wait3A_344 = tpu.memref_squeeze %dma_wait3A_343 : memref<1x128xi32, #tpu.memory_space<vmem>> -> memref<128xi32, #tpu.memory_space<vmem>>
      %dma_wait3A_345 = arith.constant 0 : i32
      %dma_wait3A_346 = tpu.memref_slice %arg30[%dma_wait3A_345] : memref<2048xf32, #tpu.memory_space<vmem_shared>> -> memref<2048xf32, #tpu.memory_space<vmem_shared>>
      tpu.wait_indirect_dma semaphore(%arg32 : memref<!tpu.dma_semaphore, #tpu.memory_space<semaphore_mem>>) src(%dma_wait3A_341 : memref<128xf32, #tpu.memory_space<vmem>>) dst(%dma_wait3A_346 : memref<2048xf32, #tpu.memory_space<vmem_shared>>)
      %dma_wait3A_347 = arith.constant 0 : i32
      %dma_wait3A_348 = tpu.memref_slice %arg23[%add3A_263, %dma_wait3A_347] : memref<64x128xf32, #tpu.memory_space<vmem>> -> memref<1x128xf32, #tpu.memory_space<vmem>>
      %dma_wait3A_349 = tpu.memref_squeeze %dma_wait3A_348 : memref<1x128xf32, #tpu.memory_space<vmem>> -> memref<128xf32, #tpu.memory_space<vmem>>
      %dma_wait3A_350 = arith.constant 0 : i32
      %dma_wait3A_351 = tpu.memref_slice %arg13[%add3A_267, %dma_wait3A_350] : memref<64x128xi32, #tpu.memory_space<vmem>> -> memref<1x128xi32, #tpu.memory_space<vmem>>
      %dma_wait3A_352 = tpu.memref_squeeze %dma_wait3A_351 : memref<1x128xi32, #tpu.memory_space<vmem>> -> memref<128xi32, #tpu.memory_space<vmem>>
      %dma_wait3A_353 = arith.constant 0 : i32
      %dma_wait3A_354 = tpu.memref_slice %arg30[%dma_wait3A_353] : memref<2048xf32, #tpu.memory_space<vmem_shared>> -> memref<2048xf32, #tpu.memory_space<vmem_shared>>
      tpu.wait_indirect_dma semaphore(%arg32 : memref<!tpu.dma_semaphore, #tpu.memory_space<semaphore_mem>>) src(%dma_wait3A_349 : memref<128xf32, #tpu.memory_space<vmem>>) dst(%dma_wait3A_354 : memref<2048xf32, #tpu.memory_space<vmem_shared>>)
      %dma_wait3A_355 = arith.constant 0 : i32
      %dma_wait3A_356 = tpu.memref_slice %arg23[%add3A_279, %dma_wait3A_355] : memref<64x128xf32, #tpu.memory_space<vmem>> -> memref<1x128xf32, #tpu.memory_space<vmem>>
      %dma_wait3A_357 = tpu.memref_squeeze %dma_wait3A_356 : memref<1x128xf32, #tpu.memory_space<vmem>> -> memref<128xf32, #tpu.memory_space<vmem>>
      %dma_wait3A_358 = arith.constant 0 : i32
      %dma_wait3A_359 = tpu.memref_slice %arg13[%add3A_283, %dma_wait3A_358] : memref<64x128xi32, #tpu.memory_space<vmem>> -> memref<1x128xi32, #tpu.memory_space<vmem>>
      %dma_wait3A_360 = tpu.memref_squeeze %dma_wait3A_359 : memref<1x128xi32, #tpu.memory_space<vmem>> -> memref<128xi32, #tpu.memory_space<vmem>>
      %dma_wait3A_361 = arith.constant 0 : i32
      %dma_wait3A_362 = tpu.memref_slice %arg30[%dma_wait3A_361] : memref<2048xf32, #tpu.memory_space<vmem_shared>> -> memref<2048xf32, #tpu.memory_space<vmem_shared>>
      tpu.wait_indirect_dma semaphore(%arg32 : memref<!tpu.dma_semaphore, #tpu.memory_space<semaphore_mem>>) src(%dma_wait3A_357 : memref<128xf32, #tpu.memory_space<vmem>>) dst(%dma_wait3A_362 : memref<2048xf32, #tpu.memory_space<vmem_shared>>)
      %dma_wait3A_363 = arith.constant 0 : i32
      %dma_wait3A_364 = tpu.memref_slice %arg23[%add3A_295, %dma_wait3A_363] : memref<64x128xf32, #tpu.memory_space<vmem>> -> memref<1x128xf32, #tpu.memory_space<vmem>>
      %dma_wait3A_365 = tpu.memref_squeeze %dma_wait3A_364 : memref<1x128xf32, #tpu.memory_space<vmem>> -> memref<128xf32, #tpu.memory_space<vmem>>
      %dma_wait3A_366 = arith.constant 0 : i32
      %dma_wait3A_367 = tpu.memref_slice %arg13[%add3A_299, %dma_wait3A_366] : memref<64x128xi32, #tpu.memory_space<vmem>> -> memref<1x128xi32, #tpu.memory_space<vmem>>
      %dma_wait3A_368 = tpu.memref_squeeze %dma_wait3A_367 : memref<1x128xi32, #tpu.memory_space<vmem>> -> memref<128xi32, #tpu.memory_space<vmem>>
      %dma_wait3A_369 = arith.constant 0 : i32
      %dma_wait3A_370 = tpu.memref_slice %arg30[%dma_wait3A_369] : memref<2048xf32, #tpu.memory_space<vmem_shared>> -> memref<2048xf32, #tpu.memory_space<vmem_shared>>
      tpu.wait_indirect_dma semaphore(%arg32 : memref<!tpu.dma_semaphore, #tpu.memory_space<semaphore_mem>>) src(%dma_wait3A_365 : memref<128xf32, #tpu.memory_space<vmem>>) dst(%dma_wait3A_370 : memref<2048xf32, #tpu.memory_space<vmem_shared>>)
      %scan3A_371 = arith.constant 0 : i32
      scf.yield %scan3A_371 : i32
    }
    %scan3A_165 = arith.constant 8 : i32
    %barrier3A_166 = arith.constant 0 : index
    tpu.barrier barrier_id(%barrier3A_166)
    %eq3A = arith.constant 0 : i32
    %eq3A_167 = arith.cmpi eq, %arg0, %eq3A : i32
    %eq3A_168 = arith.constant 0 : i32
    %eq3A_169 = arith.cmpi eq, %arg1, %eq3A_168 : i32
    %and3A = arith.andi %eq3A_167, %eq3A_169 : i1
    %convert_element_type3A_170 = arith.extui %and3A : i1 to i32
    %cond3A = arith.constant 0 : i32
    %cond3A_171 = arith.cmpi ne, %convert_element_type3A_170, %cond3A : i32
    scf.if %cond3A_171 {
      "tpu.region"() ({
        %run_scoped3A = tpu.sem_alloc : memref<!tpu.dma_semaphore, #tpu.memory_space<semaphore_mem>>
        tpu.enqueue_dma source(%arg30 : memref<2048xf32, #tpu.memory_space<vmem_shared>>) target(%arg9 : memref<2048xf32, #tpu.memory_space<hbm>>) target_semaphore(%run_scoped3A : memref<!tpu.dma_semaphore, #tpu.memory_space<semaphore_mem>>)
        tpu.wait_dma2 semaphore(%run_scoped3A : memref<!tpu.dma_semaphore, #tpu.memory_space<semaphore_mem>>) src(%arg30 : memref<2048xf32, #tpu.memory_space<vmem_shared>>) dst(%arg9 : memref<2048xf32, #tpu.memory_space<hbm>>)
        tpu.yield
      }) : () -> ()
    } else {
    }
    %scan3A_172 = arith.constant 0 : i32
    %scan3A_173 = arith.constant 0 : i32
    %scan3A_174 = arith.constant 4 : i32
    %scan3A_175 = arith.addi %scan3A_173, %scan3A_174 : i32
    %scan3A_176 = arith.constant 1 : i32
    %scan3A_177 = scf.for %scan3A_179 = %scan3A_173 to %scan3A_175 step %scan3A_176 iter_args(%scan3A_180 = %scan3A_172) -> (i32)  : i32 {
      %mul3A_181 = arith.constant 8 : i32
      %mul3A_182 = arith.muli %scan3A_179, %mul3A_181 : i32
      %add3A_183 = arith.constant 0 : i32
      %add3A_184 = arith.addi %mul3A_182, %add3A_183 : i32
      %mul3A_185 = arith.constant 8 : i32
      %mul3A_186 = arith.muli %scan3A_179, %mul3A_185 : i32
      %add3A_187 = arith.constant 0 : i32
      %add3A_188 = arith.addi %mul3A_186, %add3A_187 : i32
      %dma_start3A = arith.constant 0 : i32
      %dma_start3A_189 = tpu.memref_slice %arg19[%add3A_188, %dma_start3A] : memref<32x128xf32, #tpu.memory_space<vmem>> -> memref<1x128xf32, #tpu.memory_space<vmem>>
      %dma_start3A_190 = tpu.memref_squeeze %dma_start3A_189 : memref<1x128xf32, #tpu.memory_space<vmem>> -> memref<128xf32, #tpu.memory_space<vmem>>
      %dma_start3A_191 = arith.constant 0 : i32
      %dma_start3A_192 = tpu.memref_slice %arg16[%add3A_184, %dma_start3A_191] : memref<32x128xi32, #tpu.memory_space<vmem>> -> memref<1x128xi32, #tpu.memory_space<vmem>>
      %dma_start3A_193 = tpu.memref_squeeze %dma_start3A_192 : memref<1x128xi32, #tpu.memory_space<vmem>> -> memref<128xi32, #tpu.memory_space<vmem>>
      %dma_start3A_194 = arith.constant 0 : i32
      %dma_start3A_195 = tpu.memref_slice %arg30[%dma_start3A_194] : memref<2048xf32, #tpu.memory_space<vmem_shared>> -> memref<2048xf32, #tpu.memory_space<vmem_shared>>
      tpu.enqueue_indirect_dma source(%dma_start3A_195 : memref<2048xf32, #tpu.memory_space<vmem_shared>>) target(%dma_start3A_190 : memref<128xf32, #tpu.memory_space<vmem>>) offsets(%dma_start3A_193 : memref<128xi32, #tpu.memory_space<vmem>>) semaphore(%arg32 : memref<!tpu.dma_semaphore, #tpu.memory_space<semaphore_mem>>)
      %mul3A_196 = arith.constant 8 : i32
      %mul3A_197 = arith.muli %scan3A_179, %mul3A_196 : i32
      %add3A_198 = arith.constant 1 : i32
      %add3A_199 = arith.addi %mul3A_197, %add3A_198 : i32
      %mul3A_200 = arith.constant 8 : i32
      %mul3A_201 = arith.muli %scan3A_179, %mul3A_200 : i32
      %add3A_202 = arith.constant 1 : i32
      %add3A_203 = arith.addi %mul3A_201, %add3A_202 : i32
      %dma_start3A_204 = arith.constant 0 : i32
      %dma_start3A_205 = tpu.memref_slice %arg19[%add3A_203, %dma_start3A_204] : memref<32x128xf32, #tpu.memory_space<vmem>> -> memref<1x128xf32, #tpu.memory_space<vmem>>
      %dma_start3A_206 = tpu.memref_squeeze %dma_start3A_205 : memref<1x128xf32, #tpu.memory_space<vmem>> -> memref<128xf32, #tpu.memory_space<vmem>>
      %dma_start3A_207 = arith.constant 0 : i32
      %dma_start3A_208 = tpu.memref_slice %arg16[%add3A_199, %dma_start3A_207] : memref<32x128xi32, #tpu.memory_space<vmem>> -> memref<1x128xi32, #tpu.memory_space<vmem>>
      %dma_start3A_209 = tpu.memref_squeeze %dma_start3A_208 : memref<1x128xi32, #tpu.memory_space<vmem>> -> memref<128xi32, #tpu.memory_space<vmem>>
      %dma_start3A_210 = arith.constant 0 : i32
      %dma_start3A_211 = tpu.memref_slice %arg30[%dma_start3A_210] : memref<2048xf32, #tpu.memory_space<vmem_shared>> -> memref<2048xf32, #tpu.memory_space<vmem_shared>>
      tpu.enqueue_indirect_dma source(%dma_start3A_211 : memref<2048xf32, #tpu.memory_space<vmem_shared>>) target(%dma_start3A_206 : memref<128xf32, #tpu.memory_space<vmem>>) offsets(%dma_start3A_209 : memref<128xi32, #tpu.memory_space<vmem>>) semaphore(%arg32 : memref<!tpu.dma_semaphore, #tpu.memory_space<semaphore_mem>>)
      %mul3A_212 = arith.constant 8 : i32
      %mul3A_213 = arith.muli %scan3A_179, %mul3A_212 : i32
      %add3A_214 = arith.constant 2 : i32
      %add3A_215 = arith.addi %mul3A_213, %add3A_214 : i32
      %mul3A_216 = arith.constant 8 : i32
      %mul3A_217 = arith.muli %scan3A_179, %mul3A_216 : i32
      %add3A_218 = arith.constant 2 : i32
      %add3A_219 = arith.addi %mul3A_217, %add3A_218 : i32
      %dma_start3A_220 = arith.constant 0 : i32
      %dma_start3A_221 = tpu.memref_slice %arg19[%add3A_219, %dma_start3A_220] : memref<32x128xf32, #tpu.memory_space<vmem>> -> memref<1x128xf32, #tpu.memory_space<vmem>>
      %dma_start3A_222 = tpu.memref_squeeze %dma_start3A_221 : memref<1x128xf32, #tpu.memory_space<vmem>> -> memref<128xf32, #tpu.memory_space<vmem>>
      %dma_start3A_223 = arith.constant 0 : i32
      %dma_start3A_224 = tpu.memref_slice %arg16[%add3A_215, %dma_start3A_223] : memref<32x128xi32, #tpu.memory_space<vmem>> -> memref<1x128xi32, #tpu.memory_space<vmem>>
      %dma_start3A_225 = tpu.memref_squeeze %dma_start3A_224 : memref<1x128xi32, #tpu.memory_space<vmem>> -> memref<128xi32, #tpu.memory_space<vmem>>
      %dma_start3A_226 = arith.constant 0 : i32
      %dma_start3A_227 = tpu.memref_slice %arg30[%dma_start3A_226] : memref<2048xf32, #tpu.memory_space<vmem_shared>> -> memref<2048xf32, #tpu.memory_space<vmem_shared>>
      tpu.enqueue_indirect_dma source(%dma_start3A_227 : memref<2048xf32, #tpu.memory_space<vmem_shared>>) target(%dma_start3A_222 : memref<128xf32, #tpu.memory_space<vmem>>) offsets(%dma_start3A_225 : memref<128xi32, #tpu.memory_space<vmem>>) semaphore(%arg32 : memref<!tpu.dma_semaphore, #tpu.memory_space<semaphore_mem>>)
      %mul3A_228 = arith.constant 8 : i32
      %mul3A_229 = arith.muli %scan3A_179, %mul3A_228 : i32
      %add3A_230 = arith.constant 3 : i32
      %add3A_231 = arith.addi %mul3A_229, %add3A_230 : i32
      %mul3A_232 = arith.constant 8 : i32
      %mul3A_233 = arith.muli %scan3A_179, %mul3A_232 : i32
      %add3A_234 = arith.constant 3 : i32
      %add3A_235 = arith.addi %mul3A_233, %add3A_234 : i32
      %dma_start3A_236 = arith.constant 0 : i32
      %dma_start3A_237 = tpu.memref_slice %arg19[%add3A_235, %dma_start3A_236] : memref<32x128xf32, #tpu.memory_space<vmem>> -> memref<1x128xf32, #tpu.memory_space<vmem>>
      %dma_start3A_238 = tpu.memref_squeeze %dma_start3A_237 : memref<1x128xf32, #tpu.memory_space<vmem>> -> memref<128xf32, #tpu.memory_space<vmem>>
      %dma_start3A_239 = arith.constant 0 : i32
      %dma_start3A_240 = tpu.memref_slice %arg16[%add3A_231, %dma_start3A_239] : memref<32x128xi32, #tpu.memory_space<vmem>> -> memref<1x128xi32, #tpu.memory_space<vmem>>
      %dma_start3A_241 = tpu.memref_squeeze %dma_start3A_240 : memref<1x128xi32, #tpu.memory_space<vmem>> -> memref<128xi32, #tpu.memory_space<vmem>>
      %dma_start3A_242 = arith.constant 0 : i32
      %dma_start3A_243 = tpu.memref_slice %arg30[%dma_start3A_242] : memref<2048xf32, #tpu.memory_space<vmem_shared>> -> memref<2048xf32, #tpu.memory_space<vmem_shared>>
      tpu.enqueue_indirect_dma source(%dma_start3A_243 : memref<2048xf32, #tpu.memory_space<vmem_shared>>) target(%dma_start3A_238 : memref<128xf32, #tpu.memory_space<vmem>>) offsets(%dma_start3A_241 : memref<128xi32, #tpu.memory_space<vmem>>) semaphore(%arg32 : memref<!tpu.dma_semaphore, #tpu.memory_space<semaphore_mem>>)
      %mul3A_244 = arith.constant 8 : i32
      %mul3A_245 = arith.muli %scan3A_179, %mul3A_244 : i32
      %add3A_246 = arith.constant 4 : i32
      %add3A_247 = arith.addi %mul3A_245, %add3A_246 : i32
      %mul3A_248 = arith.constant 8 : i32
      %mul3A_249 = arith.muli %scan3A_179, %mul3A_248 : i32
      %add3A_250 = arith.constant 4 : i32
      %add3A_251 = arith.addi %mul3A_249, %add3A_250 : i32
      %dma_start3A_252 = arith.constant 0 : i32
      %dma_start3A_253 = tpu.memref_slice %arg19[%add3A_251, %dma_start3A_252] : memref<32x128xf32, #tpu.memory_space<vmem>> -> memref<1x128xf32, #tpu.memory_space<vmem>>
      %dma_start3A_254 = tpu.memref_squeeze %dma_start3A_253 : memref<1x128xf32, #tpu.memory_space<vmem>> -> memref<128xf32, #tpu.memory_space<vmem>>
      %dma_start3A_255 = arith.constant 0 : i32
      %dma_start3A_256 = tpu.memref_slice %arg16[%add3A_247, %dma_start3A_255] : memref<32x128xi32, #tpu.memory_space<vmem>> -> memref<1x128xi32, #tpu.memory_space<vmem>>
      %dma_start3A_257 = tpu.memref_squeeze %dma_start3A_256 : memref<1x128xi32, #tpu.memory_space<vmem>> -> memref<128xi32, #tpu.memory_space<vmem>>
      %dma_start3A_258 = arith.constant 0 : i32
      %dma_start3A_259 = tpu.memref_slice %arg30[%dma_start3A_258] : memref<2048xf32, #tpu.memory_space<vmem_shared>> -> memref<2048xf32, #tpu.memory_space<vmem_shared>>
      tpu.enqueue_indirect_dma source(%dma_start3A_259 : memref<2048xf32, #tpu.memory_space<vmem_shared>>) target(%dma_start3A_254 : memref<128xf32, #tpu.memory_space<vmem>>) offsets(%dma_start3A_257 : memref<128xi32, #tpu.memory_space<vmem>>) semaphore(%arg32 : memref<!tpu.dma_semaphore, #tpu.memory_space<semaphore_mem>>)
      %mul3A_260 = arith.constant 8 : i32
      %mul3A_261 = arith.muli %scan3A_179, %mul3A_260 : i32
      %add3A_262 = arith.constant 5 : i32
      %add3A_263 = arith.addi %mul3A_261, %add3A_262 : i32
      %mul3A_264 = arith.constant 8 : i32
      %mul3A_265 = arith.muli %scan3A_179, %mul3A_264 : i32
      %add3A_266 = arith.constant 5 : i32
      %add3A_267 = arith.addi %mul3A_265, %add3A_266 : i32
      %dma_start3A_268 = arith.constant 0 : i32
      %dma_start3A_269 = tpu.memref_slice %arg19[%add3A_267, %dma_start3A_268] : memref<32x128xf32, #tpu.memory_space<vmem>> -> memref<1x128xf32, #tpu.memory_space<vmem>>
      %dma_start3A_270 = tpu.memref_squeeze %dma_start3A_269 : memref<1x128xf32, #tpu.memory_space<vmem>> -> memref<128xf32, #tpu.memory_space<vmem>>
      %dma_start3A_271 = arith.constant 0 : i32
      %dma_start3A_272 = tpu.memref_slice %arg16[%add3A_263, %dma_start3A_271] : memref<32x128xi32, #tpu.memory_space<vmem>> -> memref<1x128xi32, #tpu.memory_space<vmem>>
      %dma_start3A_273 = tpu.memref_squeeze %dma_start3A_272 : memref<1x128xi32, #tpu.memory_space<vmem>> -> memref<128xi32, #tpu.memory_space<vmem>>
      %dma_start3A_274 = arith.constant 0 : i32
      %dma_start3A_275 = tpu.memref_slice %arg30[%dma_start3A_274] : memref<2048xf32, #tpu.memory_space<vmem_shared>> -> memref<2048xf32, #tpu.memory_space<vmem_shared>>
      tpu.enqueue_indirect_dma source(%dma_start3A_275 : memref<2048xf32, #tpu.memory_space<vmem_shared>>) target(%dma_start3A_270 : memref<128xf32, #tpu.memory_space<vmem>>) offsets(%dma_start3A_273 : memref<128xi32, #tpu.memory_space<vmem>>) semaphore(%arg32 : memref<!tpu.dma_semaphore, #tpu.memory_space<semaphore_mem>>)
      %mul3A_276 = arith.constant 8 : i32
      %mul3A_277 = arith.muli %scan3A_179, %mul3A_276 : i32
      %add3A_278 = arith.constant 6 : i32
      %add3A_279 = arith.addi %mul3A_277, %add3A_278 : i32
      %mul3A_280 = arith.constant 8 : i32
      %mul3A_281 = arith.muli %scan3A_179, %mul3A_280 : i32
      %add3A_282 = arith.constant 6 : i32
      %add3A_283 = arith.addi %mul3A_281, %add3A_282 : i32
      %dma_start3A_284 = arith.constant 0 : i32
      %dma_start3A_285 = tpu.memref_slice %arg19[%add3A_283, %dma_start3A_284] : memref<32x128xf32, #tpu.memory_space<vmem>> -> memref<1x128xf32, #tpu.memory_space<vmem>>
      %dma_start3A_286 = tpu.memref_squeeze %dma_start3A_285 : memref<1x128xf32, #tpu.memory_space<vmem>> -> memref<128xf32, #tpu.memory_space<vmem>>
      %dma_start3A_287 = arith.constant 0 : i32
      %dma_start3A_288 = tpu.memref_slice %arg16[%add3A_279, %dma_start3A_287] : memref<32x128xi32, #tpu.memory_space<vmem>> -> memref<1x128xi32, #tpu.memory_space<vmem>>
      %dma_start3A_289 = tpu.memref_squeeze %dma_start3A_288 : memref<1x128xi32, #tpu.memory_space<vmem>> -> memref<128xi32, #tpu.memory_space<vmem>>
      %dma_start3A_290 = arith.constant 0 : i32
      %dma_start3A_291 = tpu.memref_slice %arg30[%dma_start3A_290] : memref<2048xf32, #tpu.memory_space<vmem_shared>> -> memref<2048xf32, #tpu.memory_space<vmem_shared>>
      tpu.enqueue_indirect_dma source(%dma_start3A_291 : memref<2048xf32, #tpu.memory_space<vmem_shared>>) target(%dma_start3A_286 : memref<128xf32, #tpu.memory_space<vmem>>) offsets(%dma_start3A_289 : memref<128xi32, #tpu.memory_space<vmem>>) semaphore(%arg32 : memref<!tpu.dma_semaphore, #tpu.memory_space<semaphore_mem>>)
      %mul3A_292 = arith.constant 8 : i32
      %mul3A_293 = arith.muli %scan3A_179, %mul3A_292 : i32
      %add3A_294 = arith.constant 7 : i32
      %add3A_295 = arith.addi %mul3A_293, %add3A_294 : i32
      %mul3A_296 = arith.constant 8 : i32
      %mul3A_297 = arith.muli %scan3A_179, %mul3A_296 : i32
      %add3A_298 = arith.constant 7 : i32
      %add3A_299 = arith.addi %mul3A_297, %add3A_298 : i32
      %dma_start3A_300 = arith.constant 0 : i32
      %dma_start3A_301 = tpu.memref_slice %arg19[%add3A_299, %dma_start3A_300] : memref<32x128xf32, #tpu.memory_space<vmem>> -> memref<1x128xf32, #tpu.memory_space<vmem>>
      %dma_start3A_302 = tpu.memref_squeeze %dma_start3A_301 : memref<1x128xf32, #tpu.memory_space<vmem>> -> memref<128xf32, #tpu.memory_space<vmem>>
      %dma_start3A_303 = arith.constant 0 : i32
      %dma_start3A_304 = tpu.memref_slice %arg16[%add3A_295, %dma_start3A_303] : memref<32x128xi32, #tpu.memory_space<vmem>> -> memref<1x128xi32, #tpu.memory_space<vmem>>
      %dma_start3A_305 = tpu.memref_squeeze %dma_start3A_304 : memref<1x128xi32, #tpu.memory_space<vmem>> -> memref<128xi32, #tpu.memory_space<vmem>>
      %dma_start3A_306 = arith.constant 0 : i32
      %dma_start3A_307 = tpu.memref_slice %arg30[%dma_start3A_306] : memref<2048xf32, #tpu.memory_space<vmem_shared>> -> memref<2048xf32, #tpu.memory_space<vmem_shared>>
      tpu.enqueue_indirect_dma source(%dma_start3A_307 : memref<2048xf32, #tpu.memory_space<vmem_shared>>) target(%dma_start3A_302 : memref<128xf32, #tpu.memory_space<vmem>>) offsets(%dma_start3A_305 : memref<128xi32, #tpu.memory_space<vmem>>) semaphore(%arg32 : memref<!tpu.dma_semaphore, #tpu.memory_space<semaphore_mem>>)
      %dma_wait3A = arith.constant 0 : i32
      %dma_wait3A_308 = tpu.memref_slice %arg19[%add3A_188, %dma_wait3A] : memref<32x128xf32, #tpu.memory_space<vmem>> -> memref<1x128xf32, #tpu.memory_space<vmem>>
      %dma_wait3A_309 = tpu.memref_squeeze %dma_wait3A_308 : memref<1x128xf32, #tpu.memory_space<vmem>> -> memref<128xf32, #tpu.memory_space<vmem>>
      %dma_wait3A_310 = arith.constant 0 : i32
      %dma_wait3A_311 = tpu.memref_slice %arg16[%add3A_184, %dma_wait3A_310] : memref<32x128xi32, #tpu.memory_space<vmem>> -> memref<1x128xi32, #tpu.memory_space<vmem>>
      %dma_wait3A_312 = tpu.memref_squeeze %dma_wait3A_311 : memref<1x128xi32, #tpu.memory_space<vmem>> -> memref<128xi32, #tpu.memory_space<vmem>>
      %dma_wait3A_313 = arith.constant 0 : i32
      %dma_wait3A_314 = tpu.memref_slice %arg30[%dma_wait3A_313] : memref<2048xf32, #tpu.memory_space<vmem_shared>> -> memref<2048xf32, #tpu.memory_space<vmem_shared>>
      tpu.wait_indirect_dma semaphore(%arg32 : memref<!tpu.dma_semaphore, #tpu.memory_space<semaphore_mem>>) src(%dma_wait3A_314 : memref<2048xf32, #tpu.memory_space<vmem_shared>>) dst(%dma_wait3A_309 : memref<128xf32, #tpu.memory_space<vmem>>)
      %dma_wait3A_315 = arith.constant 0 : i32
      %dma_wait3A_316 = tpu.memref_slice %arg19[%add3A_203, %dma_wait3A_315] : memref<32x128xf32, #tpu.memory_space<vmem>> -> memref<1x128xf32, #tpu.memory_space<vmem>>
      %dma_wait3A_317 = tpu.memref_squeeze %dma_wait3A_316 : memref<1x128xf32, #tpu.memory_space<vmem>> -> memref<128xf32, #tpu.memory_space<vmem>>
      %dma_wait3A_318 = arith.constant 0 : i32
      %dma_wait3A_319 = tpu.memref_slice %arg16[%add3A_199, %dma_wait3A_318] : memref<32x128xi32, #tpu.memory_space<vmem>> -> memref<1x128xi32, #tpu.memory_space<vmem>>
      %dma_wait3A_320 = tpu.memref_squeeze %dma_wait3A_319 : memref<1x128xi32, #tpu.memory_space<vmem>> -> memref<128xi32, #tpu.memory_space<vmem>>
      %dma_wait3A_321 = arith.constant 0 : i32
      %dma_wait3A_322 = tpu.memref_slice %arg30[%dma_wait3A_321] : memref<2048xf32, #tpu.memory_space<vmem_shared>> -> memref<2048xf32, #tpu.memory_space<vmem_shared>>
      tpu.wait_indirect_dma semaphore(%arg32 : memref<!tpu.dma_semaphore, #tpu.memory_space<semaphore_mem>>) src(%dma_wait3A_322 : memref<2048xf32, #tpu.memory_space<vmem_shared>>) dst(%dma_wait3A_317 : memref<128xf32, #tpu.memory_space<vmem>>)
      %dma_wait3A_323 = arith.constant 0 : i32
      %dma_wait3A_324 = tpu.memref_slice %arg19[%add3A_219, %dma_wait3A_323] : memref<32x128xf32, #tpu.memory_space<vmem>> -> memref<1x128xf32, #tpu.memory_space<vmem>>
      %dma_wait3A_325 = tpu.memref_squeeze %dma_wait3A_324 : memref<1x128xf32, #tpu.memory_space<vmem>> -> memref<128xf32, #tpu.memory_space<vmem>>
      %dma_wait3A_326 = arith.constant 0 : i32
      %dma_wait3A_327 = tpu.memref_slice %arg16[%add3A_215, %dma_wait3A_326] : memref<32x128xi32, #tpu.memory_space<vmem>> -> memref<1x128xi32, #tpu.memory_space<vmem>>
      %dma_wait3A_328 = tpu.memref_squeeze %dma_wait3A_327 : memref<1x128xi32, #tpu.memory_space<vmem>> -> memref<128xi32, #tpu.memory_space<vmem>>
      %dma_wait3A_329 = arith.constant 0 : i32
      %dma_wait3A_330 = tpu.memref_slice %arg30[%dma_wait3A_329] : memref<2048xf32, #tpu.memory_space<vmem_shared>> -> memref<2048xf32, #tpu.memory_space<vmem_shared>>
      tpu.wait_indirect_dma semaphore(%arg32 : memref<!tpu.dma_semaphore, #tpu.memory_space<semaphore_mem>>) src(%dma_wait3A_330 : memref<2048xf32, #tpu.memory_space<vmem_shared>>) dst(%dma_wait3A_325 : memref<128xf32, #tpu.memory_space<vmem>>)
      %dma_wait3A_331 = arith.constant 0 : i32
      %dma_wait3A_332 = tpu.memref_slice %arg19[%add3A_235, %dma_wait3A_331] : memref<32x128xf32, #tpu.memory_space<vmem>> -> memref<1x128xf32, #tpu.memory_space<vmem>>
      %dma_wait3A_333 = tpu.memref_squeeze %dma_wait3A_332 : memref<1x128xf32, #tpu.memory_space<vmem>> -> memref<128xf32, #tpu.memory_space<vmem>>
      %dma_wait3A_334 = arith.constant 0 : i32
      %dma_wait3A_335 = tpu.memref_slice %arg16[%add3A_231, %dma_wait3A_334] : memref<32x128xi32, #tpu.memory_space<vmem>> -> memref<1x128xi32, #tpu.memory_space<vmem>>
      %dma_wait3A_336 = tpu.memref_squeeze %dma_wait3A_335 : memref<1x128xi32, #tpu.memory_space<vmem>> -> memref<128xi32, #tpu.memory_space<vmem>>
      %dma_wait3A_337 = arith.constant 0 : i32
      %dma_wait3A_338 = tpu.memref_slice %arg30[%dma_wait3A_337] : memref<2048xf32, #tpu.memory_space<vmem_shared>> -> memref<2048xf32, #tpu.memory_space<vmem_shared>>
      tpu.wait_indirect_dma semaphore(%arg32 : memref<!tpu.dma_semaphore, #tpu.memory_space<semaphore_mem>>) src(%dma_wait3A_338 : memref<2048xf32, #tpu.memory_space<vmem_shared>>) dst(%dma_wait3A_333 : memref<128xf32, #tpu.memory_space<vmem>>)
      %dma_wait3A_339 = arith.constant 0 : i32
      %dma_wait3A_340 = tpu.memref_slice %arg19[%add3A_251, %dma_wait3A_339] : memref<32x128xf32, #tpu.memory_space<vmem>> -> memref<1x128xf32, #tpu.memory_space<vmem>>
      %dma_wait3A_341 = tpu.memref_squeeze %dma_wait3A_340 : memref<1x128xf32, #tpu.memory_space<vmem>> -> memref<128xf32, #tpu.memory_space<vmem>>
      %dma_wait3A_342 = arith.constant 0 : i32
      %dma_wait3A_343 = tpu.memref_slice %arg16[%add3A_247, %dma_wait3A_342] : memref<32x128xi32, #tpu.memory_space<vmem>> -> memref<1x128xi32, #tpu.memory_space<vmem>>
      %dma_wait3A_344 = tpu.memref_squeeze %dma_wait3A_343 : memref<1x128xi32, #tpu.memory_space<vmem>> -> memref<128xi32, #tpu.memory_space<vmem>>
      %dma_wait3A_345 = arith.constant 0 : i32
      %dma_wait3A_346 = tpu.memref_slice %arg30[%dma_wait3A_345] : memref<2048xf32, #tpu.memory_space<vmem_shared>> -> memref<2048xf32, #tpu.memory_space<vmem_shared>>
      tpu.wait_indirect_dma semaphore(%arg32 : memref<!tpu.dma_semaphore, #tpu.memory_space<semaphore_mem>>) src(%dma_wait3A_346 : memref<2048xf32, #tpu.memory_space<vmem_shared>>) dst(%dma_wait3A_341 : memref<128xf32, #tpu.memory_space<vmem>>)
      %dma_wait3A_347 = arith.constant 0 : i32
      %dma_wait3A_348 = tpu.memref_slice %arg19[%add3A_267, %dma_wait3A_347] : memref<32x128xf32, #tpu.memory_space<vmem>> -> memref<1x128xf32, #tpu.memory_space<vmem>>
      %dma_wait3A_349 = tpu.memref_squeeze %dma_wait3A_348 : memref<1x128xf32, #tpu.memory_space<vmem>> -> memref<128xf32, #tpu.memory_space<vmem>>
      %dma_wait3A_350 = arith.constant 0 : i32
      %dma_wait3A_351 = tpu.memref_slice %arg16[%add3A_263, %dma_wait3A_350] : memref<32x128xi32, #tpu.memory_space<vmem>> -> memref<1x128xi32, #tpu.memory_space<vmem>>
      %dma_wait3A_352 = tpu.memref_squeeze %dma_wait3A_351 : memref<1x128xi32, #tpu.memory_space<vmem>> -> memref<128xi32, #tpu.memory_space<vmem>>
      %dma_wait3A_353 = arith.constant 0 : i32
      %dma_wait3A_354 = tpu.memref_slice %arg30[%dma_wait3A_353] : memref<2048xf32, #tpu.memory_space<vmem_shared>> -> memref<2048xf32, #tpu.memory_space<vmem_shared>>
      tpu.wait_indirect_dma semaphore(%arg32 : memref<!tpu.dma_semaphore, #tpu.memory_space<semaphore_mem>>) src(%dma_wait3A_354 : memref<2048xf32, #tpu.memory_space<vmem_shared>>) dst(%dma_wait3A_349 : memref<128xf32, #tpu.memory_space<vmem>>)
      %dma_wait3A_355 = arith.constant 0 : i32
      %dma_wait3A_356 = tpu.memref_slice %arg19[%add3A_283, %dma_wait3A_355] : memref<32x128xf32, #tpu.memory_space<vmem>> -> memref<1x128xf32, #tpu.memory_space<vmem>>
      %dma_wait3A_357 = tpu.memref_squeeze %dma_wait3A_356 : memref<1x128xf32, #tpu.memory_space<vmem>> -> memref<128xf32, #tpu.memory_space<vmem>>
      %dma_wait3A_358 = arith.constant 0 : i32
      %dma_wait3A_359 = tpu.memref_slice %arg16[%add3A_279, %dma_wait3A_358] : memref<32x128xi32, #tpu.memory_space<vmem>> -> memref<1x128xi32, #tpu.memory_space<vmem>>
      %dma_wait3A_360 = tpu.memref_squeeze %dma_wait3A_359 : memref<1x128xi32, #tpu.memory_space<vmem>> -> memref<128xi32, #tpu.memory_space<vmem>>
      %dma_wait3A_361 = arith.constant 0 : i32
      %dma_wait3A_362 = tpu.memref_slice %arg30[%dma_wait3A_361] : memref<2048xf32, #tpu.memory_space<vmem_shared>> -> memref<2048xf32, #tpu.memory_space<vmem_shared>>
      tpu.wait_indirect_dma semaphore(%arg32 : memref<!tpu.dma_semaphore, #tpu.memory_space<semaphore_mem>>) src(%dma_wait3A_362 : memref<2048xf32, #tpu.memory_space<vmem_shared>>) dst(%dma_wait3A_357 : memref<128xf32, #tpu.memory_space<vmem>>)
      %dma_wait3A_363 = arith.constant 0 : i32
      %dma_wait3A_364 = tpu.memref_slice %arg19[%add3A_299, %dma_wait3A_363] : memref<32x128xf32, #tpu.memory_space<vmem>> -> memref<1x128xf32, #tpu.memory_space<vmem>>
      %dma_wait3A_365 = tpu.memref_squeeze %dma_wait3A_364 : memref<1x128xf32, #tpu.memory_space<vmem>> -> memref<128xf32, #tpu.memory_space<vmem>>
      %dma_wait3A_366 = arith.constant 0 : i32
      %dma_wait3A_367 = tpu.memref_slice %arg16[%add3A_295, %dma_wait3A_366] : memref<32x128xi32, #tpu.memory_space<vmem>> -> memref<1x128xi32, #tpu.memory_space<vmem>>
      %dma_wait3A_368 = tpu.memref_squeeze %dma_wait3A_367 : memref<1x128xi32, #tpu.memory_space<vmem>> -> memref<128xi32, #tpu.memory_space<vmem>>
      %dma_wait3A_369 = arith.constant 0 : i32
      %dma_wait3A_370 = tpu.memref_slice %arg30[%dma_wait3A_369] : memref<2048xf32, #tpu.memory_space<vmem_shared>> -> memref<2048xf32, #tpu.memory_space<vmem_shared>>
      tpu.wait_indirect_dma semaphore(%arg32 : memref<!tpu.dma_semaphore, #tpu.memory_space<semaphore_mem>>) src(%dma_wait3A_370 : memref<2048xf32, #tpu.memory_space<vmem_shared>>) dst(%dma_wait3A_365 : memref<128xf32, #tpu.memory_space<vmem>>)
      %scan3A_371 = arith.constant 0 : i32
      scf.yield %scan3A_371 : i32
    }
    %scan3A_178 = arith.constant 4 : i32
    "tpu.region"() ({
      %run_scoped3A = tpu.sem_alloc : memref<!tpu.dma_semaphore, #tpu.memory_space<semaphore_mem>>
      %dma_start3A = arith.constant 0 : i32
      %dma_start3A_179 = tpu.memref_slice %arg10[%mul3A_56, %dma_start3A] : memref<1024x128xf32, #tpu.memory_space<hbm>> -> memref<32x128xf32, #tpu.memory_space<hbm>>
      %dma_start3A_180 = arith.constant 0 : i32
      %dma_start3A_181 = tpu.memref_slice %arg10[%mul3A_56, %dma_start3A_180] : memref<1024x128xf32, #tpu.memory_space<hbm>> -> memref<32x128xf32, #tpu.memory_space<hbm>>
      tpu.enqueue_dma source(%arg19 : memref<32x128xf32, #tpu.memory_space<vmem>>) target(%dma_start3A_181 : memref<32x128xf32, #tpu.memory_space<hbm>>) target_semaphore(%run_scoped3A : memref<!tpu.dma_semaphore, #tpu.memory_space<semaphore_mem>>)
      %dma_wait3A = arith.constant 0 : i32
      %dma_wait3A_182 = tpu.memref_slice %arg10[%mul3A_56, %dma_wait3A] : memref<1024x128xf32, #tpu.memory_space<hbm>> -> memref<32x128xf32, #tpu.memory_space<hbm>>
      %dma_wait3A_183 = arith.constant 0 : i32
      %dma_wait3A_184 = tpu.memref_slice %arg10[%mul3A_56, %dma_wait3A_183] : memref<1024x128xf32, #tpu.memory_space<hbm>> -> memref<32x128xf32, #tpu.memory_space<hbm>>
      tpu.wait_dma2 semaphore(%run_scoped3A : memref<!tpu.dma_semaphore, #tpu.memory_space<semaphore_mem>>) src(%arg19 : memref<32x128xf32, #tpu.memory_space<vmem>>) dst(%dma_wait3A_184 : memref<32x128xf32, #tpu.memory_space<hbm>>)
      tpu.yield
    }) : () -> ()
    return
  }
}

#map = affine_map<(d0, d1) -> (0, 0)>
#map1 = affine_map<(d0, d1) -> (0)>
module attributes {stable_mosaic.version = 14 : i64} {
  func.func @_sc_c_body(%arg0: i32, %arg1: i32, %arg2: memref<1024x128xi32, #tpu.memory_space<hbm>>, %arg3: memref<1024x128xf32, #tpu.memory_space<hbm>>, %arg4: memref<512xf32, #tpu.memory_space<hbm>>, %arg5: memref<2x8192xf32, #tpu.memory_space<hbm>>, %arg6: memref<32x128xi32, #tpu.memory_space<vmem>>, %arg7: memref<32x128xf32, #tpu.memory_space<vmem>>, %arg8: memref<512xf32, #tpu.memory_space<vmem>>, %arg9: memref<8192xf32, #tpu.memory_space<vmem_shared>>, %arg10: memref<!tpu.dma_semaphore, #tpu.memory_space<semaphore_mem>>) attributes {dimension_semantics = [#tpu.dimension_semantics<core_parallel>, #tpu.dimension_semantics<subcore_parallel>], iteration_bounds = array<i64: 2, 16>, scalar_prefetch = 0 : i64, scratch_operands = 5 : i64, tpu.core_type = #tpu.core_type<sc_vector_subcore>, window_params = [{transform_indices = #map}, {transform_indices = #map}, {transform_indices = #map1}, {transform_indices = #map}]} {
    "tpu.region"() ({
      %run_scoped3A = tpu.sem_alloc : memref<!tpu.dma_semaphore, #tpu.memory_space<semaphore_mem>>
      tpu.enqueue_dma source(%arg4 : memref<512xf32, #tpu.memory_space<hbm>>) target(%arg8 : memref<512xf32, #tpu.memory_space<vmem>>) target_semaphore(%run_scoped3A : memref<!tpu.dma_semaphore, #tpu.memory_space<semaphore_mem>>)
      tpu.wait_dma2 semaphore(%run_scoped3A : memref<!tpu.dma_semaphore, #tpu.memory_space<semaphore_mem>>) src(%arg4 : memref<512xf32, #tpu.memory_space<hbm>>) dst(%arg8 : memref<512xf32, #tpu.memory_space<vmem>>)
      tpu.yield
    }) : () -> ()
    %mul3A = arith.constant 512 : i32
    %mul3A_0 = arith.muli %arg1, %mul3A : i32
    "tpu.region"() ({
      %run_scoped3A = tpu.sem_alloc : memref<!tpu.dma_semaphore, #tpu.memory_space<semaphore_mem>>
      %dma_start3A = tpu.memref_slice %arg9[%mul3A_0] : memref<8192xf32, #tpu.memory_space<vmem_shared>> -> memref<512xf32, #tpu.memory_space<vmem_shared>>
      %dma_start3A_14 = tpu.memref_slice %arg9[%mul3A_0] : memref<8192xf32, #tpu.memory_space<vmem_shared>> -> memref<512xf32, #tpu.memory_space<vmem_shared>>
      tpu.enqueue_dma source(%arg8 : memref<512xf32, #tpu.memory_space<vmem>>) target(%dma_start3A_14 : memref<512xf32, #tpu.memory_space<vmem_shared>>) target_semaphore(%run_scoped3A : memref<!tpu.dma_semaphore, #tpu.memory_space<semaphore_mem>>)
      %dma_wait3A = tpu.memref_slice %arg9[%mul3A_0] : memref<8192xf32, #tpu.memory_space<vmem_shared>> -> memref<512xf32, #tpu.memory_space<vmem_shared>>
      %dma_wait3A_15 = tpu.memref_slice %arg9[%mul3A_0] : memref<8192xf32, #tpu.memory_space<vmem_shared>> -> memref<512xf32, #tpu.memory_space<vmem_shared>>
      tpu.wait_dma2 semaphore(%run_scoped3A : memref<!tpu.dma_semaphore, #tpu.memory_space<semaphore_mem>>) src(%arg8 : memref<512xf32, #tpu.memory_space<vmem>>) dst(%dma_wait3A_15 : memref<512xf32, #tpu.memory_space<vmem_shared>>)
      tpu.yield
    }) : () -> ()
    %mul3A_1 = arith.constant 512 : i32
    %mul3A_2 = arith.muli %arg0, %mul3A_1 : i32
    %mul3A_3 = arith.constant 32 : i32
    %mul3A_4 = arith.muli %arg1, %mul3A_3 : i32
    %add3A = arith.addi %mul3A_2, %mul3A_4 : i32
    "tpu.region"() ({
      %run_scoped3A = tpu.sem_alloc : memref<!tpu.dma_semaphore, #tpu.memory_space<semaphore_mem>>
      %dma_start3A = arith.constant 0 : i32
      %dma_start3A_14 = tpu.memref_slice %arg2[%add3A, %dma_start3A] : memref<1024x128xi32, #tpu.memory_space<hbm>> -> memref<32x128xi32, #tpu.memory_space<hbm>>
      %dma_start3A_15 = arith.constant 0 : i32
      %dma_start3A_16 = tpu.memref_slice %arg2[%add3A, %dma_start3A_15] : memref<1024x128xi32, #tpu.memory_space<hbm>> -> memref<32x128xi32, #tpu.memory_space<hbm>>
      tpu.enqueue_dma source(%dma_start3A_16 : memref<32x128xi32, #tpu.memory_space<hbm>>) target(%arg6 : memref<32x128xi32, #tpu.memory_space<vmem>>) target_semaphore(%run_scoped3A : memref<!tpu.dma_semaphore, #tpu.memory_space<semaphore_mem>>)
      %dma_wait3A = arith.constant 0 : i32
      %dma_wait3A_17 = tpu.memref_slice %arg2[%add3A, %dma_wait3A] : memref<1024x128xi32, #tpu.memory_space<hbm>> -> memref<32x128xi32, #tpu.memory_space<hbm>>
      %dma_wait3A_18 = arith.constant 0 : i32
      %dma_wait3A_19 = tpu.memref_slice %arg2[%add3A, %dma_wait3A_18] : memref<1024x128xi32, #tpu.memory_space<hbm>> -> memref<32x128xi32, #tpu.memory_space<hbm>>
      tpu.wait_dma2 semaphore(%run_scoped3A : memref<!tpu.dma_semaphore, #tpu.memory_space<semaphore_mem>>) src(%dma_wait3A_19 : memref<32x128xi32, #tpu.memory_space<hbm>>) dst(%arg6 : memref<32x128xi32, #tpu.memory_space<vmem>>)
      tpu.yield
    }) : () -> ()
    "tpu.region"() ({
      %run_scoped3A = tpu.sem_alloc : memref<!tpu.dma_semaphore, #tpu.memory_space<semaphore_mem>>
      %dma_start3A = arith.constant 0 : i32
      %dma_start3A_14 = tpu.memref_slice %arg3[%add3A, %dma_start3A] : memref<1024x128xf32, #tpu.memory_space<hbm>> -> memref<32x128xf32, #tpu.memory_space<hbm>>
      %dma_start3A_15 = arith.constant 0 : i32
      %dma_start3A_16 = tpu.memref_slice %arg3[%add3A, %dma_start3A_15] : memref<1024x128xf32, #tpu.memory_space<hbm>> -> memref<32x128xf32, #tpu.memory_space<hbm>>
      tpu.enqueue_dma source(%dma_start3A_16 : memref<32x128xf32, #tpu.memory_space<hbm>>) target(%arg7 : memref<32x128xf32, #tpu.memory_space<vmem>>) target_semaphore(%run_scoped3A : memref<!tpu.dma_semaphore, #tpu.memory_space<semaphore_mem>>)
      %dma_wait3A = arith.constant 0 : i32
      %dma_wait3A_17 = tpu.memref_slice %arg3[%add3A, %dma_wait3A] : memref<1024x128xf32, #tpu.memory_space<hbm>> -> memref<32x128xf32, #tpu.memory_space<hbm>>
      %dma_wait3A_18 = arith.constant 0 : i32
      %dma_wait3A_19 = tpu.memref_slice %arg3[%add3A, %dma_wait3A_18] : memref<1024x128xf32, #tpu.memory_space<hbm>> -> memref<32x128xf32, #tpu.memory_space<hbm>>
      tpu.wait_dma2 semaphore(%run_scoped3A : memref<!tpu.dma_semaphore, #tpu.memory_space<semaphore_mem>>) src(%dma_wait3A_19 : memref<32x128xf32, #tpu.memory_space<hbm>>) dst(%arg7 : memref<32x128xf32, #tpu.memory_space<vmem>>)
      tpu.yield
    }) : () -> ()
    %barrier3A = arith.constant 0 : index
    tpu.barrier barrier_id(%barrier3A)
    %scan3A = arith.constant 0 : i32
    %scan3A_5 = arith.constant 0 : i32
    %scan3A_6 = arith.constant 4 : i32
    %scan3A_7 = arith.addi %scan3A_5, %scan3A_6 : i32
    %scan3A_8 = arith.constant 1 : i32
    %scan3A_9 = scf.for %scan3A_14 = %scan3A_5 to %scan3A_7 step %scan3A_8 iter_args(%scan3A_15 = %scan3A) -> (i32)  : i32 {
      %mul3A_16 = arith.constant 8 : i32
      %mul3A_17 = arith.muli %scan3A_14, %mul3A_16 : i32
      %add3A_18 = arith.constant 0 : i32
      %add3A_19 = arith.addi %mul3A_17, %add3A_18 : i32
      %mul3A_20 = arith.constant 8 : i32
      %mul3A_21 = arith.muli %scan3A_14, %mul3A_20 : i32
      %add3A_22 = arith.constant 0 : i32
      %add3A_23 = arith.addi %mul3A_21, %add3A_22 : i32
      %dma_start3A = arith.constant 0 : i32
      %dma_start3A_24 = tpu.memref_slice %arg7[%add3A_19, %dma_start3A] : memref<32x128xf32, #tpu.memory_space<vmem>> -> memref<1x128xf32, #tpu.memory_space<vmem>>
      %dma_start3A_25 = tpu.memref_squeeze %dma_start3A_24 : memref<1x128xf32, #tpu.memory_space<vmem>> -> memref<128xf32, #tpu.memory_space<vmem>>
      %dma_start3A_26 = arith.constant 0 : i32
      %dma_start3A_27 = tpu.memref_slice %arg6[%add3A_23, %dma_start3A_26] : memref<32x128xi32, #tpu.memory_space<vmem>> -> memref<1x128xi32, #tpu.memory_space<vmem>>
      %dma_start3A_28 = tpu.memref_squeeze %dma_start3A_27 : memref<1x128xi32, #tpu.memory_space<vmem>> -> memref<128xi32, #tpu.memory_space<vmem>>
      %dma_start3A_29 = arith.constant 0 : i32
      %dma_start3A_30 = tpu.memref_slice %arg9[%dma_start3A_29] : memref<8192xf32, #tpu.memory_space<vmem_shared>> -> memref<8192xf32, #tpu.memory_space<vmem_shared>>
      tpu.enqueue_indirect_dma source(%dma_start3A_25 : memref<128xf32, #tpu.memory_space<vmem>>) target(%dma_start3A_30 : memref<8192xf32, #tpu.memory_space<vmem_shared>>) offsets(%dma_start3A_28 : memref<128xi32, #tpu.memory_space<vmem>>) semaphore(%arg10 : memref<!tpu.dma_semaphore, #tpu.memory_space<semaphore_mem>>) {add = true}
      %mul3A_31 = arith.constant 8 : i32
      %mul3A_32 = arith.muli %scan3A_14, %mul3A_31 : i32
      %add3A_33 = arith.constant 1 : i32
      %add3A_34 = arith.addi %mul3A_32, %add3A_33 : i32
      %mul3A_35 = arith.constant 8 : i32
      %mul3A_36 = arith.muli %scan3A_14, %mul3A_35 : i32
      %add3A_37 = arith.constant 1 : i32
      %add3A_38 = arith.addi %mul3A_36, %add3A_37 : i32
      %dma_start3A_39 = arith.constant 0 : i32
      %dma_start3A_40 = tpu.memref_slice %arg7[%add3A_34, %dma_start3A_39] : memref<32x128xf32, #tpu.memory_space<vmem>> -> memref<1x128xf32, #tpu.memory_space<vmem>>
      %dma_start3A_41 = tpu.memref_squeeze %dma_start3A_40 : memref<1x128xf32, #tpu.memory_space<vmem>> -> memref<128xf32, #tpu.memory_space<vmem>>
      %dma_start3A_42 = arith.constant 0 : i32
      %dma_start3A_43 = tpu.memref_slice %arg6[%add3A_38, %dma_start3A_42] : memref<32x128xi32, #tpu.memory_space<vmem>> -> memref<1x128xi32, #tpu.memory_space<vmem>>
      %dma_start3A_44 = tpu.memref_squeeze %dma_start3A_43 : memref<1x128xi32, #tpu.memory_space<vmem>> -> memref<128xi32, #tpu.memory_space<vmem>>
      %dma_start3A_45 = arith.constant 0 : i32
      %dma_start3A_46 = tpu.memref_slice %arg9[%dma_start3A_45] : memref<8192xf32, #tpu.memory_space<vmem_shared>> -> memref<8192xf32, #tpu.memory_space<vmem_shared>>
      tpu.enqueue_indirect_dma source(%dma_start3A_41 : memref<128xf32, #tpu.memory_space<vmem>>) target(%dma_start3A_46 : memref<8192xf32, #tpu.memory_space<vmem_shared>>) offsets(%dma_start3A_44 : memref<128xi32, #tpu.memory_space<vmem>>) semaphore(%arg10 : memref<!tpu.dma_semaphore, #tpu.memory_space<semaphore_mem>>) {add = true}
      %mul3A_47 = arith.constant 8 : i32
      %mul3A_48 = arith.muli %scan3A_14, %mul3A_47 : i32
      %add3A_49 = arith.constant 2 : i32
      %add3A_50 = arith.addi %mul3A_48, %add3A_49 : i32
      %mul3A_51 = arith.constant 8 : i32
      %mul3A_52 = arith.muli %scan3A_14, %mul3A_51 : i32
      %add3A_53 = arith.constant 2 : i32
      %add3A_54 = arith.addi %mul3A_52, %add3A_53 : i32
      %dma_start3A_55 = arith.constant 0 : i32
      %dma_start3A_56 = tpu.memref_slice %arg7[%add3A_50, %dma_start3A_55] : memref<32x128xf32, #tpu.memory_space<vmem>> -> memref<1x128xf32, #tpu.memory_space<vmem>>
      %dma_start3A_57 = tpu.memref_squeeze %dma_start3A_56 : memref<1x128xf32, #tpu.memory_space<vmem>> -> memref<128xf32, #tpu.memory_space<vmem>>
      %dma_start3A_58 = arith.constant 0 : i32
      %dma_start3A_59 = tpu.memref_slice %arg6[%add3A_54, %dma_start3A_58] : memref<32x128xi32, #tpu.memory_space<vmem>> -> memref<1x128xi32, #tpu.memory_space<vmem>>
      %dma_start3A_60 = tpu.memref_squeeze %dma_start3A_59 : memref<1x128xi32, #tpu.memory_space<vmem>> -> memref<128xi32, #tpu.memory_space<vmem>>
      %dma_start3A_61 = arith.constant 0 : i32
      %dma_start3A_62 = tpu.memref_slice %arg9[%dma_start3A_61] : memref<8192xf32, #tpu.memory_space<vmem_shared>> -> memref<8192xf32, #tpu.memory_space<vmem_shared>>
      tpu.enqueue_indirect_dma source(%dma_start3A_57 : memref<128xf32, #tpu.memory_space<vmem>>) target(%dma_start3A_62 : memref<8192xf32, #tpu.memory_space<vmem_shared>>) offsets(%dma_start3A_60 : memref<128xi32, #tpu.memory_space<vmem>>) semaphore(%arg10 : memref<!tpu.dma_semaphore, #tpu.memory_space<semaphore_mem>>) {add = true}
      %mul3A_63 = arith.constant 8 : i32
      %mul3A_64 = arith.muli %scan3A_14, %mul3A_63 : i32
      %add3A_65 = arith.constant 3 : i32
      %add3A_66 = arith.addi %mul3A_64, %add3A_65 : i32
      %mul3A_67 = arith.constant 8 : i32
      %mul3A_68 = arith.muli %scan3A_14, %mul3A_67 : i32
      %add3A_69 = arith.constant 3 : i32
      %add3A_70 = arith.addi %mul3A_68, %add3A_69 : i32
      %dma_start3A_71 = arith.constant 0 : i32
      %dma_start3A_72 = tpu.memref_slice %arg7[%add3A_66, %dma_start3A_71] : memref<32x128xf32, #tpu.memory_space<vmem>> -> memref<1x128xf32, #tpu.memory_space<vmem>>
      %dma_start3A_73 = tpu.memref_squeeze %dma_start3A_72 : memref<1x128xf32, #tpu.memory_space<vmem>> -> memref<128xf32, #tpu.memory_space<vmem>>
      %dma_start3A_74 = arith.constant 0 : i32
      %dma_start3A_75 = tpu.memref_slice %arg6[%add3A_70, %dma_start3A_74] : memref<32x128xi32, #tpu.memory_space<vmem>> -> memref<1x128xi32, #tpu.memory_space<vmem>>
      %dma_start3A_76 = tpu.memref_squeeze %dma_start3A_75 : memref<1x128xi32, #tpu.memory_space<vmem>> -> memref<128xi32, #tpu.memory_space<vmem>>
      %dma_start3A_77 = arith.constant 0 : i32
      %dma_start3A_78 = tpu.memref_slice %arg9[%dma_start3A_77] : memref<8192xf32, #tpu.memory_space<vmem_shared>> -> memref<8192xf32, #tpu.memory_space<vmem_shared>>
      tpu.enqueue_indirect_dma source(%dma_start3A_73 : memref<128xf32, #tpu.memory_space<vmem>>) target(%dma_start3A_78 : memref<8192xf32, #tpu.memory_space<vmem_shared>>) offsets(%dma_start3A_76 : memref<128xi32, #tpu.memory_space<vmem>>) semaphore(%arg10 : memref<!tpu.dma_semaphore, #tpu.memory_space<semaphore_mem>>) {add = true}
      %mul3A_79 = arith.constant 8 : i32
      %mul3A_80 = arith.muli %scan3A_14, %mul3A_79 : i32
      %add3A_81 = arith.constant 4 : i32
      %add3A_82 = arith.addi %mul3A_80, %add3A_81 : i32
      %mul3A_83 = arith.constant 8 : i32
      %mul3A_84 = arith.muli %scan3A_14, %mul3A_83 : i32
      %add3A_85 = arith.constant 4 : i32
      %add3A_86 = arith.addi %mul3A_84, %add3A_85 : i32
      %dma_start3A_87 = arith.constant 0 : i32
      %dma_start3A_88 = tpu.memref_slice %arg7[%add3A_82, %dma_start3A_87] : memref<32x128xf32, #tpu.memory_space<vmem>> -> memref<1x128xf32, #tpu.memory_space<vmem>>
      %dma_start3A_89 = tpu.memref_squeeze %dma_start3A_88 : memref<1x128xf32, #tpu.memory_space<vmem>> -> memref<128xf32, #tpu.memory_space<vmem>>
      %dma_start3A_90 = arith.constant 0 : i32
      %dma_start3A_91 = tpu.memref_slice %arg6[%add3A_86, %dma_start3A_90] : memref<32x128xi32, #tpu.memory_space<vmem>> -> memref<1x128xi32, #tpu.memory_space<vmem>>
      %dma_start3A_92 = tpu.memref_squeeze %dma_start3A_91 : memref<1x128xi32, #tpu.memory_space<vmem>> -> memref<128xi32, #tpu.memory_space<vmem>>
      %dma_start3A_93 = arith.constant 0 : i32
      %dma_start3A_94 = tpu.memref_slice %arg9[%dma_start3A_93] : memref<8192xf32, #tpu.memory_space<vmem_shared>> -> memref<8192xf32, #tpu.memory_space<vmem_shared>>
      tpu.enqueue_indirect_dma source(%dma_start3A_89 : memref<128xf32, #tpu.memory_space<vmem>>) target(%dma_start3A_94 : memref<8192xf32, #tpu.memory_space<vmem_shared>>) offsets(%dma_start3A_92 : memref<128xi32, #tpu.memory_space<vmem>>) semaphore(%arg10 : memref<!tpu.dma_semaphore, #tpu.memory_space<semaphore_mem>>) {add = true}
      %mul3A_95 = arith.constant 8 : i32
      %mul3A_96 = arith.muli %scan3A_14, %mul3A_95 : i32
      %add3A_97 = arith.constant 5 : i32
      %add3A_98 = arith.addi %mul3A_96, %add3A_97 : i32
      %mul3A_99 = arith.constant 8 : i32
      %mul3A_100 = arith.muli %scan3A_14, %mul3A_99 : i32
      %add3A_101 = arith.constant 5 : i32
      %add3A_102 = arith.addi %mul3A_100, %add3A_101 : i32
      %dma_start3A_103 = arith.constant 0 : i32
      %dma_start3A_104 = tpu.memref_slice %arg7[%add3A_98, %dma_start3A_103] : memref<32x128xf32, #tpu.memory_space<vmem>> -> memref<1x128xf32, #tpu.memory_space<vmem>>
      %dma_start3A_105 = tpu.memref_squeeze %dma_start3A_104 : memref<1x128xf32, #tpu.memory_space<vmem>> -> memref<128xf32, #tpu.memory_space<vmem>>
      %dma_start3A_106 = arith.constant 0 : i32
      %dma_start3A_107 = tpu.memref_slice %arg6[%add3A_102, %dma_start3A_106] : memref<32x128xi32, #tpu.memory_space<vmem>> -> memref<1x128xi32, #tpu.memory_space<vmem>>
      %dma_start3A_108 = tpu.memref_squeeze %dma_start3A_107 : memref<1x128xi32, #tpu.memory_space<vmem>> -> memref<128xi32, #tpu.memory_space<vmem>>
      %dma_start3A_109 = arith.constant 0 : i32
      %dma_start3A_110 = tpu.memref_slice %arg9[%dma_start3A_109] : memref<8192xf32, #tpu.memory_space<vmem_shared>> -> memref<8192xf32, #tpu.memory_space<vmem_shared>>
      tpu.enqueue_indirect_dma source(%dma_start3A_105 : memref<128xf32, #tpu.memory_space<vmem>>) target(%dma_start3A_110 : memref<8192xf32, #tpu.memory_space<vmem_shared>>) offsets(%dma_start3A_108 : memref<128xi32, #tpu.memory_space<vmem>>) semaphore(%arg10 : memref<!tpu.dma_semaphore, #tpu.memory_space<semaphore_mem>>) {add = true}
      %mul3A_111 = arith.constant 8 : i32
      %mul3A_112 = arith.muli %scan3A_14, %mul3A_111 : i32
      %add3A_113 = arith.constant 6 : i32
      %add3A_114 = arith.addi %mul3A_112, %add3A_113 : i32
      %mul3A_115 = arith.constant 8 : i32
      %mul3A_116 = arith.muli %scan3A_14, %mul3A_115 : i32
      %add3A_117 = arith.constant 6 : i32
      %add3A_118 = arith.addi %mul3A_116, %add3A_117 : i32
      %dma_start3A_119 = arith.constant 0 : i32
      %dma_start3A_120 = tpu.memref_slice %arg7[%add3A_114, %dma_start3A_119] : memref<32x128xf32, #tpu.memory_space<vmem>> -> memref<1x128xf32, #tpu.memory_space<vmem>>
      %dma_start3A_121 = tpu.memref_squeeze %dma_start3A_120 : memref<1x128xf32, #tpu.memory_space<vmem>> -> memref<128xf32, #tpu.memory_space<vmem>>
      %dma_start3A_122 = arith.constant 0 : i32
      %dma_start3A_123 = tpu.memref_slice %arg6[%add3A_118, %dma_start3A_122] : memref<32x128xi32, #tpu.memory_space<vmem>> -> memref<1x128xi32, #tpu.memory_space<vmem>>
      %dma_start3A_124 = tpu.memref_squeeze %dma_start3A_123 : memref<1x128xi32, #tpu.memory_space<vmem>> -> memref<128xi32, #tpu.memory_space<vmem>>
      %dma_start3A_125 = arith.constant 0 : i32
      %dma_start3A_126 = tpu.memref_slice %arg9[%dma_start3A_125] : memref<8192xf32, #tpu.memory_space<vmem_shared>> -> memref<8192xf32, #tpu.memory_space<vmem_shared>>
      tpu.enqueue_indirect_dma source(%dma_start3A_121 : memref<128xf32, #tpu.memory_space<vmem>>) target(%dma_start3A_126 : memref<8192xf32, #tpu.memory_space<vmem_shared>>) offsets(%dma_start3A_124 : memref<128xi32, #tpu.memory_space<vmem>>) semaphore(%arg10 : memref<!tpu.dma_semaphore, #tpu.memory_space<semaphore_mem>>) {add = true}
      %mul3A_127 = arith.constant 8 : i32
      %mul3A_128 = arith.muli %scan3A_14, %mul3A_127 : i32
      %add3A_129 = arith.constant 7 : i32
      %add3A_130 = arith.addi %mul3A_128, %add3A_129 : i32
      %mul3A_131 = arith.constant 8 : i32
      %mul3A_132 = arith.muli %scan3A_14, %mul3A_131 : i32
      %add3A_133 = arith.constant 7 : i32
      %add3A_134 = arith.addi %mul3A_132, %add3A_133 : i32
      %dma_start3A_135 = arith.constant 0 : i32
      %dma_start3A_136 = tpu.memref_slice %arg7[%add3A_130, %dma_start3A_135] : memref<32x128xf32, #tpu.memory_space<vmem>> -> memref<1x128xf32, #tpu.memory_space<vmem>>
      %dma_start3A_137 = tpu.memref_squeeze %dma_start3A_136 : memref<1x128xf32, #tpu.memory_space<vmem>> -> memref<128xf32, #tpu.memory_space<vmem>>
      %dma_start3A_138 = arith.constant 0 : i32
      %dma_start3A_139 = tpu.memref_slice %arg6[%add3A_134, %dma_start3A_138] : memref<32x128xi32, #tpu.memory_space<vmem>> -> memref<1x128xi32, #tpu.memory_space<vmem>>
      %dma_start3A_140 = tpu.memref_squeeze %dma_start3A_139 : memref<1x128xi32, #tpu.memory_space<vmem>> -> memref<128xi32, #tpu.memory_space<vmem>>
      %dma_start3A_141 = arith.constant 0 : i32
      %dma_start3A_142 = tpu.memref_slice %arg9[%dma_start3A_141] : memref<8192xf32, #tpu.memory_space<vmem_shared>> -> memref<8192xf32, #tpu.memory_space<vmem_shared>>
      tpu.enqueue_indirect_dma source(%dma_start3A_137 : memref<128xf32, #tpu.memory_space<vmem>>) target(%dma_start3A_142 : memref<8192xf32, #tpu.memory_space<vmem_shared>>) offsets(%dma_start3A_140 : memref<128xi32, #tpu.memory_space<vmem>>) semaphore(%arg10 : memref<!tpu.dma_semaphore, #tpu.memory_space<semaphore_mem>>) {add = true}
      %dma_wait3A = arith.constant 0 : i32
      %dma_wait3A_143 = tpu.memref_slice %arg7[%add3A_19, %dma_wait3A] : memref<32x128xf32, #tpu.memory_space<vmem>> -> memref<1x128xf32, #tpu.memory_space<vmem>>
      %dma_wait3A_144 = tpu.memref_squeeze %dma_wait3A_143 : memref<1x128xf32, #tpu.memory_space<vmem>> -> memref<128xf32, #tpu.memory_space<vmem>>
      %dma_wait3A_145 = arith.constant 0 : i32
      %dma_wait3A_146 = tpu.memref_slice %arg6[%add3A_23, %dma_wait3A_145] : memref<32x128xi32, #tpu.memory_space<vmem>> -> memref<1x128xi32, #tpu.memory_space<vmem>>
      %dma_wait3A_147 = tpu.memref_squeeze %dma_wait3A_146 : memref<1x128xi32, #tpu.memory_space<vmem>> -> memref<128xi32, #tpu.memory_space<vmem>>
      %dma_wait3A_148 = arith.constant 0 : i32
      %dma_wait3A_149 = tpu.memref_slice %arg9[%dma_wait3A_148] : memref<8192xf32, #tpu.memory_space<vmem_shared>> -> memref<8192xf32, #tpu.memory_space<vmem_shared>>
      tpu.wait_indirect_dma semaphore(%arg10 : memref<!tpu.dma_semaphore, #tpu.memory_space<semaphore_mem>>) src(%dma_wait3A_144 : memref<128xf32, #tpu.memory_space<vmem>>) dst(%dma_wait3A_149 : memref<8192xf32, #tpu.memory_space<vmem_shared>>)
      %dma_wait3A_150 = arith.constant 0 : i32
      %dma_wait3A_151 = tpu.memref_slice %arg7[%add3A_34, %dma_wait3A_150] : memref<32x128xf32, #tpu.memory_space<vmem>> -> memref<1x128xf32, #tpu.memory_space<vmem>>
      %dma_wait3A_152 = tpu.memref_squeeze %dma_wait3A_151 : memref<1x128xf32, #tpu.memory_space<vmem>> -> memref<128xf32, #tpu.memory_space<vmem>>
      %dma_wait3A_153 = arith.constant 0 : i32
      %dma_wait3A_154 = tpu.memref_slice %arg6[%add3A_38, %dma_wait3A_153] : memref<32x128xi32, #tpu.memory_space<vmem>> -> memref<1x128xi32, #tpu.memory_space<vmem>>
      %dma_wait3A_155 = tpu.memref_squeeze %dma_wait3A_154 : memref<1x128xi32, #tpu.memory_space<vmem>> -> memref<128xi32, #tpu.memory_space<vmem>>
      %dma_wait3A_156 = arith.constant 0 : i32
      %dma_wait3A_157 = tpu.memref_slice %arg9[%dma_wait3A_156] : memref<8192xf32, #tpu.memory_space<vmem_shared>> -> memref<8192xf32, #tpu.memory_space<vmem_shared>>
      tpu.wait_indirect_dma semaphore(%arg10 : memref<!tpu.dma_semaphore, #tpu.memory_space<semaphore_mem>>) src(%dma_wait3A_152 : memref<128xf32, #tpu.memory_space<vmem>>) dst(%dma_wait3A_157 : memref<8192xf32, #tpu.memory_space<vmem_shared>>)
      %dma_wait3A_158 = arith.constant 0 : i32
      %dma_wait3A_159 = tpu.memref_slice %arg7[%add3A_50, %dma_wait3A_158] : memref<32x128xf32, #tpu.memory_space<vmem>> -> memref<1x128xf32, #tpu.memory_space<vmem>>
      %dma_wait3A_160 = tpu.memref_squeeze %dma_wait3A_159 : memref<1x128xf32, #tpu.memory_space<vmem>> -> memref<128xf32, #tpu.memory_space<vmem>>
      %dma_wait3A_161 = arith.constant 0 : i32
      %dma_wait3A_162 = tpu.memref_slice %arg6[%add3A_54, %dma_wait3A_161] : memref<32x128xi32, #tpu.memory_space<vmem>> -> memref<1x128xi32, #tpu.memory_space<vmem>>
      %dma_wait3A_163 = tpu.memref_squeeze %dma_wait3A_162 : memref<1x128xi32, #tpu.memory_space<vmem>> -> memref<128xi32, #tpu.memory_space<vmem>>
      %dma_wait3A_164 = arith.constant 0 : i32
      %dma_wait3A_165 = tpu.memref_slice %arg9[%dma_wait3A_164] : memref<8192xf32, #tpu.memory_space<vmem_shared>> -> memref<8192xf32, #tpu.memory_space<vmem_shared>>
      tpu.wait_indirect_dma semaphore(%arg10 : memref<!tpu.dma_semaphore, #tpu.memory_space<semaphore_mem>>) src(%dma_wait3A_160 : memref<128xf32, #tpu.memory_space<vmem>>) dst(%dma_wait3A_165 : memref<8192xf32, #tpu.memory_space<vmem_shared>>)
      %dma_wait3A_166 = arith.constant 0 : i32
      %dma_wait3A_167 = tpu.memref_slice %arg7[%add3A_66, %dma_wait3A_166] : memref<32x128xf32, #tpu.memory_space<vmem>> -> memref<1x128xf32, #tpu.memory_space<vmem>>
      %dma_wait3A_168 = tpu.memref_squeeze %dma_wait3A_167 : memref<1x128xf32, #tpu.memory_space<vmem>> -> memref<128xf32, #tpu.memory_space<vmem>>
      %dma_wait3A_169 = arith.constant 0 : i32
      %dma_wait3A_170 = tpu.memref_slice %arg6[%add3A_70, %dma_wait3A_169] : memref<32x128xi32, #tpu.memory_space<vmem>> -> memref<1x128xi32, #tpu.memory_space<vmem>>
      %dma_wait3A_171 = tpu.memref_squeeze %dma_wait3A_170 : memref<1x128xi32, #tpu.memory_space<vmem>> -> memref<128xi32, #tpu.memory_space<vmem>>
      %dma_wait3A_172 = arith.constant 0 : i32
      %dma_wait3A_173 = tpu.memref_slice %arg9[%dma_wait3A_172] : memref<8192xf32, #tpu.memory_space<vmem_shared>> -> memref<8192xf32, #tpu.memory_space<vmem_shared>>
      tpu.wait_indirect_dma semaphore(%arg10 : memref<!tpu.dma_semaphore, #tpu.memory_space<semaphore_mem>>) src(%dma_wait3A_168 : memref<128xf32, #tpu.memory_space<vmem>>) dst(%dma_wait3A_173 : memref<8192xf32, #tpu.memory_space<vmem_shared>>)
      %dma_wait3A_174 = arith.constant 0 : i32
      %dma_wait3A_175 = tpu.memref_slice %arg7[%add3A_82, %dma_wait3A_174] : memref<32x128xf32, #tpu.memory_space<vmem>> -> memref<1x128xf32, #tpu.memory_space<vmem>>
      %dma_wait3A_176 = tpu.memref_squeeze %dma_wait3A_175 : memref<1x128xf32, #tpu.memory_space<vmem>> -> memref<128xf32, #tpu.memory_space<vmem>>
      %dma_wait3A_177 = arith.constant 0 : i32
      %dma_wait3A_178 = tpu.memref_slice %arg6[%add3A_86, %dma_wait3A_177] : memref<32x128xi32, #tpu.memory_space<vmem>> -> memref<1x128xi32, #tpu.memory_space<vmem>>
      %dma_wait3A_179 = tpu.memref_squeeze %dma_wait3A_178 : memref<1x128xi32, #tpu.memory_space<vmem>> -> memref<128xi32, #tpu.memory_space<vmem>>
      %dma_wait3A_180 = arith.constant 0 : i32
      %dma_wait3A_181 = tpu.memref_slice %arg9[%dma_wait3A_180] : memref<8192xf32, #tpu.memory_space<vmem_shared>> -> memref<8192xf32, #tpu.memory_space<vmem_shared>>
      tpu.wait_indirect_dma semaphore(%arg10 : memref<!tpu.dma_semaphore, #tpu.memory_space<semaphore_mem>>) src(%dma_wait3A_176 : memref<128xf32, #tpu.memory_space<vmem>>) dst(%dma_wait3A_181 : memref<8192xf32, #tpu.memory_space<vmem_shared>>)
      %dma_wait3A_182 = arith.constant 0 : i32
      %dma_wait3A_183 = tpu.memref_slice %arg7[%add3A_98, %dma_wait3A_182] : memref<32x128xf32, #tpu.memory_space<vmem>> -> memref<1x128xf32, #tpu.memory_space<vmem>>
      %dma_wait3A_184 = tpu.memref_squeeze %dma_wait3A_183 : memref<1x128xf32, #tpu.memory_space<vmem>> -> memref<128xf32, #tpu.memory_space<vmem>>
      %dma_wait3A_185 = arith.constant 0 : i32
      %dma_wait3A_186 = tpu.memref_slice %arg6[%add3A_102, %dma_wait3A_185] : memref<32x128xi32, #tpu.memory_space<vmem>> -> memref<1x128xi32, #tpu.memory_space<vmem>>
      %dma_wait3A_187 = tpu.memref_squeeze %dma_wait3A_186 : memref<1x128xi32, #tpu.memory_space<vmem>> -> memref<128xi32, #tpu.memory_space<vmem>>
      %dma_wait3A_188 = arith.constant 0 : i32
      %dma_wait3A_189 = tpu.memref_slice %arg9[%dma_wait3A_188] : memref<8192xf32, #tpu.memory_space<vmem_shared>> -> memref<8192xf32, #tpu.memory_space<vmem_shared>>
      tpu.wait_indirect_dma semaphore(%arg10 : memref<!tpu.dma_semaphore, #tpu.memory_space<semaphore_mem>>) src(%dma_wait3A_184 : memref<128xf32, #tpu.memory_space<vmem>>) dst(%dma_wait3A_189 : memref<8192xf32, #tpu.memory_space<vmem_shared>>)
      %dma_wait3A_190 = arith.constant 0 : i32
      %dma_wait3A_191 = tpu.memref_slice %arg7[%add3A_114, %dma_wait3A_190] : memref<32x128xf32, #tpu.memory_space<vmem>> -> memref<1x128xf32, #tpu.memory_space<vmem>>
      %dma_wait3A_192 = tpu.memref_squeeze %dma_wait3A_191 : memref<1x128xf32, #tpu.memory_space<vmem>> -> memref<128xf32, #tpu.memory_space<vmem>>
      %dma_wait3A_193 = arith.constant 0 : i32
      %dma_wait3A_194 = tpu.memref_slice %arg6[%add3A_118, %dma_wait3A_193] : memref<32x128xi32, #tpu.memory_space<vmem>> -> memref<1x128xi32, #tpu.memory_space<vmem>>
      %dma_wait3A_195 = tpu.memref_squeeze %dma_wait3A_194 : memref<1x128xi32, #tpu.memory_space<vmem>> -> memref<128xi32, #tpu.memory_space<vmem>>
      %dma_wait3A_196 = arith.constant 0 : i32
      %dma_wait3A_197 = tpu.memref_slice %arg9[%dma_wait3A_196] : memref<8192xf32, #tpu.memory_space<vmem_shared>> -> memref<8192xf32, #tpu.memory_space<vmem_shared>>
      tpu.wait_indirect_dma semaphore(%arg10 : memref<!tpu.dma_semaphore, #tpu.memory_space<semaphore_mem>>) src(%dma_wait3A_192 : memref<128xf32, #tpu.memory_space<vmem>>) dst(%dma_wait3A_197 : memref<8192xf32, #tpu.memory_space<vmem_shared>>)
      %dma_wait3A_198 = arith.constant 0 : i32
      %dma_wait3A_199 = tpu.memref_slice %arg7[%add3A_130, %dma_wait3A_198] : memref<32x128xf32, #tpu.memory_space<vmem>> -> memref<1x128xf32, #tpu.memory_space<vmem>>
      %dma_wait3A_200 = tpu.memref_squeeze %dma_wait3A_199 : memref<1x128xf32, #tpu.memory_space<vmem>> -> memref<128xf32, #tpu.memory_space<vmem>>
      %dma_wait3A_201 = arith.constant 0 : i32
      %dma_wait3A_202 = tpu.memref_slice %arg6[%add3A_134, %dma_wait3A_201] : memref<32x128xi32, #tpu.memory_space<vmem>> -> memref<1x128xi32, #tpu.memory_space<vmem>>
      %dma_wait3A_203 = tpu.memref_squeeze %dma_wait3A_202 : memref<1x128xi32, #tpu.memory_space<vmem>> -> memref<128xi32, #tpu.memory_space<vmem>>
      %dma_wait3A_204 = arith.constant 0 : i32
      %dma_wait3A_205 = tpu.memref_slice %arg9[%dma_wait3A_204] : memref<8192xf32, #tpu.memory_space<vmem_shared>> -> memref<8192xf32, #tpu.memory_space<vmem_shared>>
      tpu.wait_indirect_dma semaphore(%arg10 : memref<!tpu.dma_semaphore, #tpu.memory_space<semaphore_mem>>) src(%dma_wait3A_200 : memref<128xf32, #tpu.memory_space<vmem>>) dst(%dma_wait3A_205 : memref<8192xf32, #tpu.memory_space<vmem_shared>>)
      %scan3A_206 = arith.constant 0 : i32
      scf.yield %scan3A_206 : i32
    }
    %scan3A_10 = arith.constant 4 : i32
    %barrier3A_11 = arith.constant 0 : index
    tpu.barrier barrier_id(%barrier3A_11)
    %eq3A = arith.constant 0 : i32
    %eq3A_12 = arith.cmpi eq, %arg1, %eq3A : i32
    %convert_element_type3A = arith.extui %eq3A_12 : i1 to i32
    %cond3A = arith.constant 0 : i32
    %cond3A_13 = arith.cmpi ne, %convert_element_type3A, %cond3A : i32
    scf.if %cond3A_13 {
      "tpu.region"() ({
        %run_scoped3A = tpu.sem_alloc : memref<!tpu.dma_semaphore, #tpu.memory_space<semaphore_mem>>
        %dma_start3A = arith.constant 0 : i32
        %dma_start3A_14 = tpu.memref_slice %arg5[%arg0, %dma_start3A] : memref<2x8192xf32, #tpu.memory_space<hbm>> -> memref<1x8192xf32, #tpu.memory_space<hbm>>
        %dma_start3A_15 = tpu.memref_squeeze %dma_start3A_14 : memref<1x8192xf32, #tpu.memory_space<hbm>> -> memref<8192xf32, #tpu.memory_space<hbm>>
        tpu.enqueue_dma source(%arg9 : memref<8192xf32, #tpu.memory_space<vmem_shared>>) target(%dma_start3A_15 : memref<8192xf32, #tpu.memory_space<hbm>>) target_semaphore(%run_scoped3A : memref<!tpu.dma_semaphore, #tpu.memory_space<semaphore_mem>>)
        %dma_wait3A = arith.constant 0 : i32
        %dma_wait3A_16 = tpu.memref_slice %arg5[%arg0, %dma_wait3A] : memref<2x8192xf32, #tpu.memory_space<hbm>> -> memref<1x8192xf32, #tpu.memory_space<hbm>>
        %dma_wait3A_17 = tpu.memref_squeeze %dma_wait3A_16 : memref<1x8192xf32, #tpu.memory_space<hbm>> -> memref<8192xf32, #tpu.memory_space<hbm>>
        tpu.wait_dma2 semaphore(%run_scoped3A : memref<!tpu.dma_semaphore, #tpu.memory_space<semaphore_mem>>) src(%arg9 : memref<8192xf32, #tpu.memory_space<vmem_shared>>) dst(%dma_wait3A_17 : memref<8192xf32, #tpu.memory_space<hbm>>)
        tpu.yield
      }) : () -> ()
    } else {
    }
    return
  }
}

module attributes {stable_mosaic.version = 14 : i64} {
  func.func @_tc_b_body(%arg0: memref<16x128xf32, #tpu.memory_space<vmem>>, %arg1: memref<1024x128xf32, #tpu.memory_space<vmem>>, %arg2: memref<1024x128xf32, #tpu.memory_space<vmem>>, %arg3: memref<16x128xf32, #tpu.memory_space<vmem>>, %arg4: memref<1024x128xf32, #tpu.memory_space<vmem>>) attributes {dimension_semantics = [], scalar_prefetch = 0 : i64, scratch_operands = 0 : i64, tpu.core_type = #tpu.core_type<tc>} {
    %get3A = arith.constant 0 : index
    %get3A_0 = arith.constant 0 : index
    %get3A_1 = vector.load %arg0[%get3A, %get3A_0] : memref<16x128xf32, #tpu.memory_space<vmem>>, vector<16x128xf32>
    %mul3A = arith.mulf %get3A_1, %get3A_1 : vector<16x128xf32>
    %reduce_sum3A = vector.shape_cast %mul3A : vector<16x128xf32> to vector<1x16x128xf32>
    %reduce_sum3A_2 = arith.constant dense<0.000000e+00> : vector<1xf32>
    %reduce_sum3A_3 = vector.multi_reduction <add>, %reduce_sum3A, %reduce_sum3A_2 [1, 2] : vector<1x16x128xf32> to vector<1xf32>
    %reduce_sum3A_4 = vector.shape_cast %reduce_sum3A_3 : vector<1xf32> to vector<1x1x1xf32>
    %reduce_sum3A_5 = vector.extract %reduce_sum3A_4[0, 0, 0] : f32 from vector<1x1x1xf32>
    %sqrt3A = math.sqrt %reduce_sum3A_5 : f32
    %add3A = arith.constant 9.99999993E-9 : f32
    %add3A_6 = arith.addf %sqrt3A, %add3A : f32
    %div3A = vector.broadcast %add3A_6 : f32 to vector<16x128xf32>
    %div3A_7 = arith.divf %get3A_1, %div3A : vector<16x128xf32>
    %swap3A = arith.constant 0 : index
    %swap3A_8 = arith.constant 0 : index
    %swap3A_9 = vector.load %arg3[%swap3A, %swap3A_8] : memref<16x128xf32, #tpu.memory_space<vmem>>, vector<16x128xf32>
    tpu.vector_store %arg3[%swap3A, %swap3A_8], %div3A_7 {strides = array<i32>} : memref<16x128xf32, #tpu.memory_space<vmem>>, vector<16x128xf32>,
    %get3A_10 = arith.constant 0 : index
    %get3A_11 = arith.constant 0 : index
    %get3A_12 = vector.load %arg1[%get3A_10, %get3A_11] : memref<1024x128xf32, #tpu.memory_space<vmem>>, vector<1024x128xf32>
    %div3A_13 = vector.broadcast %add3A_6 : f32 to vector<1024x128xf32>
    %div3A_14 = arith.divf %get3A_12, %div3A_13 : vector<1024x128xf32>
    %add3A_15 = arith.constant 9.99999993E-9 : f32
    %add3A_16 = vector.broadcast %add3A_15 : f32 to vector<1024x128xf32>
    %add3A_17 = arith.addf %div3A_14, %add3A_16 : vector<1024x128xf32>
    %get3A_18 = arith.constant 0 : index
    %get3A_19 = arith.constant 0 : index
    %get3A_20 = vector.load %arg2[%get3A_18, %get3A_19] : memref<1024x128xf32, #tpu.memory_space<vmem>>, vector<1024x128xf32>
    %log1p3A = math.log1p %add3A_17 : vector<1024x128xf32>
    %div3A_21 = arith.divf %get3A_20, %log1p3A : vector<1024x128xf32>
    %swap3A_22 = arith.constant 0 : index
    %swap3A_23 = arith.constant 0 : index
    %swap3A_24 = vector.load %arg4[%swap3A_22, %swap3A_23] : memref<1024x128xf32, #tpu.memory_space<vmem>>, vector<1024x128xf32>
    tpu.vector_store %arg4[%swap3A_22, %swap3A_23], %div3A_21 {strides = array<i32>} : memref<1024x128xf32, #tpu.memory_space<vmem>>, vector<1024x128xf32>,
    return
  }
}

module attributes {stable_mosaic.version = 14 : i64} {
  func.func @_band_body(%arg0: i32, %arg1: memref<8x256x264xf32, #tpu.memory_space<vmem>>, %arg2: memref<256xf32, #tpu.memory_space<vmem>>, %arg3: memref<256xf32, #tpu.memory_space<vmem>>, %arg4: memref<256xf32, #tpu.memory_space<vmem>>, %arg5: memref<256xf32, #tpu.memory_space<vmem>>) attributes {dimension_semantics = [#tpu.dimension_semantics<arbitrary>], iteration_bounds = array<i64: 32>, scalar_prefetch = 0 : i64, scratch_operands = 0 : i64, tpu.core_type = #tpu.core_type<tc>, window_params = [{transform_indices = @transform_0, window_bounds = array<i64: 8, 256, 264>}, {transform_indices = @transform_1, window_bounds = array<i64: 256>}, {transform_indices = @transform_2, window_bounds = array<i64: 256>}, {transform_indices = @transform_3, window_bounds = array<i64: 256>}, {transform_indices = @transform_4, window_bounds = array<i64: 256>}]} {
    %get3A = arith.constant 0 : index
    %get3A_0 = arith.constant 0 : index
    %get3A_1 = arith.constant 0 : index
    %get3A_2 = vector.load %arg1[%get3A, %get3A_0, %get3A_1] : memref<8x256x264xf32, #tpu.memory_space<vmem>>, vector<8x256x264xf32>
    %slice3A = vector.extract_strided_slice %get3A_2 {offsets = [3, 0, 0], sizes = [1, 256, 257], strides = [1, 1, 1]} : vector<8x256x264xf32> to vector<1x256x257xf32>
    %squeeze3A = vector.shape_cast %slice3A : vector<1x256x257xf32> to vector<256x257xf32>
    %mul3A = arith.constant 0.0352262929 : f32
    %mul3A_3 = vector.broadcast %mul3A : f32 to vector<256x257xf32>
    %mul3A_4 = arith.mulf %mul3A_3, %squeeze3A : vector<256x257xf32>
    %slice3A_5 = vector.extract_strided_slice %get3A_2 {offsets = [4, 0, 0], sizes = [1, 256, 257], strides = [1, 1, 1]} : vector<8x256x264xf32> to vector<1x256x257xf32>
    %squeeze3A_6 = vector.shape_cast %slice3A_5 : vector<1x256x257xf32> to vector<256x257xf32>
    %mul3A_7 = arith.constant 0.0854412764 : f32
    %mul3A_8 = vector.broadcast %mul3A_7 : f32 to vector<256x257xf32>
    %mul3A_9 = arith.mulf %mul3A_8, %squeeze3A_6 : vector<256x257xf32>
    %add3A = arith.addf %mul3A_4, %mul3A_9 : vector<256x257xf32>
    %slice3A_10 = vector.extract_strided_slice %get3A_2 {offsets = [5, 0, 0], sizes = [1, 256, 257], strides = [1, 1, 1]} : vector<8x256x264xf32> to vector<1x256x257xf32>
    %squeeze3A_11 = vector.shape_cast %slice3A_10 : vector<1x256x257xf32> to vector<256x257xf32>
    %mul3A_12 = arith.constant -0.135011017 : f32
    %mul3A_13 = vector.broadcast %mul3A_12 : f32 to vector<256x257xf32>
    %mul3A_14 = arith.mulf %mul3A_13, %squeeze3A_11 : vector<256x257xf32>
    %add3A_15 = arith.addf %add3A, %mul3A_14 : vector<256x257xf32>
    %slice3A_16 = vector.extract_strided_slice %get3A_2 {offsets = [6, 0, 0], sizes = [1, 256, 257], strides = [1, 1, 1]} : vector<8x256x264xf32> to vector<1x256x257xf32>
    %squeeze3A_17 = vector.shape_cast %slice3A_16 : vector<1x256x257xf32> to vector<256x257xf32>
    %mul3A_18 = arith.constant -0.459877491 : f32
    %mul3A_19 = vector.broadcast %mul3A_18 : f32 to vector<256x257xf32>
    %mul3A_20 = arith.mulf %mul3A_19, %squeeze3A_17 : vector<256x257xf32>
    %add3A_21 = arith.addf %add3A_15, %mul3A_20 : vector<256x257xf32>
    %slice3A_22 = vector.extract_strided_slice %get3A_2 {offsets = [7, 0, 0], sizes = [1, 256, 257], strides = [1, 1, 1]} : vector<8x256x264xf32> to vector<1x256x257xf32>
    %squeeze3A_23 = vector.shape_cast %slice3A_22 : vector<1x256x257xf32> to vector<256x257xf32>
    %mul3A_24 = arith.constant 0.8068915 : f32
    %mul3A_25 = vector.broadcast %mul3A_24 : f32 to vector<256x257xf32>
    %mul3A_26 = arith.mulf %mul3A_25, %squeeze3A_23 : vector<256x257xf32>
    %add3A_27 = arith.addf %add3A_21, %mul3A_26 : vector<256x257xf32>
    %slice3A_28 = vector.extract_strided_slice %get3A_2 {offsets = [0, 0, 1], sizes = [1, 256, 257], strides = [1, 1, 1]} : vector<8x256x264xf32> to vector<1x256x257xf32>
    %squeeze3A_29 = vector.shape_cast %slice3A_28 : vector<1x256x257xf32> to vector<256x257xf32>
    %mul3A_30 = arith.constant -0.33267054 : f32
    %mul3A_31 = vector.broadcast %mul3A_30 : f32 to vector<256x257xf32>
    %mul3A_32 = arith.mulf %mul3A_31, %squeeze3A_29 : vector<256x257xf32>
    %add3A_33 = arith.addf %add3A_27, %mul3A_32 : vector<256x257xf32>
    %slice3A_34 = vector.extract_strided_slice %get3A_2 {offsets = [5, 0, 0], sizes = [1, 256, 257], strides = [1, 1, 1]} : vector<8x256x264xf32> to vector<1x256x257xf32>
    %squeeze3A_35 = vector.shape_cast %slice3A_34 : vector<1x256x257xf32> to vector<256x257xf32>
    %mul3A_36 = arith.constant 0.0352262929 : f32
    %mul3A_37 = vector.broadcast %mul3A_36 : f32 to vector<256x257xf32>
    %mul3A_38 = arith.mulf %mul3A_37, %squeeze3A_35 : vector<256x257xf32>
    %slice3A_39 = vector.extract_strided_slice %get3A_2 {offsets = [6, 0, 0], sizes = [1, 256, 257], strides = [1, 1, 1]} : vector<8x256x264xf32> to vector<1x256x257xf32>
    %squeeze3A_40 = vector.shape_cast %slice3A_39 : vector<1x256x257xf32> to vector<256x257xf32>
    %mul3A_41 = arith.constant 0.0854412764 : f32
    %mul3A_42 = vector.broadcast %mul3A_41 : f32 to vector<256x257xf32>
    %mul3A_43 = arith.mulf %mul3A_42, %squeeze3A_40 : vector<256x257xf32>
    %add3A_44 = arith.addf %mul3A_38, %mul3A_43 : vector<256x257xf32>
    %slice3A_45 = vector.extract_strided_slice %get3A_2 {offsets = [7, 0, 0], sizes = [1, 256, 257], strides = [1, 1, 1]} : vector<8x256x264xf32> to vector<1x256x257xf32>
    %squeeze3A_46 = vector.shape_cast %slice3A_45 : vector<1x256x257xf32> to vector<256x257xf32>
    %mul3A_47 = arith.constant -0.135011017 : f32
    %mul3A_48 = vector.broadcast %mul3A_47 : f32 to vector<256x257xf32>
    %mul3A_49 = arith.mulf %mul3A_48, %squeeze3A_46 : vector<256x257xf32>
    %add3A_50 = arith.addf %add3A_44, %mul3A_49 : vector<256x257xf32>
    %slice3A_51 = vector.extract_strided_slice %get3A_2 {offsets = [0, 0, 1], sizes = [1, 256, 257], strides = [1, 1, 1]} : vector<8x256x264xf32> to vector<1x256x257xf32>
    %squeeze3A_52 = vector.shape_cast %slice3A_51 : vector<1x256x257xf32> to vector<256x257xf32>
    %mul3A_53 = arith.constant -0.459877491 : f32
    %mul3A_54 = vector.broadcast %mul3A_53 : f32 to vector<256x257xf32>
    %mul3A_55 = arith.mulf %mul3A_54, %squeeze3A_52 : vector<256x257xf32>
    %add3A_56 = arith.addf %add3A_50, %mul3A_55 : vector<256x257xf32>
    %slice3A_57 = vector.extract_strided_slice %get3A_2 {offsets = [1, 0, 1], sizes = [1, 256, 257], strides = [1, 1, 1]} : vector<8x256x264xf32> to vector<1x256x257xf32>
    %squeeze3A_58 = vector.shape_cast %slice3A_57 : vector<1x256x257xf32> to vector<256x257xf32>
    %mul3A_59 = arith.constant 0.8068915 : f32
    %mul3A_60 = vector.broadcast %mul3A_59 : f32 to vector<256x257xf32>
    %mul3A_61 = arith.mulf %mul3A_60, %squeeze3A_58 : vector<256x257xf32>
    %add3A_62 = arith.addf %add3A_56, %mul3A_61 : vector<256x257xf32>
    %slice3A_63 = vector.extract_strided_slice %get3A_2 {offsets = [2, 0, 1], sizes = [1, 256, 257], strides = [1, 1, 1]} : vector<8x256x264xf32> to vector<1x256x257xf32>
    %squeeze3A_64 = vector.shape_cast %slice3A_63 : vector<1x256x257xf32> to vector<256x257xf32>
    %mul3A_65 = arith.constant -0.33267054 : f32
    %mul3A_66 = vector.broadcast %mul3A_65 : f32 to vector<256x257xf32>
    %mul3A_67 = arith.mulf %mul3A_66, %squeeze3A_64 : vector<256x257xf32>
    %add3A_68 = arith.addf %add3A_62, %mul3A_67 : vector<256x257xf32>
    %slice3A_69 = vector.extract_strided_slice %get3A_2 {offsets = [7, 0, 0], sizes = [1, 256, 257], strides = [1, 1, 1]} : vector<8x256x264xf32> to vector<1x256x257xf32>
    %squeeze3A_70 = vector.shape_cast %slice3A_69 : vector<1x256x257xf32> to vector<256x257xf32>
    %mul3A_71 = arith.constant 0.0352262929 : f32
    %mul3A_72 = vector.broadcast %mul3A_71 : f32 to vector<256x257xf32>
    %mul3A_73 = arith.mulf %mul3A_72, %squeeze3A_70 : vector<256x257xf32>
    %slice3A_74 = vector.extract_strided_slice %get3A_2 {offsets = [0, 0, 1], sizes = [1, 256, 257], strides = [1, 1, 1]} : vector<8x256x264xf32> to vector<1x256x257xf32>
    %squeeze3A_75 = vector.shape_cast %slice3A_74 : vector<1x256x257xf32> to vector<256x257xf32>
    %mul3A_76 = arith.constant 0.0854412764 : f32
    %mul3A_77 = vector.broadcast %mul3A_76 : f32 to vector<256x257xf32>
    %mul3A_78 = arith.mulf %mul3A_77, %squeeze3A_75 : vector<256x257xf32>
    %add3A_79 = arith.addf %mul3A_73, %mul3A_78 : vector<256x257xf32>
    %slice3A_80 = vector.extract_strided_slice %get3A_2 {offsets = [1, 0, 1], sizes = [1, 256, 257], strides = [1, 1, 1]} : vector<8x256x264xf32> to vector<1x256x257xf32>
    %squeeze3A_81 = vector.shape_cast %slice3A_80 : vector<1x256x257xf32> to vector<256x257xf32>
    %mul3A_82 = arith.constant -0.135011017 : f32
    %mul3A_83 = vector.broadcast %mul3A_82 : f32 to vector<256x257xf32>
    %mul3A_84 = arith.mulf %mul3A_83, %squeeze3A_81 : vector<256x257xf32>
    %add3A_85 = arith.addf %add3A_79, %mul3A_84 : vector<256x257xf32>
    %slice3A_86 = vector.extract_strided_slice %get3A_2 {offsets = [2, 0, 1], sizes = [1, 256, 257], strides = [1, 1, 1]} : vector<8x256x264xf32> to vector<1x256x257xf32>
    %squeeze3A_87 = vector.shape_cast %slice3A_86 : vector<1x256x257xf32> to vector<256x257xf32>
    %mul3A_88 = arith.constant -0.459877491 : f32
    %mul3A_89 = vector.broadcast %mul3A_88 : f32 to vector<256x257xf32>
    %mul3A_90 = arith.mulf %mul3A_89, %squeeze3A_87 : vector<256x257xf32>
    %add3A_91 = arith.addf %add3A_85, %mul3A_90 : vector<256x257xf32>
    %slice3A_92 = vector.extract_strided_slice %get3A_2 {offsets = [3, 0, 1], sizes = [1, 256, 257], strides = [1, 1, 1]} : vector<8x256x264xf32> to vector<1x256x257xf32>
    %squeeze3A_93 = vector.shape_cast %slice3A_92 : vector<1x256x257xf32> to vector<256x257xf32>
    %mul3A_94 = arith.constant 0.8068915 : f32
    %mul3A_95 = vector.broadcast %mul3A_94 : f32 to vector<256x257xf32>
    %mul3A_96 = arith.mulf %mul3A_95, %squeeze3A_93 : vector<256x257xf32>
    %add3A_97 = arith.addf %add3A_91, %mul3A_96 : vector<256x257xf32>
    %slice3A_98 = vector.extract_strided_slice %get3A_2 {offsets = [4, 0, 1], sizes = [1, 256, 257], strides = [1, 1, 1]} : vector<8x256x264xf32> to vector<1x256x257xf32>
    %squeeze3A_99 = vector.shape_cast %slice3A_98 : vector<1x256x257xf32> to vector<256x257xf32>
    %mul3A_100 = arith.constant -0.33267054 : f32
    %mul3A_101 = vector.broadcast %mul3A_100 : f32 to vector<256x257xf32>
    %mul3A_102 = arith.mulf %mul3A_101, %squeeze3A_99 : vector<256x257xf32>
    %add3A_103 = arith.addf %add3A_97, %mul3A_102 : vector<256x257xf32>
    %slice3A_104 = vector.extract_strided_slice %get3A_2 {offsets = [1, 0, 1], sizes = [1, 256, 257], strides = [1, 1, 1]} : vector<8x256x264xf32> to vector<1x256x257xf32>
    %squeeze3A_105 = vector.shape_cast %slice3A_104 : vector<1x256x257xf32> to vector<256x257xf32>
    %mul3A_106 = arith.constant 0.0352262929 : f32
    %mul3A_107 = vector.broadcast %mul3A_106 : f32 to vector<256x257xf32>
    %mul3A_108 = arith.mulf %mul3A_107, %squeeze3A_105 : vector<256x257xf32>
    %slice3A_109 = vector.extract_strided_slice %get3A_2 {offsets = [2, 0, 1], sizes = [1, 256, 257], strides = [1, 1, 1]} : vector<8x256x264xf32> to vector<1x256x257xf32>
    %squeeze3A_110 = vector.shape_cast %slice3A_109 : vector<1x256x257xf32> to vector<256x257xf32>
    %mul3A_111 = arith.constant 0.0854412764 : f32
    %mul3A_112 = vector.broadcast %mul3A_111 : f32 to vector<256x257xf32>
    %mul3A_113 = arith.mulf %mul3A_112, %squeeze3A_110 : vector<256x257xf32>
    %add3A_114 = arith.addf %mul3A_108, %mul3A_113 : vector<256x257xf32>
    %slice3A_115 = vector.extract_strided_slice %get3A_2 {offsets = [3, 0, 1], sizes = [1, 256, 257], strides = [1, 1, 1]} : vector<8x256x264xf32> to vector<1x256x257xf32>
    %squeeze3A_116 = vector.shape_cast %slice3A_115 : vector<1x256x257xf32> to vector<256x257xf32>
    %mul3A_117 = arith.constant -0.135011017 : f32
    %mul3A_118 = vector.broadcast %mul3A_117 : f32 to vector<256x257xf32>
    %mul3A_119 = arith.mulf %mul3A_118, %squeeze3A_116 : vector<256x257xf32>
    %add3A_120 = arith.addf %add3A_114, %mul3A_119 : vector<256x257xf32>
    %slice3A_121 = vector.extract_strided_slice %get3A_2 {offsets = [4, 0, 1], sizes = [1, 256, 257], strides = [1, 1, 1]} : vector<8x256x264xf32> to vector<1x256x257xf32>
    %squeeze3A_122 = vector.shape_cast %slice3A_121 : vector<1x256x257xf32> to vector<256x257xf32>
    %mul3A_123 = arith.constant -0.459877491 : f32
    %mul3A_124 = vector.broadcast %mul3A_123 : f32 to vector<256x257xf32>
    %mul3A_125 = arith.mulf %mul3A_124, %squeeze3A_122 : vector<256x257xf32>
    %add3A_126 = arith.addf %add3A_120, %mul3A_125 : vector<256x257xf32>
    %slice3A_127 = vector.extract_strided_slice %get3A_2 {offsets = [5, 0, 1], sizes = [1, 256, 257], strides = [1, 1, 1]} : vector<8x256x264xf32> to vector<1x256x257xf32>
    %squeeze3A_128 = vector.shape_cast %slice3A_127 : vector<1x256x257xf32> to vector<256x257xf32>
    %mul3A_129 = arith.constant 0.8068915 : f32
    %mul3A_130 = vector.broadcast %mul3A_129 : f32 to vector<256x257xf32>
    %mul3A_131 = arith.mulf %mul3A_130, %squeeze3A_128 : vector<256x257xf32>
    %add3A_132 = arith.addf %add3A_126, %mul3A_131 : vector<256x257xf32>
    %slice3A_133 = vector.extract_strided_slice %get3A_2 {offsets = [6, 0, 1], sizes = [1, 256, 257], strides = [1, 1, 1]} : vector<8x256x264xf32> to vector<1x256x257xf32>
    %squeeze3A_134 = vector.shape_cast %slice3A_133 : vector<1x256x257xf32> to vector<256x257xf32>
    %mul3A_135 = arith.constant -0.33267054 : f32
    %mul3A_136 = vector.broadcast %mul3A_135 : f32 to vector<256x257xf32>
    %mul3A_137 = arith.mulf %mul3A_136, %squeeze3A_134 : vector<256x257xf32>
    %add3A_138 = arith.addf %add3A_132, %mul3A_137 : vector<256x257xf32>
    %mul3A_139 = arith.mulf %add3A_33, %add3A_33 : vector<256x257xf32>
    %reduce_sum3A = arith.constant dense<0.000000e+00> : vector<256xf32>
    %reduce_sum3A_140 = vector.multi_reduction <add>, %mul3A_139, %reduce_sum3A [1] : vector<256x257xf32> to vector<256xf32>
    %add3A_141 = arith.constant 0.000000e+00 : f32
    %add3A_142 = vector.broadcast %add3A_141 : f32 to vector<256xf32>
    %add3A_143 = arith.addf %add3A_142, %reduce_sum3A_140 : vector<256xf32>
    %mul3A_144 = arith.mulf %add3A_68, %add3A_68 : vector<256x257xf32>
    %reduce_sum3A_145 = arith.constant dense<0.000000e+00> : vector<256xf32>
    %reduce_sum3A_146 = vector.multi_reduction <add>, %mul3A_144, %reduce_sum3A_145 [1] : vector<256x257xf32> to vector<256xf32>
    %add3A_147 = arith.addf %add3A_143, %reduce_sum3A_146 : vector<256xf32>
    %mul3A_148 = arith.mulf %add3A_103, %add3A_103 : vector<256x257xf32>
    %reduce_sum3A_149 = arith.constant dense<0.000000e+00> : vector<256xf32>
    %reduce_sum3A_150 = vector.multi_reduction <add>, %mul3A_148, %reduce_sum3A_149 [1] : vector<256x257xf32> to vector<256xf32>
    %add3A_151 = arith.addf %add3A_147, %reduce_sum3A_150 : vector<256xf32>
    %mul3A_152 = arith.mulf %add3A_138, %add3A_138 : vector<256x257xf32>
    %reduce_sum3A_153 = arith.constant dense<0.000000e+00> : vector<256xf32>
    %reduce_sum3A_154 = vector.multi_reduction <add>, %mul3A_152, %reduce_sum3A_153 [1] : vector<256x257xf32> to vector<256xf32>
    %add3A_155 = arith.addf %add3A_151, %reduce_sum3A_154 : vector<256xf32>
    %slice3A_156 = vector.extract_strided_slice %get3A_2 {offsets = [3, 0, 0], sizes = [1, 256, 257], strides = [1, 1, 1]} : vector<8x256x264xf32> to vector<1x256x257xf32>
    %squeeze3A_157 = vector.shape_cast %slice3A_156 : vector<1x256x257xf32> to vector<256x257xf32>
    %mul3A_158 = arith.constant 0.33267054 : f32
    %mul3A_159 = vector.broadcast %mul3A_158 : f32 to vector<256x257xf32>
    %mul3A_160 = arith.mulf %mul3A_159, %squeeze3A_157 : vector<256x257xf32>
    %slice3A_161 = vector.extract_strided_slice %get3A_2 {offsets = [4, 0, 0], sizes = [1, 256, 257], strides = [1, 1, 1]} : vector<8x256x264xf32> to vector<1x256x257xf32>
    %squeeze3A_162 = vector.shape_cast %slice3A_161 : vector<1x256x257xf32> to vector<256x257xf32>
    %mul3A_163 = arith.constant 0.8068915 : f32
    %mul3A_164 = vector.broadcast %mul3A_163 : f32 to vector<256x257xf32>
    %mul3A_165 = arith.mulf %mul3A_164, %squeeze3A_162 : vector<256x257xf32>
    %add3A_166 = arith.addf %mul3A_160, %mul3A_165 : vector<256x257xf32>
    %slice3A_167 = vector.extract_strided_slice %get3A_2 {offsets = [5, 0, 0], sizes = [1, 256, 257], strides = [1, 1, 1]} : vector<8x256x264xf32> to vector<1x256x257xf32>
    %squeeze3A_168 = vector.shape_cast %slice3A_167 : vector<1x256x257xf32> to vector<256x257xf32>
    %mul3A_169 = arith.constant 0.459877491 : f32
    %mul3A_170 = vector.broadcast %mul3A_169 : f32 to vector<256x257xf32>
    %mul3A_171 = arith.mulf %mul3A_170, %squeeze3A_168 : vector<256x257xf32>
    %add3A_172 = arith.addf %add3A_166, %mul3A_171 : vector<256x257xf32>
    %slice3A_173 = vector.extract_strided_slice %get3A_2 {offsets = [6, 0, 0], sizes = [1, 256, 257], strides = [1, 1, 1]} : vector<8x256x264xf32> to vector<1x256x257xf32>
    %squeeze3A_174 = vector.shape_cast %slice3A_173 : vector<1x256x257xf32> to vector<256x257xf32>
    %mul3A_175 = arith.constant -0.135011017 : f32
    %mul3A_176 = vector.broadcast %mul3A_175 : f32 to vector<256x257xf32>
    %mul3A_177 = arith.mulf %mul3A_176, %squeeze3A_174 : vector<256x257xf32>
    %add3A_178 = arith.addf %add3A_172, %mul3A_177 : vector<256x257xf32>
    %slice3A_179 = vector.extract_strided_slice %get3A_2 {offsets = [7, 0, 0], sizes = [1, 256, 257], strides = [1, 1, 1]} : vector<8x256x264xf32> to vector<1x256x257xf32>
    %squeeze3A_180 = vector.shape_cast %slice3A_179 : vector<1x256x257xf32> to vector<256x257xf32>
    %mul3A_181 = arith.constant -0.0854412764 : f32
    %mul3A_182 = vector.broadcast %mul3A_181 : f32 to vector<256x257xf32>
    %mul3A_183 = arith.mulf %mul3A_182, %squeeze3A_180 : vector<256x257xf32>
    %add3A_184 = arith.addf %add3A_178, %mul3A_183 : vector<256x257xf32>
    %slice3A_185 = vector.extract_strided_slice %get3A_2 {offsets = [0, 0, 1], sizes = [1, 256, 257], strides = [1, 1, 1]} : vector<8x256x264xf32> to vector<1x256x257xf32>
    %squeeze3A_186 = vector.shape_cast %slice3A_185 : vector<1x256x257xf32> to vector<256x257xf32>
    %mul3A_187 = arith.constant 0.0352262929 : f32
    %mul3A_188 = vector.broadcast %mul3A_187 : f32 to vector<256x257xf32>
    %mul3A_189 = arith.mulf %mul3A_188, %squeeze3A_186 : vector<256x257xf32>
    %add3A_190 = arith.addf %add3A_184, %mul3A_189 : vector<256x257xf32>
    %slice3A_191 = vector.extract_strided_slice %get3A_2 {offsets = [5, 0, 0], sizes = [1, 256, 257], strides = [1, 1, 1]} : vector<8x256x264xf32> to vector<1x256x257xf32>
    %squeeze3A_192 = vector.shape_cast %slice3A_191 : vector<1x256x257xf32> to vector<256x257xf32>
    %mul3A_193 = arith.constant 0.33267054 : f32
    %mul3A_194 = vector.broadcast %mul3A_193 : f32 to vector<256x257xf32>
    %mul3A_195 = arith.mulf %mul3A_194, %squeeze3A_192 : vector<256x257xf32>
    %slice3A_196 = vector.extract_strided_slice %get3A_2 {offsets = [6, 0, 0], sizes = [1, 256, 257], strides = [1, 1, 1]} : vector<8x256x264xf32> to vector<1x256x257xf32>
    %squeeze3A_197 = vector.shape_cast %slice3A_196 : vector<1x256x257xf32> to vector<256x257xf32>
    %mul3A_198 = arith.constant 0.8068915 : f32
    %mul3A_199 = vector.broadcast %mul3A_198 : f32 to vector<256x257xf32>
    %mul3A_200 = arith.mulf %mul3A_199, %squeeze3A_197 : vector<256x257xf32>
    %add3A_201 = arith.addf %mul3A_195, %mul3A_200 : vector<256x257xf32>
    %slice3A_202 = vector.extract_strided_slice %get3A_2 {offsets = [7, 0, 0], sizes = [1, 256, 257], strides = [1, 1, 1]} : vector<8x256x264xf32> to vector<1x256x257xf32>
    %squeeze3A_203 = vector.shape_cast %slice3A_202 : vector<1x256x257xf32> to vector<256x257xf32>
    %mul3A_204 = arith.constant 0.459877491 : f32
    %mul3A_205 = vector.broadcast %mul3A_204 : f32 to vector<256x257xf32>
    %mul3A_206 = arith.mulf %mul3A_205, %squeeze3A_203 : vector<256x257xf32>
    %add3A_207 = arith.addf %add3A_201, %mul3A_206 : vector<256x257xf32>
    %slice3A_208 = vector.extract_strided_slice %get3A_2 {offsets = [0, 0, 1], sizes = [1, 256, 257], strides = [1, 1, 1]} : vector<8x256x264xf32> to vector<1x256x257xf32>
    %squeeze3A_209 = vector.shape_cast %slice3A_208 : vector<1x256x257xf32> to vector<256x257xf32>
    %mul3A_210 = arith.constant -0.135011017 : f32
    %mul3A_211 = vector.broadcast %mul3A_210 : f32 to vector<256x257xf32>
    %mul3A_212 = arith.mulf %mul3A_211, %squeeze3A_209 : vector<256x257xf32>
    %add3A_213 = arith.addf %add3A_207, %mul3A_212 : vector<256x257xf32>
    %slice3A_214 = vector.extract_strided_slice %get3A_2 {offsets = [1, 0, 1], sizes = [1, 256, 257], strides = [1, 1, 1]} : vector<8x256x264xf32> to vector<1x256x257xf32>
    %squeeze3A_215 = vector.shape_cast %slice3A_214 : vector<1x256x257xf32> to vector<256x257xf32>
    %mul3A_216 = arith.constant -0.0854412764 : f32
    %mul3A_217 = vector.broadcast %mul3A_216 : f32 to vector<256x257xf32>
    %mul3A_218 = arith.mulf %mul3A_217, %squeeze3A_215 : vector<256x257xf32>
    %add3A_219 = arith.addf %add3A_213, %mul3A_218 : vector<256x257xf32>
    %slice3A_220 = vector.extract_strided_slice %get3A_2 {offsets = [2, 0, 1], sizes = [1, 256, 257], strides = [1, 1, 1]} : vector<8x256x264xf32> to vector<1x256x257xf32>
    %squeeze3A_221 = vector.shape_cast %slice3A_220 : vector<1x256x257xf32> to vector<256x257xf32>
    %mul3A_222 = arith.constant 0.0352262929 : f32
    %mul3A_223 = vector.broadcast %mul3A_222 : f32 to vector<256x257xf32>
    %mul3A_224 = arith.mulf %mul3A_223, %squeeze3A_221 : vector<256x257xf32>
    %add3A_225 = arith.addf %add3A_219, %mul3A_224 : vector<256x257xf32>
    %slice3A_226 = vector.extract_strided_slice %get3A_2 {offsets = [7, 0, 0], sizes = [1, 256, 257], strides = [1, 1, 1]} : vector<8x256x264xf32> to vector<1x256x257xf32>
    %squeeze3A_227 = vector.shape_cast %slice3A_226 : vector<1x256x257xf32> to vector<256x257xf32>
    %mul3A_228 = arith.constant 0.33267054 : f32
    %mul3A_229 = vector.broadcast %mul3A_228 : f32 to vector<256x257xf32>
    %mul3A_230 = arith.mulf %mul3A_229, %squeeze3A_227 : vector<256x257xf32>
    %slice3A_231 = vector.extract_strided_slice %get3A_2 {offsets = [0, 0, 1], sizes = [1, 256, 257], strides = [1, 1, 1]} : vector<8x256x264xf32> to vector<1x256x257xf32>
    %squeeze3A_232 = vector.shape_cast %slice3A_231 : vector<1x256x257xf32> to vector<256x257xf32>
    %mul3A_233 = arith.constant 0.8068915 : f32
    %mul3A_234 = vector.broadcast %mul3A_233 : f32 to vector<256x257xf32>
    %mul3A_235 = arith.mulf %mul3A_234, %squeeze3A_232 : vector<256x257xf32>
    %add3A_236 = arith.addf %mul3A_230, %mul3A_235 : vector<256x257xf32>
    %slice3A_237 = vector.extract_strided_slice %get3A_2 {offsets = [1, 0, 1], sizes = [1, 256, 257], strides = [1, 1, 1]} : vector<8x256x264xf32> to vector<1x256x257xf32>
    %squeeze3A_238 = vector.shape_cast %slice3A_237 : vector<1x256x257xf32> to vector<256x257xf32>
    %mul3A_239 = arith.constant 0.459877491 : f32
    %mul3A_240 = vector.broadcast %mul3A_239 : f32 to vector<256x257xf32>
    %mul3A_241 = arith.mulf %mul3A_240, %squeeze3A_238 : vector<256x257xf32>
    %add3A_242 = arith.addf %add3A_236, %mul3A_241 : vector<256x257xf32>
    %slice3A_243 = vector.extract_strided_slice %get3A_2 {offsets = [2, 0, 1], sizes = [1, 256, 257], strides = [1, 1, 1]} : vector<8x256x264xf32> to vector<1x256x257xf32>
    %squeeze3A_244 = vector.shape_cast %slice3A_243 : vector<1x256x257xf32> to vector<256x257xf32>
    %mul3A_245 = arith.constant -0.135011017 : f32
    %mul3A_246 = vector.broadcast %mul3A_245 : f32 to vector<256x257xf32>
    %mul3A_247 = arith.mulf %mul3A_246, %squeeze3A_244 : vector<256x257xf32>
    %add3A_248 = arith.addf %add3A_242, %mul3A_247 : vector<256x257xf32>
    %slice3A_249 = vector.extract_strided_slice %get3A_2 {offsets = [3, 0, 1], sizes = [1, 256, 257], strides = [1, 1, 1]} : vector<8x256x264xf32> to vector<1x256x257xf32>
    %squeeze3A_250 = vector.shape_cast %slice3A_249 : vector<1x256x257xf32> to vector<256x257xf32>
    %mul3A_251 = arith.constant -0.0854412764 : f32
    %mul3A_252 = vector.broadcast %mul3A_251 : f32 to vector<256x257xf32>
    %mul3A_253 = arith.mulf %mul3A_252, %squeeze3A_250 : vector<256x257xf32>
    %add3A_254 = arith.addf %add3A_248, %mul3A_253 : vector<256x257xf32>
    %slice3A_255 = vector.extract_strided_slice %get3A_2 {offsets = [4, 0, 1], sizes = [1, 256, 257], strides = [1, 1, 1]} : vector<8x256x264xf32> to vector<1x256x257xf32>
    %squeeze3A_256 = vector.shape_cast %slice3A_255 : vector<1x256x257xf32> to vector<256x257xf32>
    %mul3A_257 = arith.constant 0.0352262929 : f32
    %mul3A_258 = vector.broadcast %mul3A_257 : f32 to vector<256x257xf32>
    %mul3A_259 = arith.mulf %mul3A_258, %squeeze3A_256 : vector<256x257xf32>
    %add3A_260 = arith.addf %add3A_254, %mul3A_259 : vector<256x257xf32>
    %slice3A_261 = vector.extract_strided_slice %get3A_2 {offsets = [1, 0, 1], sizes = [1, 256, 257], strides = [1, 1, 1]} : vector<8x256x264xf32> to vector<1x256x257xf32>
    %squeeze3A_262 = vector.shape_cast %slice3A_261 : vector<1x256x257xf32> to vector<256x257xf32>
    %mul3A_263 = arith.constant 0.33267054 : f32
    %mul3A_264 = vector.broadcast %mul3A_263 : f32 to vector<256x257xf32>
    %mul3A_265 = arith.mulf %mul3A_264, %squeeze3A_262 : vector<256x257xf32>
    %slice3A_266 = vector.extract_strided_slice %get3A_2 {offsets = [2, 0, 1], sizes = [1, 256, 257], strides = [1, 1, 1]} : vector<8x256x264xf32> to vector<1x256x257xf32>
    %squeeze3A_267 = vector.shape_cast %slice3A_266 : vector<1x256x257xf32> to vector<256x257xf32>
    %mul3A_268 = arith.constant 0.8068915 : f32
    %mul3A_269 = vector.broadcast %mul3A_268 : f32 to vector<256x257xf32>
    %mul3A_270 = arith.mulf %mul3A_269, %squeeze3A_267 : vector<256x257xf32>
    %add3A_271 = arith.addf %mul3A_265, %mul3A_270 : vector<256x257xf32>
    %slice3A_272 = vector.extract_strided_slice %get3A_2 {offsets = [3, 0, 1], sizes = [1, 256, 257], strides = [1, 1, 1]} : vector<8x256x264xf32> to vector<1x256x257xf32>
    %squeeze3A_273 = vector.shape_cast %slice3A_272 : vector<1x256x257xf32> to vector<256x257xf32>
    %mul3A_274 = arith.constant 0.459877491 : f32
    %mul3A_275 = vector.broadcast %mul3A_274 : f32 to vector<256x257xf32>
    %mul3A_276 = arith.mulf %mul3A_275, %squeeze3A_273 : vector<256x257xf32>
    %add3A_277 = arith.addf %add3A_271, %mul3A_276 : vector<256x257xf32>
    %slice3A_278 = vector.extract_strided_slice %get3A_2 {offsets = [4, 0, 1], sizes = [1, 256, 257], strides = [1, 1, 1]} : vector<8x256x264xf32> to vector<1x256x257xf32>
    %squeeze3A_279 = vector.shape_cast %slice3A_278 : vector<1x256x257xf32> to vector<256x257xf32>
    %mul3A_280 = arith.constant -0.135011017 : f32
    %mul3A_281 = vector.broadcast %mul3A_280 : f32 to vector<256x257xf32>
    %mul3A_282 = arith.mulf %mul3A_281, %squeeze3A_279 : vector<256x257xf32>
    %add3A_283 = arith.addf %add3A_277, %mul3A_282 : vector<256x257xf32>
    %slice3A_284 = vector.extract_strided_slice %get3A_2 {offsets = [5, 0, 1], sizes = [1, 256, 257], strides = [1, 1, 1]} : vector<8x256x264xf32> to vector<1x256x257xf32>
    %squeeze3A_285 = vector.shape_cast %slice3A_284 : vector<1x256x257xf32> to vector<256x257xf32>
    %mul3A_286 = arith.constant -0.0854412764 : f32
    %mul3A_287 = vector.broadcast %mul3A_286 : f32 to vector<256x257xf32>
    %mul3A_288 = arith.mulf %mul3A_287, %squeeze3A_285 : vector<256x257xf32>
    %add3A_289 = arith.addf %add3A_283, %mul3A_288 : vector<256x257xf32>
    %slice3A_290 = vector.extract_strided_slice %get3A_2 {offsets = [6, 0, 1], sizes = [1, 256, 257], strides = [1, 1, 1]} : vector<8x256x264xf32> to vector<1x256x257xf32>
    %squeeze3A_291 = vector.shape_cast %slice3A_290 : vector<1x256x257xf32> to vector<256x257xf32>
    %mul3A_292 = arith.constant 0.0352262929 : f32
    %mul3A_293 = vector.broadcast %mul3A_292 : f32 to vector<256x257xf32>
    %mul3A_294 = arith.mulf %mul3A_293, %squeeze3A_291 : vector<256x257xf32>
    %add3A_295 = arith.addf %add3A_289, %mul3A_294 : vector<256x257xf32>
    %broadcast_in_dim3A = arith.constant 0.000000e+00 : f32
    %broadcast_in_dim3A_296 = vector.broadcast %broadcast_in_dim3A : f32 to vector<256x2xf32>
    %broadcast_in_dim3A_297 = arith.constant 0.000000e+00 : f32
    %broadcast_in_dim3A_298 = vector.broadcast %broadcast_in_dim3A_297 : f32 to vector<256x1xf32>
    %concatenate3A = tpu.concatenate %broadcast_in_dim3A_296, %add3A_190, %broadcast_in_dim3A_298 in 1 : vector<256x2xf32>, vector<256x257xf32>, vector<256x1xf32> -> vector<256x260xf32>
    %concatenate3A_299 = tpu.concatenate %broadcast_in_dim3A_296, %add3A_225, %broadcast_in_dim3A_298 in 1 : vector<256x2xf32>, vector<256x257xf32>, vector<256x1xf32> -> vector<256x260xf32>
    %concatenate3A_300 = tpu.concatenate %broadcast_in_dim3A_296, %add3A_260, %broadcast_in_dim3A_298 in 1 : vector<256x2xf32>, vector<256x257xf32>, vector<256x1xf32> -> vector<256x260xf32>
    %concatenate3A_301 = tpu.concatenate %broadcast_in_dim3A_296, %add3A_295, %broadcast_in_dim3A_298 in 1 : vector<256x2xf32>, vector<256x257xf32>, vector<256x1xf32> -> vector<256x260xf32>
    %slice3A_302 = vector.extract_strided_slice %concatenate3A_301 {offsets = [0, 0], sizes = [256, 258], strides = [1, 1]} : vector<256x260xf32> to vector<256x258xf32>
    %mul3A_303 = arith.constant 0.0352262929 : f32
    %mul3A_304 = vector.broadcast %mul3A_303 : f32 to vector<256x258xf32>
    %mul3A_305 = arith.mulf %mul3A_304, %slice3A_302 : vector<256x258xf32>
    %slice3A_306 = vector.extract_strided_slice %concatenate3A {offsets = [0, 1], sizes = [256, 258], strides = [1, 1]} : vector<256x260xf32> to vector<256x258xf32>
    %mul3A_307 = arith.constant 0.0854412764 : f32
    %mul3A_308 = vector.broadcast %mul3A_307 : f32 to vector<256x258xf32>
    %mul3A_309 = arith.mulf %mul3A_308, %slice3A_306 : vector<256x258xf32>
    %add3A_310 = arith.addf %mul3A_305, %mul3A_309 : vector<256x258xf32>
    %slice3A_311 = vector.extract_strided_slice %concatenate3A_299 {offsets = [0, 1], sizes = [256, 258], strides = [1, 1]} : vector<256x260xf32> to vector<256x258xf32>
    %mul3A_312 = arith.constant -0.135011017 : f32
    %mul3A_313 = vector.broadcast %mul3A_312 : f32 to vector<256x258xf32>
    %mul3A_314 = arith.mulf %mul3A_313, %slice3A_311 : vector<256x258xf32>
    %add3A_315 = arith.addf %add3A_310, %mul3A_314 : vector<256x258xf32>
    %slice3A_316 = vector.extract_strided_slice %concatenate3A_300 {offsets = [0, 1], sizes = [256, 258], strides = [1, 1]} : vector<256x260xf32> to vector<256x258xf32>
    %mul3A_317 = arith.constant -0.459877491 : f32
    %mul3A_318 = vector.broadcast %mul3A_317 : f32 to vector<256x258xf32>
    %mul3A_319 = arith.mulf %mul3A_318, %slice3A_316 : vector<256x258xf32>
    %add3A_320 = arith.addf %add3A_315, %mul3A_319 : vector<256x258xf32>
    %slice3A_321 = vector.extract_strided_slice %concatenate3A_301 {offsets = [0, 1], sizes = [256, 258], strides = [1, 1]} : vector<256x260xf32> to vector<256x258xf32>
    %mul3A_322 = arith.constant 0.8068915 : f32
    %mul3A_323 = vector.broadcast %mul3A_322 : f32 to vector<256x258xf32>
    %mul3A_324 = arith.mulf %mul3A_323, %slice3A_321 : vector<256x258xf32>
    %add3A_325 = arith.addf %add3A_320, %mul3A_324 : vector<256x258xf32>
    %slice3A_326 = vector.extract_strided_slice %concatenate3A {offsets = [0, 2], sizes = [256, 258], strides = [1, 1]} : vector<256x260xf32> to vector<256x258xf32>
    %mul3A_327 = arith.constant -0.33267054 : f32
    %mul3A_328 = vector.broadcast %mul3A_327 : f32 to vector<256x258xf32>
    %mul3A_329 = arith.mulf %mul3A_328, %slice3A_326 : vector<256x258xf32>
    %add3A_330 = arith.addf %add3A_325, %mul3A_329 : vector<256x258xf32>
    %slice3A_331 = vector.extract_strided_slice %concatenate3A_299 {offsets = [0, 1], sizes = [256, 258], strides = [1, 1]} : vector<256x260xf32> to vector<256x258xf32>
    %mul3A_332 = arith.constant 0.0352262929 : f32
    %mul3A_333 = vector.broadcast %mul3A_332 : f32 to vector<256x258xf32>
    %mul3A_334 = arith.mulf %mul3A_333, %slice3A_331 : vector<256x258xf32>
    %slice3A_335 = vector.extract_strided_slice %concatenate3A_300 {offsets = [0, 1], sizes = [256, 258], strides = [1, 1]} : vector<256x260xf32> to vector<256x258xf32>
    %mul3A_336 = arith.constant 0.0854412764 : f32
    %mul3A_337 = vector.broadcast %mul3A_336 : f32 to vector<256x258xf32>
    %mul3A_338 = arith.mulf %mul3A_337, %slice3A_335 : vector<256x258xf32>
    %add3A_339 = arith.addf %mul3A_334, %mul3A_338 : vector<256x258xf32>
    %slice3A_340 = vector.extract_strided_slice %concatenate3A_301 {offsets = [0, 1], sizes = [256, 258], strides = [1, 1]} : vector<256x260xf32> to vector<256x258xf32>
    %mul3A_341 = arith.constant -0.135011017 : f32
    %mul3A_342 = vector.broadcast %mul3A_341 : f32 to vector<256x258xf32>
    %mul3A_343 = arith.mulf %mul3A_342, %slice3A_340 : vector<256x258xf32>
    %add3A_344 = arith.addf %add3A_339, %mul3A_343 : vector<256x258xf32>
    %slice3A_345 = vector.extract_strided_slice %concatenate3A {offsets = [0, 2], sizes = [256, 258], strides = [1, 1]} : vector<256x260xf32> to vector<256x258xf32>
    %mul3A_346 = arith.constant -0.459877491 : f32
    %mul3A_347 = vector.broadcast %mul3A_346 : f32 to vector<256x258xf32>
    %mul3A_348 = arith.mulf %mul3A_347, %slice3A_345 : vector<256x258xf32>
    %add3A_349 = arith.addf %add3A_344, %mul3A_348 : vector<256x258xf32>
    %slice3A_350 = vector.extract_strided_slice %concatenate3A_299 {offsets = [0, 2], sizes = [256, 258], strides = [1, 1]} : vector<256x260xf32> to vector<256x258xf32>
    %mul3A_351 = arith.constant 0.8068915 : f32
    %mul3A_352 = vector.broadcast %mul3A_351 : f32 to vector<256x258xf32>
    %mul3A_353 = arith.mulf %mul3A_352, %slice3A_350 : vector<256x258xf32>
    %add3A_354 = arith.addf %add3A_349, %mul3A_353 : vector<256x258xf32>
    %slice3A_355 = vector.extract_strided_slice %concatenate3A_300 {offsets = [0, 2], sizes = [256, 258], strides = [1, 1]} : vector<256x260xf32> to vector<256x258xf32>
    %mul3A_356 = arith.constant -0.33267054 : f32
    %mul3A_357 = vector.broadcast %mul3A_356 : f32 to vector<256x258xf32>
    %mul3A_358 = arith.mulf %mul3A_357, %slice3A_355 : vector<256x258xf32>
    %add3A_359 = arith.addf %add3A_354, %mul3A_358 : vector<256x258xf32>
    %mul3A_360 = arith.mulf %add3A_330, %add3A_330 : vector<256x258xf32>
    %reduce_sum3A_361 = arith.constant dense<0.000000e+00> : vector<256xf32>
    %reduce_sum3A_362 = vector.multi_reduction <add>, %mul3A_360, %reduce_sum3A_361 [1] : vector<256x258xf32> to vector<256xf32>
    %add3A_363 = arith.constant 0.000000e+00 : f32
    %add3A_364 = vector.broadcast %add3A_363 : f32 to vector<256xf32>
    %add3A_365 = arith.addf %add3A_364, %reduce_sum3A_362 : vector<256xf32>
    %mul3A_366 = arith.mulf %add3A_359, %add3A_359 : vector<256x258xf32>
    %reduce_sum3A_367 = arith.constant dense<0.000000e+00> : vector<256xf32>
    %reduce_sum3A_368 = vector.multi_reduction <add>, %mul3A_366, %reduce_sum3A_367 [1] : vector<256x258xf32> to vector<256xf32>
    %add3A_369 = arith.addf %add3A_365, %reduce_sum3A_368 : vector<256xf32>
    %slice3A_370 = vector.extract_strided_slice %concatenate3A_301 {offsets = [0, 0], sizes = [256, 258], strides = [1, 1]} : vector<256x260xf32> to vector<256x258xf32>
    %mul3A_371 = arith.constant 0.33267054 : f32
    %mul3A_372 = vector.broadcast %mul3A_371 : f32 to vector<256x258xf32>
    %mul3A_373 = arith.mulf %mul3A_372, %slice3A_370 : vector<256x258xf32>
    %slice3A_374 = vector.extract_strided_slice %concatenate3A {offsets = [0, 1], sizes = [256, 258], strides = [1, 1]} : vector<256x260xf32> to vector<256x258xf32>
    %mul3A_375 = arith.constant 0.8068915 : f32
    %mul3A_376 = vector.broadcast %mul3A_375 : f32 to vector<256x258xf32>
    %mul3A_377 = arith.mulf %mul3A_376, %slice3A_374 : vector<256x258xf32>
    %add3A_378 = arith.addf %mul3A_373, %mul3A_377 : vector<256x258xf32>
    %slice3A_379 = vector.extract_strided_slice %concatenate3A_299 {offsets = [0, 1], sizes = [256, 258], strides = [1, 1]} : vector<256x260xf32> to vector<256x258xf32>
    %mul3A_380 = arith.constant 0.459877491 : f32
    %mul3A_381 = vector.broadcast %mul3A_380 : f32 to vector<256x258xf32>
    %mul3A_382 = arith.mulf %mul3A_381, %slice3A_379 : vector<256x258xf32>
    %add3A_383 = arith.addf %add3A_378, %mul3A_382 : vector<256x258xf32>
    %slice3A_384 = vector.extract_strided_slice %concatenate3A_300 {offsets = [0, 1], sizes = [256, 258], strides = [1, 1]} : vector<256x260xf32> to vector<256x258xf32>
    %mul3A_385 = arith.constant -0.135011017 : f32
    %mul3A_386 = vector.broadcast %mul3A_385 : f32 to vector<256x258xf32>
    %mul3A_387 = arith.mulf %mul3A_386, %slice3A_384 : vector<256x258xf32>
    %add3A_388 = arith.addf %add3A_383, %mul3A_387 : vector<256x258xf32>
    %slice3A_389 = vector.extract_strided_slice %concatenate3A_301 {offsets = [0, 1], sizes = [256, 258], strides = [1, 1]} : vector<256x260xf32> to vector<256x258xf32>
    %mul3A_390 = arith.constant -0.0854412764 : f32
    %mul3A_391 = vector.broadcast %mul3A_390 : f32 to vector<256x258xf32>
    %mul3A_392 = arith.mulf %mul3A_391, %slice3A_389 : vector<256x258xf32>
    %add3A_393 = arith.addf %add3A_388, %mul3A_392 : vector<256x258xf32>
    %slice3A_394 = vector.extract_strided_slice %concatenate3A {offsets = [0, 2], sizes = [256, 258], strides = [1, 1]} : vector<256x260xf32> to vector<256x258xf32>
    %mul3A_395 = arith.constant 0.0352262929 : f32
    %mul3A_396 = vector.broadcast %mul3A_395 : f32 to vector<256x258xf32>
    %mul3A_397 = arith.mulf %mul3A_396, %slice3A_394 : vector<256x258xf32>
    %add3A_398 = arith.addf %add3A_393, %mul3A_397 : vector<256x258xf32>
    %slice3A_399 = vector.extract_strided_slice %concatenate3A_299 {offsets = [0, 1], sizes = [256, 258], strides = [1, 1]} : vector<256x260xf32> to vector<256x258xf32>
    %mul3A_400 = arith.constant 0.33267054 : f32
    %mul3A_401 = vector.broadcast %mul3A_400 : f32 to vector<256x258xf32>
    %mul3A_402 = arith.mulf %mul3A_401, %slice3A_399 : vector<256x258xf32>
    %slice3A_403 = vector.extract_strided_slice %concatenate3A_300 {offsets = [0, 1], sizes = [256, 258], strides = [1, 1]} : vector<256x260xf32> to vector<256x258xf32>
    %mul3A_404 = arith.constant 0.8068915 : f32
    %mul3A_405 = vector.broadcast %mul3A_404 : f32 to vector<256x258xf32>
    %mul3A_406 = arith.mulf %mul3A_405, %slice3A_403 : vector<256x258xf32>
    %add3A_407 = arith.addf %mul3A_402, %mul3A_406 : vector<256x258xf32>
    %slice3A_408 = vector.extract_strided_slice %concatenate3A_301 {offsets = [0, 1], sizes = [256, 258], strides = [1, 1]} : vector<256x260xf32> to vector<256x258xf32>
    %mul3A_409 = arith.constant 0.459877491 : f32
    %mul3A_410 = vector.broadcast %mul3A_409 : f32 to vector<256x258xf32>
    %mul3A_411 = arith.mulf %mul3A_410, %slice3A_408 : vector<256x258xf32>
    %add3A_412 = arith.addf %add3A_407, %mul3A_411 : vector<256x258xf32>
    %slice3A_413 = vector.extract_strided_slice %concatenate3A {offsets = [0, 2], sizes = [256, 258], strides = [1, 1]} : vector<256x260xf32> to vector<256x258xf32>
    %mul3A_414 = arith.constant -0.135011017 : f32
    %mul3A_415 = vector.broadcast %mul3A_414 : f32 to vector<256x258xf32>
    %mul3A_416 = arith.mulf %mul3A_415, %slice3A_413 : vector<256x258xf32>
    %add3A_417 = arith.addf %add3A_412, %mul3A_416 : vector<256x258xf32>
    %slice3A_418 = vector.extract_strided_slice %concatenate3A_299 {offsets = [0, 2], sizes = [256, 258], strides = [1, 1]} : vector<256x260xf32> to vector<256x258xf32>
    %mul3A_419 = arith.constant -0.0854412764 : f32
    %mul3A_420 = vector.broadcast %mul3A_419 : f32 to vector<256x258xf32>
    %mul3A_421 = arith.mulf %mul3A_420, %slice3A_418 : vector<256x258xf32>
    %add3A_422 = arith.addf %add3A_417, %mul3A_421 : vector<256x258xf32>
    %slice3A_423 = vector.extract_strided_slice %concatenate3A_300 {offsets = [0, 2], sizes = [256, 258], strides = [1, 1]} : vector<256x260xf32> to vector<256x258xf32>
    %mul3A_424 = arith.constant 0.0352262929 : f32
    %mul3A_425 = vector.broadcast %mul3A_424 : f32 to vector<256x258xf32>
    %mul3A_426 = arith.mulf %mul3A_425, %slice3A_423 : vector<256x258xf32>
    %add3A_427 = arith.addf %add3A_422, %mul3A_426 : vector<256x258xf32>
    %broadcast_in_dim3A_428 = arith.constant 0.000000e+00 : f32
    %broadcast_in_dim3A_429 = vector.broadcast %broadcast_in_dim3A_428 : f32 to vector<256x3xf32>
    %concatenate3A_430 = tpu.concatenate %broadcast_in_dim3A_429, %add3A_398, %broadcast_in_dim3A_429 in 1 : vector<256x3xf32>, vector<256x258xf32>, vector<256x3xf32> -> vector<256x264xf32>
    %concatenate3A_431 = tpu.concatenate %broadcast_in_dim3A_429, %add3A_427, %broadcast_in_dim3A_429 in 1 : vector<256x3xf32>, vector<256x258xf32>, vector<256x3xf32> -> vector<256x264xf32>
    %slice3A_432 = vector.extract_strided_slice %concatenate3A_431 {offsets = [0, 0], sizes = [256, 261], strides = [1, 1]} : vector<256x264xf32> to vector<256x261xf32>
    %mul3A_433 = arith.constant 0.0352262929 : f32
    %mul3A_434 = vector.broadcast %mul3A_433 : f32 to vector<256x261xf32>
    %mul3A_435 = arith.mulf %mul3A_434, %slice3A_432 : vector<256x261xf32>
    %slice3A_436 = vector.extract_strided_slice %concatenate3A_430 {offsets = [0, 1], sizes = [256, 261], strides = [1, 1]} : vector<256x264xf32> to vector<256x261xf32>
    %mul3A_437 = arith.constant 0.0854412764 : f32
    %mul3A_438 = vector.broadcast %mul3A_437 : f32 to vector<256x261xf32>
    %mul3A_439 = arith.mulf %mul3A_438, %slice3A_436 : vector<256x261xf32>
    %add3A_440 = arith.addf %mul3A_435, %mul3A_439 : vector<256x261xf32>
    %slice3A_441 = vector.extract_strided_slice %concatenate3A_431 {offsets = [0, 1], sizes = [256, 261], strides = [1, 1]} : vector<256x264xf32> to vector<256x261xf32>
    %mul3A_442 = arith.constant -0.135011017 : f32
    %mul3A_443 = vector.broadcast %mul3A_442 : f32 to vector<256x261xf32>
    %mul3A_444 = arith.mulf %mul3A_443, %slice3A_441 : vector<256x261xf32>
    %add3A_445 = arith.addf %add3A_440, %mul3A_444 : vector<256x261xf32>
    %slice3A_446 = vector.extract_strided_slice %concatenate3A_430 {offsets = [0, 2], sizes = [256, 261], strides = [1, 1]} : vector<256x264xf32> to vector<256x261xf32>
    %mul3A_447 = arith.constant -0.459877491 : f32
    %mul3A_448 = vector.broadcast %mul3A_447 : f32 to vector<256x261xf32>
    %mul3A_449 = arith.mulf %mul3A_448, %slice3A_446 : vector<256x261xf32>
    %add3A_450 = arith.addf %add3A_445, %mul3A_449 : vector<256x261xf32>
    %slice3A_451 = vector.extract_strided_slice %concatenate3A_431 {offsets = [0, 2], sizes = [256, 261], strides = [1, 1]} : vector<256x264xf32> to vector<256x261xf32>
    %mul3A_452 = arith.constant 0.8068915 : f32
    %mul3A_453 = vector.broadcast %mul3A_452 : f32 to vector<256x261xf32>
    %mul3A_454 = arith.mulf %mul3A_453, %slice3A_451 : vector<256x261xf32>
    %add3A_455 = arith.addf %add3A_450, %mul3A_454 : vector<256x261xf32>
    %slice3A_456 = vector.extract_strided_slice %concatenate3A_430 {offsets = [0, 3], sizes = [256, 261], strides = [1, 1]} : vector<256x264xf32> to vector<256x261xf32>
    %mul3A_457 = arith.constant -0.33267054 : f32
    %mul3A_458 = vector.broadcast %mul3A_457 : f32 to vector<256x261xf32>
    %mul3A_459 = arith.mulf %mul3A_458, %slice3A_456 : vector<256x261xf32>
    %add3A_460 = arith.addf %add3A_455, %mul3A_459 : vector<256x261xf32>
    %mul3A_461 = arith.mulf %add3A_460, %add3A_460 : vector<256x261xf32>
    %reduce_sum3A_462 = arith.constant dense<0.000000e+00> : vector<256xf32>
    %reduce_sum3A_463 = vector.multi_reduction <add>, %mul3A_461, %reduce_sum3A_462 [1] : vector<256x261xf32> to vector<256xf32>
    %slice3A_464 = vector.extract_strided_slice %concatenate3A_431 {offsets = [0, 0], sizes = [256, 261], strides = [1, 1]} : vector<256x264xf32> to vector<256x261xf32>
    %mul3A_465 = arith.constant 0.33267054 : f32
    %mul3A_466 = vector.broadcast %mul3A_465 : f32 to vector<256x261xf32>
    %mul3A_467 = arith.mulf %mul3A_466, %slice3A_464 : vector<256x261xf32>
    %slice3A_468 = vector.extract_strided_slice %concatenate3A_430 {offsets = [0, 1], sizes = [256, 261], strides = [1, 1]} : vector<256x264xf32> to vector<256x261xf32>
    %mul3A_469 = arith.constant 0.8068915 : f32
    %mul3A_470 = vector.broadcast %mul3A_469 : f32 to vector<256x261xf32>
    %mul3A_471 = arith.mulf %mul3A_470, %slice3A_468 : vector<256x261xf32>
    %add3A_472 = arith.addf %mul3A_467, %mul3A_471 : vector<256x261xf32>
    %slice3A_473 = vector.extract_strided_slice %concatenate3A_431 {offsets = [0, 1], sizes = [256, 261], strides = [1, 1]} : vector<256x264xf32> to vector<256x261xf32>
    %mul3A_474 = arith.constant 0.459877491 : f32
    %mul3A_475 = vector.broadcast %mul3A_474 : f32 to vector<256x261xf32>
    %mul3A_476 = arith.mulf %mul3A_475, %slice3A_473 : vector<256x261xf32>
    %add3A_477 = arith.addf %add3A_472, %mul3A_476 : vector<256x261xf32>
    %slice3A_478 = vector.extract_strided_slice %concatenate3A_430 {offsets = [0, 2], sizes = [256, 261], strides = [1, 1]} : vector<256x264xf32> to vector<256x261xf32>
    %mul3A_479 = arith.constant -0.135011017 : f32
    %mul3A_480 = vector.broadcast %mul3A_479 : f32 to vector<256x261xf32>
    %mul3A_481 = arith.mulf %mul3A_480, %slice3A_478 : vector<256x261xf32>
    %add3A_482 = arith.addf %add3A_477, %mul3A_481 : vector<256x261xf32>
    %slice3A_483 = vector.extract_strided_slice %concatenate3A_431 {offsets = [0, 2], sizes = [256, 261], strides = [1, 1]} : vector<256x264xf32> to vector<256x261xf32>
    %mul3A_484 = arith.constant -0.0854412764 : f32
    %mul3A_485 = vector.broadcast %mul3A_484 : f32 to vector<256x261xf32>
    %mul3A_486 = arith.mulf %mul3A_485, %slice3A_483 : vector<256x261xf32>
    %add3A_487 = arith.addf %add3A_482, %mul3A_486 : vector<256x261xf32>
    %slice3A_488 = vector.extract_strided_slice %concatenate3A_430 {offsets = [0, 3], sizes = [256, 261], strides = [1, 1]} : vector<256x264xf32> to vector<256x261xf32>
    %mul3A_489 = arith.constant 0.0352262929 : f32
    %mul3A_490 = vector.broadcast %mul3A_489 : f32 to vector<256x261xf32>
    %mul3A_491 = arith.mulf %mul3A_490, %slice3A_488 : vector<256x261xf32>
    %add3A_492 = arith.addf %add3A_487, %mul3A_491 : vector<256x261xf32>
    %reduce_sum3A_493 = arith.constant dense<0.000000e+00> : vector<256xf32>
    %reduce_sum3A_494 = vector.multi_reduction <add>, %add3A_492, %reduce_sum3A_493 [1] : vector<256x261xf32> to vector<256xf32>
    %swap3A = arith.constant 0 : index
    %swap3A_495 = vector.load %arg2[%swap3A] : memref<256xf32, #tpu.memory_space<vmem>>, vector<256xf32>
    tpu.vector_store %arg2[%swap3A], %reduce_sum3A_494 {strides = array<i32>} : memref<256xf32, #tpu.memory_space<vmem>>, vector<256xf32>,
    %swap3A_496 = arith.constant 0 : index
    %swap3A_497 = vector.load %arg3[%swap3A_496] : memref<256xf32, #tpu.memory_space<vmem>>, vector<256xf32>
    tpu.vector_store %arg3[%swap3A_496], %add3A_155 {strides = array<i32>} : memref<256xf32, #tpu.memory_space<vmem>>, vector<256xf32>,
    %swap3A_498 = arith.constant 0 : index
    %swap3A_499 = vector.load %arg4[%swap3A_498] : memref<256xf32, #tpu.memory_space<vmem>>, vector<256xf32>
    tpu.vector_store %arg4[%swap3A_498], %add3A_369 {strides = array<i32>} : memref<256xf32, #tpu.memory_space<vmem>>, vector<256xf32>,
    %swap3A_500 = arith.constant 0 : index
    %swap3A_501 = vector.load %arg5[%swap3A_500] : memref<256xf32, #tpu.memory_space<vmem>>, vector<256xf32>
    tpu.vector_store %arg5[%swap3A_500], %reduce_sum3A_463 {strides = array<i32>} : memref<256xf32, #tpu.memory_space<vmem>>, vector<256xf32>,
    return
  }
  func.func @transform_0(%arg0: i32) -> (i32, i32, i32) {
    %c0_i32 = arith.constant 0 : i32
    %c0_i32_0 = arith.constant 0 : i32
    %c0_i32_1 = arith.constant 0 : i32
    return %c0_i32, %arg0, %c0_i32_0 : i32, i32, i32
  }
  func.func @transform_1(%arg0: i32) -> i32 {
    %c0_i32 = arith.constant 0 : i32
    return %arg0 : i32
  }
  func.func @transform_2(%arg0: i32) -> i32 {
    %c0_i32 = arith.constant 0 : i32
    return %arg0 : i32
  }
  func.func @transform_3(%arg0: i32) -> i32 {
    %c0_i32 = arith.constant 0 : i32
    return %arg0 : i32
  }
  func.func @transform_4(%arg0: i32) -> i32 {
    %c0_i32 = arith.constant 0 : i32
    return %arg0 : i32
  }
}

module attributes {stable_mosaic.version = 14 : i64} {
  func.func @_band_body(%arg0: i32, %arg1: memref<8x128x1032xf32, #tpu.memory_space<vmem>>, %arg2: memref<128xf32, #tpu.memory_space<vmem>>, %arg3: memref<128xf32, #tpu.memory_space<vmem>>, %arg4: memref<128xf32, #tpu.memory_space<vmem>>, %arg5: memref<128xf32, #tpu.memory_space<vmem>>) attributes {dimension_semantics = [#tpu.dimension_semantics<arbitrary>], iteration_bounds = array<i64: 16>, scalar_prefetch = 0 : i64, scratch_operands = 0 : i64, tpu.core_type = #tpu.core_type<tc>, window_params = [{transform_indices = @transform_0, window_bounds = array<i64: 8, 128, 1032>}, {transform_indices = @transform_1, window_bounds = array<i64: 128>}, {transform_indices = @transform_2, window_bounds = array<i64: 128>}, {transform_indices = @transform_3, window_bounds = array<i64: 128>}, {transform_indices = @transform_4, window_bounds = array<i64: 128>}]} {
    %get3A = arith.constant 0 : index
    %get3A_0 = arith.constant 0 : index
    %get3A_1 = arith.constant 0 : index
    %get3A_2 = vector.load %arg1[%get3A, %get3A_0, %get3A_1] : memref<8x128x1032xf32, #tpu.memory_space<vmem>>, vector<8x128x1032xf32>
    %slice3A = vector.extract_strided_slice %get3A_2 {offsets = [3, 0, 0], sizes = [1, 128, 1025], strides = [1, 1, 1]} : vector<8x128x1032xf32> to vector<1x128x1025xf32>
    %squeeze3A = vector.shape_cast %slice3A : vector<1x128x1025xf32> to vector<128x1025xf32>
    %mul3A = arith.constant 0.0352262929 : f32
    %mul3A_3 = vector.broadcast %mul3A : f32 to vector<128x1025xf32>
    %mul3A_4 = arith.mulf %mul3A_3, %squeeze3A : vector<128x1025xf32>
    %slice3A_5 = vector.extract_strided_slice %get3A_2 {offsets = [4, 0, 0], sizes = [1, 128, 1025], strides = [1, 1, 1]} : vector<8x128x1032xf32> to vector<1x128x1025xf32>
    %squeeze3A_6 = vector.shape_cast %slice3A_5 : vector<1x128x1025xf32> to vector<128x1025xf32>
    %mul3A_7 = arith.constant 0.0854412764 : f32
    %mul3A_8 = vector.broadcast %mul3A_7 : f32 to vector<128x1025xf32>
    %mul3A_9 = arith.mulf %mul3A_8, %squeeze3A_6 : vector<128x1025xf32>
    %add3A = arith.addf %mul3A_4, %mul3A_9 : vector<128x1025xf32>
    %slice3A_10 = vector.extract_strided_slice %get3A_2 {offsets = [5, 0, 0], sizes = [1, 128, 1025], strides = [1, 1, 1]} : vector<8x128x1032xf32> to vector<1x128x1025xf32>
    %squeeze3A_11 = vector.shape_cast %slice3A_10 : vector<1x128x1025xf32> to vector<128x1025xf32>
    %mul3A_12 = arith.constant -0.135011017 : f32
    %mul3A_13 = vector.broadcast %mul3A_12 : f32 to vector<128x1025xf32>
    %mul3A_14 = arith.mulf %mul3A_13, %squeeze3A_11 : vector<128x1025xf32>
    %add3A_15 = arith.addf %add3A, %mul3A_14 : vector<128x1025xf32>
    %slice3A_16 = vector.extract_strided_slice %get3A_2 {offsets = [6, 0, 0], sizes = [1, 128, 1025], strides = [1, 1, 1]} : vector<8x128x1032xf32> to vector<1x128x1025xf32>
    %squeeze3A_17 = vector.shape_cast %slice3A_16 : vector<1x128x1025xf32> to vector<128x1025xf32>
    %mul3A_18 = arith.constant -0.459877491 : f32
    %mul3A_19 = vector.broadcast %mul3A_18 : f32 to vector<128x1025xf32>
    %mul3A_20 = arith.mulf %mul3A_19, %squeeze3A_17 : vector<128x1025xf32>
    %add3A_21 = arith.addf %add3A_15, %mul3A_20 : vector<128x1025xf32>
    %slice3A_22 = vector.extract_strided_slice %get3A_2 {offsets = [7, 0, 0], sizes = [1, 128, 1025], strides = [1, 1, 1]} : vector<8x128x1032xf32> to vector<1x128x1025xf32>
    %squeeze3A_23 = vector.shape_cast %slice3A_22 : vector<1x128x1025xf32> to vector<128x1025xf32>
    %mul3A_24 = arith.constant 0.8068915 : f32
    %mul3A_25 = vector.broadcast %mul3A_24 : f32 to vector<128x1025xf32>
    %mul3A_26 = arith.mulf %mul3A_25, %squeeze3A_23 : vector<128x1025xf32>
    %add3A_27 = arith.addf %add3A_21, %mul3A_26 : vector<128x1025xf32>
    %slice3A_28 = vector.extract_strided_slice %get3A_2 {offsets = [0, 0, 1], sizes = [1, 128, 1025], strides = [1, 1, 1]} : vector<8x128x1032xf32> to vector<1x128x1025xf32>
    %squeeze3A_29 = vector.shape_cast %slice3A_28 : vector<1x128x1025xf32> to vector<128x1025xf32>
    %mul3A_30 = arith.constant -0.33267054 : f32
    %mul3A_31 = vector.broadcast %mul3A_30 : f32 to vector<128x1025xf32>
    %mul3A_32 = arith.mulf %mul3A_31, %squeeze3A_29 : vector<128x1025xf32>
    %add3A_33 = arith.addf %add3A_27, %mul3A_32 : vector<128x1025xf32>
    %slice3A_34 = vector.extract_strided_slice %get3A_2 {offsets = [5, 0, 0], sizes = [1, 128, 1025], strides = [1, 1, 1]} : vector<8x128x1032xf32> to vector<1x128x1025xf32>
    %squeeze3A_35 = vector.shape_cast %slice3A_34 : vector<1x128x1025xf32> to vector<128x1025xf32>
    %mul3A_36 = arith.constant 0.0352262929 : f32
    %mul3A_37 = vector.broadcast %mul3A_36 : f32 to vector<128x1025xf32>
    %mul3A_38 = arith.mulf %mul3A_37, %squeeze3A_35 : vector<128x1025xf32>
    %slice3A_39 = vector.extract_strided_slice %get3A_2 {offsets = [6, 0, 0], sizes = [1, 128, 1025], strides = [1, 1, 1]} : vector<8x128x1032xf32> to vector<1x128x1025xf32>
    %squeeze3A_40 = vector.shape_cast %slice3A_39 : vector<1x128x1025xf32> to vector<128x1025xf32>
    %mul3A_41 = arith.constant 0.0854412764 : f32
    %mul3A_42 = vector.broadcast %mul3A_41 : f32 to vector<128x1025xf32>
    %mul3A_43 = arith.mulf %mul3A_42, %squeeze3A_40 : vector<128x1025xf32>
    %add3A_44 = arith.addf %mul3A_38, %mul3A_43 : vector<128x1025xf32>
    %slice3A_45 = vector.extract_strided_slice %get3A_2 {offsets = [7, 0, 0], sizes = [1, 128, 1025], strides = [1, 1, 1]} : vector<8x128x1032xf32> to vector<1x128x1025xf32>
    %squeeze3A_46 = vector.shape_cast %slice3A_45 : vector<1x128x1025xf32> to vector<128x1025xf32>
    %mul3A_47 = arith.constant -0.135011017 : f32
    %mul3A_48 = vector.broadcast %mul3A_47 : f32 to vector<128x1025xf32>
    %mul3A_49 = arith.mulf %mul3A_48, %squeeze3A_46 : vector<128x1025xf32>
    %add3A_50 = arith.addf %add3A_44, %mul3A_49 : vector<128x1025xf32>
    %slice3A_51 = vector.extract_strided_slice %get3A_2 {offsets = [0, 0, 1], sizes = [1, 128, 1025], strides = [1, 1, 1]} : vector<8x128x1032xf32> to vector<1x128x1025xf32>
    %squeeze3A_52 = vector.shape_cast %slice3A_51 : vector<1x128x1025xf32> to vector<128x1025xf32>
    %mul3A_53 = arith.constant -0.459877491 : f32
    %mul3A_54 = vector.broadcast %mul3A_53 : f32 to vector<128x1025xf32>
    %mul3A_55 = arith.mulf %mul3A_54, %squeeze3A_52 : vector<128x1025xf32>
    %add3A_56 = arith.addf %add3A_50, %mul3A_55 : vector<128x1025xf32>
    %slice3A_57 = vector.extract_strided_slice %get3A_2 {offsets = [1, 0, 1], sizes = [1, 128, 1025], strides = [1, 1, 1]} : vector<8x128x1032xf32> to vector<1x128x1025xf32>
    %squeeze3A_58 = vector.shape_cast %slice3A_57 : vector<1x128x1025xf32> to vector<128x1025xf32>
    %mul3A_59 = arith.constant 0.8068915 : f32
    %mul3A_60 = vector.broadcast %mul3A_59 : f32 to vector<128x1025xf32>
    %mul3A_61 = arith.mulf %mul3A_60, %squeeze3A_58 : vector<128x1025xf32>
    %add3A_62 = arith.addf %add3A_56, %mul3A_61 : vector<128x1025xf32>
    %slice3A_63 = vector.extract_strided_slice %get3A_2 {offsets = [2, 0, 1], sizes = [1, 128, 1025], strides = [1, 1, 1]} : vector<8x128x1032xf32> to vector<1x128x1025xf32>
    %squeeze3A_64 = vector.shape_cast %slice3A_63 : vector<1x128x1025xf32> to vector<128x1025xf32>
    %mul3A_65 = arith.constant -0.33267054 : f32
    %mul3A_66 = vector.broadcast %mul3A_65 : f32 to vector<128x1025xf32>
    %mul3A_67 = arith.mulf %mul3A_66, %squeeze3A_64 : vector<128x1025xf32>
    %add3A_68 = arith.addf %add3A_62, %mul3A_67 : vector<128x1025xf32>
    %slice3A_69 = vector.extract_strided_slice %get3A_2 {offsets = [7, 0, 0], sizes = [1, 128, 1025], strides = [1, 1, 1]} : vector<8x128x1032xf32> to vector<1x128x1025xf32>
    %squeeze3A_70 = vector.shape_cast %slice3A_69 : vector<1x128x1025xf32> to vector<128x1025xf32>
    %mul3A_71 = arith.constant 0.0352262929 : f32
    %mul3A_72 = vector.broadcast %mul3A_71 : f32 to vector<128x1025xf32>
    %mul3A_73 = arith.mulf %mul3A_72, %squeeze3A_70 : vector<128x1025xf32>
    %slice3A_74 = vector.extract_strided_slice %get3A_2 {offsets = [0, 0, 1], sizes = [1, 128, 1025], strides = [1, 1, 1]} : vector<8x128x1032xf32> to vector<1x128x1025xf32>
    %squeeze3A_75 = vector.shape_cast %slice3A_74 : vector<1x128x1025xf32> to vector<128x1025xf32>
    %mul3A_76 = arith.constant 0.0854412764 : f32
    %mul3A_77 = vector.broadcast %mul3A_76 : f32 to vector<128x1025xf32>
    %mul3A_78 = arith.mulf %mul3A_77, %squeeze3A_75 : vector<128x1025xf32>
    %add3A_79 = arith.addf %mul3A_73, %mul3A_78 : vector<128x1025xf32>
    %slice3A_80 = vector.extract_strided_slice %get3A_2 {offsets = [1, 0, 1], sizes = [1, 128, 1025], strides = [1, 1, 1]} : vector<8x128x1032xf32> to vector<1x128x1025xf32>
    %squeeze3A_81 = vector.shape_cast %slice3A_80 : vector<1x128x1025xf32> to vector<128x1025xf32>
    %mul3A_82 = arith.constant -0.135011017 : f32
    %mul3A_83 = vector.broadcast %mul3A_82 : f32 to vector<128x1025xf32>
    %mul3A_84 = arith.mulf %mul3A_83, %squeeze3A_81 : vector<128x1025xf32>
    %add3A_85 = arith.addf %add3A_79, %mul3A_84 : vector<128x1025xf32>
    %slice3A_86 = vector.extract_strided_slice %get3A_2 {offsets = [2, 0, 1], sizes = [1, 128, 1025], strides = [1, 1, 1]} : vector<8x128x1032xf32> to vector<1x128x1025xf32>
    %squeeze3A_87 = vector.shape_cast %slice3A_86 : vector<1x128x1025xf32> to vector<128x1025xf32>
    %mul3A_88 = arith.constant -0.459877491 : f32
    %mul3A_89 = vector.broadcast %mul3A_88 : f32 to vector<128x1025xf32>
    %mul3A_90 = arith.mulf %mul3A_89, %squeeze3A_87 : vector<128x1025xf32>
    %add3A_91 = arith.addf %add3A_85, %mul3A_90 : vector<128x1025xf32>
    %slice3A_92 = vector.extract_strided_slice %get3A_2 {offsets = [3, 0, 1], sizes = [1, 128, 1025], strides = [1, 1, 1]} : vector<8x128x1032xf32> to vector<1x128x1025xf32>
    %squeeze3A_93 = vector.shape_cast %slice3A_92 : vector<1x128x1025xf32> to vector<128x1025xf32>
    %mul3A_94 = arith.constant 0.8068915 : f32
    %mul3A_95 = vector.broadcast %mul3A_94 : f32 to vector<128x1025xf32>
    %mul3A_96 = arith.mulf %mul3A_95, %squeeze3A_93 : vector<128x1025xf32>
    %add3A_97 = arith.addf %add3A_91, %mul3A_96 : vector<128x1025xf32>
    %slice3A_98 = vector.extract_strided_slice %get3A_2 {offsets = [4, 0, 1], sizes = [1, 128, 1025], strides = [1, 1, 1]} : vector<8x128x1032xf32> to vector<1x128x1025xf32>
    %squeeze3A_99 = vector.shape_cast %slice3A_98 : vector<1x128x1025xf32> to vector<128x1025xf32>
    %mul3A_100 = arith.constant -0.33267054 : f32
    %mul3A_101 = vector.broadcast %mul3A_100 : f32 to vector<128x1025xf32>
    %mul3A_102 = arith.mulf %mul3A_101, %squeeze3A_99 : vector<128x1025xf32>
    %add3A_103 = arith.addf %add3A_97, %mul3A_102 : vector<128x1025xf32>
    %slice3A_104 = vector.extract_strided_slice %get3A_2 {offsets = [1, 0, 1], sizes = [1, 128, 1025], strides = [1, 1, 1]} : vector<8x128x1032xf32> to vector<1x128x1025xf32>
    %squeeze3A_105 = vector.shape_cast %slice3A_104 : vector<1x128x1025xf32> to vector<128x1025xf32>
    %mul3A_106 = arith.constant 0.0352262929 : f32
    %mul3A_107 = vector.broadcast %mul3A_106 : f32 to vector<128x1025xf32>
    %mul3A_108 = arith.mulf %mul3A_107, %squeeze3A_105 : vector<128x1025xf32>
    %slice3A_109 = vector.extract_strided_slice %get3A_2 {offsets = [2, 0, 1], sizes = [1, 128, 1025], strides = [1, 1, 1]} : vector<8x128x1032xf32> to vector<1x128x1025xf32>
    %squeeze3A_110 = vector.shape_cast %slice3A_109 : vector<1x128x1025xf32> to vector<128x1025xf32>
    %mul3A_111 = arith.constant 0.0854412764 : f32
    %mul3A_112 = vector.broadcast %mul3A_111 : f32 to vector<128x1025xf32>
    %mul3A_113 = arith.mulf %mul3A_112, %squeeze3A_110 : vector<128x1025xf32>
    %add3A_114 = arith.addf %mul3A_108, %mul3A_113 : vector<128x1025xf32>
    %slice3A_115 = vector.extract_strided_slice %get3A_2 {offsets = [3, 0, 1], sizes = [1, 128, 1025], strides = [1, 1, 1]} : vector<8x128x1032xf32> to vector<1x128x1025xf32>
    %squeeze3A_116 = vector.shape_cast %slice3A_115 : vector<1x128x1025xf32> to vector<128x1025xf32>
    %mul3A_117 = arith.constant -0.135011017 : f32
    %mul3A_118 = vector.broadcast %mul3A_117 : f32 to vector<128x1025xf32>
    %mul3A_119 = arith.mulf %mul3A_118, %squeeze3A_116 : vector<128x1025xf32>
    %add3A_120 = arith.addf %add3A_114, %mul3A_119 : vector<128x1025xf32>
    %slice3A_121 = vector.extract_strided_slice %get3A_2 {offsets = [4, 0, 1], sizes = [1, 128, 1025], strides = [1, 1, 1]} : vector<8x128x1032xf32> to vector<1x128x1025xf32>
    %squeeze3A_122 = vector.shape_cast %slice3A_121 : vector<1x128x1025xf32> to vector<128x1025xf32>
    %mul3A_123 = arith.constant -0.459877491 : f32
    %mul3A_124 = vector.broadcast %mul3A_123 : f32 to vector<128x1025xf32>
    %mul3A_125 = arith.mulf %mul3A_124, %squeeze3A_122 : vector<128x1025xf32>
    %add3A_126 = arith.addf %add3A_120, %mul3A_125 : vector<128x1025xf32>
    %slice3A_127 = vector.extract_strided_slice %get3A_2 {offsets = [5, 0, 1], sizes = [1, 128, 1025], strides = [1, 1, 1]} : vector<8x128x1032xf32> to vector<1x128x1025xf32>
    %squeeze3A_128 = vector.shape_cast %slice3A_127 : vector<1x128x1025xf32> to vector<128x1025xf32>
    %mul3A_129 = arith.constant 0.8068915 : f32
    %mul3A_130 = vector.broadcast %mul3A_129 : f32 to vector<128x1025xf32>
    %mul3A_131 = arith.mulf %mul3A_130, %squeeze3A_128 : vector<128x1025xf32>
    %add3A_132 = arith.addf %add3A_126, %mul3A_131 : vector<128x1025xf32>
    %slice3A_133 = vector.extract_strided_slice %get3A_2 {offsets = [6, 0, 1], sizes = [1, 128, 1025], strides = [1, 1, 1]} : vector<8x128x1032xf32> to vector<1x128x1025xf32>
    %squeeze3A_134 = vector.shape_cast %slice3A_133 : vector<1x128x1025xf32> to vector<128x1025xf32>
    %mul3A_135 = arith.constant -0.33267054 : f32
    %mul3A_136 = vector.broadcast %mul3A_135 : f32 to vector<128x1025xf32>
    %mul3A_137 = arith.mulf %mul3A_136, %squeeze3A_134 : vector<128x1025xf32>
    %add3A_138 = arith.addf %add3A_132, %mul3A_137 : vector<128x1025xf32>
    %mul3A_139 = arith.mulf %add3A_33, %add3A_33 : vector<128x1025xf32>
    %reduce_sum3A = arith.constant dense<0.000000e+00> : vector<128xf32>
    %reduce_sum3A_140 = vector.multi_reduction <add>, %mul3A_139, %reduce_sum3A [1] : vector<128x1025xf32> to vector<128xf32>
    %add3A_141 = arith.constant 0.000000e+00 : f32
    %add3A_142 = vector.broadcast %add3A_141 : f32 to vector<128xf32>
    %add3A_143 = arith.addf %add3A_142, %reduce_sum3A_140 : vector<128xf32>
    %mul3A_144 = arith.mulf %add3A_68, %add3A_68 : vector<128x1025xf32>
    %reduce_sum3A_145 = arith.constant dense<0.000000e+00> : vector<128xf32>
    %reduce_sum3A_146 = vector.multi_reduction <add>, %mul3A_144, %reduce_sum3A_145 [1] : vector<128x1025xf32> to vector<128xf32>
    %add3A_147 = arith.addf %add3A_143, %reduce_sum3A_146 : vector<128xf32>
    %mul3A_148 = arith.mulf %add3A_103, %add3A_103 : vector<128x1025xf32>
    %reduce_sum3A_149 = arith.constant dense<0.000000e+00> : vector<128xf32>
    %reduce_sum3A_150 = vector.multi_reduction <add>, %mul3A_148, %reduce_sum3A_149 [1] : vector<128x1025xf32> to vector<128xf32>
    %add3A_151 = arith.addf %add3A_147, %reduce_sum3A_150 : vector<128xf32>
    %mul3A_152 = arith.mulf %add3A_138, %add3A_138 : vector<128x1025xf32>
    %reduce_sum3A_153 = arith.constant dense<0.000000e+00> : vector<128xf32>
    %reduce_sum3A_154 = vector.multi_reduction <add>, %mul3A_152, %reduce_sum3A_153 [1] : vector<128x1025xf32> to vector<128xf32>
    %add3A_155 = arith.addf %add3A_151, %reduce_sum3A_154 : vector<128xf32>
    %slice3A_156 = vector.extract_strided_slice %get3A_2 {offsets = [3, 0, 0], sizes = [1, 128, 1025], strides = [1, 1, 1]} : vector<8x128x1032xf32> to vector<1x128x1025xf32>
    %squeeze3A_157 = vector.shape_cast %slice3A_156 : vector<1x128x1025xf32> to vector<128x1025xf32>
    %mul3A_158 = arith.constant 0.33267054 : f32
    %mul3A_159 = vector.broadcast %mul3A_158 : f32 to vector<128x1025xf32>
    %mul3A_160 = arith.mulf %mul3A_159, %squeeze3A_157 : vector<128x1025xf32>
    %slice3A_161 = vector.extract_strided_slice %get3A_2 {offsets = [4, 0, 0], sizes = [1, 128, 1025], strides = [1, 1, 1]} : vector<8x128x1032xf32> to vector<1x128x1025xf32>
    %squeeze3A_162 = vector.shape_cast %slice3A_161 : vector<1x128x1025xf32> to vector<128x1025xf32>
    %mul3A_163 = arith.constant 0.8068915 : f32
    %mul3A_164 = vector.broadcast %mul3A_163 : f32 to vector<128x1025xf32>
    %mul3A_165 = arith.mulf %mul3A_164, %squeeze3A_162 : vector<128x1025xf32>
    %add3A_166 = arith.addf %mul3A_160, %mul3A_165 : vector<128x1025xf32>
    %slice3A_167 = vector.extract_strided_slice %get3A_2 {offsets = [5, 0, 0], sizes = [1, 128, 1025], strides = [1, 1, 1]} : vector<8x128x1032xf32> to vector<1x128x1025xf32>
    %squeeze3A_168 = vector.shape_cast %slice3A_167 : vector<1x128x1025xf32> to vector<128x1025xf32>
    %mul3A_169 = arith.constant 0.459877491 : f32
    %mul3A_170 = vector.broadcast %mul3A_169 : f32 to vector<128x1025xf32>
    %mul3A_171 = arith.mulf %mul3A_170, %squeeze3A_168 : vector<128x1025xf32>
    %add3A_172 = arith.addf %add3A_166, %mul3A_171 : vector<128x1025xf32>
    %slice3A_173 = vector.extract_strided_slice %get3A_2 {offsets = [6, 0, 0], sizes = [1, 128, 1025], strides = [1, 1, 1]} : vector<8x128x1032xf32> to vector<1x128x1025xf32>
    %squeeze3A_174 = vector.shape_cast %slice3A_173 : vector<1x128x1025xf32> to vector<128x1025xf32>
    %mul3A_175 = arith.constant -0.135011017 : f32
    %mul3A_176 = vector.broadcast %mul3A_175 : f32 to vector<128x1025xf32>
    %mul3A_177 = arith.mulf %mul3A_176, %squeeze3A_174 : vector<128x1025xf32>
    %add3A_178 = arith.addf %add3A_172, %mul3A_177 : vector<128x1025xf32>
    %slice3A_179 = vector.extract_strided_slice %get3A_2 {offsets = [7, 0, 0], sizes = [1, 128, 1025], strides = [1, 1, 1]} : vector<8x128x1032xf32> to vector<1x128x1025xf32>
    %squeeze3A_180 = vector.shape_cast %slice3A_179 : vector<1x128x1025xf32> to vector<128x1025xf32>
    %mul3A_181 = arith.constant -0.0854412764 : f32
    %mul3A_182 = vector.broadcast %mul3A_181 : f32 to vector<128x1025xf32>
    %mul3A_183 = arith.mulf %mul3A_182, %squeeze3A_180 : vector<128x1025xf32>
    %add3A_184 = arith.addf %add3A_178, %mul3A_183 : vector<128x1025xf32>
    %slice3A_185 = vector.extract_strided_slice %get3A_2 {offsets = [0, 0, 1], sizes = [1, 128, 1025], strides = [1, 1, 1]} : vector<8x128x1032xf32> to vector<1x128x1025xf32>
    %squeeze3A_186 = vector.shape_cast %slice3A_185 : vector<1x128x1025xf32> to vector<128x1025xf32>
    %mul3A_187 = arith.constant 0.0352262929 : f32
    %mul3A_188 = vector.broadcast %mul3A_187 : f32 to vector<128x1025xf32>
    %mul3A_189 = arith.mulf %mul3A_188, %squeeze3A_186 : vector<128x1025xf32>
    %add3A_190 = arith.addf %add3A_184, %mul3A_189 : vector<128x1025xf32>
    %slice3A_191 = vector.extract_strided_slice %get3A_2 {offsets = [5, 0, 0], sizes = [1, 128, 1025], strides = [1, 1, 1]} : vector<8x128x1032xf32> to vector<1x128x1025xf32>
    %squeeze3A_192 = vector.shape_cast %slice3A_191 : vector<1x128x1025xf32> to vector<128x1025xf32>
    %mul3A_193 = arith.constant 0.33267054 : f32
    %mul3A_194 = vector.broadcast %mul3A_193 : f32 to vector<128x1025xf32>
    %mul3A_195 = arith.mulf %mul3A_194, %squeeze3A_192 : vector<128x1025xf32>
    %slice3A_196 = vector.extract_strided_slice %get3A_2 {offsets = [6, 0, 0], sizes = [1, 128, 1025], strides = [1, 1, 1]} : vector<8x128x1032xf32> to vector<1x128x1025xf32>
    %squeeze3A_197 = vector.shape_cast %slice3A_196 : vector<1x128x1025xf32> to vector<128x1025xf32>
    %mul3A_198 = arith.constant 0.8068915 : f32
    %mul3A_199 = vector.broadcast %mul3A_198 : f32 to vector<128x1025xf32>
    %mul3A_200 = arith.mulf %mul3A_199, %squeeze3A_197 : vector<128x1025xf32>
    %add3A_201 = arith.addf %mul3A_195, %mul3A_200 : vector<128x1025xf32>
    %slice3A_202 = vector.extract_strided_slice %get3A_2 {offsets = [7, 0, 0], sizes = [1, 128, 1025], strides = [1, 1, 1]} : vector<8x128x1032xf32> to vector<1x128x1025xf32>
    %squeeze3A_203 = vector.shape_cast %slice3A_202 : vector<1x128x1025xf32> to vector<128x1025xf32>
    %mul3A_204 = arith.constant 0.459877491 : f32
    %mul3A_205 = vector.broadcast %mul3A_204 : f32 to vector<128x1025xf32>
    %mul3A_206 = arith.mulf %mul3A_205, %squeeze3A_203 : vector<128x1025xf32>
    %add3A_207 = arith.addf %add3A_201, %mul3A_206 : vector<128x1025xf32>
    %slice3A_208 = vector.extract_strided_slice %get3A_2 {offsets = [0, 0, 1], sizes = [1, 128, 1025], strides = [1, 1, 1]} : vector<8x128x1032xf32> to vector<1x128x1025xf32>
    %squeeze3A_209 = vector.shape_cast %slice3A_208 : vector<1x128x1025xf32> to vector<128x1025xf32>
    %mul3A_210 = arith.constant -0.135011017 : f32
    %mul3A_211 = vector.broadcast %mul3A_210 : f32 to vector<128x1025xf32>
    %mul3A_212 = arith.mulf %mul3A_211, %squeeze3A_209 : vector<128x1025xf32>
    %add3A_213 = arith.addf %add3A_207, %mul3A_212 : vector<128x1025xf32>
    %slice3A_214 = vector.extract_strided_slice %get3A_2 {offsets = [1, 0, 1], sizes = [1, 128, 1025], strides = [1, 1, 1]} : vector<8x128x1032xf32> to vector<1x128x1025xf32>
    %squeeze3A_215 = vector.shape_cast %slice3A_214 : vector<1x128x1025xf32> to vector<128x1025xf32>
    %mul3A_216 = arith.constant -0.0854412764 : f32
    %mul3A_217 = vector.broadcast %mul3A_216 : f32 to vector<128x1025xf32>
    %mul3A_218 = arith.mulf %mul3A_217, %squeeze3A_215 : vector<128x1025xf32>
    %add3A_219 = arith.addf %add3A_213, %mul3A_218 : vector<128x1025xf32>
    %slice3A_220 = vector.extract_strided_slice %get3A_2 {offsets = [2, 0, 1], sizes = [1, 128, 1025], strides = [1, 1, 1]} : vector<8x128x1032xf32> to vector<1x128x1025xf32>
    %squeeze3A_221 = vector.shape_cast %slice3A_220 : vector<1x128x1025xf32> to vector<128x1025xf32>
    %mul3A_222 = arith.constant 0.0352262929 : f32
    %mul3A_223 = vector.broadcast %mul3A_222 : f32 to vector<128x1025xf32>
    %mul3A_224 = arith.mulf %mul3A_223, %squeeze3A_221 : vector<128x1025xf32>
    %add3A_225 = arith.addf %add3A_219, %mul3A_224 : vector<128x1025xf32>
    %slice3A_226 = vector.extract_strided_slice %get3A_2 {offsets = [7, 0, 0], sizes = [1, 128, 1025], strides = [1, 1, 1]} : vector<8x128x1032xf32> to vector<1x128x1025xf32>
    %squeeze3A_227 = vector.shape_cast %slice3A_226 : vector<1x128x1025xf32> to vector<128x1025xf32>
    %mul3A_228 = arith.constant 0.33267054 : f32
    %mul3A_229 = vector.broadcast %mul3A_228 : f32 to vector<128x1025xf32>
    %mul3A_230 = arith.mulf %mul3A_229, %squeeze3A_227 : vector<128x1025xf32>
    %slice3A_231 = vector.extract_strided_slice %get3A_2 {offsets = [0, 0, 1], sizes = [1, 128, 1025], strides = [1, 1, 1]} : vector<8x128x1032xf32> to vector<1x128x1025xf32>
    %squeeze3A_232 = vector.shape_cast %slice3A_231 : vector<1x128x1025xf32> to vector<128x1025xf32>
    %mul3A_233 = arith.constant 0.8068915 : f32
    %mul3A_234 = vector.broadcast %mul3A_233 : f32 to vector<128x1025xf32>
    %mul3A_235 = arith.mulf %mul3A_234, %squeeze3A_232 : vector<128x1025xf32>
    %add3A_236 = arith.addf %mul3A_230, %mul3A_235 : vector<128x1025xf32>
    %slice3A_237 = vector.extract_strided_slice %get3A_2 {offsets = [1, 0, 1], sizes = [1, 128, 1025], strides = [1, 1, 1]} : vector<8x128x1032xf32> to vector<1x128x1025xf32>
    %squeeze3A_238 = vector.shape_cast %slice3A_237 : vector<1x128x1025xf32> to vector<128x1025xf32>
    %mul3A_239 = arith.constant 0.459877491 : f32
    %mul3A_240 = vector.broadcast %mul3A_239 : f32 to vector<128x1025xf32>
    %mul3A_241 = arith.mulf %mul3A_240, %squeeze3A_238 : vector<128x1025xf32>
    %add3A_242 = arith.addf %add3A_236, %mul3A_241 : vector<128x1025xf32>
    %slice3A_243 = vector.extract_strided_slice %get3A_2 {offsets = [2, 0, 1], sizes = [1, 128, 1025], strides = [1, 1, 1]} : vector<8x128x1032xf32> to vector<1x128x1025xf32>
    %squeeze3A_244 = vector.shape_cast %slice3A_243 : vector<1x128x1025xf32> to vector<128x1025xf32>
    %mul3A_245 = arith.constant -0.135011017 : f32
    %mul3A_246 = vector.broadcast %mul3A_245 : f32 to vector<128x1025xf32>
    %mul3A_247 = arith.mulf %mul3A_246, %squeeze3A_244 : vector<128x1025xf32>
    %add3A_248 = arith.addf %add3A_242, %mul3A_247 : vector<128x1025xf32>
    %slice3A_249 = vector.extract_strided_slice %get3A_2 {offsets = [3, 0, 1], sizes = [1, 128, 1025], strides = [1, 1, 1]} : vector<8x128x1032xf32> to vector<1x128x1025xf32>
    %squeeze3A_250 = vector.shape_cast %slice3A_249 : vector<1x128x1025xf32> to vector<128x1025xf32>
    %mul3A_251 = arith.constant -0.0854412764 : f32
    %mul3A_252 = vector.broadcast %mul3A_251 : f32 to vector<128x1025xf32>
    %mul3A_253 = arith.mulf %mul3A_252, %squeeze3A_250 : vector<128x1025xf32>
    %add3A_254 = arith.addf %add3A_248, %mul3A_253 : vector<128x1025xf32>
    %slice3A_255 = vector.extract_strided_slice %get3A_2 {offsets = [4, 0, 1], sizes = [1, 128, 1025], strides = [1, 1, 1]} : vector<8x128x1032xf32> to vector<1x128x1025xf32>
    %squeeze3A_256 = vector.shape_cast %slice3A_255 : vector<1x128x1025xf32> to vector<128x1025xf32>
    %mul3A_257 = arith.constant 0.0352262929 : f32
    %mul3A_258 = vector.broadcast %mul3A_257 : f32 to vector<128x1025xf32>
    %mul3A_259 = arith.mulf %mul3A_258, %squeeze3A_256 : vector<128x1025xf32>
    %add3A_260 = arith.addf %add3A_254, %mul3A_259 : vector<128x1025xf32>
    %slice3A_261 = vector.extract_strided_slice %get3A_2 {offsets = [1, 0, 1], sizes = [1, 128, 1025], strides = [1, 1, 1]} : vector<8x128x1032xf32> to vector<1x128x1025xf32>
    %squeeze3A_262 = vector.shape_cast %slice3A_261 : vector<1x128x1025xf32> to vector<128x1025xf32>
    %mul3A_263 = arith.constant 0.33267054 : f32
    %mul3A_264 = vector.broadcast %mul3A_263 : f32 to vector<128x1025xf32>
    %mul3A_265 = arith.mulf %mul3A_264, %squeeze3A_262 : vector<128x1025xf32>
    %slice3A_266 = vector.extract_strided_slice %get3A_2 {offsets = [2, 0, 1], sizes = [1, 128, 1025], strides = [1, 1, 1]} : vector<8x128x1032xf32> to vector<1x128x1025xf32>
    %squeeze3A_267 = vector.shape_cast %slice3A_266 : vector<1x128x1025xf32> to vector<128x1025xf32>
    %mul3A_268 = arith.constant 0.8068915 : f32
    %mul3A_269 = vector.broadcast %mul3A_268 : f32 to vector<128x1025xf32>
    %mul3A_270 = arith.mulf %mul3A_269, %squeeze3A_267 : vector<128x1025xf32>
    %add3A_271 = arith.addf %mul3A_265, %mul3A_270 : vector<128x1025xf32>
    %slice3A_272 = vector.extract_strided_slice %get3A_2 {offsets = [3, 0, 1], sizes = [1, 128, 1025], strides = [1, 1, 1]} : vector<8x128x1032xf32> to vector<1x128x1025xf32>
    %squeeze3A_273 = vector.shape_cast %slice3A_272 : vector<1x128x1025xf32> to vector<128x1025xf32>
    %mul3A_274 = arith.constant 0.459877491 : f32
    %mul3A_275 = vector.broadcast %mul3A_274 : f32 to vector<128x1025xf32>
    %mul3A_276 = arith.mulf %mul3A_275, %squeeze3A_273 : vector<128x1025xf32>
    %add3A_277 = arith.addf %add3A_271, %mul3A_276 : vector<128x1025xf32>
    %slice3A_278 = vector.extract_strided_slice %get3A_2 {offsets = [4, 0, 1], sizes = [1, 128, 1025], strides = [1, 1, 1]} : vector<8x128x1032xf32> to vector<1x128x1025xf32>
    %squeeze3A_279 = vector.shape_cast %slice3A_278 : vector<1x128x1025xf32> to vector<128x1025xf32>
    %mul3A_280 = arith.constant -0.135011017 : f32
    %mul3A_281 = vector.broadcast %mul3A_280 : f32 to vector<128x1025xf32>
    %mul3A_282 = arith.mulf %mul3A_281, %squeeze3A_279 : vector<128x1025xf32>
    %add3A_283 = arith.addf %add3A_277, %mul3A_282 : vector<128x1025xf32>
    %slice3A_284 = vector.extract_strided_slice %get3A_2 {offsets = [5, 0, 1], sizes = [1, 128, 1025], strides = [1, 1, 1]} : vector<8x128x1032xf32> to vector<1x128x1025xf32>
    %squeeze3A_285 = vector.shape_cast %slice3A_284 : vector<1x128x1025xf32> to vector<128x1025xf32>
    %mul3A_286 = arith.constant -0.0854412764 : f32
    %mul3A_287 = vector.broadcast %mul3A_286 : f32 to vector<128x1025xf32>
    %mul3A_288 = arith.mulf %mul3A_287, %squeeze3A_285 : vector<128x1025xf32>
    %add3A_289 = arith.addf %add3A_283, %mul3A_288 : vector<128x1025xf32>
    %slice3A_290 = vector.extract_strided_slice %get3A_2 {offsets = [6, 0, 1], sizes = [1, 128, 1025], strides = [1, 1, 1]} : vector<8x128x1032xf32> to vector<1x128x1025xf32>
    %squeeze3A_291 = vector.shape_cast %slice3A_290 : vector<1x128x1025xf32> to vector<128x1025xf32>
    %mul3A_292 = arith.constant 0.0352262929 : f32
    %mul3A_293 = vector.broadcast %mul3A_292 : f32 to vector<128x1025xf32>
    %mul3A_294 = arith.mulf %mul3A_293, %squeeze3A_291 : vector<128x1025xf32>
    %add3A_295 = arith.addf %add3A_289, %mul3A_294 : vector<128x1025xf32>
    %broadcast_in_dim3A = arith.constant 0.000000e+00 : f32
    %broadcast_in_dim3A_296 = vector.broadcast %broadcast_in_dim3A : f32 to vector<128x2xf32>
    %broadcast_in_dim3A_297 = arith.constant 0.000000e+00 : f32
    %broadcast_in_dim3A_298 = vector.broadcast %broadcast_in_dim3A_297 : f32 to vector<128x1xf32>
    %concatenate3A = tpu.concatenate %broadcast_in_dim3A_296, %add3A_190, %broadcast_in_dim3A_298 in 1 : vector<128x2xf32>, vector<128x1025xf32>, vector<128x1xf32> -> vector<128x1028xf32>
    %concatenate3A_299 = tpu.concatenate %broadcast_in_dim3A_296, %add3A_225, %broadcast_in_dim3A_298 in 1 : vector<128x2xf32>, vector<128x1025xf32>, vector<128x1xf32> -> vector<128x1028xf32>
    %concatenate3A_300 = tpu.concatenate %broadcast_in_dim3A_296, %add3A_260, %broadcast_in_dim3A_298 in 1 : vector<128x2xf32>, vector<128x1025xf32>, vector<128x1xf32> -> vector<128x1028xf32>
    %concatenate3A_301 = tpu.concatenate %broadcast_in_dim3A_296, %add3A_295, %broadcast_in_dim3A_298 in 1 : vector<128x2xf32>, vector<128x1025xf32>, vector<128x1xf32> -> vector<128x1028xf32>
    %slice3A_302 = vector.extract_strided_slice %concatenate3A_301 {offsets = [0, 0], sizes = [128, 1026], strides = [1, 1]} : vector<128x1028xf32> to vector<128x1026xf32>
    %mul3A_303 = arith.constant 0.0352262929 : f32
    %mul3A_304 = vector.broadcast %mul3A_303 : f32 to vector<128x1026xf32>
    %mul3A_305 = arith.mulf %mul3A_304, %slice3A_302 : vector<128x1026xf32>
    %slice3A_306 = vector.extract_strided_slice %concatenate3A {offsets = [0, 1], sizes = [128, 1026], strides = [1, 1]} : vector<128x1028xf32> to vector<128x1026xf32>
    %mul3A_307 = arith.constant 0.0854412764 : f32
    %mul3A_308 = vector.broadcast %mul3A_307 : f32 to vector<128x1026xf32>
    %mul3A_309 = arith.mulf %mul3A_308, %slice3A_306 : vector<128x1026xf32>
    %add3A_310 = arith.addf %mul3A_305, %mul3A_309 : vector<128x1026xf32>
    %slice3A_311 = vector.extract_strided_slice %concatenate3A_299 {offsets = [0, 1], sizes = [128, 1026], strides = [1, 1]} : vector<128x1028xf32> to vector<128x1026xf32>
    %mul3A_312 = arith.constant -0.135011017 : f32
    %mul3A_313 = vector.broadcast %mul3A_312 : f32 to vector<128x1026xf32>
    %mul3A_314 = arith.mulf %mul3A_313, %slice3A_311 : vector<128x1026xf32>
    %add3A_315 = arith.addf %add3A_310, %mul3A_314 : vector<128x1026xf32>
    %slice3A_316 = vector.extract_strided_slice %concatenate3A_300 {offsets = [0, 1], sizes = [128, 1026], strides = [1, 1]} : vector<128x1028xf32> to vector<128x1026xf32>
    %mul3A_317 = arith.constant -0.459877491 : f32
    %mul3A_318 = vector.broadcast %mul3A_317 : f32 to vector<128x1026xf32>
    %mul3A_319 = arith.mulf %mul3A_318, %slice3A_316 : vector<128x1026xf32>
    %add3A_320 = arith.addf %add3A_315, %mul3A_319 : vector<128x1026xf32>
    %slice3A_321 = vector.extract_strided_slice %concatenate3A_301 {offsets = [0, 1], sizes = [128, 1026], strides = [1, 1]} : vector<128x1028xf32> to vector<128x1026xf32>
    %mul3A_322 = arith.constant 0.8068915 : f32
    %mul3A_323 = vector.broadcast %mul3A_322 : f32 to vector<128x1026xf32>
    %mul3A_324 = arith.mulf %mul3A_323, %slice3A_321 : vector<128x1026xf32>
    %add3A_325 = arith.addf %add3A_320, %mul3A_324 : vector<128x1026xf32>
    %slice3A_326 = vector.extract_strided_slice %concatenate3A {offsets = [0, 2], sizes = [128, 1026], strides = [1, 1]} : vector<128x1028xf32> to vector<128x1026xf32>
    %mul3A_327 = arith.constant -0.33267054 : f32
    %mul3A_328 = vector.broadcast %mul3A_327 : f32 to vector<128x1026xf32>
    %mul3A_329 = arith.mulf %mul3A_328, %slice3A_326 : vector<128x1026xf32>
    %add3A_330 = arith.addf %add3A_325, %mul3A_329 : vector<128x1026xf32>
    %slice3A_331 = vector.extract_strided_slice %concatenate3A_299 {offsets = [0, 1], sizes = [128, 1026], strides = [1, 1]} : vector<128x1028xf32> to vector<128x1026xf32>
    %mul3A_332 = arith.constant 0.0352262929 : f32
    %mul3A_333 = vector.broadcast %mul3A_332 : f32 to vector<128x1026xf32>
    %mul3A_334 = arith.mulf %mul3A_333, %slice3A_331 : vector<128x1026xf32>
    %slice3A_335 = vector.extract_strided_slice %concatenate3A_300 {offsets = [0, 1], sizes = [128, 1026], strides = [1, 1]} : vector<128x1028xf32> to vector<128x1026xf32>
    %mul3A_336 = arith.constant 0.0854412764 : f32
    %mul3A_337 = vector.broadcast %mul3A_336 : f32 to vector<128x1026xf32>
    %mul3A_338 = arith.mulf %mul3A_337, %slice3A_335 : vector<128x1026xf32>
    %add3A_339 = arith.addf %mul3A_334, %mul3A_338 : vector<128x1026xf32>
    %slice3A_340 = vector.extract_strided_slice %concatenate3A_301 {offsets = [0, 1], sizes = [128, 1026], strides = [1, 1]} : vector<128x1028xf32> to vector<128x1026xf32>
    %mul3A_341 = arith.constant -0.135011017 : f32
    %mul3A_342 = vector.broadcast %mul3A_341 : f32 to vector<128x1026xf32>
    %mul3A_343 = arith.mulf %mul3A_342, %slice3A_340 : vector<128x1026xf32>
    %add3A_344 = arith.addf %add3A_339, %mul3A_343 : vector<128x1026xf32>
    %slice3A_345 = vector.extract_strided_slice %concatenate3A {offsets = [0, 2], sizes = [128, 1026], strides = [1, 1]} : vector<128x1028xf32> to vector<128x1026xf32>
    %mul3A_346 = arith.constant -0.459877491 : f32
    %mul3A_347 = vector.broadcast %mul3A_346 : f32 to vector<128x1026xf32>
    %mul3A_348 = arith.mulf %mul3A_347, %slice3A_345 : vector<128x1026xf32>
    %add3A_349 = arith.addf %add3A_344, %mul3A_348 : vector<128x1026xf32>
    %slice3A_350 = vector.extract_strided_slice %concatenate3A_299 {offsets = [0, 2], sizes = [128, 1026], strides = [1, 1]} : vector<128x1028xf32> to vector<128x1026xf32>
    %mul3A_351 = arith.constant 0.8068915 : f32
    %mul3A_352 = vector.broadcast %mul3A_351 : f32 to vector<128x1026xf32>
    %mul3A_353 = arith.mulf %mul3A_352, %slice3A_350 : vector<128x1026xf32>
    %add3A_354 = arith.addf %add3A_349, %mul3A_353 : vector<128x1026xf32>
    %slice3A_355 = vector.extract_strided_slice %concatenate3A_300 {offsets = [0, 2], sizes = [128, 1026], strides = [1, 1]} : vector<128x1028xf32> to vector<128x1026xf32>
    %mul3A_356 = arith.constant -0.33267054 : f32
    %mul3A_357 = vector.broadcast %mul3A_356 : f32 to vector<128x1026xf32>
    %mul3A_358 = arith.mulf %mul3A_357, %slice3A_355 : vector<128x1026xf32>
    %add3A_359 = arith.addf %add3A_354, %mul3A_358 : vector<128x1026xf32>
    %mul3A_360 = arith.mulf %add3A_330, %add3A_330 : vector<128x1026xf32>
    %reduce_sum3A_361 = arith.constant dense<0.000000e+00> : vector<128xf32>
    %reduce_sum3A_362 = vector.multi_reduction <add>, %mul3A_360, %reduce_sum3A_361 [1] : vector<128x1026xf32> to vector<128xf32>
    %add3A_363 = arith.constant 0.000000e+00 : f32
    %add3A_364 = vector.broadcast %add3A_363 : f32 to vector<128xf32>
    %add3A_365 = arith.addf %add3A_364, %reduce_sum3A_362 : vector<128xf32>
    %mul3A_366 = arith.mulf %add3A_359, %add3A_359 : vector<128x1026xf32>
    %reduce_sum3A_367 = arith.constant dense<0.000000e+00> : vector<128xf32>
    %reduce_sum3A_368 = vector.multi_reduction <add>, %mul3A_366, %reduce_sum3A_367 [1] : vector<128x1026xf32> to vector<128xf32>
    %add3A_369 = arith.addf %add3A_365, %reduce_sum3A_368 : vector<128xf32>
    %slice3A_370 = vector.extract_strided_slice %concatenate3A_301 {offsets = [0, 0], sizes = [128, 1026], strides = [1, 1]} : vector<128x1028xf32> to vector<128x1026xf32>
    %mul3A_371 = arith.constant 0.33267054 : f32
    %mul3A_372 = vector.broadcast %mul3A_371 : f32 to vector<128x1026xf32>
    %mul3A_373 = arith.mulf %mul3A_372, %slice3A_370 : vector<128x1026xf32>
    %slice3A_374 = vector.extract_strided_slice %concatenate3A {offsets = [0, 1], sizes = [128, 1026], strides = [1, 1]} : vector<128x1028xf32> to vector<128x1026xf32>
    %mul3A_375 = arith.constant 0.8068915 : f32
    %mul3A_376 = vector.broadcast %mul3A_375 : f32 to vector<128x1026xf32>
    %mul3A_377 = arith.mulf %mul3A_376, %slice3A_374 : vector<128x1026xf32>
    %add3A_378 = arith.addf %mul3A_373, %mul3A_377 : vector<128x1026xf32>
    %slice3A_379 = vector.extract_strided_slice %concatenate3A_299 {offsets = [0, 1], sizes = [128, 1026], strides = [1, 1]} : vector<128x1028xf32> to vector<128x1026xf32>
    %mul3A_380 = arith.constant 0.459877491 : f32
    %mul3A_381 = vector.broadcast %mul3A_380 : f32 to vector<128x1026xf32>
    %mul3A_382 = arith.mulf %mul3A_381, %slice3A_379 : vector<128x1026xf32>
    %add3A_383 = arith.addf %add3A_378, %mul3A_382 : vector<128x1026xf32>
    %slice3A_384 = vector.extract_strided_slice %concatenate3A_300 {offsets = [0, 1], sizes = [128, 1026], strides = [1, 1]} : vector<128x1028xf32> to vector<128x1026xf32>
    %mul3A_385 = arith.constant -0.135011017 : f32
    %mul3A_386 = vector.broadcast %mul3A_385 : f32 to vector<128x1026xf32>
    %mul3A_387 = arith.mulf %mul3A_386, %slice3A_384 : vector<128x1026xf32>
    %add3A_388 = arith.addf %add3A_383, %mul3A_387 : vector<128x1026xf32>
    %slice3A_389 = vector.extract_strided_slice %concatenate3A_301 {offsets = [0, 1], sizes = [128, 1026], strides = [1, 1]} : vector<128x1028xf32> to vector<128x1026xf32>
    %mul3A_390 = arith.constant -0.0854412764 : f32
    %mul3A_391 = vector.broadcast %mul3A_390 : f32 to vector<128x1026xf32>
    %mul3A_392 = arith.mulf %mul3A_391, %slice3A_389 : vector<128x1026xf32>
    %add3A_393 = arith.addf %add3A_388, %mul3A_392 : vector<128x1026xf32>
    %slice3A_394 = vector.extract_strided_slice %concatenate3A {offsets = [0, 2], sizes = [128, 1026], strides = [1, 1]} : vector<128x1028xf32> to vector<128x1026xf32>
    %mul3A_395 = arith.constant 0.0352262929 : f32
    %mul3A_396 = vector.broadcast %mul3A_395 : f32 to vector<128x1026xf32>
    %mul3A_397 = arith.mulf %mul3A_396, %slice3A_394 : vector<128x1026xf32>
    %add3A_398 = arith.addf %add3A_393, %mul3A_397 : vector<128x1026xf32>
    %slice3A_399 = vector.extract_strided_slice %concatenate3A_299 {offsets = [0, 1], sizes = [128, 1026], strides = [1, 1]} : vector<128x1028xf32> to vector<128x1026xf32>
    %mul3A_400 = arith.constant 0.33267054 : f32
    %mul3A_401 = vector.broadcast %mul3A_400 : f32 to vector<128x1026xf32>
    %mul3A_402 = arith.mulf %mul3A_401, %slice3A_399 : vector<128x1026xf32>
    %slice3A_403 = vector.extract_strided_slice %concatenate3A_300 {offsets = [0, 1], sizes = [128, 1026], strides = [1, 1]} : vector<128x1028xf32> to vector<128x1026xf32>
    %mul3A_404 = arith.constant 0.8068915 : f32
    %mul3A_405 = vector.broadcast %mul3A_404 : f32 to vector<128x1026xf32>
    %mul3A_406 = arith.mulf %mul3A_405, %slice3A_403 : vector<128x1026xf32>
    %add3A_407 = arith.addf %mul3A_402, %mul3A_406 : vector<128x1026xf32>
    %slice3A_408 = vector.extract_strided_slice %concatenate3A_301 {offsets = [0, 1], sizes = [128, 1026], strides = [1, 1]} : vector<128x1028xf32> to vector<128x1026xf32>
    %mul3A_409 = arith.constant 0.459877491 : f32
    %mul3A_410 = vector.broadcast %mul3A_409 : f32 to vector<128x1026xf32>
    %mul3A_411 = arith.mulf %mul3A_410, %slice3A_408 : vector<128x1026xf32>
    %add3A_412 = arith.addf %add3A_407, %mul3A_411 : vector<128x1026xf32>
    %slice3A_413 = vector.extract_strided_slice %concatenate3A {offsets = [0, 2], sizes = [128, 1026], strides = [1, 1]} : vector<128x1028xf32> to vector<128x1026xf32>
    %mul3A_414 = arith.constant -0.135011017 : f32
    %mul3A_415 = vector.broadcast %mul3A_414 : f32 to vector<128x1026xf32>
    %mul3A_416 = arith.mulf %mul3A_415, %slice3A_413 : vector<128x1026xf32>
    %add3A_417 = arith.addf %add3A_412, %mul3A_416 : vector<128x1026xf32>
    %slice3A_418 = vector.extract_strided_slice %concatenate3A_299 {offsets = [0, 2], sizes = [128, 1026], strides = [1, 1]} : vector<128x1028xf32> to vector<128x1026xf32>
    %mul3A_419 = arith.constant -0.0854412764 : f32
    %mul3A_420 = vector.broadcast %mul3A_419 : f32 to vector<128x1026xf32>
    %mul3A_421 = arith.mulf %mul3A_420, %slice3A_418 : vector<128x1026xf32>
    %add3A_422 = arith.addf %add3A_417, %mul3A_421 : vector<128x1026xf32>
    %slice3A_423 = vector.extract_strided_slice %concatenate3A_300 {offsets = [0, 2], sizes = [128, 1026], strides = [1, 1]} : vector<128x1028xf32> to vector<128x1026xf32>
    %mul3A_424 = arith.constant 0.0352262929 : f32
    %mul3A_425 = vector.broadcast %mul3A_424 : f32 to vector<128x1026xf32>
    %mul3A_426 = arith.mulf %mul3A_425, %slice3A_423 : vector<128x1026xf32>
    %add3A_427 = arith.addf %add3A_422, %mul3A_426 : vector<128x1026xf32>
    %broadcast_in_dim3A_428 = arith.constant 0.000000e+00 : f32
    %broadcast_in_dim3A_429 = vector.broadcast %broadcast_in_dim3A_428 : f32 to vector<128x3xf32>
    %concatenate3A_430 = tpu.concatenate %broadcast_in_dim3A_429, %add3A_398, %broadcast_in_dim3A_429 in 1 : vector<128x3xf32>, vector<128x1026xf32>, vector<128x3xf32> -> vector<128x1032xf32>
    %concatenate3A_431 = tpu.concatenate %broadcast_in_dim3A_429, %add3A_427, %broadcast_in_dim3A_429 in 1 : vector<128x3xf32>, vector<128x1026xf32>, vector<128x3xf32> -> vector<128x1032xf32>
    %slice3A_432 = vector.extract_strided_slice %concatenate3A_431 {offsets = [0, 0], sizes = [128, 1029], strides = [1, 1]} : vector<128x1032xf32> to vector<128x1029xf32>
    %mul3A_433 = arith.constant 0.0352262929 : f32
    %mul3A_434 = vector.broadcast %mul3A_433 : f32 to vector<128x1029xf32>
    %mul3A_435 = arith.mulf %mul3A_434, %slice3A_432 : vector<128x1029xf32>
    %slice3A_436 = vector.extract_strided_slice %concatenate3A_430 {offsets = [0, 1], sizes = [128, 1029], strides = [1, 1]} : vector<128x1032xf32> to vector<128x1029xf32>
    %mul3A_437 = arith.constant 0.0854412764 : f32
    %mul3A_438 = vector.broadcast %mul3A_437 : f32 to vector<128x1029xf32>
    %mul3A_439 = arith.mulf %mul3A_438, %slice3A_436 : vector<128x1029xf32>
    %add3A_440 = arith.addf %mul3A_435, %mul3A_439 : vector<128x1029xf32>
    %slice3A_441 = vector.extract_strided_slice %concatenate3A_431 {offsets = [0, 1], sizes = [128, 1029], strides = [1, 1]} : vector<128x1032xf32> to vector<128x1029xf32>
    %mul3A_442 = arith.constant -0.135011017 : f32
    %mul3A_443 = vector.broadcast %mul3A_442 : f32 to vector<128x1029xf32>
    %mul3A_444 = arith.mulf %mul3A_443, %slice3A_441 : vector<128x1029xf32>
    %add3A_445 = arith.addf %add3A_440, %mul3A_444 : vector<128x1029xf32>
    %slice3A_446 = vector.extract_strided_slice %concatenate3A_430 {offsets = [0, 2], sizes = [128, 1029], strides = [1, 1]} : vector<128x1032xf32> to vector<128x1029xf32>
    %mul3A_447 = arith.constant -0.459877491 : f32
    %mul3A_448 = vector.broadcast %mul3A_447 : f32 to vector<128x1029xf32>
    %mul3A_449 = arith.mulf %mul3A_448, %slice3A_446 : vector<128x1029xf32>
    %add3A_450 = arith.addf %add3A_445, %mul3A_449 : vector<128x1029xf32>
    %slice3A_451 = vector.extract_strided_slice %concatenate3A_431 {offsets = [0, 2], sizes = [128, 1029], strides = [1, 1]} : vector<128x1032xf32> to vector<128x1029xf32>
    %mul3A_452 = arith.constant 0.8068915 : f32
    %mul3A_453 = vector.broadcast %mul3A_452 : f32 to vector<128x1029xf32>
    %mul3A_454 = arith.mulf %mul3A_453, %slice3A_451 : vector<128x1029xf32>
    %add3A_455 = arith.addf %add3A_450, %mul3A_454 : vector<128x1029xf32>
    %slice3A_456 = vector.extract_strided_slice %concatenate3A_430 {offsets = [0, 3], sizes = [128, 1029], strides = [1, 1]} : vector<128x1032xf32> to vector<128x1029xf32>
    %mul3A_457 = arith.constant -0.33267054 : f32
    %mul3A_458 = vector.broadcast %mul3A_457 : f32 to vector<128x1029xf32>
    %mul3A_459 = arith.mulf %mul3A_458, %slice3A_456 : vector<128x1029xf32>
    %add3A_460 = arith.addf %add3A_455, %mul3A_459 : vector<128x1029xf32>
    %mul3A_461 = arith.mulf %add3A_460, %add3A_460 : vector<128x1029xf32>
    %reduce_sum3A_462 = arith.constant dense<0.000000e+00> : vector<128xf32>
    %reduce_sum3A_463 = vector.multi_reduction <add>, %mul3A_461, %reduce_sum3A_462 [1] : vector<128x1029xf32> to vector<128xf32>
    %slice3A_464 = vector.extract_strided_slice %concatenate3A_431 {offsets = [0, 0], sizes = [128, 1029], strides = [1, 1]} : vector<128x1032xf32> to vector<128x1029xf32>
    %mul3A_465 = arith.constant 0.33267054 : f32
    %mul3A_466 = vector.broadcast %mul3A_465 : f32 to vector<128x1029xf32>
    %mul3A_467 = arith.mulf %mul3A_466, %slice3A_464 : vector<128x1029xf32>
    %slice3A_468 = vector.extract_strided_slice %concatenate3A_430 {offsets = [0, 1], sizes = [128, 1029], strides = [1, 1]} : vector<128x1032xf32> to vector<128x1029xf32>
    %mul3A_469 = arith.constant 0.8068915 : f32
    %mul3A_470 = vector.broadcast %mul3A_469 : f32 to vector<128x1029xf32>
    %mul3A_471 = arith.mulf %mul3A_470, %slice3A_468 : vector<128x1029xf32>
    %add3A_472 = arith.addf %mul3A_467, %mul3A_471 : vector<128x1029xf32>
    %slice3A_473 = vector.extract_strided_slice %concatenate3A_431 {offsets = [0, 1], sizes = [128, 1029], strides = [1, 1]} : vector<128x1032xf32> to vector<128x1029xf32>
    %mul3A_474 = arith.constant 0.459877491 : f32
    %mul3A_475 = vector.broadcast %mul3A_474 : f32 to vector<128x1029xf32>
    %mul3A_476 = arith.mulf %mul3A_475, %slice3A_473 : vector<128x1029xf32>
    %add3A_477 = arith.addf %add3A_472, %mul3A_476 : vector<128x1029xf32>
    %slice3A_478 = vector.extract_strided_slice %concatenate3A_430 {offsets = [0, 2], sizes = [128, 1029], strides = [1, 1]} : vector<128x1032xf32> to vector<128x1029xf32>
    %mul3A_479 = arith.constant -0.135011017 : f32
    %mul3A_480 = vector.broadcast %mul3A_479 : f32 to vector<128x1029xf32>
    %mul3A_481 = arith.mulf %mul3A_480, %slice3A_478 : vector<128x1029xf32>
    %add3A_482 = arith.addf %add3A_477, %mul3A_481 : vector<128x1029xf32>
    %slice3A_483 = vector.extract_strided_slice %concatenate3A_431 {offsets = [0, 2], sizes = [128, 1029], strides = [1, 1]} : vector<128x1032xf32> to vector<128x1029xf32>
    %mul3A_484 = arith.constant -0.0854412764 : f32
    %mul3A_485 = vector.broadcast %mul3A_484 : f32 to vector<128x1029xf32>
    %mul3A_486 = arith.mulf %mul3A_485, %slice3A_483 : vector<128x1029xf32>
    %add3A_487 = arith.addf %add3A_482, %mul3A_486 : vector<128x1029xf32>
    %slice3A_488 = vector.extract_strided_slice %concatenate3A_430 {offsets = [0, 3], sizes = [128, 1029], strides = [1, 1]} : vector<128x1032xf32> to vector<128x1029xf32>
    %mul3A_489 = arith.constant 0.0352262929 : f32
    %mul3A_490 = vector.broadcast %mul3A_489 : f32 to vector<128x1029xf32>
    %mul3A_491 = arith.mulf %mul3A_490, %slice3A_488 : vector<128x1029xf32>
    %add3A_492 = arith.addf %add3A_487, %mul3A_491 : vector<128x1029xf32>
    %reduce_sum3A_493 = arith.constant dense<0.000000e+00> : vector<128xf32>
    %reduce_sum3A_494 = vector.multi_reduction <add>, %add3A_492, %reduce_sum3A_493 [1] : vector<128x1029xf32> to vector<128xf32>
    %swap3A = arith.constant 0 : index
    %swap3A_495 = vector.load %arg2[%swap3A] : memref<128xf32, #tpu.memory_space<vmem>>, vector<128xf32>
    tpu.vector_store %arg2[%swap3A], %reduce_sum3A_494 {strides = array<i32>} : memref<128xf32, #tpu.memory_space<vmem>>, vector<128xf32>,
    %swap3A_496 = arith.constant 0 : index
    %swap3A_497 = vector.load %arg3[%swap3A_496] : memref<128xf32, #tpu.memory_space<vmem>>, vector<128xf32>
    tpu.vector_store %arg3[%swap3A_496], %add3A_155 {strides = array<i32>} : memref<128xf32, #tpu.memory_space<vmem>>, vector<128xf32>,
    %swap3A_498 = arith.constant 0 : index
    %swap3A_499 = vector.load %arg4[%swap3A_498] : memref<128xf32, #tpu.memory_space<vmem>>, vector<128xf32>
    tpu.vector_store %arg4[%swap3A_498], %add3A_369 {strides = array<i32>} : memref<128xf32, #tpu.memory_space<vmem>>, vector<128xf32>,
    %swap3A_500 = arith.constant 0 : index
    %swap3A_501 = vector.load %arg5[%swap3A_500] : memref<128xf32, #tpu.memory_space<vmem>>, vector<128xf32>
    tpu.vector_store %arg5[%swap3A_500], %reduce_sum3A_463 {strides = array<i32>} : memref<128xf32, #tpu.memory_space<vmem>>, vector<128xf32>,
    return
  }
  func.func @transform_0(%arg0: i32) -> (i32, i32, i32) {
    %c0_i32 = arith.constant 0 : i32
    %c0_i32_0 = arith.constant 0 : i32
    %c0_i32_1 = arith.constant 0 : i32
    return %c0_i32, %arg0, %c0_i32_0 : i32, i32, i32
  }
  func.func @transform_1(%arg0: i32) -> i32 {
    %c0_i32 = arith.constant 0 : i32
    return %arg0 : i32
  }
  func.func @transform_2(%arg0: i32) -> i32 {
    %c0_i32 = arith.constant 0 : i32
    return %arg0 : i32
  }
  func.func @transform_3(%arg0: i32) -> i32 {
    %c0_i32 = arith.constant 0 : i32
    return %arg0 : i32
  }
  func.func @transform_4(%arg0: i32) -> i32 {
    %c0_i32 = arith.constant 0 : i32
    return %arg0 : i32
  }
}

module attributes {stable_mosaic.version = 14 : i64} {
  func.func @_tc_e_body(%arg0: memref<64x128xf32, #tpu.memory_space<vmem>>, %arg1: memref<64x128xf32, #tpu.memory_space<vmem>>, %arg2: memref<64x128xf32, #tpu.memory_space<vmem>>, %arg3: memref<64x128xf32, #tpu.memory_space<vmem>>, %arg4: memref<2x64x128xf32, #tpu.memory_space<vmem>>, %arg5: memref<16x128xf32, #tpu.memory_space<vmem>>, %arg6: memref<16x128xf32, #tpu.memory_space<vmem>>, %arg7: memref<16x128xf32, #tpu.memory_space<vmem>>, %arg8: memref<16x128xf32, #tpu.memory_space<vmem>>, %arg9: memref<16x128xf32, #tpu.memory_space<vmem>>, %arg10: memref<64x128xf32, #tpu.memory_space<vmem>>, %arg11: memref<64x128xf32, #tpu.memory_space<vmem>>, %arg12: memref<16x128xf32, #tpu.memory_space<vmem>>, %arg13: memref<16x128xf32, #tpu.memory_space<vmem>>, %arg14: memref<64x128xf32, #tpu.memory_space<vmem>>) attributes {dimension_semantics = [], scalar_prefetch = 0 : i64, scratch_operands = 0 : i64, tpu.core_type = #tpu.core_type<tc>} {
    %get3A = arith.constant 0 : index
    %get3A_0 = arith.constant 0 : index
    %get3A_1 = arith.constant 0 : index
    %get3A_2 = vector.load %arg4[%get3A, %get3A_0, %get3A_1] : memref<2x64x128xf32, #tpu.memory_space<vmem>>, vector<1x64x128xf32>
    %get3A_3 = vector.shape_cast %get3A_2 : vector<1x64x128xf32> to vector<64x128xf32>
    %get3A_4 = arith.constant 1 : index
    %get3A_5 = arith.constant 0 : index
    %get3A_6 = arith.constant 0 : index
    %get3A_7 = vector.load %arg4[%get3A_4, %get3A_5, %get3A_6] : memref<2x64x128xf32, #tpu.memory_space<vmem>>, vector<1x64x128xf32>
    %get3A_8 = vector.shape_cast %get3A_7 : vector<1x64x128xf32> to vector<64x128xf32>
    %add3A = arith.addf %get3A_3, %get3A_8 : vector<64x128xf32>
    %mul3A = arith.mulf %add3A, %add3A : vector<64x128xf32>
    %reduce_sum3A = vector.shape_cast %mul3A : vector<64x128xf32> to vector<1x64x128xf32>
    %reduce_sum3A_9 = arith.constant dense<0.000000e+00> : vector<1xf32>
    %reduce_sum3A_10 = vector.multi_reduction <add>, %reduce_sum3A, %reduce_sum3A_9 [1, 2] : vector<1x64x128xf32> to vector<1xf32>
    %reduce_sum3A_11 = vector.shape_cast %reduce_sum3A_10 : vector<1xf32> to vector<1x1x1xf32>
    %reduce_sum3A_12 = vector.extract %reduce_sum3A_11[0, 0, 0] : f32 from vector<1x1x1xf32>
    %sqrt3A = math.sqrt %reduce_sum3A_12 : f32
    %add3A_13 = arith.constant 9.99999993E-9 : f32
    %add3A_14 = arith.addf %sqrt3A, %add3A_13 : f32
    %div3A = vector.broadcast %add3A_14 : f32 to vector<64x128xf32>
    %div3A_15 = arith.divf %add3A, %div3A : vector<64x128xf32>
    %swap3A = arith.constant 0 : index
    %swap3A_16 = arith.constant 0 : index
    %swap3A_17 = vector.load %arg14[%swap3A, %swap3A_16] : memref<64x128xf32, #tpu.memory_space<vmem>>, vector<64x128xf32>
    tpu.vector_store %arg14[%swap3A, %swap3A_16], %div3A_15 {strides = array<i32>} : memref<64x128xf32, #tpu.memory_space<vmem>>, vector<64x128xf32>,
    %add3A_18 = arith.constant 1.000000e+00 : f32
    %add3A_19 = vector.broadcast %add3A_18 : f32 to vector<64x128xf32>
    %add3A_20 = arith.addf %add3A_19, %div3A_15 : vector<64x128xf32>
    %get3A_21 = arith.constant 0 : index
    %get3A_22 = arith.constant 0 : index
    %get3A_23 = vector.load %arg0[%get3A_21, %get3A_22] : memref<64x128xf32, #tpu.memory_space<vmem>>, vector<64x128xf32>
    %get3A_24 = arith.constant 0 : index
    %get3A_25 = arith.constant 0 : index
    %get3A_26 = vector.load %arg1[%get3A_24, %get3A_25] : memref<64x128xf32, #tpu.memory_space<vmem>>, vector<64x128xf32>
    %get3A_27 = arith.constant 0 : index
    %get3A_28 = arith.constant 0 : index
    %get3A_29 = vector.load %arg2[%get3A_27, %get3A_28] : memref<64x128xf32, #tpu.memory_space<vmem>>, vector<64x128xf32>
    %get3A_30 = arith.constant 0 : index
    %get3A_31 = arith.constant 0 : index
    %get3A_32 = vector.load %arg3[%get3A_30, %get3A_31] : memref<64x128xf32, #tpu.memory_space<vmem>>, vector<64x128xf32>
    %mul3A_33 = arith.mulf %get3A_23, %add3A_20 : vector<64x128xf32>
    %div3A_34 = arith.constant 2.610000e+02 : f32
    %div3A_35 = vector.broadcast %div3A_34 : f32 to vector<64x128xf32>
    %div3A_36 = arith.divf %mul3A_33, %div3A_35 : vector<64x128xf32>
    %mul3A_37 = arith.mulf %add3A_20, %add3A_20 : vector<64x128xf32>
    %mul3A_38 = arith.mulf %get3A_26, %mul3A_37 : vector<64x128xf32>
    %add3A_39 = arith.constant 9.99999996E-13 : f32
    %add3A_40 = vector.broadcast %add3A_39 : f32 to vector<64x128xf32>
    %add3A_41 = arith.addf %mul3A_38, %add3A_40 : vector<64x128xf32>
    %sqrt3A_42 = math.sqrt %add3A_41 : vector<64x128xf32>
    %mul3A_43 = arith.mulf %get3A_29, %mul3A_37 : vector<64x128xf32>
    %add3A_44 = arith.constant 9.99999996E-13 : f32
    %add3A_45 = vector.broadcast %add3A_44 : f32 to vector<64x128xf32>
    %add3A_46 = arith.addf %mul3A_43, %add3A_45 : vector<64x128xf32>
    %sqrt3A_47 = math.sqrt %add3A_46 : vector<64x128xf32>
    %add3A_48 = arith.addf %sqrt3A_42, %sqrt3A_47 : vector<64x128xf32>
    %mul3A_49 = arith.mulf %get3A_32, %mul3A_37 : vector<64x128xf32>
    %add3A_50 = arith.constant 9.99999996E-13 : f32
    %add3A_51 = vector.broadcast %add3A_50 : f32 to vector<64x128xf32>
    %add3A_52 = arith.addf %mul3A_49, %add3A_51 : vector<64x128xf32>
    %sqrt3A_53 = math.sqrt %add3A_52 : vector<64x128xf32>
    %add3A_54 = arith.addf %add3A_48, %sqrt3A_53 : vector<64x128xf32>
    %max3A = arith.constant 9.99999997E-7 : f32
    %max3A_55 = vector.broadcast %max3A : f32 to vector<64x128xf32>
    %max3A_56 = arith.maximumf %div3A_36, %max3A_55 : vector<64x128xf32>
    %max3A_57 = arith.constant 9.99999997E-7 : f32
    %max3A_58 = vector.broadcast %max3A_57 : f32 to vector<64x128xf32>
    %max3A_59 = arith.maximumf %add3A_54, %max3A_58 : vector<64x128xf32>
    %add3A_60 = arith.addf %max3A_56, %max3A_59 : vector<64x128xf32>
    %div3A_61 = arith.divf %max3A_56, %add3A_60 : vector<64x128xf32>
    %swap3A_62 = arith.constant 0 : index
    %swap3A_63 = arith.constant 0 : index
    %swap3A_64 = vector.load %arg10[%swap3A_62, %swap3A_63] : memref<64x128xf32, #tpu.memory_space<vmem>>, vector<64x128xf32>
    tpu.vector_store %arg10[%swap3A_62, %swap3A_63], %div3A_61 {strides = array<i32>} : memref<64x128xf32, #tpu.memory_space<vmem>>, vector<64x128xf32>,
    %sub3A = arith.constant 1.000000e+00 : f32
    %sub3A_65 = vector.broadcast %sub3A : f32 to vector<64x128xf32>
    %sub3A_66 = arith.subf %sub3A_65, %div3A_61 : vector<64x128xf32>
    %swap3A_67 = arith.constant 0 : index
    %swap3A_68 = arith.constant 0 : index
    %swap3A_69 = vector.load %arg11[%swap3A_67, %swap3A_68] : memref<64x128xf32, #tpu.memory_space<vmem>>, vector<64x128xf32>
    tpu.vector_store %arg11[%swap3A_67, %swap3A_68], %sub3A_66 {strides = array<i32>} : memref<64x128xf32, #tpu.memory_space<vmem>>, vector<64x128xf32>,
    %get3A_70 = arith.constant 0 : index
    %get3A_71 = arith.constant 0 : index
    %get3A_72 = vector.load %arg9[%get3A_70, %get3A_71] : memref<16x128xf32, #tpu.memory_space<vmem>>, vector<16x128xf32>
    %add3A_73 = arith.constant 1.000000e+00 : f32
    %add3A_74 = vector.broadcast %add3A_73 : f32 to vector<16x128xf32>
    %add3A_75 = arith.addf %add3A_74, %get3A_72 : vector<16x128xf32>
    %get3A_76 = arith.constant 0 : index
    %get3A_77 = arith.constant 0 : index
    %get3A_78 = vector.load %arg5[%get3A_76, %get3A_77] : memref<16x128xf32, #tpu.memory_space<vmem>>, vector<16x128xf32>
    %get3A_79 = arith.constant 0 : index
    %get3A_80 = arith.constant 0 : index
    %get3A_81 = vector.load %arg6[%get3A_79, %get3A_80] : memref<16x128xf32, #tpu.memory_space<vmem>>, vector<16x128xf32>
    %get3A_82 = arith.constant 0 : index
    %get3A_83 = arith.constant 0 : index
    %get3A_84 = vector.load %arg7[%get3A_82, %get3A_83] : memref<16x128xf32, #tpu.memory_space<vmem>>, vector<16x128xf32>
    %get3A_85 = arith.constant 0 : index
    %get3A_86 = arith.constant 0 : index
    %get3A_87 = vector.load %arg8[%get3A_85, %get3A_86] : memref<16x128xf32, #tpu.memory_space<vmem>>, vector<16x128xf32>
    %mul3A_88 = arith.mulf %get3A_78, %add3A_75 : vector<16x128xf32>
    %div3A_89 = arith.constant 1.029000e+03 : f32
    %div3A_90 = vector.broadcast %div3A_89 : f32 to vector<16x128xf32>
    %div3A_91 = arith.divf %mul3A_88, %div3A_90 : vector<16x128xf32>
    %mul3A_92 = arith.mulf %add3A_75, %add3A_75 : vector<16x128xf32>
    %mul3A_93 = arith.mulf %get3A_81, %mul3A_92 : vector<16x128xf32>
    %add3A_94 = arith.constant 9.99999996E-13 : f32
    %add3A_95 = vector.broadcast %add3A_94 : f32 to vector<16x128xf32>
    %add3A_96 = arith.addf %mul3A_93, %add3A_95 : vector<16x128xf32>
    %sqrt3A_97 = math.sqrt %add3A_96 : vector<16x128xf32>
    %mul3A_98 = arith.mulf %get3A_84, %mul3A_92 : vector<16x128xf32>
    %add3A_99 = arith.constant 9.99999996E-13 : f32
    %add3A_100 = vector.broadcast %add3A_99 : f32 to vector<16x128xf32>
    %add3A_101 = arith.addf %mul3A_98, %add3A_100 : vector<16x128xf32>
    %sqrt3A_102 = math.sqrt %add3A_101 : vector<16x128xf32>
    %add3A_103 = arith.addf %sqrt3A_97, %sqrt3A_102 : vector<16x128xf32>
    %mul3A_104 = arith.mulf %get3A_87, %mul3A_92 : vector<16x128xf32>
    %add3A_105 = arith.constant 9.99999996E-13 : f32
    %add3A_106 = vector.broadcast %add3A_105 : f32 to vector<16x128xf32>
    %add3A_107 = arith.addf %mul3A_104, %add3A_106 : vector<16x128xf32>
    %sqrt3A_108 = math.sqrt %add3A_107 : vector<16x128xf32>
    %add3A_109 = arith.addf %add3A_103, %sqrt3A_108 : vector<16x128xf32>
    %max3A_110 = arith.constant 9.99999997E-7 : f32
    %max3A_111 = vector.broadcast %max3A_110 : f32 to vector<16x128xf32>
    %max3A_112 = arith.maximumf %div3A_91, %max3A_111 : vector<16x128xf32>
    %max3A_113 = arith.constant 9.99999997E-7 : f32
    %max3A_114 = vector.broadcast %max3A_113 : f32 to vector<16x128xf32>
    %max3A_115 = arith.maximumf %add3A_109, %max3A_114 : vector<16x128xf32>
    %add3A_116 = arith.addf %max3A_112, %max3A_115 : vector<16x128xf32>
    %div3A_117 = arith.divf %max3A_112, %add3A_116 : vector<16x128xf32>
    %swap3A_118 = arith.constant 0 : index
    %swap3A_119 = arith.constant 0 : index
    %swap3A_120 = vector.load %arg12[%swap3A_118, %swap3A_119] : memref<16x128xf32, #tpu.memory_space<vmem>>, vector<16x128xf32>
    tpu.vector_store %arg12[%swap3A_118, %swap3A_119], %div3A_117 {strides = array<i32>} : memref<16x128xf32, #tpu.memory_space<vmem>>, vector<16x128xf32>,
    %sub3A_121 = arith.constant 1.000000e+00 : f32
    %sub3A_122 = vector.broadcast %sub3A_121 : f32 to vector<16x128xf32>
    %sub3A_123 = arith.subf %sub3A_122, %div3A_117 : vector<16x128xf32>
    %swap3A_124 = arith.constant 0 : index
    %swap3A_125 = arith.constant 0 : index
    %swap3A_126 = vector.load %arg13[%swap3A_124, %swap3A_125] : memref<16x128xf32, #tpu.memory_space<vmem>>, vector<16x128xf32>
    tpu.vector_store %arg13[%swap3A_124, %swap3A_125], %sub3A_123 {strides = array<i32>} : memref<16x128xf32, #tpu.memory_space<vmem>>, vector<16x128xf32>,
    return
  }
}

</mosaic_0001>

<sc_bundles>
// kernel: kernel.11.cloned.1.call-start
scs
__scs_entry_jumppad:
0x0: {  	(pc) =	sbr.rel $0x88, $3  }
0x1: {  	(tag) =	ssettag $0x0;
	lr =	simm.s32 $0x1  }
0x2: {  	[smem:$0x3F9E] =	sst lr;
	_ =	strace $0xD0000000  }
0x3: {  	_ = 	snop  }
0x4: {  	_ = 	snop  }
0x5: {  	_ = 	snop  }
0x6: {  	_ = 	snop  }
0x7: {  	_ = 	snop  }
__scs_overlays_trampoline_lowered:
0x8: {  	[smem:$0x3FAD] =	sst s0  }
0x9: {  	[smem:$0x3FAE] =	sst s1  }
0xa: {  	[smem:$0x3FAF] =	sst s2  }
0xb: {  	[smem:$0x3FB0] =	sst s3  }
0xc: {  	[smem:$0x3FB1] =	sst s4  }
0xd: {  	[smem:$0x3FB2] =	sst s5  }
0xe: {  	[smem:$0x3FB3] =	sst s6  }
0xf: {  	[smem:$0x3FB4] =	sst s7  }
0x10: {  	[smem:$0x3FB5] =	sst s8  }
0x11: {  	[smem:$0x3FB6] =	sst s9;
	s0 =	simm.s32 @!p0 $0x0  }
0x12: {  	s1 =	sld [smem:$0x3F9C];
	s0 =	simm.s32 @p0 $0x1  }
0x13: {  	[smem:$0x3FB7] =	sst s0;
	s0 =	simm.s32 @!p1 $0x0  }
0x14: {  	s2 =	sld [smem:$0x3F9B];
	s0 =	simm.s32 @p1 $0x1  }
0x15: {  	[smem:$0x3FB8] =	sst s0;
	s0 =	simm.s32 @!p2 $0x0  }
0x16: {  	s3 =	sld [smem:$0x3FDB];
	s0 =	simm.s32 @p2 $0x1  }
0x17: {  	s4 =	simm.s32 $0x1BF5;
	[smem:$0x3FBA] =	sst s0  }
0x18: {  	s0 =	sld [smem:$0x3F9D];
	_ =	swait.ge [sflag:s4], $0x0  }
0x19: {  	s7 =	sld [smem:$0x3F9E]  }
0x1a: {  	s8 =	sadd.s32 $0xFFFFE003, lr  }
0x1b: {  	s9 =	sadd.s32 $0xFFFFFEF7, lr;
	s5 =	simm.s32 $0xFFFFFFFF;
	p2 =	slt.u32 s8, $0xFFFFF086  }
0x1c: {  	p1 =	slt.u32 s9, $0xF7A;
	s5 =	simm.s32 @!p2 $0x0  }
0x1d: {  	s5 =	simm.s32 @p1 $0x1;
	p0 =	seq.s32 s7, s2  }
0x1e: {  	s7 =	smul.u32 @!p0 $0xF7A, s2;
	p2 =	seq.s32 @!p0 s5, $0x0  }
0x1f: {  	s9 =	smul.u32 $0xF7A, s1;
	s8 =	simm.s32 @!p0 $0x1BF5;
	p2 =	por !p2, p0  }
0x20: {  	[sflag:s8] =	ssyncset.s32 @!p0 $0xFFFFF086;
	s6 =	sadd.s32 @!p0 s3, s7;
	s7 =	simm.s32 @!p0 $0x108  }
0x21: {  	s3 =	sadd.s32 s3, s9;
	s6 =	sadd.s32 @!p0 $0x88, s6;
	s7 =	simm.s32 @p2 $0x1082  }
0x22: {  	[simem:s7], [sflag:s8] =	dma.local @!p0 [hbm:s6], $0xF7A  }
0x23: {  	s9 =	sor.u32 $0xD0000000, s2;
	s6 =	simm.s32 $0x108;
	_ =	swait.ge @!p0 [sflag:s8], $0x0  }
0x24: {  	s3 =	sadd.s32 $0x88, s3;
	s6 =	simm.s32 @!p1 $0x1082;
	[sflag:s4] =	ssyncset.s32 $0xFFFFF086  }
0x25: {  	[simem:s6], [sflag:s4] =	dma.local [hbm:s3], $0xF7A  }
0x26: {  	[smem:$0x3F9E] =	sst s1;
	(tag) =	ssettag s2;
	_ =	strace s9  }
0x27: {  	s1 =	sld [smem:$0x3FAE]  }
0x28: {  	s2 =	sld [smem:$0x3FAF]  }
0x29: {  	s4 =	sld [smem:$0x3FB1]  }
0x2a: {  	p0 =	seq.s32 s5, $0x0;
	s5 =	sld [smem:$0x3FB2]  }
0x2b: {  	s6 =	sld [smem:$0x3FB3]  }
0x2c: {  	s7 =	sld [smem:$0x3FB4]  }
0x2d: {  	s3 =	simm.s32 $0x108;
	s8 =	sld [smem:$0x3FB5]  }
0x2e: {  	s3 =	simm.s32 @!p0 $0x1082;
	s9 =	sld [smem:$0x3FB6]  }
0x2f: {  	lr =	sadd.s32 s0, s3;
	s0 =	sld [smem:$0x3FAD]  }
0x30: {  	s3 =	sld [smem:$0x3FB0]  }
0x31: {  	[smem:$0x3FB9] =	sst s10  }
0x32: {  	s10 =	sld [smem:$0x3FB7];
	_ =	sdelay $0x3  }
0x33: {  	p0 =	seq.s32 s10, $0x1;
	s10 =	sld [smem:$0x3FB9];
	_ =	sdelay $0x3  }
0x34: {  	[smem:$0x3FB9] =	sst s10  }
0x35: {  	s10 =	sld [smem:$0x3FB8];
	_ =	sdelay $0x3  }
0x36: {  	p1 =	seq.s32 s10, $0x1;
	s10 =	sld [smem:$0x3FB9];
	_ =	sdelay $0x3  }
0x37: {  	[smem:$0x3FB9] =	sst s10  }
0x38: {  	s10 =	sld [smem:$0x3FBA]  }
0x39: {  	_ = 	snop;
	(pc) =	sbr.ind lr, $3  }
0x3a: {  	_ = 	snop  }
0x3b: {  	_ = 	snop  }
0x3c: {  	p2 =	seq.s32 s10, $0x1;
	s10 =	sld [smem:$0x3FB9]  }
0x3d: {  	_ =	shalt  }
0x3e: {  	_ =	shalt  }
0x3f: {  	_ =	shalt  }
0x40: {  	_ =	shalt  }
0x41: {  	_ =	shalt  }
0x42: {  	_ =	shalt  }
0x43: {  	_ =	shalt  }
0x44: {  	_ =	shalt  }
0x45: {  	_ =	shalt  }
0x46: {  	_ =	shalt  }
0x47: {  	_ =	shalt  }
0x48: {  	_ =	shalt  }
0x49: {  	_ =	shalt  }
0x4a: {  	_ =	shalt  }
0x4b: {  	_ =	shalt  }
0x4c: {  	_ =	shalt  }
0x4d: {  	_ =	shalt  }
0x4e: {  	_ =	shalt  }
0x4f: {  	_ =	shalt  }
0x50: {  	_ =	shalt  }
0x51: {  	_ =	shalt  }
0x52: {  	_ =	shalt  }
0x53: {  	_ =	shalt  }
0x54: {  	_ =	shalt  }
0x55: {  	_ =	shalt  }
0x56: {  	_ =	shalt  }
0x57: {  	_ =	shalt  }
0x58: {  	_ =	shalt  }
0x59: {  	_ =	shalt  }
0x5a: {  	_ =	shalt  }
0x5b: {  	_ =	shalt  }
0x5c: {  	_ =	shalt  }
0x5d: {  	_ =	shalt  }
0x5e: {  	_ =	shalt  }
0x5f: {  	_ =	shalt  }
0x60: {  	_ =	shalt  }
0x61: {  	_ =	shalt  }
0x62: {  	_ =	shalt  }
0x63: {  	_ =	shalt  }
0x64: {  	_ =	shalt  }
0x65: {  	_ =	shalt  }
0x66: {  	_ =	shalt  }
0x67: {  	_ =	shalt  }
0x68: {  	_ =	shalt  }
0x69: {  	_ =	shalt  }
0x6a: {  	_ =	shalt  }
0x6b: {  	_ =	shalt  }
0x6c: {  	_ =	shalt  }
0x6d: {  	_ =	shalt  }
0x6e: {  	_ =	shalt  }
0x6f: {  	_ =	shalt  }
0x70: {  	_ =	shalt  }
0x71: {  	_ =	shalt  }
0x72: {  	_ =	shalt  }
0x73: {  	_ =	shalt  }
0x74: {  	_ =	shalt  }
0x75: {  	_ =	shalt  }
0x76: {  	_ =	shalt  }
0x77: {  	_ =	shalt  }
0x78: {  	_ =	shalt  }
0x79: {  	_ =	shalt  }
0x7a: {  	_ =	shalt  }
0x7b: {  	_ =	shalt  }
0x7c: {  	_ =	shalt  }
0x7d: {  	_ =	shalt  }
0x7e: {  	_ =	shalt  }
0x7f: {  	_ =	shalt  }
0x80: {  	_ =	shalt  }
0x81: {  	_ =	shalt  }
0x82: {  	_ =	shalt  }
0x83: {  	_ =	shalt  }
0x84: {  	_ =	shalt  }
0x85: {  	_ =	shalt  }
0x86: {  	_ =	shalt  }
0x87: {  	_ =	shalt  }
.Lfunc_end0:
.L_simem_size_0:
called_computation.1_lowered:
.L_overlay_start_0:
0x88: {  	s2 =	sld [smem:$0x3FD9]  }
0x89: {  	s3 =	sld [smem:$0x3FFE];
	_ =	sdelay $0x1  }
0x8a: {  	s1 =	srdreg.scid  }
0x8b: {  	s0 =	sand.u32 $0x1, s1  }
0x8c: {  	s14 =	sshll.u32 s0, $0xA;
	s2 =	sadd.s32 s3, s2  }
0x8d: {  	s2 =	sadd.s32 s2, s14  }
0x8e: {  	[smem:$0x3FC5] =	sst s2  }
0x8f: {  	_ = 	snop  }
0x90: {  	s2 =	sld [smem:$0x3FD0];
	_ =	sdelay $0x2  }
0x91: {  	s4 =	simm.s32 $0xA;
	s5 =	simm.s32 $0x10;
	s15 =	sld [smem:$0x3FC9]  }
0x92: {  	[smem:s5], [sflag:s4] =	dma.local [hbm:s2], $0x1  }
0x93: {  	_ =	swait.eq [sflag:s4], $0x1  }
0x94: {  	[sflag:s4] =	ssyncset.done $0x0  }
0x95: {  	[sflag:s4] =	ssyncadd.s32 $0xFFFFFFFF  }
0x96: {  	s16 =	sld [smem:$0x13];
	(tm) =	ssettm $0x1  }
0x97: {  	s17 =	sld [smem:$0x3FFB];
	_ =	sdelay $0x3  }
0x98: {  	_ =	strace s17  }
0x99: {  	s4 =	sld [smem:$0x3FFC];
	_ =	sdelay $0x3  }
0x9a: {  	_ =	strace s4  }
0x9b: {  	s4 =	sld [smem:$0x3FFD];
	_ =	sdelay $0x3  }
0x9c: {  	_ =	strace s4  }
0x9d: {  	_ =	strace $0x8FFFFFFF  }
0x9e: {  	s18 =	sld [smem:$0x3FDB];
	_ =	sdelay $0x1  }
0x9f: {  	s19 =	simm.s32 $_scs_section_size  }
0xa0: {  	s6 =	simm.s32 $_size__tile_overlayer_lowered;
	s7 =	simm.s32 $_tile_overlayer_lowered  }
0xa1: {  	s22 =	simm.s32 $0x1BFF;
	s21 =	sshll.u32 s7, $0x1;
	s4 =	sadd.s32 s19, s18  }
0xa2: {  	s8 =	simm.s32 $0x0;
	s20 =	sshll.u32 s6, $0x1;
	s6 =	sadd.s32 s21, s4  }
0xa3: {  	[timem:s8], [sflag:s22] =	dma.local [hbm:s6], s20  }
0xa4: {  	_ =	swait.ge [sflag:s22], s20  }
0xa5: {  	s5 =	ssub.s32 $0x0, s20;
	[sflag:s22] =	ssyncset.done $0x0  }
0xa6: {  	[sflag:s22] =	ssyncadd.s32 s5;
	_ =	sdelay $0x1  }
0xa7: {  	s23 =	simm.s32 $0x1B8B  }
0xa8: {  	_ =	swait.ge [sflag:s23], $0x1  }
0xa9: {  	[sflag:s23] =	ssyncset.done $0x0  }
0xaa: {  	s25 =	simm.s32 $0x1B8E;
	s24 =	sld [smem:$0x3FFE];
	[sflag:s23] =	ssyncadd.s32 $0xFFFFFFFF  }
0xab: {  	s26 =	simm.s32 $execute0_lowered;
	[smem:$0x3FD2] =	sst s25  }
0xac: {  	s6 =	sshll.u32 s26, $0x1;
	_ =	strace $0x80000049;
	[dreg:$0x1] =	wrdreg $0xFFFFFFFF  }
0xad: {  	s28 =	simm.s32 $_size_execute0_lowered;
	s4 =	sadd.s32 s4, s6;
	[dreg:$0x0] =	wrdreg $0x0  }
0xae: {  	s6 =	sshll.u32 s28, $0x1;
	[dreg:$0x2] =	wrdreg s4  }
0xaf: {  	[dreg:$0x3] =	wrdreg s6  }
0xb0: {  	[dreg:$0x4] =	wrdreg $0xC0  }
0xb1: {  	_ =	task [dreg:s8], $0x5FFFF  }
0xb2: {  	[dreg:$0x1] =	wrdreg $0xFFFFFFFF  }
0xb3: {  	[dreg:$0x0] =	wrdreg $0x60  }
0xb4: {  	[dreg:$0x2] =	wrdreg s15  }
0xb5: {  	[dreg:$0x3] =	wrdreg s24  }
0xb6: {  	[dreg:$0x4] =	wrdreg s16  }
0xb7: {  	[dreg:$0x5] =	wrdreg $0x22000  }
0xb8: {  	[dreg:$0x6] =	wrdreg $0x9  }
0xb9: {  	_ =	task.clear_ibuf [dreg:s8], $0x7FFFF;
	_ =	strace $0x90000049  }
0xba: {  	s29 =	simm.s32 $0x9;
	_ =	strace $0x8000004B  }
0xbb: {  	_ =	swait.ge [sflag:s29], $0x1  }
0xbc: {  	[sflag:s29] =	ssyncadd.s32 $0xFFFFFFFF  }
0xbd: {  	_ =	strace $0x9000004B  }
0xbe: {  	_ =	sfence  }
0xbf: {  	s30 =	sld [smem:$0x0];
	_ =	sdelay $0x2  }
0xc0: {  	s31 =	sshll.u32 s1, $0xD;
	s1 =	sshrl.u32 s1, $0x2  }
0xc1: {  	s3 =	sand.u32 $0x4000, s31;
	s1 =	sadd.s32 s1, s30  }
0xc2: {  	s0 =	sor.u32 s3, s0;
	s1 =	sshll.u32 s1, $0x11  }
0xc3: {  	s0 =	sor.u32 s1, s0  }
0xc4: {  	s0 =	sadd.s32 $0x8F2B, s0  }
0xc5: {  	[sflag:s0] =	ssyncadd.remote.s32 $0x1  }
0xc6: {  	_ =	sfence.sel $0xFFFF  }
0xc7: {  	[dreg:$0x0] =	wrdreg $0xFFFFFFFF;
	(pc) =	sbr.abs _section_cstart, $3  }
0xc8: {  	[dreg:$0x1] =	wrdreg $0xFFFFFFFF  }
0xc9: {  	_ =	task.clear_ibuf [dreg:s8], $0x2FFFF;
	_ =	strace $0x9FFFFFFF  }
0xca: {  	(tm) =	ssettm $0x7FFFFFFF  }
0xcb: {  	_ =	shalt  }
tec
execute0_lowered:
.L_overlay_start_1:
0x0: {  	(tag) =	ssettag $0x1  }
0x1: {  	s3 =	rddreg [dreg:$0x0]  }
0x2: {  	s4 =	rddreg [dreg:$0x1]  }
0x3: {  	s0 =	rddreg [dreg:$0x2]  }
0x4: {  	s1 =	rddreg [dreg:$0x3];
	s2 =	srdreg.scid  }
0x5: {  	[dreg:$0x5] =	wrdreg s0;
	s14 =	sand.u32 $0x1, s2;
	s2 =	simm.s32 $0x0  }
0x6: {  	s21 =	simm.s32 $0x1080;
	[smem:$0x7FF] =	sst s2  }
0x7: {  	s22 =	simm.s32 $0x100;
	_ =	strace $0x8000004A;
	[dreg:$0xa] =	wrdreg s21  }
0x8: {  	s23 =	simm.s32 $0x1100;
	[dreg:$0xb] =	wrdreg s22  }
0x9: {  	s24 =	simm.s32 $0x180;
	[dreg:$0xc] =	wrdreg s23  }
0xa: {  	s25 =	simm.s32 $0x1180;
	[dreg:$0xd] =	wrdreg s24  }
0xb: {  	s26 =	simm.s32 $0x200;
	[dreg:$0xe] =	wrdreg s25  }
0xc: {  	s28 =	simm.s32 $0x1200;
	[dreg:$0xf] =	wrdreg s26  }
0xd: {  	s29 =	simm.s32 $0x280;
	[dreg:$0x10] =	wrdreg s28  }
0xe: {  	s30 =	simm.s32 $0x1280;
	[dreg:$0x11] =	wrdreg s29  }
0xf: {  	s31 =	simm.s32 $0x300;
	[dreg:$0x12] =	wrdreg s30  }
0x10: {  	s0 =	simm.s32 $0x1300;
	[dreg:$0x13] =	wrdreg s31  }
0x11: {  	s10 =	simm.s32 $0x1480;
	[dreg:$0x14] =	wrdreg s0  }
0x12: {  	s11 =	simm.s32 $0x500;
	[dreg:$0x1a] =	wrdreg s10  }
0x13: {  	s12 =	simm.s32 $0x1500;
	[dreg:$0x1b] =	wrdreg s11  }
0x14: {  	s13 =	simm.s32 $0x580;
	[dreg:$0x1c] =	wrdreg s12  }
0x15: {  	s15 =	simm.s32 $0x1580;
	[dreg:$0x1d] =	wrdreg s13  }
0x16: {  	s9 =	stileid.u32;
	s16 =	simm.s32 $0x600;
	[dreg:$0x1e] =	wrdreg s15  }
0x17: {  	s17 =	simm.s32 $0x1600;
	s18 =	simm.s32 $0x680;
	[dreg:$0x1f] =	wrdreg s16  }
0x18: {  	s6 =	sshll.u32 s9, $0x9;
	s5 =	sshll.u32 s14, $0xD;
	[smem:$0x7E9] =	sst s17  }
0x19: {  	s5 =	sor.u32 s6, s5;
	s6 =	sadd.s32 s6, s1;
	[smem:$0x7EB] =	sst s18  }
0x1a: {  	s21 =	simm.s32 $0x1700;
	[dreg:$0x6] =	wrdreg s6  }
0x1b: {  	s22 =	simm.s32 $0x780;
	[smem:$0x7E8] =	sst s21  }
0x1c: {  	s23 =	simm.s32 $0x1780;
	[smem:$0x7EE] =	sst s22  }
0x1d: {  	s24 =	simm.s32 $0x800;
	[smem:$0x7ED] =	sst s23  }
0x1e: {  	s25 =	simm.s32 $0x1800;
	[smem:$0x7F5] =	sst s24  }
0x1f: {  	s26 =	simm.s32 $0x880;
	[smem:$0x7F0] =	sst s25  }
0x20: {  	s28 =	simm.s32 $0x1880;
	[smem:$0x7F2] =	sst s26  }
0x21: {  	s29 =	simm.s32 $0x900;
	[smem:$0x7EF] =	sst s28  }
0x22: {  	s30 =	simm.s32 $0x1900;
	[smem:$0x7F4] =	sst s29  }
0x23: {  	s31 =	simm.s32 $0x980;
	[smem:$0x7F1] =	sst s30  }
0x24: {  	s0 =	simm.s32 $0x1980;
	[smem:$0x7F8] =	sst s31  }
0x25: {  	[smem:$0x7F7] =	sst s0  }
0x26: {  	s10 =	simm.s32 $0x1B00;
	s11 =	rddreg [dreg:$0x5]  }
0x27: {  	s12 =	simm.s32 $0xB80;
	[smem:$0x7FC] =	sst s10  }
0x28: {  	s3 =	sadd.s32 s3, s5;
	[smem:$0x7FD] =	sst s12  }
0x29: {  	s7 =	sadd.s32 s5, s4;
	s5 =	simm.s32 $0x1380;
	[dreg:$0x7] =	wrdreg s3  }
0x2a: {  	s8 =	sshll.u32 s14, $0x4;
	s6 =	simm.s32 $0x400;
	[dreg:$0x16] =	wrdreg s5  }
0x2b: {  	s4 =	sadd.s32 s8, s4;
	s8 =	simm.s32 $0x480;
	[dreg:$0x17] =	wrdreg s6  }
0x2c: {  	s19 =	sadd.s32 $0x1E00, s7;
	[dreg:$0x19] =	wrdreg s8  }
0x2d: {  	s20 =	sadd.s32 $0x41A000, s4;
	[dreg:$0x8] =	wrdreg s19  }
0x2e: {  	s4 =	simm.s32 $0x380;
	[dreg:$0x9] =	wrdreg s20  }
0x2f: {  	s7 =	simm.s32 $0x1400;
	[dreg:$0x15] =	wrdreg s4  }
0x30: {  	s5 =	simm.s32 $0x1A00;
	[dreg:$0x18] =	wrdreg s7  }
0x31: {  	s6 =	simm.s32 $0xA80;
	[smem:$0x7F6] =	sst s5  }
0x32: {  	s8 =	simm.s32 $0xB00;
	[smem:$0x7FA] =	sst s6  }
0x33: {  	s3 =	simm.s32 $0x2000;
	s19 =	simm.s32 $0x1680;
	[smem:$0x7FB] =	sst s8  }
0x34: {  	[tilespmem:s3], [sflag:$0x2] =	stream.linear.gather [hbm4b:s11+s2], $0x200, $0x38;
	[tilespmem:$0x2400] =	vst v63  }
0x35: {  	s20 =	simm.s32 $0x700;
	[smem:$0x7EA] =	sst s19  }
0x36: {  	s4 =	simm.s32 $0xA00;
	[smem:$0x7EC] =	sst s20  }
0x37: {  	s7 =	simm.s32 $0x1A80;
	[smem:$0x7F9] =	sst s4  }
0x38: {  	[smem:$0x7F3] =	sst s7;
	s4 =	simm.s32 $0x2  }
0x39: {  	_ =	swait.ge [sflag:s4], $0x200  }
0x3a: {  	[sflag:s4] =	ssyncset.done $0x0  }
0x3b: {  	s13 =	rddreg [dreg:$0x6];
	[sflag:s4] =	ssyncadd.s32 $0xFFFFFE00  }
0x3c: {  	[spmem:s13] =	stream.linear.scatter [tilespmem:s3], [sflag:$0x2], $0x200, $0x38;
	[tilespmem:$0x2400] =	vst v63  }
0x3d: {  	_ =	swait.ge [sflag:s4], $0x200  }
0x3e: {  	[sflag:s4] =	ssyncset.done $0x0  }
0x3f: {  	s15 =	rddreg [dreg:$0x7];
	[sflag:s4] =	ssyncadd.s32 $0xFFFFFE00  }
0x40: {  	[tilespmem:s2], [sflag:$0x2] =	stream.linear.gather [hbm4b:s15+s2], $0x1000, $0x38;
	[tilespmem:$0x2400] =	vst v63  }
0x41: {  	_ =	swait.ge [sflag:s4], $0x1000  }
0x42: {  	[sflag:s4] =	ssyncset.done $0x0  }
0x43: {  	s5 =	simm.s32 $0x1000;
	s16 =	rddreg [dreg:$0x8];
	[sflag:s4] =	ssyncadd.s32 $0xFFFFF000  }
0x44: {  	[tilespmem:s5], [sflag:$0x2] =	stream.linear.gather [hbm4b:s16+s2], $0x1000, $0x38;
	[tilespmem:$0x2400] =	vst v63  }
0x45: {  	_ =	swait.ge [sflag:s4], $0x1000  }
0x46: {  	[sflag:s4] =	ssyncset.done $0x0  }
0x47: {  	[sflag:s4] =	ssyncadd.s32 $0xFFFFF000  }
0x48: {  	[bflag:$0x0] =	sbarrier.arrive $0xFFFF  }
0x49: {  	s17 =	rddreg [dreg:$0x10]  }
0x4a: {  	s18 =	rddreg [dreg:$0xf]  }
0x4b: {  	s10 =	rddreg [dreg:$0xd]  }
0x4c: {  	s11 =	rddreg [dreg:$0xe]  }
0x4d: {  	s7 =	simm.s32 $0x80;
	s12 =	rddreg [dreg:$0xc]  }
0x4e: {  	[spmem:s1] =	stream.indirect.scatter.add.f32 [tilespmem:s5], [sflag:$0x1], $0x1, s2, s7, $0xb8;
	[tilespmem:$0x2400] =	vst v63  }
0x4f: {  	s13 =	rddreg [dreg:$0xa]  }
0x50: {  	s15 =	rddreg [dreg:$0xb]  }
0x51: {  	[spmem:s1] =	stream.indirect.scatter.add.f32 [tilespmem:s13], [sflag:$0x1], $0x1, s7, s7, $0xb8;
	[tilespmem:$0x2400] =	vst v63  }
0x52: {  	s16 =	rddreg [dreg:$0x11]  }
0x53: {  	[spmem:s1] =	stream.indirect.scatter.add.f32 [tilespmem:s12], [sflag:$0x1], $0x1, s15, s7, $0xb8;
	[tilespmem:$0x2400] =	vst v63  }
0x54: {  	s19 =	rddreg [dreg:$0x14]  }
0x55: {  	[spmem:s1] =	stream.indirect.scatter.add.f32 [tilespmem:s11], [sflag:$0x1], $0x1, s10, s7, $0xb8;
	[tilespmem:$0x2400] =	vst v63  }
0x56: {  	s20 =	rddreg [dreg:$0x13]  }
0x57: {  	[spmem:s1] =	stream.indirect.scatter.add.f32 [tilespmem:s17], [sflag:$0x1], $0x1, s18, s7, $0xb8;
	[tilespmem:$0x2400] =	vst v63  }
0x58: {  	s21 =	rddreg [dreg:$0x12]  }
0x59: {  	[spmem:s1] =	stream.indirect.scatter.add.f32 [tilespmem:s21], [sflag:$0x1], $0x1, s16, s7, $0xb8;
	[tilespmem:$0x2400] =	vst v63  }
0x5a: {  	s22 =	rddreg [dreg:$0x16]  }
0x5b: {  	[spmem:s1] =	stream.indirect.scatter.add.f32 [tilespmem:s19], [sflag:$0x1], $0x1, s20, s7, $0xb8;
	[tilespmem:$0x2400] =	vst v63  }
0x5c: {  	s6 =	simm.s32 $0x1;
	s23 =	rddreg [dreg:$0x15]  }
0x5d: {  	[spmem:s1] =	stream.indirect.scatter.add.f32 [tilespmem:s22], [sflag:$0x1], $0x1, s23, s7, $0xb8;
	[tilespmem:$0x2400] =	vst v63  }
0x5e: {  	_ =	swait.ge [sflag:s6], $0x80  }
0x5f: {  	[sflag:s6] =	ssyncset.done $0x0  }
0x60: {  	[sflag:s6] =	ssyncadd.s32 $0xFFFFFF80  }
0x61: {  	_ =	swait.ge [sflag:s6], $0x80  }
0x62: {  	[sflag:s6] =	ssyncset.done $0x0  }
0x63: {  	[sflag:s6] =	ssyncadd.s32 $0xFFFFFF80  }
0x64: {  	_ =	swait.ge [sflag:s6], $0x80  }
0x65: {  	[sflag:s6] =	ssyncset.done $0x0  }
0x66: {  	[sflag:s6] =	ssyncadd.s32 $0xFFFFFF80  }
0x67: {  	_ =	swait.ge [sflag:s6], $0x80  }
0x68: {  	[sflag:s6] =	ssyncset.done $0x0  }
0x69: {  	[sflag:s6] =	ssyncadd.s32 $0xFFFFFF80  }
0x6a: {  	_ =	swait.ge [sflag:s6], $0x80  }
0x6b: {  	[sflag:s6] =	ssyncset.done $0x0  }
0x6c: {  	[sflag:s6] =	ssyncadd.s32 $0xFFFFFF80  }
0x6d: {  	_ =	swait.ge [sflag:s6], $0x80  }
0x6e: {  	[sflag:s6] =	ssyncset.done $0x0  }
0x6f: {  	[sflag:s6] =	ssyncadd.s32 $0xFFFFFF80  }
0x70: {  	_ =	swait.ge [sflag:s6], $0x80  }
0x71: {  	[sflag:s6] =	ssyncset.done $0x0  }
0x72: {  	[sflag:s6] =	ssyncadd.s32 $0xFFFFFF80  }
0x73: {  	_ =	swait.ge [sflag:s6], $0x80  }
0x74: {  	s24 =	rddreg [dreg:$0x1a]  }
0x75: {  	s25 =	rddreg [dreg:$0x1b]  }
0x76: {  	s26 =	rddreg [dreg:$0x19]  }
0x77: {  	s28 =	rddreg [dreg:$0x1f]  }
0x78: {  	s29 =	sld [smem:$0x7E8]  }
0x79: {  	s30 =	rddreg [dreg:$0x17]  }
0x7a: {  	s31 =	rddreg [dreg:$0x18]  }
0x7b: {  	s17 =	rddreg [dreg:$0x1d]  }
0x7c: {  	[sflag:s6] =	ssyncset.done $0x0;
	s18 =	rddreg [dreg:$0x1c]  }
0x7d: {  	s19 =	sld [smem:$0x7E9];
	[sflag:s6] =	ssyncadd.s32 $0xFFFFFF80  }
0x7e: {  	[spmem:s1] =	stream.indirect.scatter.add.f32 [tilespmem:s31], [sflag:$0x1], $0x1, s30, s7, $0xb8;
	[tilespmem:$0x2400] =	vst v63  }
0x7f: {  	s0 =	rddreg [dreg:$0x1e]  }
0x80: {  	[spmem:s1] =	stream.indirect.scatter.add.f32 [tilespmem:s24], [sflag:$0x1], $0x1, s26, s7, $0xb8;
	[tilespmem:$0x2400] =	vst v63  }
0x81: {  	s16 =	sld [smem:$0x7EA]  }
0x82: {  	[spmem:s1] =	stream.indirect.scatter.add.f32 [tilespmem:s18], [sflag:$0x1], $0x1, s25, s7, $0xb8;
	[tilespmem:$0x2400] =	vst v63  }
0x83: {  	s20 =	sld [smem:$0x7EC]  }
0x84: {  	[spmem:s1] =	stream.indirect.scatter.add.f32 [tilespmem:s0], [sflag:$0x1], $0x1, s17, s7, $0xb8;
	[tilespmem:$0x2400] =	vst v63  }
0x85: {  	s18 =	sld [smem:$0x7EB]  }
0x86: {  	[spmem:s1] =	stream.indirect.scatter.add.f32 [tilespmem:s19], [sflag:$0x1], $0x1, s28, s7, $0xb8;
	[tilespmem:$0x2400] =	vst v63  }
0x87: {  	s21 =	sld [smem:$0x7ED]  }
0x88: {  	[spmem:s1] =	stream.indirect.scatter.add.f32 [tilespmem:s16], [sflag:$0x1], $0x1, s18, s7, $0xb8;
	[tilespmem:$0x2400] =	vst v63  }
0x89: {  	s22 =	sld [smem:$0x7EE]  }
0x8a: {  	[spmem:s1] =	stream.indirect.scatter.add.f32 [tilespmem:s29], [sflag:$0x1], $0x1, s20, s7, $0xb8;
	[tilespmem:$0x2400] =	vst v63  }
0x8b: {  	_ = 	snop  }
0x8c: {  	[spmem:s1] =	stream.indirect.scatter.add.f32 [tilespmem:s21], [sflag:$0x1], $0x1, s22, s7, $0xb8;
	[tilespmem:$0x2400] =	vst v63  }
0x8d: {  	_ =	swait.ge [sflag:s6], $0x80  }
0x8e: {  	[sflag:s6] =	ssyncset.done $0x0  }
0x8f: {  	[sflag:s6] =	ssyncadd.s32 $0xFFFFFF80  }
0x90: {  	_ =	swait.ge [sflag:s6], $0x80  }
0x91: {  	[sflag:s6] =	ssyncset.done $0x0  }
0x92: {  	[sflag:s6] =	ssyncadd.s32 $0xFFFFFF80  }
0x93: {  	_ =	swait.ge [sflag:s6], $0x80  }
0x94: {  	[sflag:s6] =	ssyncset.done $0x0  }
0x95: {  	[sflag:s6] =	ssyncadd.s32 $0xFFFFFF80  }
0x96: {  	_ =	swait.ge [sflag:s6], $0x80  }
0x97: {  	[sflag:s6] =	ssyncset.done $0x0  }
0x98: {  	[sflag:s6] =	ssyncadd.s32 $0xFFFFFF80  }
0x99: {  	_ =	swait.ge [sflag:s6], $0x80  }
0x9a: {  	[sflag:s6] =	ssyncset.done $0x0  }
0x9b: {  	[sflag:s6] =	ssyncadd.s32 $0xFFFFFF80  }
0x9c: {  	_ =	swait.ge [sflag:s6], $0x80  }
0x9d: {  	[sflag:s6] =	ssyncset.done $0x0  }
0x9e: {  	[sflag:s6] =	ssyncadd.s32 $0xFFFFFF80  }
0x9f: {  	_ =	swait.ge [sflag:s6], $0x80  }
0xa0: {  	[sflag:s6] =	ssyncset.done $0x0  }
0xa1: {  	[sflag:s6] =	ssyncadd.s32 $0xFFFFFF80  }
0xa2: {  	_ =	swait.ge [sflag:s6], $0x80  }
0xa3: {  	s23 =	sld [smem:$0x7EF]  }
0xa4: {  	s24 =	sld [smem:$0x7F0]  }
0xa5: {  	s25 =	sld [smem:$0x7F1]  }
0xa6: {  	s26 =	sld [smem:$0x7F2]  }
0xa7: {  	s28 =	sld [smem:$0x7F3]  }
0xa8: {  	s29 =	sld [smem:$0x7F4]  }
0xa9: {  	s30 =	sld [smem:$0x7F5]  }
0xaa: {  	[sflag:s6] =	ssyncset.done $0x0;
	s31 =	sld [smem:$0x7F6]  }
0xab: {  	s0 =	sld [smem:$0x7F7];
	[sflag:s6] =	ssyncadd.s32 $0xFFFFFF80  }
0xac: {  	[spmem:s1] =	stream.indirect.scatter.add.f32 [tilespmem:s24], [sflag:$0x1], $0x1, s30, s7, $0xb8;
	[tilespmem:$0x2400] =	vst v63  }
0xad: {  	s16 =	sld [smem:$0x7F8]  }
0xae: {  	[spmem:s1] =	stream.indirect.scatter.add.f32 [tilespmem:s23], [sflag:$0x1], $0x1, s26, s7, $0xb8;
	[tilespmem:$0x2400] =	vst v63  }
0xaf: {  	s19 =	sld [smem:$0x7F9]  }
0xb0: {  	[spmem:s1] =	stream.indirect.scatter.add.f32 [tilespmem:s25], [sflag:$0x1], $0x1, s29, s7, $0xb8;
	[tilespmem:$0x2400] =	vst v63  }
0xb1: {  	s20 =	sld [smem:$0x7FA]  }
0xb2: {  	[spmem:s1] =	stream.indirect.scatter.add.f32 [tilespmem:s0], [sflag:$0x1], $0x1, s16, s7, $0xb8;
	[tilespmem:$0x2400] =	vst v63  }
0xb3: {  	s21 =	sld [smem:$0x7FB]  }
0xb4: {  	[spmem:s1] =	stream.indirect.scatter.add.f32 [tilespmem:s31], [sflag:$0x1], $0x1, s19, s7, $0xb8;
	[tilespmem:$0x2400] =	vst v63  }
0xb5: {  	s22 =	sld [smem:$0x7FC]  }
0xb6: {  	[spmem:s1] =	stream.indirect.scatter.add.f32 [tilespmem:s28], [sflag:$0x1], $0x1, s20, s7, $0xb8;
	[tilespmem:$0x2400] =	vst v63  }
0xb7: {  	s23 =	sld [smem:$0x7FD]  }
0xb8: {  	[spmem:s1] =	stream.indirect.scatter.add.f32 [tilespmem:s22], [sflag:$0x1], $0x1, s21, s7, $0xb8;
	[tilespmem:$0x2400] =	vst v63  }
0xb9: {  	s24 =	simm.s32 $0x1B80  }
0xba: {  	[spmem:s1] =	stream.indirect.scatter.add.f32 [tilespmem:s24], [sflag:$0x1], $0x1, s23, s7, $0xb8;
	[tilespmem:$0x2400] =	vst v63  }
0xbb: {  	_ =	swait.ge [sflag:s6], $0x80  }
0xbc: {  	[sflag:s6] =	ssyncset.done $0x0  }
0xbd: {  	[sflag:s6] =	ssyncadd.s32 $0xFFFFFF80  }
0xbe: {  	_ =	swait.ge [sflag:s6], $0x80  }
0xbf: {  	[sflag:s6] =	ssyncset.done $0x0  }
0xc0: {  	[sflag:s6] =	ssyncadd.s32 $0xFFFFFF80  }
0xc1: {  	_ =	swait.ge [sflag:s6], $0x80  }
0xc2: {  	[sflag:s6] =	ssyncset.done $0x0  }
0xc3: {  	[sflag:s6] =	ssyncadd.s32 $0xFFFFFF80  }
0xc4: {  	_ =	swait.ge [sflag:s6], $0x80  }
0xc5: {  	[sflag:s6] =	ssyncset.done $0x0  }
0xc6: {  	[sflag:s6] =	ssyncadd.s32 $0xFFFFFF80  }
0xc7: {  	_ =	swait.ge [sflag:s6], $0x80  }
0xc8: {  	[sflag:s6] =	ssyncset.done $0x0  }
0xc9: {  	[sflag:s6] =	ssyncadd.s32 $0xFFFFFF80  }
0xca: {  	_ =	swait.ge [sflag:s6], $0x80  }
0xcb: {  	[sflag:s6] =	ssyncset.done $0x0  }
0xcc: {  	[sflag:s6] =	ssyncadd.s32 $0xFFFFFF80  }
0xcd: {  	_ =	swait.ge [sflag:s6], $0x80  }
0xce: {  	[sflag:s6] =	ssyncset.done $0x0  }
0xcf: {  	[sflag:s6] =	ssyncadd.s32 $0xFFFFFF80  }
0xd0: {  	p0 =	sne.s32 s9, $0x0;
	_ =	swait.ge [sflag:s6], $0x80  }
0xd1: {  	s30 =	ssub.s32 $0x2, s14;
	s26 =	simm.s32 $0x1C00;
	[sflag:s6] =	ssyncset.done $0x0  }
0xd2: {  	s25 =	simm.s32 $0xC00;
	s31 =	sshrl.u32 s30, $0x1;
	[sflag:s6] =	ssyncadd.s32 $0xFFFFFF80  }
0xd3: {  	[spmem:s1] =	stream.indirect.scatter.add.f32 [tilespmem:s26], [sflag:$0x1], $0x1, s25, s7, $0xb8;
	[tilespmem:$0x2400] =	vst v63  }
0xd4: {  	s29 =	simm.s32 $0x1C80;
	s28 =	simm.s32 $0xC80;
	s20 =	ssub.s32 s30, s31  }
0xd5: {  	[spmem:s1] =	stream.indirect.scatter.add.f32 [tilespmem:s29], [sflag:$0x1], $0x1, s28, s7, $0xb8;
	[tilespmem:$0x2400] =	vst v63  }
0xd6: {  	s15 =	simm.s32 $0x1D00;
	s14 =	simm.s32 $0xD00;
	s24 =	smax.u32 s20, $0x1  }
0xd7: {  	[spmem:s1] =	stream.indirect.scatter.add.f32 [tilespmem:s15], [sflag:$0x1], $0x1, s14, s7, $0xb8;
	[tilespmem:$0x2400] =	vst v63  }
0xd8: {  	s17 =	simm.s32 $0x1D80;
	s16 =	simm.s32 $0xD80;
	s24 =	sadd.s32 $0xFFFFFFFF, s24  }
0xd9: {  	[spmem:s1] =	stream.indirect.scatter.add.f32 [tilespmem:s17], [sflag:$0x1], $0x1, s16, s7, $0xb8;
	[tilespmem:$0x2400] =	vst v63  }
0xda: {  	s18 =	simm.s32 $0xE00;
	s19 =	simm.s32 $0x1E00;
	p1 =	sne.s32 s24, $0x0  }
0xdb: {  	[spmem:s1] =	stream.indirect.scatter.add.f32 [tilespmem:s19], [sflag:$0x1], $0x1, s18, s7, $0xb8;
	[tilespmem:$0x2400] =	vst v63  }
.Ltmp0:
0xdc: {  	s9 =	sshrl.u32 @!p0 s1, $0x3;
	(pc) =	sbr.rel @!p1 .LBB2_2-.Ltmp0, $4  }
0xdd: {  	s21 =	simm.s32 $0x1E80;
	s22 =	simm.s32 $0xF00;
	s20 =	simm.s32 $0xE80  }
0xde: {  	[spmem:s1] =	stream.indirect.scatter.add.f32 [tilespmem:s21], [sflag:$0x1], $0x1, s20, s7, $0xb8;
	[tilespmem:$0x2400] =	vst v63  }
0xdf: {  	s23 =	simm.s32 $0x1F00;
	s25 =	simm.s32 $0xF80;
	s26 =	simm.s32 $0x1F80  }
0xe0: {  	[spmem:s1] =	stream.indirect.scatter.add.f32 [tilespmem:s23], [sflag:$0x1], $0x1, s22, s7, $0xb8;
	[tilespmem:$0x2400] =	vst v63  }
.LBB2_1:
0xe1: {  	[spmem:s1] =	stream.indirect.scatter.add.f32 [tilespmem:s26], [sflag:$0x1], $0x1, s25, s7, $0xb8;
	[tilespmem:$0x2400] =	vst v63  }
0xe2: {  	_ =	swait.ge [sflag:s6], $0x80  }
0xe3: {  	[sflag:s6] =	ssyncset.done $0x0  }
0xe4: {  	[sflag:s6] =	ssyncadd.s32 $0xFFFFFF80  }
0xe5: {  	_ =	swait.ge [sflag:s6], $0x80  }
0xe6: {  	[sflag:s6] =	ssyncset.done $0x0  }
0xe7: {  	[sflag:s6] =	ssyncadd.s32 $0xFFFFFF80  }
0xe8: {  	_ =	swait.ge [sflag:s6], $0x80  }
0xe9: {  	[sflag:s6] =	ssyncset.done $0x0  }
0xea: {  	[sflag:s6] =	ssyncadd.s32 $0xFFFFFF80  }
0xeb: {  	_ =	swait.ge [sflag:s6], $0x80  }
0xec: {  	[sflag:s6] =	ssyncset.done $0x0  }
0xed: {  	[sflag:s6] =	ssyncadd.s32 $0xFFFFFF80  }
0xee: {  	_ =	swait.ge [sflag:s6], $0x80  }
0xef: {  	[sflag:s6] =	ssyncset.done $0x0  }
0xf0: {  	[sflag:s6] =	ssyncadd.s32 $0xFFFFFF80  }
0xf1: {  	_ =	swait.ge [sflag:s6], $0x80  }
0xf2: {  	[sflag:s6] =	ssyncset.done $0x0  }
0xf3: {  	[sflag:s6] =	ssyncadd.s32 $0xFFFFFF80  }
0xf4: {  	_ =	swait.ge [sflag:s6], $0x80  }
0xf5: {  	[sflag:s6] =	ssyncset.done $0x0  }
0xf6: {  	[sflag:s6] =	ssyncadd.s32 $0xFFFFFF80  }
0xf7: {  	_ =	swait.ge [sflag:s6], $0x80  }
0xf8: {  	[sflag:s6] =	ssyncset.done $0x0  }
0xf9: {  	s28 =	simm.s32 @!p0 $0x10;
	[sflag:s6] =	ssyncadd.s32 $0xFFFFFF80  }
0xfa: {  	s29 =	simm.s32 @!p0 $0x1C02;
	s31 =	simm.s32 @!p0 $0x1;
	[bflag:$0x0] =	sbarrier.arrive $0xFFFF  }
0xfb: {  	s0 =	simm.s32 @!p0 $0x20;
	s8 =	simm.s32 @!p0 $0x2;
	s30 =	rddreg [dreg:$0x9]  }
0xfc: {  	[hbm:s30@s0], [sflag:s29] =	dma.strided @!p0 [spmem:s9@s28], $0x400, s31, $0x10   }
0xfd: {  	_ =	swait.ge @!p0 [sflag:s8], $0x400  }
0xfe: {  	[sflag:s8] =	ssyncset.done @!p0 $0x0  }
0xff: {  	s31 =	rddreg [dreg:$0x5];
	[sflag:s8] =	ssyncadd.s32 @!p0 $0xFFFFFC00  }
0x100: {  	[tilespmem:s3], [sflag:$0x2] =	stream.linear.gather [hbm4b:s31+s2], $0x200, $0x38;
	[tilespmem:$0x2400] =	vst v63  }
0x101: {  	_ =	swait.ge [sflag:s4], $0x200  }
0x102: {  	[sflag:s4] =	ssyncset.done $0x0  }
0x103: {  	s8 =	rddreg [dreg:$0x6];
	[sflag:s4] =	ssyncadd.s32 $0xFFFFFE00  }
0x104: {  	[spmem:s8] =	stream.linear.scatter [tilespmem:s3], [sflag:$0x2], $0x200, $0x38;
	[tilespmem:$0x2400] =	vst v63  }
0x105: {  	_ =	swait.ge [sflag:s4], $0x200  }
0x106: {  	[sflag:s4] =	ssyncset.done $0x0  }
0x107: {  	s10 =	rddreg [dreg:$0x7];
	[sflag:s4] =	ssyncadd.s32 $0xFFFFFE00  }
0x108: {  	[tilespmem:s2], [sflag:$0x2] =	stream.linear.gather [hbm4b:s10+s2], $0x1000, $0x38;
	[tilespmem:$0x2400] =	vst v63  }
0x109: {  	_ =	swait.ge [sflag:s4], $0x1000  }
0x10a: {  	[sflag:s4] =	ssyncset.done $0x0  }
0x10b: {  	s11 =	rddreg [dreg:$0x8];
	[sflag:s4] =	ssyncadd.s32 $0xFFFFF000  }
0x10c: {  	[tilespmem:s5], [sflag:$0x2] =	stream.linear.gather [hbm4b:s11+s2], $0x1000, $0x38;
	[tilespmem:$0x2400] =	vst v63  }
0x10d: {  	_ =	swait.ge [sflag:s4], $0x1000  }
0x10e: {  	[sflag:s4] =	ssyncset.done $0x0  }
0x10f: {  	[sflag:s4] =	ssyncadd.s32 $0xFFFFF000  }
0x110: {  	[bflag:$0x0] =	sbarrier.arrive $0xFFFF  }
0x111: {  	s0 =	rddreg [dreg:$0x10]  }
0x112: {  	s8 =	rddreg [dreg:$0xf]  }
0x113: {  	s28 =	rddreg [dreg:$0xd]  }
0x114: {  	s29 =	rddreg [dreg:$0xe]  }
0x115: {  	s12 =	rddreg [dreg:$0xc]  }
0x116: {  	[spmem:s1] =	stream.indirect.scatter.add.f32 [tilespmem:s5], [sflag:$0x1], $0x1, s2, s7, $0xb8;
	[tilespmem:$0x2400] =	vst v63  }
0x117: {  	s13 =	rddreg [dreg:$0xa]  }
0x118: {  	s10 =	rddreg [dreg:$0xb]  }
0x119: {  	[spmem:s1] =	stream.indirect.scatter.add.f32 [tilespmem:s13], [sflag:$0x1], $0x1, s7, s7, $0xb8;
	[tilespmem:$0x2400] =	vst v63  }
0x11a: {  	s11 =	rddreg [dreg:$0x11]  }
0x11b: {  	[spmem:s1] =	stream.indirect.scatter.add.f32 [tilespmem:s12], [sflag:$0x1], $0x1, s10, s7, $0xb8;
	[tilespmem:$0x2400] =	vst v63  }
0x11c: {  	s31 =	rddreg [dreg:$0x14]  }
0x11d: {  	[spmem:s1] =	stream.indirect.scatter.add.f32 [tilespmem:s29], [sflag:$0x1], $0x1, s28, s7, $0xb8;
	[tilespmem:$0x2400] =	vst v63  }
0x11e: {  	s30 =	rddreg [dreg:$0x13]  }
0x11f: {  	[spmem:s1] =	stream.indirect.scatter.add.f32 [tilespmem:s0], [sflag:$0x1], $0x1, s8, s7, $0xb8;
	[tilespmem:$0x2400] =	vst v63  }
0x120: {  	s12 =	rddreg [dreg:$0x12]  }
0x121: {  	[spmem:s1] =	stream.indirect.scatter.add.f32 [tilespmem:s12], [sflag:$0x1], $0x1, s11, s7, $0xb8;
	[tilespmem:$0x2400] =	vst v63  }
0x122: {  	s13 =	rddreg [dreg:$0x16]  }
0x123: {  	[spmem:s1] =	stream.indirect.scatter.add.f32 [tilespmem:s31], [sflag:$0x1], $0x1, s30, s7, $0xb8;
	[tilespmem:$0x2400] =	vst v63  }
0x124: {  	s29 =	rddreg [dreg:$0x15]  }
0x125: {  	[spmem:s1] =	stream.indirect.scatter.add.f32 [tilespmem:s13], [sflag:$0x1], $0x1, s29, s7, $0xb8;
	[tilespmem:$0x2400] =	vst v63  }
0x126: {  	_ =	swait.ge [sflag:s6], $0x80  }
0x127: {  	[sflag:s6] =	ssyncset.done $0x0  }
0x128: {  	[sflag:s6] =	ssyncadd.s32 $0xFFFFFF80  }
0x129: {  	_ =	swait.ge [sflag:s6], $0x80  }
0x12a: {  	[sflag:s6] =	ssyncset.done $0x0  }
0x12b: {  	[sflag:s6] =	ssyncadd.s32 $0xFFFFFF80  }
0x12c: {  	_ =	swait.ge [sflag:s6], $0x80  }
0x12d: {  	[sflag:s6] =	ssyncset.done $0x0  }
0x12e: {  	[sflag:s6] =	ssyncadd.s32 $0xFFFFFF80  }
0x12f: {  	_ =	swait.ge [sflag:s6], $0x80  }
0x130: {  	[sflag:s6] =	ssyncset.done $0x0  }
0x131: {  	[sflag:s6] =	ssyncadd.s32 $0xFFFFFF80  }
0x132: {  	_ =	swait.ge [sflag:s6], $0x80  }
0x133: {  	[sflag:s6] =	ssyncset.done $0x0  }
0x134: {  	[sflag:s6] =	ssyncadd.s32 $0xFFFFFF80  }
0x135: {  	_ =	swait.ge [sflag:s6], $0x80  }
0x136: {  	[sflag:s6] =	ssyncset.done $0x0  }
0x137: {  	[sflag:s6] =	ssyncadd.s32 $0xFFFFFF80  }
0x138: {  	_ =	swait.ge [sflag:s6], $0x80  }
0x139: {  	[sflag:s6] =	ssyncset.done $0x0  }
0x13a: {  	[sflag:s6] =	ssyncadd.s32 $0xFFFFFF80  }
0x13b: {  	_ =	swait.ge [sflag:s6], $0x80  }
0x13c: {  	s0 =	rddreg [dreg:$0x1a]  }
0x13d: {  	s8 =	rddreg [dreg:$0x1b]  }
0x13e: {  	s10 =	rddreg [dreg:$0x19]  }
0x13f: {  	s11 =	rddreg [dreg:$0x1f]  }
0x140: {  	s28 =	sld [smem:$0x7E8]  }
0x141: {  	s29 =	rddreg [dreg:$0x17]  }
0x142: {  	s30 =	rddreg [dreg:$0x18]  }
0x143: {  	s31 =	rddreg [dreg:$0x1d]  }
0x144: {  	[sflag:s6] =	ssyncset.done $0x0;
	s12 =	rddreg [dreg:$0x1c]  }
0x145: {  	s13 =	sld [smem:$0x7E9];
	[sflag:s6] =	ssyncadd.s32 $0xFFFFFF80  }
0x146: {  	[spmem:s1] =	stream.indirect.scatter.add.f32 [tilespmem:s30], [sflag:$0x1], $0x1, s29, s7, $0xb8;
	[tilespmem:$0x2400] =	vst v63  }
0x147: {  	s29 =	rddreg [dreg:$0x1e]  }
0x148: {  	[spmem:s1] =	stream.indirect.scatter.add.f32 [tilespmem:s0], [sflag:$0x1], $0x1, s10, s7, $0xb8;
	[tilespmem:$0x2400] =	vst v63  }
0x149: {  	s30 =	sld [smem:$0x7EA]  }
0x14a: {  	[spmem:s1] =	stream.indirect.scatter.add.f32 [tilespmem:s12], [sflag:$0x1], $0x1, s8, s7, $0xb8;
	[tilespmem:$0x2400] =	vst v63  }
0x14b: {  	s10 =	sld [smem:$0x7EB]  }
0x14c: {  	[spmem:s1] =	stream.indirect.scatter.add.f32 [tilespmem:s29], [sflag:$0x1], $0x1, s31, s7, $0xb8;
	[tilespmem:$0x2400] =	vst v63  }
0x14d: {  	s12 =	sld [smem:$0x7EC]  }
0x14e: {  	[spmem:s1] =	stream.indirect.scatter.add.f32 [tilespmem:s13], [sflag:$0x1], $0x1, s11, s7, $0xb8;
	[tilespmem:$0x2400] =	vst v63  }
0x14f: {  	s29 =	sld [smem:$0x7ED]  }
0x150: {  	[spmem:s1] =	stream.indirect.scatter.add.f32 [tilespmem:s30], [sflag:$0x1], $0x1, s10, s7, $0xb8;
	[tilespmem:$0x2400] =	vst v63  }
0x151: {  	s30 =	sld [smem:$0x7EE]  }
0x152: {  	[spmem:s1] =	stream.indirect.scatter.add.f32 [tilespmem:s28], [sflag:$0x1], $0x1, s12, s7, $0xb8;
	[tilespmem:$0x2400] =	vst v63  }
0x153: {  	_ = 	snop  }
0x154: {  	[spmem:s1] =	stream.indirect.scatter.add.f32 [tilespmem:s29], [sflag:$0x1], $0x1, s30, s7, $0xb8;
	[tilespmem:$0x2400] =	vst v63  }
0x155: {  	_ =	swait.ge [sflag:s6], $0x80  }
0x156: {  	[sflag:s6] =	ssyncset.done $0x0  }
0x157: {  	[sflag:s6] =	ssyncadd.s32 $0xFFFFFF80  }
0x158: {  	_ =	swait.ge [sflag:s6], $0x80  }
0x159: {  	[sflag:s6] =	ssyncset.done $0x0  }
0x15a: {  	[sflag:s6] =	ssyncadd.s32 $0xFFFFFF80  }
0x15b: {  	_ =	swait.ge [sflag:s6], $0x80  }
0x15c: {  	[sflag:s6] =	ssyncset.done $0x0  }
0x15d: {  	[sflag:s6] =	ssyncadd.s32 $0xFFFFFF80  }
0x15e: {  	_ =	swait.ge [sflag:s6], $0x80  }
0x15f: {  	[sflag:s6] =	ssyncset.done $0x0  }
0x160: {  	[sflag:s6] =	ssyncadd.s32 $0xFFFFFF80  }
0x161: {  	_ =	swait.ge [sflag:s6], $0x80  }
0x162: {  	[sflag:s6] =	ssyncset.done $0x0  }
0x163: {  	[sflag:s6] =	ssyncadd.s32 $0xFFFFFF80  }
0x164: {  	_ =	swait.ge [sflag:s6], $0x80  }
0x165: {  	[sflag:s6] =	ssyncset.done $0x0  }
0x166: {  	[sflag:s6] =	ssyncadd.s32 $0xFFFFFF80  }
0x167: {  	_ =	swait.ge [sflag:s6], $0x80  }
0x168: {  	[sflag:s6] =	ssyncset.done $0x0  }
0x169: {  	[sflag:s6] =	ssyncadd.s32 $0xFFFFFF80  }
0x16a: {  	_ =	swait.ge [sflag:s6], $0x80  }
0x16b: {  	s0 =	sld [smem:$0x7EF]  }
0x16c: {  	s8 =	sld [smem:$0x7F0]  }
0x16d: {  	s10 =	sld [smem:$0x7F1]  }
0x16e: {  	s11 =	sld [smem:$0x7F2]  }
0x16f: {  	s12 =	sld [smem:$0x7F3]  }
0x170: {  	s13 =	sld [smem:$0x7F4]  }
0x171: {  	s31 =	sld [smem:$0x7F5]  }
0x172: {  	[sflag:s6] =	ssyncset.done $0x0;
	s29 =	sld [smem:$0x7F6]  }
0x173: {  	s30 =	sld [smem:$0x7F7];
	[sflag:s6] =	ssyncadd.s32 $0xFFFFFF80  }
0x174: {  	[spmem:s1] =	stream.indirect.scatter.add.f32 [tilespmem:s8], [sflag:$0x1], $0x1, s31, s7, $0xb8;
	[tilespmem:$0x2400] =	vst v63  }
0x175: {  	s28 =	sld [smem:$0x7FA]  }
0x176: {  	[spmem:s1] =	stream.indirect.scatter.add.f32 [tilespmem:s0], [sflag:$0x1], $0x1, s11, s7, $0xb8;
	[tilespmem:$0x2400] =	vst v63  }
0x177: {  	s31 =	sld [smem:$0x7F8]  }
0x178: {  	[spmem:s1] =	stream.indirect.scatter.add.f32 [tilespmem:s10], [sflag:$0x1], $0x1, s13, s7, $0xb8;
	[tilespmem:$0x2400] =	vst v63  }
0x179: {  	s11 =	sld [smem:$0x7F9]  }
0x17a: {  	[spmem:s1] =	stream.indirect.scatter.add.f32 [tilespmem:s30], [sflag:$0x1], $0x1, s31, s7, $0xb8;
	[tilespmem:$0x2400] =	vst v63  }
0x17b: {  	s31 =	sld [smem:$0x7FB]  }
0x17c: {  	[spmem:s1] =	stream.indirect.scatter.add.f32 [tilespmem:s29], [sflag:$0x1], $0x1, s11, s7, $0xb8;
	[tilespmem:$0x2400] =	vst v63  }
0x17d: {  	s11 =	sld [smem:$0x7FC]  }
0x17e: {  	[spmem:s1] =	stream.indirect.scatter.add.f32 [tilespmem:s12], [sflag:$0x1], $0x1, s28, s7, $0xb8;
	[tilespmem:$0x2400] =	vst v63  }
0x17f: {  	s12 =	sld [smem:$0x7FD]  }
0x180: {  	[spmem:s1] =	stream.indirect.scatter.add.f32 [tilespmem:s11], [sflag:$0x1], $0x1, s31, s7, $0xb8;
	[tilespmem:$0x2400] =	vst v63  }
0x181: {  	s13 =	simm.s32 $0x1B80  }
0x182: {  	[spmem:s1] =	stream.indirect.scatter.add.f32 [tilespmem:s13], [sflag:$0x1], $0x1, s12, s7, $0xb8;
	[tilespmem:$0x2400] =	vst v63  }
0x183: {  	_ =	swait.ge [sflag:s6], $0x80  }
0x184: {  	[sflag:s6] =	ssyncset.done $0x0  }
0x185: {  	[sflag:s6] =	ssyncadd.s32 $0xFFFFFF80  }
0x186: {  	_ =	swait.ge [sflag:s6], $0x80  }
0x187: {  	[sflag:s6] =	ssyncset.done $0x0  }
0x188: {  	[sflag:s6] =	ssyncadd.s32 $0xFFFFFF80  }
0x189: {  	_ =	swait.ge [sflag:s6], $0x80  }
0x18a: {  	[sflag:s6] =	ssyncset.done $0x0  }
0x18b: {  	[sflag:s6] =	ssyncadd.s32 $0xFFFFFF80  }
0x18c: {  	_ =	swait.ge [sflag:s6], $0x80  }
0x18d: {  	[sflag:s6] =	ssyncset.done $0x0  }
0x18e: {  	[sflag:s6] =	ssyncadd.s32 $0xFFFFFF80  }
0x18f: {  	_ =	swait.ge [sflag:s6], $0x80  }
0x190: {  	[sflag:s6] =	ssyncset.done $0x0  }
0x191: {  	[sflag:s6] =	ssyncadd.s32 $0xFFFFFF80  }
0x192: {  	_ =	swait.ge [sflag:s6], $0x80  }
0x193: {  	[sflag:s6] =	ssyncset.done $0x0  }
0x194: {  	[sflag:s6] =	ssyncadd.s32 $0xFFFFFF80  }
0x195: {  	_ =	swait.ge [sflag:s6], $0x80  }
0x196: {  	[sflag:s6] =	ssyncset.done $0x0  }
0x197: {  	[sflag:s6] =	ssyncadd.s32 $0xFFFFFF80  }
0x198: {  	_ =	swait.ge [sflag:s6], $0x80  }
0x199: {  	[sflag:s6] =	ssyncset.done $0x0  }
0x19a: {  	s29 =	simm.s32 $0x1C00;
	s28 =	simm.s32 $0xC00;
	[sflag:s6] =	ssyncadd.s32 $0xFFFFFF80  }
0x19b: {  	[spmem:s1] =	stream.indirect.scatter.add.f32 [tilespmem:s29], [sflag:$0x1], $0x1, s28, s7, $0xb8;
	[tilespmem:$0x2400] =	vst v63  }
0x19c: {  	s30 =	simm.s32 $0xC80;
	s31 =	simm.s32 $0x1C80  }
0x19d: {  	[spmem:s1] =	stream.indirect.scatter.add.f32 [tilespmem:s31], [sflag:$0x1], $0x1, s30, s7, $0xb8;
	[tilespmem:$0x2400] =	vst v63  }
0x19e: {  	_ = 	snop  }
0x19f: {  	[spmem:s1] =	stream.indirect.scatter.add.f32 [tilespmem:s15], [sflag:$0x1], $0x1, s14, s7, $0xb8;
	[tilespmem:$0x2400] =	vst v63  }
0x1a0: {  	s24 =	sadd.s32 $0xFFFFFFFF, s24  }
0x1a1: {  	[spmem:s1] =	stream.indirect.scatter.add.f32 [tilespmem:s17], [sflag:$0x1], $0x1, s16, s7, $0xb8;
	[tilespmem:$0x2400] =	vst v63  }
0x1a2: {  	p1 =	sne.s32 s24, $0x0  }
0x1a3: {  	[spmem:s1] =	stream.indirect.scatter.add.f32 [tilespmem:s19], [sflag:$0x1], $0x1, s18, s7, $0xb8;
	[tilespmem:$0x2400] =	vst v63  }
.Ltmp1:
0x1a4: {  	_ = 	snop;
	(pc) =	sbr.rel @p1 .LBB2_1-.Ltmp1, $4  }
0x1a5: {  	_ = 	snop  }
0x1a6: {  	[spmem:s1] =	stream.indirect.scatter.add.f32 [tilespmem:s21], [sflag:$0x1], $0x1, s20, s7, $0xb8;
	[tilespmem:$0x2400] =	vst v63  }
0x1a7: {  	_ = 	snop  }
0x1a8: {  	[spmem:s1] =	stream.indirect.scatter.add.f32 [tilespmem:s23], [sflag:$0x1], $0x1, s22, s7, $0xb8;
	[tilespmem:$0x2400] =	vst v63  }
.LBB2_2:
0x1a9: {  	[spmem:s1] =	stream.indirect.scatter.add.f32 [tilespmem:s26], [sflag:$0x1], $0x1, s25, s7, $0xb8;
	[tilespmem:$0x2400] =	vst v63  }
0x1aa: {  	_ =	swait.ge [sflag:s6], $0x80  }
0x1ab: {  	[sflag:s6] =	ssyncset.done $0x0  }
0x1ac: {  	[sflag:s6] =	ssyncadd.s32 $0xFFFFFF80  }
0x1ad: {  	_ =	swait.ge [sflag:s6], $0x80  }
0x1ae: {  	[sflag:s6] =	ssyncset.done $0x0  }
0x1af: {  	[sflag:s6] =	ssyncadd.s32 $0xFFFFFF80  }
0x1b0: {  	_ =	swait.ge [sflag:s6], $0x80  }
0x1b1: {  	[sflag:s6] =	ssyncset.done $0x0  }
0x1b2: {  	[sflag:s6] =	ssyncadd.s32 $0xFFFFFF80  }
0x1b3: {  	_ =	swait.ge [sflag:s6], $0x80  }
0x1b4: {  	[sflag:s6] =	ssyncset.done $0x0  }
0x1b5: {  	[sflag:s6] =	ssyncadd.s32 $0xFFFFFF80  }
0x1b6: {  	_ =	swait.ge [sflag:s6], $0x80  }
0x1b7: {  	[sflag:s6] =	ssyncset.done $0x0  }
0x1b8: {  	[sflag:s6] =	ssyncadd.s32 $0xFFFFFF80  }
0x1b9: {  	_ =	swait.ge [sflag:s6], $0x80  }
0x1ba: {  	[sflag:s6] =	ssyncset.done $0x0  }
0x1bb: {  	[sflag:s6] =	ssyncadd.s32 $0xFFFFFF80  }
0x1bc: {  	_ =	swait.ge [sflag:s6], $0x80  }
0x1bd: {  	[sflag:s6] =	ssyncset.done $0x0  }
0x1be: {  	[sflag:s6] =	ssyncadd.s32 $0xFFFFFF80  }
0x1bf: {  	_ =	swait.ge [sflag:s6], $0x80  }
0x1c0: {  	[sflag:s6] =	ssyncset.done $0x0  }
0x1c1: {  	s1 =	simm.s32 @!p0 $0x10;
	[sflag:s6] =	ssyncadd.s32 $0xFFFFFF80  }
0x1c2: {  	s2 =	simm.s32 @!p0 $0x1C02;
	s3 =	simm.s32 @!p0 $0x1;
	[bflag:$0x0] =	sbarrier.arrive $0xFFFF  }
0x1c3: {  	s4 =	simm.s32 @!p0 $0x20;
	s5 =	simm.s32 @!p0 $0x2;
	s0 =	rddreg [dreg:$0x9]  }
0x1c4: {  	[hbm:s0@s4], [sflag:s2] =	dma.strided @!p0 [spmem:s9@s1], $0x400, s3, $0x10   }
0x1c5: {  	_ =	swait.ge @!p0 [sflag:s5], $0x400  }
0x1c6: {  	[sflag:s5] =	ssyncset.done @!p0 $0x0  }
0x1c7: {  	[sflag:s5] =	ssyncadd.s32 @!p0 $0xFFFFFC00  }
0x1c8: {  	_ =	sfence.sel $0x180000  }
0x1c9: {  	[bflag:$0x0] =	sbarrier.arrive $0xFFFF  }
0x1ca: {  	_ =	strace $0x9000004A  }
0x1cb: {  	[bflag:$0x2] =	sbarrier.arrive $0xFFFF  }
0x1cc: {  	s0 =	rddreg [dreg:$0x4]  }
0x1cd: {  	s0 =	sadd.s32 @!p0 $0x100000, s0  }
0x1ce: {  	[sflag:s0] =	ssyncadd.tile.s32 @!p0 $0x1;
	_ =	shalt  }
.Lfunc_end2:
_tile_overlayer_lowered:
.L_overlay_start_2:
0x1cf: {  	(tag) =	ssettag $0x2  }
0x1d0: {  	s0 =	rddreg [dreg:$0x0];
	s2 =	stileid.u32  }
0x1d1: {  	s1 =	rddreg [dreg:$0x1];
	p0 =	sne.s32 s2, $0x0  }
0x1d2: {  	s3 =	rddreg [dreg:$0x2];
	[bflag:$0x3] =	sbarrier.arrive $0xFFFF;
	s2 =	simm.s32 @!p0 $0x1C02  }
0x1d3: {  	[timem:s3], [sflag:s2] =	dma.local @!p0 [hbm:s0], s1  }
0x1d4: {  	s0 =	simm.s32 @!p0 $0x2  }
0x1d5: {  	_ =	swait.ge @!p0 [sflag:s0], s1  }
0x1d6: {  	s1 =	ssub.s32 @!p0 $0x0, s1;
	[sflag:s0] =	ssyncset.done @!p0 $0x0  }
0x1d7: {  	[sflag:s0] =	ssyncadd.s32 @!p0 s1  }
0x1d8: {  	[bflag:$0x3] =	sbarrier.arrive $0xFFFF  }
0x1d9: {  	_ =	shalt  }

// kernel: kernel.8.cloned.1.call-start
scs
__scs_entry_jumppad:
0x0: {  	(pc) =	sbr.rel $0x88, $3  }
0x1: {  	(tag) =	ssettag $0x0;
	lr =	simm.s32 $0x1  }
0x2: {  	[smem:$0x3F9E] =	sst lr;
	_ =	strace $0xD0000000  }
0x3: {  	_ = 	snop  }
0x4: {  	_ = 	snop  }
0x5: {  	_ = 	snop  }
0x6: {  	_ = 	snop  }
0x7: {  	_ = 	snop  }
__scs_overlays_trampoline_lowered:
0x8: {  	[smem:$0x3FAD] =	sst s0  }
0x9: {  	[smem:$0x3FAE] =	sst s1  }
0xa: {  	[smem:$0x3FAF] =	sst s2  }
0xb: {  	[smem:$0x3FB0] =	sst s3  }
0xc: {  	[smem:$0x3FB1] =	sst s4  }
0xd: {  	[smem:$0x3FB2] =	sst s5  }
0xe: {  	[smem:$0x3FB3] =	sst s6  }
0xf: {  	[smem:$0x3FB4] =	sst s7  }
0x10: {  	[smem:$0x3FB5] =	sst s8  }
0x11: {  	[smem:$0x3FB6] =	sst s9;
	s0 =	simm.s32 @!p0 $0x0  }
0x12: {  	s1 =	sld [smem:$0x3F9C];
	s0 =	simm.s32 @p0 $0x1  }
0x13: {  	[smem:$0x3FB7] =	sst s0;
	s0 =	simm.s32 @!p1 $0x0  }
0x14: {  	s2 =	sld [smem:$0x3F9B];
	s0 =	simm.s32 @p1 $0x1  }
0x15: {  	[smem:$0x3FB8] =	sst s0;
	s0 =	simm.s32 @!p2 $0x0  }
0x16: {  	s3 =	sld [smem:$0x3FDB];
	s0 =	simm.s32 @p2 $0x1  }
0x17: {  	s4 =	simm.s32 $0x1BF5;
	[smem:$0x3FBA] =	sst s0  }
0x18: {  	s0 =	sld [smem:$0x3F9D];
	_ =	swait.ge [sflag:s4], $0x0  }
0x19: {  	s7 =	sld [smem:$0x3F9E]  }
0x1a: {  	s8 =	sadd.s32 $0xFFFFE003, lr  }
0x1b: {  	s9 =	sadd.s32 $0xFFFFFEF7, lr;
	s5 =	simm.s32 $0xFFFFFFFF;
	p2 =	slt.u32 s8, $0xFFFFF086  }
0x1c: {  	p1 =	slt.u32 s9, $0xF7A;
	s5 =	simm.s32 @!p2 $0x0  }
0x1d: {  	s5 =	simm.s32 @p1 $0x1;
	p0 =	seq.s32 s7, s2  }
0x1e: {  	s7 =	smul.u32 @!p0 $0xF7A, s2;
	p2 =	seq.s32 @!p0 s5, $0x0  }
0x1f: {  	s9 =	smul.u32 $0xF7A, s1;
	s8 =	simm.s32 @!p0 $0x1BF5;
	p2 =	por !p2, p0  }
0x20: {  	[sflag:s8] =	ssyncset.s32 @!p0 $0xFFFFF086;
	s6 =	sadd.s32 @!p0 s3, s7;
	s7 =	simm.s32 @!p0 $0x108  }
0x21: {  	s3 =	sadd.s32 s3, s9;
	s6 =	sadd.s32 @!p0 $0x88, s6;
	s7 =	simm.s32 @p2 $0x1082  }
0x22: {  	[simem:s7], [sflag:s8] =	dma.local @!p0 [hbm:s6], $0xF7A  }
0x23: {  	s9 =	sor.u32 $0xD0000000, s2;
	s6 =	simm.s32 $0x108;
	_ =	swait.ge @!p0 [sflag:s8], $0x0  }
0x24: {  	s3 =	sadd.s32 $0x88, s3;
	s6 =	simm.s32 @!p1 $0x1082;
	[sflag:s4] =	ssyncset.s32 $0xFFFFF086  }
0x25: {  	[simem:s6], [sflag:s4] =	dma.local [hbm:s3], $0xF7A  }
0x26: {  	[smem:$0x3F9E] =	sst s1;
	(tag) =	ssettag s2;
	_ =	strace s9  }
0x27: {  	s1 =	sld [smem:$0x3FAE]  }
0x28: {  	s2 =	sld [smem:$0x3FAF]  }
0x29: {  	s4 =	sld [smem:$0x3FB1]  }
0x2a: {  	p0 =	seq.s32 s5, $0x0;
	s5 =	sld [smem:$0x3FB2]  }
0x2b: {  	s6 =	sld [smem:$0x3FB3]  }
0x2c: {  	s7 =	sld [smem:$0x3FB4]  }
0x2d: {  	s3 =	simm.s32 $0x108;
	s8 =	sld [smem:$0x3FB5]  }
0x2e: {  	s3 =	simm.s32 @!p0 $0x1082;
	s9 =	sld [smem:$0x3FB6]  }
0x2f: {  	lr =	sadd.s32 s0, s3;
	s0 =	sld [smem:$0x3FAD]  }
0x30: {  	s3 =	sld [smem:$0x3FB0]  }
0x31: {  	[smem:$0x3FB9] =	sst s10  }
0x32: {  	s10 =	sld [smem:$0x3FB7];
	_ =	sdelay $0x3  }
0x33: {  	p0 =	seq.s32 s10, $0x1;
	s10 =	sld [smem:$0x3FB9];
	_ =	sdelay $0x3  }
0x34: {  	[smem:$0x3FB9] =	sst s10  }
0x35: {  	s10 =	sld [smem:$0x3FB8];
	_ =	sdelay $0x3  }
0x36: {  	p1 =	seq.s32 s10, $0x1;
	s10 =	sld [smem:$0x3FB9];
	_ =	sdelay $0x3  }
0x37: {  	[smem:$0x3FB9] =	sst s10  }
0x38: {  	s10 =	sld [smem:$0x3FBA]  }
0x39: {  	_ = 	snop;
	(pc) =	sbr.ind lr, $3  }
0x3a: {  	_ = 	snop  }
0x3b: {  	_ = 	snop  }
0x3c: {  	p2 =	seq.s32 s10, $0x1;
	s10 =	sld [smem:$0x3FB9]  }
0x3d: {  	_ =	shalt  }
0x3e: {  	_ =	shalt  }
0x3f: {  	_ =	shalt  }
0x40: {  	_ =	shalt  }
0x41: {  	_ =	shalt  }
0x42: {  	_ =	shalt  }
0x43: {  	_ =	shalt  }
0x44: {  	_ =	shalt  }
0x45: {  	_ =	shalt  }
0x46: {  	_ =	shalt  }
0x47: {  	_ =	shalt  }
0x48: {  	_ =	shalt  }
0x49: {  	_ =	shalt  }
0x4a: {  	_ =	shalt  }
0x4b: {  	_ =	shalt  }
0x4c: {  	_ =	shalt  }
0x4d: {  	_ =	shalt  }
0x4e: {  	_ =	shalt  }
0x4f: {  	_ =	shalt  }
0x50: {  	_ =	shalt  }
0x51: {  	_ =	shalt  }
0x52: {  	_ =	shalt  }
0x53: {  	_ =	shalt  }
0x54: {  	_ =	shalt  }
0x55: {  	_ =	shalt  }
0x56: {  	_ =	shalt  }
0x57: {  	_ =	shalt  }
0x58: {  	_ =	shalt  }
0x59: {  	_ =	shalt  }
0x5a: {  	_ =	shalt  }
0x5b: {  	_ =	shalt  }
0x5c: {  	_ =	shalt  }
0x5d: {  	_ =	shalt  }
0x5e: {  	_ =	shalt  }
0x5f: {  	_ =	shalt  }
0x60: {  	_ =	shalt  }
0x61: {  	_ =	shalt  }
0x62: {  	_ =	shalt  }
0x63: {  	_ =	shalt  }
0x64: {  	_ =	shalt  }
0x65: {  	_ =	shalt  }
0x66: {  	_ =	shalt  }
0x67: {  	_ =	shalt  }
0x68: {  	_ =	shalt  }
0x69: {  	_ =	shalt  }
0x6a: {  	_ =	shalt  }
0x6b: {  	_ =	shalt  }
0x6c: {  	_ =	shalt  }
0x6d: {  	_ =	shalt  }
0x6e: {  	_ =	shalt  }
0x6f: {  	_ =	shalt  }
0x70: {  	_ =	shalt  }
0x71: {  	_ =	shalt  }
0x72: {  	_ =	shalt  }
0x73: {  	_ =	shalt  }
0x74: {  	_ =	shalt  }
0x75: {  	_ =	shalt  }
0x76: {  	_ =	shalt  }
0x77: {  	_ =	shalt  }
0x78: {  	_ =	shalt  }
0x79: {  	_ =	shalt  }
0x7a: {  	_ =	shalt  }
0x7b: {  	_ =	shalt  }
0x7c: {  	_ =	shalt  }
0x7d: {  	_ =	shalt  }
0x7e: {  	_ =	shalt  }
0x7f: {  	_ =	shalt  }
0x80: {  	_ =	shalt  }
0x81: {  	_ =	shalt  }
0x82: {  	_ =	shalt  }
0x83: {  	_ =	shalt  }
0x84: {  	_ =	shalt  }
0x85: {  	_ =	shalt  }
0x86: {  	_ =	shalt  }
0x87: {  	_ =	shalt  }
.Lfunc_end0:
.L_simem_size_0:
called_computation_lowered:
.L_overlay_start_0:
0x88: {  	s2 =	sld [smem:$0x3FD9]  }
0x89: {  	s3 =	sld [smem:$0x3FFE];
	_ =	sdelay $0x1  }
0x8a: {  	s1 =	srdreg.scid  }
0x8b: {  	s0 =	sand.u32 $0x1, s1  }
0x8c: {  	s14 =	sshll.u32 s0, $0xA;
	s2 =	sadd.s32 s3, s2  }
0x8d: {  	s2 =	sadd.s32 s2, s14  }
0x8e: {  	[smem:$0x3FC5] =	sst s2  }
0x8f: {  	_ = 	snop  }
0x90: {  	s2 =	sld [smem:$0x3FD0]  }
0x91: {  	s15 =	sld [smem:$0x3FC9]  }
0x92: {  	s4 =	sld [smem:$0x3FC8]  }
0x93: {  	s6 =	simm.s32 $0xA;
	s7 =	simm.s32 $0x10;
	s5 =	sld [smem:$0x3FC7]  }
0x94: {  	[smem:s7], [sflag:s6] =	dma.local [hbm:s2], $0x1  }
0x95: {  	_ =	swait.eq [sflag:s6], $0x1  }
0x96: {  	[sflag:s6] =	ssyncset.done $0x0  }
0x97: {  	s16 =	sld [smem:$0x13];
	[sflag:s6] =	ssyncadd.s32 $0xFFFFFFFF  }
0x98: {  	s17 =	sld [smem:$0x14];
	(tm) =	ssettm $0x1  }
0x99: {  	s18 =	sld [smem:$0x3FFB];
	_ =	sdelay $0x3  }
0x9a: {  	_ =	strace s18  }
0x9b: {  	s7 =	sld [smem:$0x3FFC];
	_ =	sdelay $0x3  }
0x9c: {  	_ =	strace s7  }
0x9d: {  	s7 =	sld [smem:$0x3FFD];
	_ =	sdelay $0x3  }
0x9e: {  	_ =	strace s7  }
0x9f: {  	_ =	strace $0x8FFFFFFF  }
0xa0: {  	s19 =	sld [smem:$0x3FDB];
	_ =	sdelay $0x1  }
0xa1: {  	s8 =	simm.s32 $_scs_section_size  }
0xa2: {  	s9 =	simm.s32 $_size__tile_overlayer_lowered;
	s10 =	simm.s32 $_tile_overlayer_lowered  }
0xa3: {  	s22 =	simm.s32 $0x1BFF;
	s21 =	sshll.u32 s10, $0x1;
	s7 =	sadd.s32 s8, s19  }
0xa4: {  	s11 =	simm.s32 $0x0;
	s20 =	sshll.u32 s9, $0x1;
	s9 =	sadd.s32 s21, s7  }
0xa5: {  	[timem:s11], [sflag:s22] =	dma.local [hbm:s9], s20  }
0xa6: {  	_ =	swait.ge [sflag:s22], s20  }
0xa7: {  	s8 =	ssub.s32 $0x0, s20;
	[sflag:s22] =	ssyncset.done $0x0  }
0xa8: {  	[sflag:s22] =	ssyncadd.s32 s8;
	_ =	sdelay $0x1  }
0xa9: {  	s23 =	simm.s32 $0x1B8B  }
0xaa: {  	_ =	swait.ge [sflag:s23], $0x1  }
0xab: {  	[sflag:s23] =	ssyncset.done $0x0  }
0xac: {  	s25 =	simm.s32 $0x1B8E;
	s24 =	sld [smem:$0x3FFE];
	[sflag:s23] =	ssyncadd.s32 $0xFFFFFFFF  }
0xad: {  	s26 =	simm.s32 $execute0_lowered;
	[smem:$0x3FD2] =	sst s25  }
0xae: {  	s9 =	sshll.u32 s26, $0x1;
	_ =	strace $0x80000046;
	[dreg:$0x1] =	wrdreg $0xFFFFFFFF  }
0xaf: {  	s28 =	simm.s32 $_size_execute0_lowered;
	s7 =	sadd.s32 s7, s9;
	[dreg:$0x0] =	wrdreg $0x0  }
0xb0: {  	s9 =	sshll.u32 s28, $0x1;
	[dreg:$0x2] =	wrdreg s7  }
0xb1: {  	[dreg:$0x3] =	wrdreg s9  }
0xb2: {  	[dreg:$0x4] =	wrdreg $0xC0  }
0xb3: {  	_ =	task [dreg:s11], $0x5FFFF  }
0xb4: {  	[dreg:$0x1] =	wrdreg $0xFFFFFFFF  }
0xb5: {  	[dreg:$0x0] =	wrdreg $0x60  }
0xb6: {  	[dreg:$0x2] =	wrdreg s15  }
0xb7: {  	[dreg:$0x3] =	wrdreg s4  }
0xb8: {  	[dreg:$0x4] =	wrdreg s5  }
0xb9: {  	[dreg:$0x5] =	wrdreg s24  }
0xba: {  	[dreg:$0x6] =	wrdreg s17  }
0xbb: {  	[dreg:$0x7] =	wrdreg s16  }
0xbc: {  	[dreg:$0x8] =	wrdreg $0x102000  }
0xbd: {  	[dreg:$0x9] =	wrdreg $0x102800  }
0xbe: {  	[dreg:$0xa] =	wrdreg $0x103000  }
0xbf: {  	[dreg:$0xb] =	wrdreg $0x9  }
0xc0: {  	_ =	task.clear_ibuf [dreg:s11], $0xCFFFF;
	_ =	strace $0x90000046  }
0xc1: {  	s29 =	simm.s32 $0x9;
	_ =	strace $0x80000048  }
0xc2: {  	_ =	swait.ge [sflag:s29], $0x1  }
0xc3: {  	[sflag:s29] =	ssyncadd.s32 $0xFFFFFFFF  }
0xc4: {  	_ =	strace $0x90000048  }
0xc5: {  	_ =	sfence  }
0xc6: {  	s30 =	sld [smem:$0x0];
	_ =	sdelay $0x2  }
0xc7: {  	s31 =	sshll.u32 s1, $0xD;
	s1 =	sshrl.u32 s1, $0x2  }
0xc8: {  	s3 =	sand.u32 $0x4000, s31;
	s1 =	sadd.s32 s1, s30  }
0xc9: {  	s0 =	sor.u32 s3, s0;
	s1 =	sshll.u32 s1, $0x11  }
0xca: {  	s0 =	sor.u32 s1, s0  }
0xcb: {  	s0 =	sadd.s32 $0x8F2B, s0  }
0xcc: {  	[sflag:s0] =	ssyncadd.remote.s32 $0x1  }
0xcd: {  	_ =	sfence.sel $0xFFFF  }
0xce: {  	[dreg:$0x0] =	wrdreg $0xFFFFFFFF;
	(pc) =	sbr.abs _section_cstart, $3  }
0xcf: {  	[dreg:$0x1] =	wrdreg $0xFFFFFFFF  }
0xd0: {  	_ =	task.clear_ibuf [dreg:s11], $0x2FFFF;
	_ =	strace $0x9FFFFFFF  }
0xd1: {  	(tm) =	ssettm $0x7FFFFFFF  }
tec
execute0_lowered:
.L_overlay_start_1:
0x0: {  	(tag) =	ssettag $0x1  }
0x1: {  	s0 =	rddreg [dreg:$0x0]  }
0x2: {  	s1 =	rddreg [dreg:$0x1]  }
0x3: {  	s2 =	rddreg [dreg:$0x2]  }
0x4: {  	s7 =	rddreg [dreg:$0x3]  }
0x5: {  	s3 =	rddreg [dreg:$0x6]  }
0x6: {  	s4 =	rddreg [dreg:$0x7]  }
0x7: {  	s5 =	rddreg [dreg:$0x8];
	s6 =	simm.s32 $0x0;
	s8 =	srdreg.scid  }
0x8: {  	s16 =	stileid.u32;
	s20 =	simm.s32 $0x4000;
	s28 =	simm.s32 $0x80  }
0x9: {  	s29 =	simm.s32 $0x1;
	s30 =	simm.s32 $0xE180;
	s18 =	simm.s32 $0x1F00  }
0xa: {  	s19 =	simm.s32 $0x7000;
	[smem:$0x7FF] =	sst s6;
	s9 =	sadd.s32 $0x1E00, s7  }
0xb: {  	s8 =	sand.u32 $0x1, s8;
	s12 =	sshll.u32 s16, $0xA;
	s10 =	sadd.s32 $0x216000, s7  }
0xc: {  	s15 =	sshll.u32 s16, $0x7;
	_ =	strace $0x80000047;
	[dreg:$0xa] =	wrdreg s9  }
0xd: {  	s9 =	sadd.s32 $0x6000, s7;
	s11 =	sshll.u32 s8, $0x9;
	s21 =	ssub.s32 $0x2, s8  }
0xe: {  	s17 =	sadd.s32 s15, s4;
	s22 =	sadd.s32 s1, s12;
	s24 =	sadd.s32 s15, s5  }
0xf: {  	s25 =	sor.u32 s16, s8;
	s16 =	simm.s32 $0x1D80;
	[dreg:$0xb] =	wrdreg s17  }
0x10: {  	s13 =	sor.u32 s11, s12;
	s14 =	sshrl.u32 s21, $0x1;
	[dreg:$0xc] =	wrdreg s22  }
0x11: {  	s11 =	sadd.s32 s15, s3;
	s12 =	sadd.s32 s2, s12;
	[dreg:$0x11] =	wrdreg s24  }
0x12: {  	s22 =	simm.s32 $0x2;
	p0 =	sne.s32 s25, $0x0;
	s15 =	simm.s32 $0x1D00  }
0x13: {  	s17 =	simm.s32 $0x1E80;
	s24 =	simm.s32 $0x0;
	s7 =	sadd.s32 s13, s7  }
0x14: {  	s14 =	ssub.s32 s21, s14;
	[dreg:$0xd] =	wrdreg s12;
	s1 =	sadd.s32 s1, s13  }
0x15: {  	s0 =	sadd.s32 s0, s13;
	s23 =	sadd.s32 s2, s13;
	[dreg:$0xe] =	wrdreg s1  }
0x16: {  	s21 =	simm.s32 $0xE200;
	s2 =	simm.s32 $0x1A00;
	[dreg:$0xf] =	wrdreg s0  }
0x17: {  	s12 =	simm.s32 $0x1A80;
	s13 =	simm.s32 $0x1B80;
	[dreg:$0x10] =	wrdreg s23  }
0x18: {  	s26 =	sadd.s32 $0x41A000, s7;
	s31 =	smax.u32 s14, $0x1;
	s14 =	simm.s32 $0x1C00  }
0x19: {  	s23 =	simm.s32 $0x1C80;
	s0 =	simm.s32 $0x1E00;
	[dreg:$0x12] =	wrdreg s26  }
0x1a: {  	v0 =	vimm.f32 $1.000000000e+00;
	s7 =	simm.s32 $0x1F80;
	[dreg:$0x13] =	wrdreg s31;
	s26 =	simm.s32 $0x1B00  }
.LBB2_1:
0x1b: {  	s1 =	rddreg [dreg:$0x4]  }
0x1c: {  	[tilespmem:s21], [sflag:$0x2] =	stream.linear.gather [hbm4b:s1+s6], $0x2000, $0x38;
	[tilespmem:$0x10380] =	vst v63  }
0x1d: {  	_ =	swait.ge [sflag:s22], $0x2000  }
0x1e: {  	[sflag:s22] =	ssyncset.done $0x0  }
0x1f: {  	[sflag:s22] =	ssyncadd.s32 $0xFFFFE000  }
0x20: {  	[tilespmem:$0xE180] =	vst v0  }
0x21: {  	[tilespmem:$0xE190] =	vst v0  }
0x22: {  	[tilespmem:$0xE1A0] =	vst v0  }
0x23: {  	[tilespmem:$0xE1B0] =	vst v0  }
0x24: {  	[tilespmem:$0xE1C0] =	vst v0  }
0x25: {  	[tilespmem:$0xE1D0] =	vst v0  }
0x26: {  	[tilespmem:$0xE1E0] =	vst v0  }
0x27: {  	[tilespmem:$0xE1F0] =	vst v0  }
0x28: {  	[spmem:s11] =	stream.linear.scatter [tilespmem:s21], [sflag:$0x2], $0x80, $0x38;
	[tilespmem:$0x10380] =	vst v63  }
0x29: {  	_ =	swait.ge [sflag:s22], $0x80  }
0x2a: {  	[sflag:s22] =	ssyncset.done $0x0  }
0x2b: {  	s31 =	rddreg [dreg:$0xb];
	[sflag:s22] =	ssyncadd.s32 $0xFFFFFF80  }
0x2c: {  	[spmem:s31] =	stream.linear.scatter [tilespmem:s21], [sflag:$0x2], $0x80, $0x38;
	[tilespmem:$0x10380] =	vst v63  }
0x2d: {  	_ =	swait.ge [sflag:s22], $0x80  }
0x2e: {  	[sflag:s22] =	ssyncset.done $0x0  }
0x2f: {  	s8 =	rddreg [dreg:$0xc];
	[sflag:s22] =	ssyncadd.s32 $0xFFFFFF80  }
0x30: {  	[tilespmem:s6], [sflag:$0x2] =	stream.linear.gather [hbm4b:s8+s6], $0x2000, $0x38;
	[tilespmem:$0x10380] =	vst v63  }
0x31: {  	_ =	swait.ge [sflag:s22], $0x2000  }
0x32: {  	[sflag:s22] =	ssyncset.done $0x0  }
0x33: {  	s8 =	simm.s32 $0x2000;
	s25 =	rddreg [dreg:$0xd];
	[sflag:s22] =	ssyncadd.s32 $0xFFFFE000  }
0x34: {  	[tilespmem:s8], [sflag:$0x2] =	stream.linear.gather [hbm4b:s25+s6], $0x2000, $0x38;
	[tilespmem:$0x10380] =	vst v63  }
0x35: {  	_ =	swait.ge [sflag:s22], $0x2000  }
0x36: {  	[sflag:s22] =	ssyncset.done $0x0  }
0x37: {  	s31 =	rddreg [dreg:$0xe];
	[sflag:s22] =	ssyncadd.s32 $0xFFFFE000  }
0x38: {  	[tilespmem:s20], [sflag:$0x2] =	stream.linear.gather [hbm4b:s31+s6], $0x1000, $0x38;
	[tilespmem:$0x10380] =	vst v63  }
0x39: {  	_ =	swait.ge [sflag:s22], $0x1000  }
0x3a: {  	[sflag:s22] =	ssyncset.done $0x0  }
0x3b: {  	s20 =	simm.s32 $0x5000;
	s8 =	rddreg [dreg:$0xf];
	[sflag:s22] =	ssyncadd.s32 $0xFFFFF000  }
0x3c: {  	[tilespmem:s20], [sflag:$0x2] =	stream.linear.gather [hbm4b:s8+s6], $0x1000, $0x38;
	[tilespmem:$0x10380] =	vst v63  }
0x3d: {  	_ =	swait.ge [sflag:s22], $0x1000  }
0x3e: {  	[sflag:s22] =	ssyncset.done $0x0  }
0x3f: {  	s31 =	simm.s32 $0x6000;
	s25 =	rddreg [dreg:$0x10];
	[sflag:s22] =	ssyncadd.s32 $0xFFFFF000  }
0x40: {  	[tilespmem:s31], [sflag:$0x2] =	stream.linear.gather [hbm4b:s25+s6], $0x1000, $0x38;
	[tilespmem:$0x10380] =	vst v63  }
0x41: {  	_ =	swait.ge [sflag:s22], $0x1000  }
0x42: {  	[sflag:s22] =	ssyncset.done $0x0  }
0x43: {  	s20 =	simm.s32 $0x0;
	[sflag:s22] =	ssyncadd.s32 $0xFFFFF000  }
0x44: {  	v1 =	vld [tilespmem:s20+$0x5070]  }
0x45: {  	v2 =	vld [tilespmem:s20+$0x4070]  }
0x46: {  	v3 =	vld [tilespmem:s20+$0x5000]  }
0x47: {  	v4 =	vld [tilespmem:s20+$0x4000]  }
0x48: {  	v5 =	vld [tilespmem:s20+$0x5010]  }
0x49: {  	v6 =	vld [tilespmem:s20+$0x4010]  }
0x4a: {  	v8 =	vld [tilespmem:s20+$0x5020]  }
0x4b: {  	v12 =	vld [tilespmem:s20+$0x4020]  }
0x4c: {  	v14 =	vld [tilespmem:s20+$0x5030]  }
0x4d: {  	v21 =	vld [tilespmem:s20+$0x4040];
	v7 =	vmul.u32 $0x108, v1  }
0x4e: {  	v26 =	vld [tilespmem:s20+$0x5050];
	v9 =	vand.u32 $0x7, v2;
	v10 =	vand.u32 $0x7, v1;
	v11 =	vmul.u32 $0x408, v2  }
0x4f: {  	v29 =	vld [tilespmem:s20+$0x4050];
	v13 =	vmul.u32 $0x108, v3;
	v1 =	vshra.s32 v1, $0x3;
	v15 =	vand.u32 $0x7, v4  }
0x50: {  	v32 =	vld [tilespmem:s20+$0x5060];
	v16 =	vand.u32 $0x7, v3;
	v17 =	vmul.u32 $0x408, v4;
	v18 =	vmul.u32 $0x108, v5  }
0x51: {  	v35 =	vld [tilespmem:s20+$0x4060];
	v19 =	vand.u32 $0x7, v6;
	v20 =	vand.u32 $0x7, v5;
	v22 =	vmul.u32 $0x408, v6  }
0x52: {  	v23 =	vmul.u32 $0x108, v8;
	v24 =	vand.u32 $0x7, v8;
	v25 =	vmul.u32 $0x408, v12  }
0x53: {  	v27 =	vmul.u32 $0x108, v14;
	v28 =	vand.u32 $0x7, v14;
	v36 =	vand.u32 $0x7, v21  }
0x54: {  	v37 =	vmul.u32 $0x408, v21;
	v38 =	vmul.u32 $0x108, v26;
	v39 =	vand.u32 $0x7, v26  }
0x55: {  	v40 =	vand.u32 $0x7, v29;
	v41 =	vmul.u32 $0x408, v29;
	v42 =	vmul.u32 $0x108, v32  }
0x56: {  	v43 =	vand.u32 $0x7, v32;
	v44 =	vand.u32 $0x7, v35;
	v45 =	vmul.u32 $0x408, v35  }
0x57: {  	v4 =	vshra.s32 v4, $0x3;
	v3 =	vshra.s32 v3, $0x3;
	v6 =	vshra.s32 v6, $0x3  }
0x58: {  	v5 =	vshra.s32 v5, $0x3;
	v8 =	vshra.s32 v8, $0x3;
	v57 =	vshra.s32 v29, $0x3  }
0x59: {  	v26 =	vshra.s32 v26, $0x3;
	v58 =	vshra.s32 v35, $0x3;
	v32 =	vshra.s32 v32, $0x3  }
0x5a: {  	v2 =	vshra.s32 v2, $0x3;
	v10 =	vmul.u32 $0x204000, v10;
	v16 =	vmul.u32 $0x204000, v16  }
0x5b: {  	v19 =	vmul.u32 $0x210000, v19;
	v20 =	vmul.u32 $0x204000, v20;
	v24 =	vmul.u32 $0x204000, v24  }
0x5c: {  	v28 =	vmul.u32 $0x204000, v28;
	v36 =	vmul.u32 $0x210000, v36;
	v40 =	vmul.u32 $0x210000, v40  }
0x5d: {  	v39 =	vmul.u32 $0x204000, v39;
	v44 =	vmul.u32 $0x210000, v44;
	v43 =	vmul.u32 $0x204000, v43  }
0x5e: {  	v46 =	vmul.u32 $0x210000, v9;
	v9 =	vshra.s32 v12, $0x3;
	v1 =	vadd.s32 v11, v1  }
0x5f: {  	v4 =	vadd.s32 v13, v4;
	v3 =	vadd.s32 v17, v3;
	v6 =	vadd.s32 v18, v6  }
0x60: {  	v5 =	vadd.s32 v22, v5;
	v9 =	vadd.s32 v23, v9;
	v8 =	vadd.s32 v25, v8  }
0x61: {  	v11 =	vld [tilespmem:s20+$0x4030];
	v60 =	vadd.s32 v41, v26;
	v61 =	vadd.s32 v42, v58;
	v62 =	vadd.s32 v45, v32  }
0x62: {  	v63 =	vadd.s32 v7, v2;
	v1 =	vadd.s32 v10, v1;
	v16 =	vadd.s32 v16, v3  }
0x63: {  	v10 =	vld [tilespmem:s20+$0x5040];
	v19 =	vadd.s32 v19, v6;
	v6 =	vadd.s32 v44, v61;
	v1 =	vadd.s32 $0x1, v1  }
0x64: {  	v2 =	vadd.s32 v43, v62;
	v16 =	vadd.s32 $0x1, v16;
	[tilespmem:s20+$0x9070] =	vst v1;
	v1 =	vmul.u32 $0x210000, v15  }
0x65: {  	v15 =	vand.u32 $0x7, v12;
	v12 =	vshra.s32 v14, $0x3;
	v14 =	vshra.s32 v21, $0x3  }
0x66: {  	v21 =	vadd.s32 v38, v57;
	v15 =	vmul.u32 $0x210000, v15;
	v30 =	vand.u32 $0x7, v11  }
0x67: {  	v31 =	vmul.u32 $0x408, v11;
	v11 =	vshra.s32 v11, $0x3;
	v1 =	vadd.s32 v1, v4  }
0x68: {  	v4 =	vadd.s32 v46, v63;
	v33 =	vmul.u32 $0x108, v10;
	v34 =	vand.u32 $0x7, v10  }
0x69: {  	v30 =	vmul.u32 $0x210000, v30;
	v10 =	vshra.s32 v10, $0x3;
	v11 =	vadd.s32 v27, v11  }
0x6a: {  	v13 =	vadd.s32 v15, v9;
	v15 =	vadd.s32 $0x1, v19;
	v34 =	vmul.u32 $0x204000, v34  }
0x6b: {  	v17 =	vadd.s32 v31, v12;
	v59 =	vadd.s32 v37, v10;
	v12 =	vadd.s32 v24, v8  }
0x6c: {  	v8 =	vadd.s32 v40, v21;
	v18 =	vadd.s32 v33, v14;
	v14 =	vadd.s32 v20, v5  }
0x6d: {  	s8 =	simm.s32 $0x80;
	v11 =	vadd.s32 v30, v11;
	v10 =	vadd.s32 v28, v17;
	v5 =	vadd.s32 v39, v60  }
0x6e: {  	s1 =	simm.s32 $0x400;
	v3 =	vld [tilespmem:s8+$0x5070];
	v17 =	vadd.s32 $0x1, v1;
	v9 =	vadd.s32 v36, v18;
	v7 =	vadd.s32 v34, v59  }
.LBB2_2:
0x6f: {  	p1 =	sne.s32 s1, $0x3E00;
	v1 =	vld [tilespmem:s8+$0x4070];
	[tilespmem:s20+$0x8000] =	vst v17;
	v14 =	vadd.s32 $0x1, v14;
	v13 =	vadd.s32 $0x1, v13;
	v12 =	vadd.s32 $0x1, v12  }
0x70: {  	v11 =	vadd.s32 $0x1, v11;
	v10 =	vadd.s32 $0x1, v10;
	v9 =	vadd.s32 $0x1, v9;
	v17 =	vld [tilespmem:s8+$0x5000];
	[tilespmem:s20+$0x9000] =	vst v16  }
0x71: {  	v7 =	vadd.s32 $0x1, v7;
	v8 =	vadd.s32 $0x1, v8;
	v5 =	vadd.s32 $0x1, v5;
	v16 =	vld [tilespmem:s8+$0x4000];
	[tilespmem:s20+$0x8010] =	vst v15  }
0x72: {  	v6 =	vadd.s32 $0x1, v6;
	v4 =	vadd.s32 $0x1, v4;
	v15 =	vld [tilespmem:s8+$0x5010];
	[tilespmem:s20+$0x9010] =	vst v14;
	v14 =	vadd.s32 $0x1, v2  }
0x73: {  	v18 =	vld [tilespmem:s8+$0x4010];
	v2 =	vmul.u32 $0x108, v3;
	[tilespmem:s20+$0x8020] =	vst v13  }
0x74: {  	v20 =	vand.u32 $0x7, v3;
	v13 =	vld [tilespmem:s8+$0x5020];
	v19 =	vand.u32 $0x7, v1;
	v21 =	vmul.u32 $0x408, v1;
	[tilespmem:s20+$0x9020] =	vst v12  }
0x75: {  	v3 =	vshra.s32 v3, $0x3;
	v20 =	vmul.u32 $0x204000, v20;
	v12 =	vmul.u32 $0x108, v17;
	v22 =	vld [tilespmem:s8+$0x4020];
	[tilespmem:s20+$0x8030] =	vst v11  }
0x76: {  	v23 =	vand.u32 $0x7, v17;
	v11 =	vand.u32 $0x7, v16;
	v24 =	vld [tilespmem:s8+$0x5030];
	v3 =	vadd.s32 v21, v3;
	[tilespmem:s20+$0x9030] =	vst v10  }
0x77: {  	v10 =	vmul.u32 $0x408, v16;
	v21 =	vmul.u32 $0x108, v15;
	v25 =	vld [tilespmem:s8+$0x4030];
	v3 =	vadd.s32 v20, v3;
	[tilespmem:s20+$0x8040] =	vst v9  }
0x78: {  	v20 =	vand.u32 $0x7, v15;
	v9 =	vand.u32 $0x7, v18;
	v26 =	vld [tilespmem:s8+$0x5040];
	v3 =	vadd.s32 $0x1, v3;
	[tilespmem:s20+$0x9040] =	vst v7  }
0x79: {  	v7 =	vmul.u32 $0x408, v18;
	v27 =	vmul.u32 $0x108, v13;
	v28 =	vand.u32 $0x7, v13;
	v29 =	vld [tilespmem:s8+$0x4040];
	[tilespmem:s8+$0x9070] =	vst v3  }
0x7a: {  	v3 =	vmul.u32 $0x210000, v11;
	v11 =	vand.u32 $0x7, v22;
	v30 =	vmul.u32 $0x408, v22;
	v31 =	vld [tilespmem:s8+$0x5050];
	[tilespmem:s20+$0x8050] =	vst v8  }
0x7b: {  	v8 =	vmul.u32 $0x204000, v23;
	v23 =	vmul.u32 $0x108, v24;
	v32 =	vand.u32 $0x7, v24;
	v33 =	vld [tilespmem:s8+$0x4050];
	[tilespmem:s20+$0x9050] =	vst v5  }
0x7c: {  	v5 =	vmul.u32 $0x210000, v9;
	v9 =	vand.u32 $0x7, v25;
	v34 =	vmul.u32 $0x408, v25;
	v35 =	vld [tilespmem:s8+$0x5060];
	[tilespmem:s20+$0x8060] =	vst v6  }
0x7d: {  	v6 =	vmul.u32 $0x204000, v20;
	v20 =	vmul.u32 $0x108, v26;
	v36 =	vand.u32 $0x7, v26;
	v37 =	vld [tilespmem:s8+$0x4060];
	[tilespmem:s20+$0x9060] =	vst v14  }
0x7e: {  	v11 =	vmul.u32 $0x210000, v11;
	v14 =	vand.u32 $0x7, v29;
	v38 =	vmul.u32 $0x408, v29;
	[tilespmem:s20+$0x8070] =	vst v4;
	s20 =	smov.u32 s8  }
0x7f: {  	v4 =	vmul.u32 $0x204000, v28;
	v28 =	vmul.u32 $0x108, v31;
	v39 =	vand.u32 $0x7, v31  }
0x80: {  	v9 =	vmul.u32 $0x210000, v9;
	v40 =	vand.u32 $0x7, v33;
	v41 =	vmul.u32 $0x408, v33  }
0x81: {  	v32 =	vmul.u32 $0x204000, v32;
	v42 =	vmul.u32 $0x108, v35;
	v43 =	vand.u32 $0x7, v35  }
0x82: {  	v44 =	vmul.u32 $0x210000, v14;
	v14 =	vand.u32 $0x7, v37;
	v45 =	vmul.u32 $0x408, v37  }
0x83: {  	v36 =	vmul.u32 $0x204000, v36;
	v39 =	vmul.u32 $0x204000, v39;
	v40 =	vmul.u32 $0x210000, v40  }
0x84: {  	v19 =	vmul.u32 $0x210000, v19;
	v43 =	vmul.u32 $0x204000, v43;
	v46 =	vmul.u32 $0x210000, v14  }
0x85: {  	v14 =	vshra.s32 v16, $0x3;
	v16 =	vshra.s32 v17, $0x3;
	v17 =	vshra.s32 v18, $0x3  }
0x86: {  	v15 =	vshra.s32 v15, $0x3;
	v13 =	vshra.s32 v13, $0x3;
	v18 =	vshra.s32 v22, $0x3  }
0x87: {  	v24 =	vshra.s32 v24, $0x3;
	v22 =	vshra.s32 v25, $0x3;
	v25 =	vshra.s32 v29, $0x3  }
0x88: {  	v26 =	vshra.s32 v26, $0x3;
	v31 =	vshra.s32 v31, $0x3;
	v29 =	vshra.s32 v33, $0x3  }
0x89: {  	v1 =	vshra.s32 v1, $0x3;
	v35 =	vshra.s32 v35, $0x3;
	v33 =	vshra.s32 v37, $0x3  }
0x8a: {  	v12 =	vadd.s32 v12, v14;
	v10 =	vadd.s32 v10, v16;
	v14 =	vadd.s32 v21, v17  }
0x8b: {  	v7 =	vadd.s32 v7, v15;
	v15 =	vadd.s32 v27, v18;
	v16 =	vadd.s32 v30, v13  }
0x8c: {  	v17 =	vadd.s32 v23, v22;
	v18 =	vadd.s32 v34, v24;
	v20 =	vadd.s32 v20, v25  }
0x8d: {  	v21 =	vadd.s32 v38, v26;
	v22 =	vadd.s32 v28, v29;
	v23 =	vadd.s32 v41, v31  }
0x8e: {  	v1 =	vadd.s32 v2, v1;
	v24 =	vadd.s32 v42, v33;
	v25 =	vadd.s32 v45, v35  }
0x8f: {  	v26 =	vadd.s32 v3, v12;
	v27 =	vadd.s32 v8, v10;
	v28 =	vadd.s32 v5, v14  }
.Ltmp0:
0x90: {  	v14 =	vadd.s32 v6, v7;
	v13 =	vadd.s32 v11, v15;
	v12 =	vadd.s32 v4, v16;
	(pc) =	sbr.rel @p1 .LBB2_2-.Ltmp0, $4  }
0x91: {  	v11 =	vadd.s32 v9, v17;
	v10 =	vadd.s32 v32, v18;
	v9 =	vadd.s32 v44, v20  }
0x92: {  	v7 =	vadd.s32 v36, v21;
	v8 =	vadd.s32 v40, v22;
	v5 =	vadd.s32 v39, v23  }
0x93: {  	s8 =	sshra.s32 s1, $0x2;
	v6 =	vadd.s32 v46, v24;
	v2 =	vadd.s32 v43, v25;
	v4 =	vadd.s32 v19, v1  }
0x94: {  	s1 =	sadd.s32 $0x200, s1;
	v17 =	vadd.s32 $0x1, v26;
	v16 =	vadd.s32 $0x1, v27;
	v15 =	vadd.s32 $0x1, v28;
	v3 =	vld [tilespmem:s8+$0x5070]  }
0x95: {  	v1 =	vld [tilespmem:s8+$0x4070];
	[tilespmem:s20+$0x8000] =	vst v17;
	v14 =	vadd.s32 $0x1, v14  }
0x96: {  	v13 =	vadd.s32 $0x1, v13;
	v12 =	vadd.s32 $0x1, v12;
	v11 =	vadd.s32 $0x1, v11;
	v17 =	vld [tilespmem:s8+$0x5000]  }
0x97: {  	v10 =	vadd.s32 $0x1, v10;
	v9 =	vadd.s32 $0x1, v9;
	v7 =	vadd.s32 $0x1, v7;
	[tilespmem:s20+$0x9000] =	vst v16  }
0x98: {  	v8 =	vadd.s32 $0x1, v8;
	v5 =	vadd.s32 $0x1, v5;
	v6 =	vadd.s32 $0x1, v6;
	v16 =	vld [tilespmem:s8+$0x4000];
	[tilespmem:s20+$0x8010] =	vst v15  }
0x99: {  	v2 =	vadd.s32 $0x1, v2;
	v4 =	vadd.s32 $0x1, v4;
	v15 =	vld [tilespmem:s8+$0x5010];
	[tilespmem:s20+$0x9010] =	vst v14;
	v57 =	vand.u32 $0x7, v3  }
0x9a: {  	v14 =	vld [tilespmem:s8+$0x4010];
	[tilespmem:s20+$0x8020] =	vst v13;
	v20 =	vshra.s32 v3, $0x3;
	v3 =	vmul.u32 $0x108, v3;
	v18 =	vmul.u32 $0x408, v1  }
0x9b: {  	v13 =	vld [tilespmem:s8+$0x5020];
	[tilespmem:s20+$0x9020] =	vst v12;
	v62 =	vand.u32 $0x7, v1;
	v1 =	vshra.s32 v1, $0x3;
	v63 =	vmul.u32 $0x108, v17  }
0x9c: {  	v12 =	vld [tilespmem:s8+$0x4020];
	[tilespmem:s20+$0x8030] =	vst v11;
	v21 =	vand.u32 $0x7, v17;
	v17 =	vshra.s32 v17, $0x3;
	v1 =	vadd.s32 v3, v1  }
0x9d: {  	v11 =	vld [tilespmem:s8+$0x5030];
	[tilespmem:s20+$0x9030] =	vst v10;
	v10 =	vmul.u32 $0x204000, v57;
	v58 =	vadd.s32 v18, v20;
	v47 =	vand.u32 $0x7, v16  }
0x9e: {  	v22 =	vmul.u32 $0x408, v16;
	v49 =	vmul.u32 $0x204000, v21;
	v16 =	vshra.s32 v16, $0x3  }
0x9f: {  	v24 =	vmul.u32 $0x108, v15;
	v26 =	vand.u32 $0x7, v15;
	v16 =	vadd.s32 v63, v16  }
0xa0: {  	v19 =	vld [tilespmem:s8+$0x4030];
	[tilespmem:s20+$0x8040] =	vst v9;
	v15 =	vshra.s32 v15, $0x3;
	v9 =	vadd.s32 v10, v58;
	v25 =	vand.u32 $0x7, v14  }
0xa1: {  	v59 =	vld [tilespmem:s8+$0x5040];
	[tilespmem:s20+$0x9040] =	vst v7;
	v48 =	vmul.u32 $0x408, v14;
	v7 =	vmul.u32 $0x210000, v47;
	v51 =	vmul.u32 $0x204000, v26  }
0xa2: {  	v10 =	vmul.u32 $0x210000, v62;
	v14 =	vshra.s32 v14, $0x3;
	v60 =	vadd.s32 $0x1, v9  }
0xa3: {  	v27 =	vmul.u32 $0x108, v13;
	v28 =	vand.u32 $0x7, v13;
	v25 =	vmul.u32 $0x210000, v25  }
0xa4: {  	v13 =	vshra.s32 v13, $0x3;
	v54 =	vadd.s32 v24, v14;
	v30 =	vand.u32 $0x7, v12  }
0xa5: {  	v31 =	vmul.u32 $0x408, v12;
	v28 =	vmul.u32 $0x204000, v28;
	v12 =	vshra.s32 v12, $0x3  }
0xa6: {  	v7 =	vadd.s32 v7, v16;
	v56 =	vadd.s32 v48, v15;
	v1 =	vadd.s32 v10, v1  }
0xa7: {  	v61 =	vld [tilespmem:s8+$0x4040];
	v50 =	vmul.u32 $0x108, v11;
	v32 =	vand.u32 $0x7, v11;
	v30 =	vmul.u32 $0x210000, v30  }
0xa8: {  	v23 =	vld [tilespmem:s8+$0x5050];
	v11 =	vshra.s32 v11, $0x3;
	v55 =	vadd.s32 $0x1, v7;
	v57 =	vadd.s32 v27, v12  }
0xa9: {  	[tilespmem:s8+$0x9070] =	vst v60;
	v1 =	vadd.s32 $0x1, v1;
	v34 =	vand.u32 $0x7, v19;
	v35 =	vmul.u32 $0x408, v19  }
0xaa: {  	[tilespmem:s20+$0x8050] =	vst v8;
	v32 =	vmul.u32 $0x204000, v32;
	v19 =	vshra.s32 v19, $0x3;
	v52 =	vmul.u32 $0x108, v59  }
0xab: {  	v29 =	vld [tilespmem:s8+$0x4050];
	[tilespmem:s20+$0x9050] =	vst v5;
	v36 =	vand.u32 $0x7, v59;
	v34 =	vmul.u32 $0x210000, v34;
	v18 =	vshra.s32 v59, $0x3  }
0xac: {  	v33 =	vld [tilespmem:s8+$0x5060];
	[tilespmem:s20+$0x8060] =	vst v6;
	v6 =	vadd.s32 v51, v56;
	v5 =	vadd.s32 v30, v57;
	v58 =	vadd.s32 v50, v19  }
0xad: {  	v38 =	vand.u32 $0x7, v61;
	v39 =	vmul.u32 $0x408, v61;
	v40 =	vmul.u32 $0x108, v23  }
0xae: {  	v37 =	vld [tilespmem:s8+$0x4060];
	v41 =	vand.u32 $0x7, v23;
	v36 =	vmul.u32 $0x204000, v36;
	v9 =	vshra.s32 v61, $0x3;
	[tilespmem:s20+$0x9060] =	vst v2  }
0xaf: {  	v23 =	vshra.s32 v23, $0x3;
	v2 =	vadd.s32 v22, v17;
	[tilespmem:s20+$0x8070] =	vst v4;
	v4 =	vadd.s32 v25, v54  }
0xb0: {  	v6 =	vadd.s32 $0x1, v6;
	v5 =	vadd.s32 $0x1, v5;
	v59 =	vadd.s32 v35, v11  }
0xb1: {  	v38 =	vmul.u32 $0x210000, v38;
	v41 =	vmul.u32 $0x204000, v41;
	v2 =	vadd.s32 v49, v2  }
0xb2: {  	v4 =	vadd.s32 $0x1, v4;
	[tilespmem:s8+$0x9010] =	vst v6;
	v60 =	vadd.s32 v52, v9;
	v6 =	vadd.s32 v32, v59  }
0xb3: {  	v2 =	vadd.s32 $0x1, v2;
	[tilespmem:s8+$0x8010] =	vst v4;
	v4 =	vadd.s32 v34, v58;
	v6 =	vadd.s32 $0x1, v6  }
0xb4: {  	[tilespmem:s8+$0x8020] =	vst v5;
	v42 =	vand.u32 $0x7, v29;
	v43 =	vmul.u32 $0x408, v29;
	v29 =	vshra.s32 v29, $0x3  }
0xb5: {  	[tilespmem:s8+$0x9000] =	vst v2;
	v2 =	vadd.s32 v31, v13;
	v4 =	vadd.s32 $0x1, v4;
	v5 =	vadd.s32 v38, v60  }
0xb6: {  	[tilespmem:s8+$0x8000] =	vst v55;
	v44 =	vmul.u32 $0x108, v33;
	v45 =	vand.u32 $0x7, v33;
	v42 =	vmul.u32 $0x210000, v42  }
0xb7: {  	[tilespmem:s8+$0x8070] =	vst v1;
	v33 =	vshra.s32 v33, $0x3;
	v2 =	vadd.s32 v28, v2;
	v61 =	vadd.s32 v40, v29  }
0xb8: {  	[tilespmem:s8+$0x9030] =	vst v6;
	v5 =	vadd.s32 $0x1, v5;
	v46 =	vand.u32 $0x7, v37;
	v53 =	vmul.u32 $0x408, v37  }
0xb9: {  	[tilespmem:s8+$0x8030] =	vst v4;
	v45 =	vmul.u32 $0x204000, v45;
	v37 =	vshra.s32 v37, $0x3;
	v2 =	vadd.s32 $0x1, v2  }
0xba: {  	v62 =	vadd.s32 v43, v23;
	[tilespmem:s8+$0x9020] =	vst v2;
	v2 =	vadd.s32 v39, v18;
	v4 =	vadd.s32 v42, v61  }
0xbb: {  	[tilespmem:s8+$0x8040] =	vst v5;
	v46 =	vmul.u32 $0x210000, v46;
	v2 =	vadd.s32 v36, v2;
	v4 =	vadd.s32 $0x1, v4  }
0xbc: {  	v63 =	vadd.s32 v44, v37;
	v6 =	vadd.s32 v41, v62;
	v2 =	vadd.s32 $0x1, v2;
	[tilespmem:s8+$0x8050] =	vst v4  }
0xbd: {  	v6 =	vadd.s32 $0x1, v6;
	v5 =	vadd.s32 v46, v63;
	[tilespmem:s8+$0x9040] =	vst v2;
	v2 =	vadd.s32 v53, v33  }
0xbe: {  	[tilespmem:s8+$0x9050] =	vst v6;
	v3 =	vadd.s32 $0x1, v5;
	v2 =	vadd.s32 v45, v2  }
0xbf: {  	[tilespmem:s8+$0x8060] =	vst v3;
	v2 =	vadd.s32 $0x1, v2  }
0xc0: {  	s1 =	simm.s32 $0x6000;
	s25 =	simm.s32 $0x8000;
	[tilespmem:s8+$0x9060] =	vst v2  }
0xc1: {  	[hbm4b:s9+s28] =	stream.indirect.scatter [tilespmem:s1], [sflag:$0x1], $0x1, s25, s28, $0xb8;
	[tilespmem:$0x10380] =	vst v63  }
0xc2: {  	s31 =	simm.s32 $0x9000  }
0xc3: {  	[hbm4b:s10+s28] =	stream.indirect.scatter [tilespmem:s1], [sflag:$0x1], $0x1, s31, s28, $0xb8;
	[tilespmem:$0x10380] =	vst v63  }
0xc4: {  	s20 =	simm.s32 $0x6080;
	s25 =	simm.s32 $0x8080  }
0xc5: {  	[hbm4b:s9+s28] =	stream.indirect.scatter [tilespmem:s20], [sflag:$0x1], $0x1, s25, s28, $0xb8;
	[tilespmem:$0x10380] =	vst v63  }
0xc6: {  	s31 =	simm.s32 $0x9080  }
0xc7: {  	[hbm4b:s10+s28] =	stream.indirect.scatter [tilespmem:s20], [sflag:$0x1], $0x1, s31, s28, $0xb8;
	[tilespmem:$0x10380] =	vst v63  }
0xc8: {  	s25 =	simm.s32 $0x8100;
	s20 =	simm.s32 $0x6100  }
0xc9: {  	[hbm4b:s9+s28] =	stream.indirect.scatter [tilespmem:s20], [sflag:$0x1], $0x1, s25, s28, $0xb8;
	[tilespmem:$0x10380] =	vst v63  }
0xca: {  	s31 =	simm.s32 $0x9100  }
0xcb: {  	[hbm4b:s10+s28] =	stream.indirect.scatter [tilespmem:s20], [sflag:$0x1], $0x1, s31, s28, $0xb8;
	[tilespmem:$0x10380] =	vst v63  }
0xcc: {  	s25 =	simm.s32 $0x8180;
	s20 =	simm.s32 $0x6180  }
0xcd: {  	[hbm4b:s9+s28] =	stream.indirect.scatter [tilespmem:s20], [sflag:$0x1], $0x1, s25, s28, $0xb8;
	[tilespmem:$0x10380] =	vst v63  }
0xce: {  	s31 =	simm.s32 $0x9180  }
0xcf: {  	[hbm4b:s10+s28] =	stream.indirect.scatter [tilespmem:s20], [sflag:$0x1], $0x1, s31, s28, $0xb8;
	[tilespmem:$0x10380] =	vst v63  }
0xd0: {  	_ =	swait.ge [sflag:s29], $0x80  }
0xd1: {  	[sflag:s29] =	ssyncset.done $0x0  }
0xd2: {  	[sflag:s29] =	ssyncadd.s32 $0xFFFFFF80  }
0xd3: {  	_ =	swait.ge [sflag:s29], $0x80  }
0xd4: {  	[sflag:s29] =	ssyncset.done $0x0  }
0xd5: {  	[sflag:s29] =	ssyncadd.s32 $0xFFFFFF80  }
0xd6: {  	_ =	swait.ge [sflag:s29], $0x80  }
0xd7: {  	[sflag:s29] =	ssyncset.done $0x0  }
0xd8: {  	[sflag:s29] =	ssyncadd.s32 $0xFFFFFF80  }
0xd9: {  	_ =	swait.ge [sflag:s29], $0x80  }
0xda: {  	[sflag:s29] =	ssyncset.done $0x0  }
0xdb: {  	[sflag:s29] =	ssyncadd.s32 $0xFFFFFF80  }
0xdc: {  	_ =	swait.ge [sflag:s29], $0x80  }
0xdd: {  	[sflag:s29] =	ssyncset.done $0x0  }
0xde: {  	[sflag:s29] =	ssyncadd.s32 $0xFFFFFF80  }
0xdf: {  	_ =	swait.ge [sflag:s29], $0x80  }
0xe0: {  	[sflag:s29] =	ssyncset.done $0x0  }
0xe1: {  	[sflag:s29] =	ssyncadd.s32 $0xFFFFFF80  }
0xe2: {  	_ =	swait.ge [sflag:s29], $0x80  }
0xe3: {  	[sflag:s29] =	ssyncset.done $0x0  }
0xe4: {  	[sflag:s29] =	ssyncadd.s32 $0xFFFFFF80  }
0xe5: {  	_ =	swait.ge [sflag:s29], $0x80  }
0xe6: {  	s1 =	simm.s32 $0x1000;
	s20 =	simm.s32 $0x200;
	[sflag:s29] =	ssyncset.done $0x0  }
.LBB2_4:
0xe7: {  	s25 =	sadd.s32 $0x6000, s20  }
0xe8: {  	s31 =	sadd.s32 $0x8000, s20;
	[sflag:s29] =	ssyncadd.s32 $0xFFFFFF80;
	s8 =	smov.u32 s1  }
0xe9: {  	[hbm4b:s9+s28] =	stream.indirect.scatter [tilespmem:s25], [sflag:$0x1], $0x1, s31, s28, $0xb8;
	[tilespmem:$0x10380] =	vst v63  }
0xea: {  	p1 =	sne.s32 s1, $0x3800;
	s1 =	sadd.s32 $0x800, s1;
	s31 =	sadd.s32 $0x9000, s20  }
0xeb: {  	[hbm4b:s10+s28] =	stream.indirect.scatter [tilespmem:s25], [sflag:$0x1], $0x1, s31, s28, $0xb8;
	[tilespmem:$0x10380] =	vst v63  }
0xec: {  	s25 =	sadd.s32 $0x6080, s20;
	s31 =	sadd.s32 $0x8080, s20  }
0xed: {  	[hbm4b:s9+s28] =	stream.indirect.scatter [tilespmem:s25], [sflag:$0x1], $0x1, s31, s28, $0xb8;
	[tilespmem:$0x10380] =	vst v63  }
0xee: {  	s31 =	sadd.s32 $0x9080, s20  }
0xef: {  	[hbm4b:s10+s28] =	stream.indirect.scatter [tilespmem:s25], [sflag:$0x1], $0x1, s31, s28, $0xb8;
	[tilespmem:$0x10380] =	vst v63  }
0xf0: {  	s25 =	sadd.s32 $0x6100, s20;
	s31 =	sadd.s32 $0x8100, s20  }
0xf1: {  	[hbm4b:s9+s28] =	stream.indirect.scatter [tilespmem:s25], [sflag:$0x1], $0x1, s31, s28, $0xb8;
	[tilespmem:$0x10380] =	vst v63  }
0xf2: {  	s31 =	sadd.s32 $0x9100, s20  }
0xf3: {  	[hbm4b:s10+s28] =	stream.indirect.scatter [tilespmem:s25], [sflag:$0x1], $0x1, s31, s28, $0xb8;
	[tilespmem:$0x10380] =	vst v63  }
0xf4: {  	s25 =	sadd.s32 $0x6180, s20;
	s31 =	sadd.s32 $0x8180, s20  }
0xf5: {  	[hbm4b:s9+s28] =	stream.indirect.scatter [tilespmem:s25], [sflag:$0x1], $0x1, s31, s28, $0xb8;
	[tilespmem:$0x10380] =	vst v63  }
0xf6: {  	s20 =	sadd.s32 $0x9180, s20  }
0xf7: {  	[hbm4b:s10+s28] =	stream.indirect.scatter [tilespmem:s25], [sflag:$0x1], $0x1, s20, s28, $0xb8;
	[tilespmem:$0x10380] =	vst v63  }
0xf8: {  	_ =	swait.ge [sflag:s29], $0x80  }
0xf9: {  	[sflag:s29] =	ssyncset.done $0x0  }
0xfa: {  	[sflag:s29] =	ssyncadd.s32 $0xFFFFFF80  }
0xfb: {  	_ =	swait.ge [sflag:s29], $0x80  }
0xfc: {  	[sflag:s29] =	ssyncset.done $0x0  }
0xfd: {  	[sflag:s29] =	ssyncadd.s32 $0xFFFFFF80  }
0xfe: {  	_ =	swait.ge [sflag:s29], $0x80  }
0xff: {  	[sflag:s29] =	ssyncset.done $0x0  }
0x100: {  	[sflag:s29] =	ssyncadd.s32 $0xFFFFFF80  }
0x101: {  	_ =	swait.ge [sflag:s29], $0x80  }
0x102: {  	[sflag:s29] =	ssyncset.done $0x0  }
0x103: {  	[sflag:s29] =	ssyncadd.s32 $0xFFFFFF80  }
0x104: {  	_ =	swait.ge [sflag:s29], $0x80  }
0x105: {  	[sflag:s29] =	ssyncset.done $0x0  }
0x106: {  	[sflag:s29] =	ssyncadd.s32 $0xFFFFFF80  }
0x107: {  	_ =	swait.ge [sflag:s29], $0x80  }
0x108: {  	[sflag:s29] =	ssyncset.done $0x0  }
0x109: {  	[sflag:s29] =	ssyncadd.s32 $0xFFFFFF80  }
.Ltmp1:
0x10a: {  	_ =	swait.ge [sflag:s29], $0x80;
	(pc) =	sbr.rel @p1 .LBB2_4-.Ltmp1, $4  }
0x10b: {  	[sflag:s29] =	ssyncset.done $0x0  }
0x10c: {  	[sflag:s29] =	ssyncadd.s32 $0xFFFFFF80  }
0x10d: {  	_ =	swait.ge [sflag:s29], $0x80  }
0x10e: {  	s20 =	sshra.s32 s8, $0x2;
	[sflag:s29] =	ssyncset.done $0x0  }
0x10f: {  	s1 =	sadd.s32 $0x6000, s20;
	s8 =	sadd.s32 $0x8000, s20;
	[sflag:s29] =	ssyncadd.s32 $0xFFFFFF80  }
0x110: {  	[hbm4b:s9+s28] =	stream.indirect.scatter [tilespmem:s1], [sflag:$0x1], $0x1, s8, s28, $0xb8;
	[tilespmem:$0x10380] =	vst v63  }
0x111: {  	s31 =	sadd.s32 $0x9000, s20  }
0x112: {  	[hbm4b:s10+s28] =	stream.indirect.scatter [tilespmem:s1], [sflag:$0x1], $0x1, s31, s28, $0xb8;
	[tilespmem:$0x10380] =	vst v63  }
0x113: {  	s25 =	sadd.s32 $0x8080, s20;
	s1 =	sadd.s32 $0x6080, s20  }
0x114: {  	[hbm4b:s9+s28] =	stream.indirect.scatter [tilespmem:s1], [sflag:$0x1], $0x1, s25, s28, $0xb8;
	[tilespmem:$0x10380] =	vst v63  }
0x115: {  	s31 =	sadd.s32 $0x9080, s20  }
0x116: {  	[hbm4b:s10+s28] =	stream.indirect.scatter [tilespmem:s1], [sflag:$0x1], $0x1, s31, s28, $0xb8;
	[tilespmem:$0x10380] =	vst v63  }
0x117: {  	s25 =	sadd.s32 $0x8100, s20;
	s1 =	sadd.s32 $0x6100, s20  }
0x118: {  	[hbm4b:s9+s28] =	stream.indirect.scatter [tilespmem:s1], [sflag:$0x1], $0x1, s25, s28, $0xb8;
	[tilespmem:$0x10380] =	vst v63  }
0x119: {  	s31 =	sadd.s32 $0x9100, s20  }
0x11a: {  	[hbm4b:s10+s28] =	stream.indirect.scatter [tilespmem:s1], [sflag:$0x1], $0x1, s31, s28, $0xb8;
	[tilespmem:$0x10380] =	vst v63  }
0x11b: {  	s25 =	sadd.s32 $0x8180, s20;
	s1 =	sadd.s32 $0x6180, s20  }
0x11c: {  	[hbm4b:s9+s28] =	stream.indirect.scatter [tilespmem:s1], [sflag:$0x1], $0x1, s25, s28, $0xb8;
	[tilespmem:$0x10380] =	vst v63  }
0x11d: {  	s31 =	sadd.s32 $0x9180, s20  }
0x11e: {  	[hbm4b:s10+s28] =	stream.indirect.scatter [tilespmem:s1], [sflag:$0x1], $0x1, s31, s28, $0xb8;
	[tilespmem:$0x10380] =	vst v63  }
0x11f: {  	_ =	swait.ge [sflag:s29], $0x80  }
0x120: {  	[sflag:s29] =	ssyncset.done $0x0  }
0x121: {  	[sflag:s29] =	ssyncadd.s32 $0xFFFFFF80  }
0x122: {  	_ =	swait.ge [sflag:s29], $0x80  }
0x123: {  	[sflag:s29] =	ssyncset.done $0x0  }
0x124: {  	[sflag:s29] =	ssyncadd.s32 $0xFFFFFF80  }
0x125: {  	_ =	swait.ge [sflag:s29], $0x80  }
0x126: {  	[sflag:s29] =	ssyncset.done $0x0  }
0x127: {  	[sflag:s29] =	ssyncadd.s32 $0xFFFFFF80  }
0x128: {  	_ =	swait.ge [sflag:s29], $0x80  }
0x129: {  	[sflag:s29] =	ssyncset.done $0x0  }
0x12a: {  	[sflag:s29] =	ssyncadd.s32 $0xFFFFFF80  }
0x12b: {  	_ =	swait.ge [sflag:s29], $0x80  }
0x12c: {  	[sflag:s29] =	ssyncset.done $0x0  }
0x12d: {  	[sflag:s29] =	ssyncadd.s32 $0xFFFFFF80  }
0x12e: {  	_ =	swait.ge [sflag:s29], $0x80  }
0x12f: {  	[sflag:s29] =	ssyncset.done $0x0  }
0x130: {  	[sflag:s29] =	ssyncadd.s32 $0xFFFFFF80  }
0x131: {  	_ =	swait.ge [sflag:s29], $0x80  }
0x132: {  	[sflag:s29] =	ssyncset.done $0x0  }
0x133: {  	[sflag:s29] =	ssyncadd.s32 $0xFFFFFF80  }
0x134: {  	_ =	swait.ge [sflag:s29], $0x80  }
0x135: {  	[sflag:s29] =	ssyncset.done $0x0  }
0x136: {  	[sflag:s29] =	ssyncadd.s32 $0xFFFFFF80  }
0x137: {  	s8 =	simm.s32 $0x0;
	[bflag:$0x0] =	sbarrier.arrive $0xFFFF  }
0x138: {  	[spmem:s3] =	stream.indirect.scatter.add.f32 [tilespmem:s30], [sflag:$0x1], $0x1, s8, s28, $0xb8;
	[tilespmem:$0x10380] =	vst v63  }
0x139: {  	s20 =	simm.s32 $0x80  }
0x13a: {  	[spmem:s3] =	stream.indirect.scatter.add.f32 [tilespmem:s30], [sflag:$0x1], $0x1, s20, s28, $0xb8;
	[tilespmem:$0x10380] =	vst v63  }
0x13b: {  	s25 =	simm.s32 $0x100  }
0x13c: {  	[spmem:s3] =	stream.indirect.scatter.add.f32 [tilespmem:s30], [sflag:$0x1], $0x1, s25, s28, $0xb8;
	[tilespmem:$0x10380] =	vst v63  }
0x13d: {  	s31 =	simm.s32 $0x180  }
0x13e: {  	[spmem:s3] =	stream.indirect.scatter.add.f32 [tilespmem:s30], [sflag:$0x1], $0x1, s31, s28, $0xb8;
	[tilespmem:$0x10380] =	vst v63  }
0x13f: {  	s8 =	simm.s32 $0x200  }
0x140: {  	[spmem:s3] =	stream.indirect.scatter.add.f32 [tilespmem:s30], [sflag:$0x1], $0x1, s8, s28, $0xb8;
	[tilespmem:$0x10380] =	vst v63  }
0x141: {  	s20 =	simm.s32 $0x280  }
0x142: {  	[spmem:s3] =	stream.indirect.scatter.add.f32 [tilespmem:s30], [sflag:$0x1], $0x1, s20, s28, $0xb8;
	[tilespmem:$0x10380] =	vst v63  }
0x143: {  	s25 =	simm.s32 $0x300  }
0x144: {  	[spmem:s3] =	stream.indirect.scatter.add.f32 [tilespmem:s30], [sflag:$0x1], $0x1, s25, s28, $0xb8;
	[tilespmem:$0x10380] =	vst v63  }
0x145: {  	s31 =	simm.s32 $0x380  }
0x146: {  	[spmem:s3] =	stream.indirect.scatter.add.f32 [tilespmem:s30], [sflag:$0x1], $0x1, s31, s28, $0xb8;
	[tilespmem:$0x10380] =	vst v63  }
0x147: {  	_ =	swait.ge [sflag:s29], $0x80  }
0x148: {  	[sflag:s29] =	ssyncset.done $0x0  }
0x149: {  	[sflag:s29] =	ssyncadd.s32 $0xFFFFFF80  }
0x14a: {  	_ =	swait.ge [sflag:s29], $0x80  }
0x14b: {  	[sflag:s29] =	ssyncset.done $0x0  }
0x14c: {  	[sflag:s29] =	ssyncadd.s32 $0xFFFFFF80  }
0x14d: {  	_ =	swait.ge [sflag:s29], $0x80  }
0x14e: {  	[sflag:s29] =	ssyncset.done $0x0  }
0x14f: {  	[sflag:s29] =	ssyncadd.s32 $0xFFFFFF80  }
0x150: {  	_ =	swait.ge [sflag:s29], $0x80  }
0x151: {  	[sflag:s29] =	ssyncset.done $0x0  }
0x152: {  	[sflag:s29] =	ssyncadd.s32 $0xFFFFFF80  }
0x153: {  	_ =	swait.ge [sflag:s29], $0x80  }
0x154: {  	[sflag:s29] =	ssyncset.done $0x0  }
0x155: {  	[sflag:s29] =	ssyncadd.s32 $0xFFFFFF80  }
0x156: {  	_ =	swait.ge [sflag:s29], $0x80  }
0x157: {  	[sflag:s29] =	ssyncset.done $0x0  }
0x158: {  	[sflag:s29] =	ssyncadd.s32 $0xFFFFFF80  }
0x159: {  	_ =	swait.ge [sflag:s29], $0x80  }
0x15a: {  	[sflag:s29] =	ssyncset.done $0x0  }
0x15b: {  	[sflag:s29] =	ssyncadd.s32 $0xFFFFFF80  }
0x15c: {  	_ =	swait.ge [sflag:s29], $0x80  }
0x15d: {  	s1 =	simm.s32 $0x1000;
	s20 =	simm.s32 $0x2000;
	[sflag:s29] =	ssyncset.done $0x0  }
.LBB2_6:
0x15e: {  	s25 =	sshra.s32 s1, $0x2  }
0x15f: {  	[sflag:s29] =	ssyncadd.s32 $0xFFFFFF80;
	s1 =	smov.u32 s20;
	s8 =	sadd.s32 $0x1000, s20  }
0x160: {  	[spmem:s3] =	stream.indirect.scatter.add.f32 [tilespmem:s30], [sflag:$0x1], $0x1, s25, s28, $0xb8;
	[tilespmem:$0x10380] =	vst v63  }
0x161: {  	p1 =	sne.s32 s20, $0x7000;
	s20 =	sadd.s32 $0x80, s25  }
0x162: {  	[spmem:s3] =	stream.indirect.scatter.add.f32 [tilespmem:s30], [sflag:$0x1], $0x1, s20, s28, $0xb8;
	[tilespmem:$0x10380] =	vst v63  }
0x163: {  	s20 =	sadd.s32 $0x100, s25  }
0x164: {  	[spmem:s3] =	stream.indirect.scatter.add.f32 [tilespmem:s30], [sflag:$0x1], $0x1, s20, s28, $0xb8;
	[tilespmem:$0x10380] =	vst v63  }
0x165: {  	s20 =	sadd.s32 $0x180, s25  }
0x166: {  	[spmem:s3] =	stream.indirect.scatter.add.f32 [tilespmem:s30], [sflag:$0x1], $0x1, s20, s28, $0xb8;
	[tilespmem:$0x10380] =	vst v63  }
0x167: {  	s20 =	sadd.s32 $0x200, s25  }
0x168: {  	[spmem:s3] =	stream.indirect.scatter.add.f32 [tilespmem:s30], [sflag:$0x1], $0x1, s20, s28, $0xb8;
	[tilespmem:$0x10380] =	vst v63  }
0x169: {  	s20 =	sadd.s32 $0x280, s25  }
0x16a: {  	[spmem:s3] =	stream.indirect.scatter.add.f32 [tilespmem:s30], [sflag:$0x1], $0x1, s20, s28, $0xb8;
	[tilespmem:$0x10380] =	vst v63  }
0x16b: {  	s20 =	sadd.s32 $0x300, s25  }
0x16c: {  	[spmem:s3] =	stream.indirect.scatter.add.f32 [tilespmem:s30], [sflag:$0x1], $0x1, s20, s28, $0xb8;
	[tilespmem:$0x10380] =	vst v63  }
0x16d: {  	s20 =	sadd.s32 $0x380, s25  }
0x16e: {  	[spmem:s3] =	stream.indirect.scatter.add.f32 [tilespmem:s30], [sflag:$0x1], $0x1, s20, s28, $0xb8;
	[tilespmem:$0x10380] =	vst v63  }
0x16f: {  	_ =	swait.ge [sflag:s29], $0x80  }
0x170: {  	[sflag:s29] =	ssyncset.done $0x0  }
0x171: {  	[sflag:s29] =	ssyncadd.s32 $0xFFFFFF80  }
0x172: {  	_ =	swait.ge [sflag:s29], $0x80  }
0x173: {  	[sflag:s29] =	ssyncset.done $0x0  }
0x174: {  	[sflag:s29] =	ssyncadd.s32 $0xFFFFFF80  }
0x175: {  	_ =	swait.ge [sflag:s29], $0x80  }
0x176: {  	[sflag:s29] =	ssyncset.done $0x0  }
0x177: {  	[sflag:s29] =	ssyncadd.s32 $0xFFFFFF80  }
0x178: {  	_ =	swait.ge [sflag:s29], $0x80  }
0x179: {  	[sflag:s29] =	ssyncset.done $0x0  }
0x17a: {  	[sflag:s29] =	ssyncadd.s32 $0xFFFFFF80  }
0x17b: {  	_ =	swait.ge [sflag:s29], $0x80  }
0x17c: {  	[sflag:s29] =	ssyncset.done $0x0  }
0x17d: {  	[sflag:s29] =	ssyncadd.s32 $0xFFFFFF80  }
0x17e: {  	_ =	swait.ge [sflag:s29], $0x80  }
0x17f: {  	[sflag:s29] =	ssyncset.done $0x0  }
0x180: {  	[sflag:s29] =	ssyncadd.s32 $0xFFFFFF80  }
.Ltmp2:
0x181: {  	_ =	swait.ge [sflag:s29], $0x80;
	(pc) =	sbr.rel @p1 .LBB2_6-.Ltmp2, $4  }
0x182: {  	[sflag:s29] =	ssyncset.done $0x0  }
0x183: {  	[sflag:s29] =	ssyncadd.s32 $0xFFFFFF80  }
0x184: {  	_ =	swait.ge [sflag:s29], $0x80  }
0x185: {  	s20 =	smov.u32 s8;
	[sflag:s29] =	ssyncset.done $0x0  }
0x186: {  	s1 =	sshra.s32 s1, $0x2;
	[sflag:s29] =	ssyncadd.s32 $0xFFFFFF80  }
0x187: {  	[spmem:s3] =	stream.indirect.scatter.add.f32 [tilespmem:s30], [sflag:$0x1], $0x1, s1, s28, $0xb8;
	[tilespmem:$0x10380] =	vst v63  }
0x188: {  	s8 =	sadd.s32 $0x80, s1  }
0x189: {  	[spmem:s3] =	stream.indirect.scatter.add.f32 [tilespmem:s30], [sflag:$0x1], $0x1, s8, s28, $0xb8;
	[tilespmem:$0x10380] =	vst v63  }
0x18a: {  	s20 =	sadd.s32 $0x100, s1  }
0x18b: {  	[spmem:s3] =	stream.indirect.scatter.add.f32 [tilespmem:s30], [sflag:$0x1], $0x1, s20, s28, $0xb8;
	[tilespmem:$0x10380] =	vst v63  }
0x18c: {  	s25 =	sadd.s32 $0x180, s1  }
0x18d: {  	[spmem:s3] =	stream.indirect.scatter.add.f32 [tilespmem:s30], [sflag:$0x1], $0x1, s25, s28, $0xb8;
	[tilespmem:$0x10380] =	vst v63  }
0x18e: {  	s20 =	sadd.s32 $0x200, s1  }
0x18f: {  	[spmem:s3] =	stream.indirect.scatter.add.f32 [tilespmem:s30], [sflag:$0x1], $0x1, s20, s28, $0xb8;
	[tilespmem:$0x10380] =	vst v63  }
0x190: {  	s25 =	sadd.s32 $0x280, s1  }
0x191: {  	[spmem:s3] =	stream.indirect.scatter.add.f32 [tilespmem:s30], [sflag:$0x1], $0x1, s25, s28, $0xb8;
	[tilespmem:$0x10380] =	vst v63  }
0x192: {  	s20 =	sadd.s32 $0x300, s1  }
0x193: {  	[spmem:s3] =	stream.indirect.scatter.add.f32 [tilespmem:s30], [sflag:$0x1], $0x1, s20, s28, $0xb8;
	[tilespmem:$0x10380] =	vst v63  }
0x194: {  	s1 =	sadd.s32 $0x380, s1  }
0x195: {  	[spmem:s3] =	stream.indirect.scatter.add.f32 [tilespmem:s30], [sflag:$0x1], $0x1, s1, s28, $0xb8;
	[tilespmem:$0x10380] =	vst v63  }
0x196: {  	_ =	swait.ge [sflag:s29], $0x80  }
0x197: {  	[sflag:s29] =	ssyncset.done $0x0  }
0x198: {  	[sflag:s29] =	ssyncadd.s32 $0xFFFFFF80  }
0x199: {  	_ =	swait.ge [sflag:s29], $0x80  }
0x19a: {  	[sflag:s29] =	ssyncset.done $0x0  }
0x19b: {  	[sflag:s29] =	ssyncadd.s32 $0xFFFFFF80  }
0x19c: {  	_ =	swait.ge [sflag:s29], $0x80  }
0x19d: {  	[sflag:s29] =	ssyncset.done $0x0  }
0x19e: {  	[sflag:s29] =	ssyncadd.s32 $0xFFFFFF80  }
0x19f: {  	_ =	swait.ge [sflag:s29], $0x80  }
0x1a0: {  	[sflag:s29] =	ssyncset.done $0x0  }
0x1a1: {  	[sflag:s29] =	ssyncadd.s32 $0xFFFFFF80  }
0x1a2: {  	_ =	swait.ge [sflag:s29], $0x80  }
0x1a3: {  	[sflag:s29] =	ssyncset.done $0x0  }
0x1a4: {  	[sflag:s29] =	ssyncadd.s32 $0xFFFFFF80  }
0x1a5: {  	_ =	swait.ge [sflag:s29], $0x80  }
0x1a6: {  	[sflag:s29] =	ssyncset.done $0x0  }
0x1a7: {  	[sflag:s29] =	ssyncadd.s32 $0xFFFFFF80  }
0x1a8: {  	_ =	swait.ge [sflag:s29], $0x80  }
0x1a9: {  	[sflag:s29] =	ssyncset.done $0x0  }
0x1aa: {  	[sflag:s29] =	ssyncadd.s32 $0xFFFFFF80  }
0x1ab: {  	_ =	swait.ge [sflag:s29], $0x80  }
0x1ac: {  	[sflag:s29] =	ssyncset.done $0x0  }
0x1ad: {  	[sflag:s29] =	ssyncadd.s32 $0xFFFFFF80  }
0x1ae: {  	s25 =	simm.s32 $0xE000;
	[bflag:$0x0] =	sbarrier.arrive $0xFFFF  }
0x1af: {  	[tilespmem:s25], [sflag:$0x2] =	stream.linear.gather [spmem:s11], $0x80, $0x38;
	[tilespmem:$0x10380] =	vst v63  }
0x1b0: {  	_ =	swait.ge [sflag:s22], $0x80  }
0x1b1: {  	[sflag:s22] =	ssyncset.done $0x0  }
0x1b2: {  	[sflag:s22] =	ssyncadd.s32 $0xFFFFFF80  }
0x1b3: {  	v1 =	vld [tilespmem:$0xE000]  }
0x1b4: {  	v2 =	vld [tilespmem:$0xE010]  }
0x1b5: {  	v3 =	vld [tilespmem:$0xE020]  }
0x1b6: {  	v4 =	vld [tilespmem:$0xE030]  }
0x1b7: {  	v5 =	vld [tilespmem:$0xE040]  }
0x1b8: {  	v6 =	vld [tilespmem:$0xE050];
	v1 =	vtrunc.f32 v1  }
0x1b9: {  	v7 =	vld [tilespmem:$0xE060];
	v2 =	vtrunc.f32 v2;
	v1 =	vcvt.f32.s32 v1  }
0x1ba: {  	v8 =	vld [tilespmem:$0xE070];
	v3 =	vtrunc.f32 v3;
	v2 =	vcvt.f32.s32 v2  }
0x1bb: {  	[tilespmem:$0xE080] =	vst v1;
	v1 =	vcvt.f32.s32 v3;
	v3 =	vtrunc.f32 v4  }
0x1bc: {  	[tilespmem:$0xE090] =	vst v2;
	v2 =	vcvt.f32.s32 v3;
	v3 =	vtrunc.f32 v5  }
0x1bd: {  	[tilespmem:$0xE0A0] =	vst v1;
	v1 =	vcvt.f32.s32 v3;
	v3 =	vtrunc.f32 v6  }
0x1be: {  	[tilespmem:$0xE0B0] =	vst v2;
	v2 =	vcvt.f32.s32 v3;
	v3 =	vtrunc.f32 v7  }
0x1bf: {  	[tilespmem:$0xE0C0] =	vst v1;
	v1 =	vcvt.f32.s32 v3;
	v3 =	vtrunc.f32 v8  }
0x1c0: {  	[tilespmem:$0xE0D0] =	vst v2;
	v2 =	vcvt.f32.s32 v3  }
0x1c1: {  	[tilespmem:$0xE0E0] =	vst v1  }
0x1c2: {  	s20 =	simm.s32 $0xE100;
	s25 =	simm.s32 $0xE080;
	s8 =	rddreg [dreg:$0xa];
	[tilespmem:$0xE0F0] =	vst v2  }
0x1c3: {  	[tilespmem:s20], [sflag:$0x2] =	stream.indirect.gather [hbm4b:s8+s28], $0x1, s25, s28, $0xb8;
	[tilespmem:$0x10380] =	vst v63  }
0x1c4: {  	_ =	swait.ge [sflag:s22], $0x80  }
0x1c5: {  	[sflag:s22] =	ssyncset.done $0x0  }
0x1c6: {  	s25 =	rddreg [dreg:$0x11];
	[sflag:s22] =	ssyncadd.s32 $0xFFFFFF80  }
0x1c7: {  	[spmem:s25] =	stream.linear.scatter [tilespmem:s20], [sflag:$0x2], $0x80, $0x38;
	[tilespmem:$0x10380] =	vst v63  }
0x1c8: {  	_ =	swait.ge [sflag:s22], $0x80  }
0x1c9: {  	[sflag:s22] =	ssyncset.done $0x0  }
0x1ca: {  	[sflag:s22] =	ssyncadd.s32 $0xFFFFFF80  }
0x1cb: {  	s8 =	simm.s32 $0x0;
	s20 =	simm.s32 $0xA000;
	[bflag:$0x0] =	sbarrier.arrive $0xFFFF  }
0x1cc: {  	[tilespmem:s20], [sflag:$0x1] =	stream.indirect.gather [spmem:s5], $0x1, s8, s28, $0xb8;
	[tilespmem:$0x10380] =	vst v63  }
0x1cd: {  	s25 =	simm.s32 $0xA080  }
0x1ce: {  	[tilespmem:s25], [sflag:$0x1] =	stream.indirect.gather [spmem:s5], $0x1, s28, s28, $0xb8;
	[tilespmem:$0x10380] =	vst v63  }
0x1cf: {  	s8 =	simm.s32 $0xA100;
	s25 =	simm.s32 $0x100  }
0x1d0: {  	[tilespmem:s8], [sflag:$0x1] =	stream.indirect.gather [spmem:s5], $0x1, s25, s28, $0xb8;
	[tilespmem:$0x10380] =	vst v63  }
0x1d1: {  	s31 =	simm.s32 $0x180;
	s20 =	simm.s32 $0xA180  }
0x1d2: {  	[tilespmem:s20], [sflag:$0x1] =	stream.indirect.gather [spmem:s5], $0x1, s31, s28, $0xb8;
	[tilespmem:$0x10380] =	vst v63  }
0x1d3: {  	s8 =	simm.s32 $0x200;
	s20 =	simm.s32 $0xA200  }
0x1d4: {  	[tilespmem:s20], [sflag:$0x1] =	stream.indirect.gather [spmem:s5], $0x1, s8, s28, $0xb8;
	[tilespmem:$0x10380] =	vst v63  }
0x1d5: {  	s8 =	simm.s32 $0x280;
	s20 =	simm.s32 $0xA280  }
0x1d6: {  	[tilespmem:s20], [sflag:$0x1] =	stream.indirect.gather [spmem:s5], $0x1, s8, s28, $0xb8;
	[tilespmem:$0x10380] =	vst v63  }
0x1d7: {  	s8 =	simm.s32 $0x300;
	s20 =	simm.s32 $0xA300  }
0x1d8: {  	[tilespmem:s20], [sflag:$0x1] =	stream.indirect.gather [spmem:s5], $0x1, s8, s28, $0xb8;
	[tilespmem:$0x10380] =	vst v63  }
0x1d9: {  	s8 =	simm.s32 $0x380;
	s20 =	simm.s32 $0xA380  }
0x1da: {  	[tilespmem:s20], [sflag:$0x1] =	stream.indirect.gather [spmem:s5], $0x1, s8, s28, $0xb8;
	[tilespmem:$0x10380] =	vst v63  }
0x1db: {  	_ =	swait.ge [sflag:s29], $0x80  }
0x1dc: {  	[sflag:s29] =	ssyncset.done $0x0  }
0x1dd: {  	[sflag:s29] =	ssyncadd.s32 $0xFFFFFF80  }
0x1de: {  	_ =	swait.ge [sflag:s29], $0x80  }
0x1df: {  	[sflag:s29] =	ssyncset.done $0x0  }
0x1e0: {  	[sflag:s29] =	ssyncadd.s32 $0xFFFFFF80  }
0x1e1: {  	_ =	swait.ge [sflag:s29], $0x80  }
0x1e2: {  	[sflag:s29] =	ssyncset.done $0x0  }
0x1e3: {  	[sflag:s29] =	ssyncadd.s32 $0xFFFFFF80  }
0x1e4: {  	_ =	swait.ge [sflag:s29], $0x80  }
0x1e5: {  	[sflag:s29] =	ssyncset.done $0x0  }
0x1e6: {  	[sflag:s29] =	ssyncadd.s32 $0xFFFFFF80  }
0x1e7: {  	_ =	swait.ge [sflag:s29], $0x80  }
0x1e8: {  	[sflag:s29] =	ssyncset.done $0x0  }
0x1e9: {  	[sflag:s29] =	ssyncadd.s32 $0xFFFFFF80  }
0x1ea: {  	_ =	swait.ge [sflag:s29], $0x80  }
0x1eb: {  	[sflag:s29] =	ssyncset.done $0x0  }
0x1ec: {  	[sflag:s29] =	ssyncadd.s32 $0xFFFFFF80  }
0x1ed: {  	_ =	swait.ge [sflag:s29], $0x80  }
0x1ee: {  	[sflag:s29] =	ssyncset.done $0x0  }
0x1ef: {  	[sflag:s29] =	ssyncadd.s32 $0xFFFFFF80  }
0x1f0: {  	_ =	swait.ge [sflag:s29], $0x80  }
0x1f1: {  	[sflag:s29] =	ssyncset.done $0x0  }
0x1f2: {  	s8 =	simm.s32 $0x400;
	s20 =	simm.s32 $0xA400;
	[sflag:s29] =	ssyncadd.s32 $0xFFFFFF80  }
0x1f3: {  	[tilespmem:s20], [sflag:$0x1] =	stream.indirect.gather [spmem:s5], $0x1, s8, s28, $0xb8;
	[tilespmem:$0x10380] =	vst v63  }
0x1f4: {  	s8 =	simm.s32 $0x480;
	s20 =	simm.s32 $0xA480  }
0x1f5: {  	[tilespmem:s20], [sflag:$0x1] =	stream.indirect.gather [spmem:s5], $0x1, s8, s28, $0xb8;
	[tilespmem:$0x10380] =	vst v63  }
0x1f6: {  	s8 =	simm.s32 $0x500;
	s20 =	simm.s32 $0xA500  }
0x1f7: {  	[tilespmem:s20], [sflag:$0x1] =	stream.indirect.gather [spmem:s5], $0x1, s8, s28, $0xb8;
	[tilespmem:$0x10380] =	vst v63  }
0x1f8: {  	s8 =	simm.s32 $0x580;
	s20 =	simm.s32 $0xA580  }
0x1f9: {  	[tilespmem:s20], [sflag:$0x1] =	stream.indirect.gather [spmem:s5], $0x1, s8, s28, $0xb8;
	[tilespmem:$0x10380] =	vst v63  }
0x1fa: {  	s8 =	simm.s32 $0x600;
	s20 =	simm.s32 $0xA600  }
0x1fb: {  	[tilespmem:s20], [sflag:$0x1] =	stream.indirect.gather [spmem:s5], $0x1, s8, s28, $0xb8;
	[tilespmem:$0x10380] =	vst v63  }
0x1fc: {  	s8 =	simm.s32 $0x680;
	s20 =	simm.s32 $0xA680  }
0x1fd: {  	[tilespmem:s20], [sflag:$0x1] =	stream.indirect.gather [spmem:s5], $0x1, s8, s28, $0xb8;
	[tilespmem:$0x10380] =	vst v63  }
0x1fe: {  	s8 =	simm.s32 $0x700;
	s20 =	simm.s32 $0xA700  }
0x1ff: {  	[tilespmem:s20], [sflag:$0x1] =	stream.indirect.gather [spmem:s5], $0x1, s8, s28, $0xb8;
	[tilespmem:$0x10380] =	vst v63  }
0x200: {  	s8 =	simm.s32 $0x780;
	s20 =	simm.s32 $0xA780  }
0x201: {  	[tilespmem:s20], [sflag:$0x1] =	stream.indirect.gather [spmem:s5], $0x1, s8, s28, $0xb8;
	[tilespmem:$0x10380] =	vst v63  }
0x202: {  	_ =	swait.ge [sflag:s29], $0x80  }
0x203: {  	[sflag:s29] =	ssyncset.done $0x0  }
0x204: {  	[sflag:s29] =	ssyncadd.s32 $0xFFFFFF80  }
0x205: {  	_ =	swait.ge [sflag:s29], $0x80  }
0x206: {  	[sflag:s29] =	ssyncset.done $0x0  }
0x207: {  	[sflag:s29] =	ssyncadd.s32 $0xFFFFFF80  }
0x208: {  	_ =	swait.ge [sflag:s29], $0x80  }
0x209: {  	[sflag:s29] =	ssyncset.done $0x0  }
0x20a: {  	[sflag:s29] =	ssyncadd.s32 $0xFFFFFF80  }
0x20b: {  	_ =	swait.ge [sflag:s29], $0x80  }
0x20c: {  	[sflag:s29] =	ssyncset.done $0x0  }
0x20d: {  	[sflag:s29] =	ssyncadd.s32 $0xFFFFFF80  }
0x20e: {  	_ =	swait.ge [sflag:s29], $0x80  }
0x20f: {  	[sflag:s29] =	ssyncset.done $0x0  }
0x210: {  	[sflag:s29] =	ssyncadd.s32 $0xFFFFFF80  }
0x211: {  	_ =	swait.ge [sflag:s29], $0x80  }
0x212: {  	[sflag:s29] =	ssyncset.done $0x0  }
0x213: {  	[sflag:s29] =	ssyncadd.s32 $0xFFFFFF80  }
0x214: {  	_ =	swait.ge [sflag:s29], $0x80  }
0x215: {  	[sflag:s29] =	ssyncset.done $0x0  }
0x216: {  	[sflag:s29] =	ssyncadd.s32 $0xFFFFFF80  }
0x217: {  	_ =	swait.ge [sflag:s29], $0x80  }
0x218: {  	[sflag:s29] =	ssyncset.done $0x0  }
0x219: {  	s8 =	simm.s32 $0x800;
	s20 =	simm.s32 $0xA800;
	[sflag:s29] =	ssyncadd.s32 $0xFFFFFF80  }
0x21a: {  	[tilespmem:s20], [sflag:$0x1] =	stream.indirect.gather [spmem:s5], $0x1, s8, s28, $0xb8;
	[tilespmem:$0x10380] =	vst v63  }
0x21b: {  	s8 =	simm.s32 $0x880;
	s20 =	simm.s32 $0xA880  }
0x21c: {  	[tilespmem:s20], [sflag:$0x1] =	stream.indirect.gather [spmem:s5], $0x1, s8, s28, $0xb8;
	[tilespmem:$0x10380] =	vst v63  }
0x21d: {  	s8 =	simm.s32 $0x900;
	s20 =	simm.s32 $0xA900  }
0x21e: {  	[tilespmem:s20], [sflag:$0x1] =	stream.indirect.gather [spmem:s5], $0x1, s8, s28, $0xb8;
	[tilespmem:$0x10380] =	vst v63  }
0x21f: {  	s8 =	simm.s32 $0x980;
	s20 =	simm.s32 $0xA980  }
0x220: {  	[tilespmem:s20], [sflag:$0x1] =	stream.indirect.gather [spmem:s5], $0x1, s8, s28, $0xb8;
	[tilespmem:$0x10380] =	vst v63  }
0x221: {  	s8 =	simm.s32 $0xA00;
	s20 =	simm.s32 $0xAA00  }
0x222: {  	[tilespmem:s20], [sflag:$0x1] =	stream.indirect.gather [spmem:s5], $0x1, s8, s28, $0xb8;
	[tilespmem:$0x10380] =	vst v63  }
0x223: {  	s8 =	simm.s32 $0xA80;
	s20 =	simm.s32 $0xAA80  }
0x224: {  	[tilespmem:s20], [sflag:$0x1] =	stream.indirect.gather [spmem:s5], $0x1, s8, s28, $0xb8;
	[tilespmem:$0x10380] =	vst v63  }
0x225: {  	s8 =	simm.s32 $0xB00;
	s20 =	simm.s32 $0xAB00  }
0x226: {  	[tilespmem:s20], [sflag:$0x1] =	stream.indirect.gather [spmem:s5], $0x1, s8, s28, $0xb8;
	[tilespmem:$0x10380] =	vst v63  }
0x227: {  	s8 =	simm.s32 $0xB80;
	s20 =	simm.s32 $0xAB80  }
0x228: {  	[tilespmem:s20], [sflag:$0x1] =	stream.indirect.gather [spmem:s5], $0x1, s8, s28, $0xb8;
	[tilespmem:$0x10380] =	vst v63  }
0x229: {  	_ =	swait.ge [sflag:s29], $0x80  }
0x22a: {  	[sflag:s29] =	ssyncset.done $0x0  }
0x22b: {  	[sflag:s29] =	ssyncadd.s32 $0xFFFFFF80  }
0x22c: {  	_ =	swait.ge [sflag:s29], $0x80  }
0x22d: {  	[sflag:s29] =	ssyncset.done $0x0  }
0x22e: {  	[sflag:s29] =	ssyncadd.s32 $0xFFFFFF80  }
0x22f: {  	_ =	swait.ge [sflag:s29], $0x80  }
0x230: {  	[sflag:s29] =	ssyncset.done $0x0  }
0x231: {  	[sflag:s29] =	ssyncadd.s32 $0xFFFFFF80  }
0x232: {  	_ =	swait.ge [sflag:s29], $0x80  }
0x233: {  	[sflag:s29] =	ssyncset.done $0x0  }
0x234: {  	[sflag:s29] =	ssyncadd.s32 $0xFFFFFF80  }
0x235: {  	_ =	swait.ge [sflag:s29], $0x80  }
0x236: {  	[sflag:s29] =	ssyncset.done $0x0  }
0x237: {  	[sflag:s29] =	ssyncadd.s32 $0xFFFFFF80  }
0x238: {  	_ =	swait.ge [sflag:s29], $0x80  }
0x239: {  	[sflag:s29] =	ssyncset.done $0x0  }
0x23a: {  	[sflag:s29] =	ssyncadd.s32 $0xFFFFFF80  }
0x23b: {  	_ =	swait.ge [sflag:s29], $0x80  }
0x23c: {  	[sflag:s29] =	ssyncset.done $0x0  }
0x23d: {  	[sflag:s29] =	ssyncadd.s32 $0xFFFFFF80  }
0x23e: {  	_ =	swait.ge [sflag:s29], $0x80  }
0x23f: {  	[sflag:s29] =	ssyncset.done $0x0  }
0x240: {  	s8 =	simm.s32 $0xC00;
	s20 =	simm.s32 $0xAC00;
	[sflag:s29] =	ssyncadd.s32 $0xFFFFFF80  }
0x241: {  	[tilespmem:s20], [sflag:$0x1] =	stream.indirect.gather [spmem:s5], $0x1, s8, s28, $0xb8;
	[tilespmem:$0x10380] =	vst v63  }
0x242: {  	s8 =	simm.s32 $0xC80;
	s20 =	simm.s32 $0xAC80  }
0x243: {  	[tilespmem:s20], [sflag:$0x1] =	stream.indirect.gather [spmem:s5], $0x1, s8, s28, $0xb8;
	[tilespmem:$0x10380] =	vst v63  }
0x244: {  	s8 =	simm.s32 $0xD00;
	s20 =	simm.s32 $0xAD00  }
0x245: {  	[tilespmem:s20], [sflag:$0x1] =	stream.indirect.gather [spmem:s5], $0x1, s8, s28, $0xb8;
	[tilespmem:$0x10380] =	vst v63  }
0x246: {  	s8 =	simm.s32 $0xD80;
	s20 =	simm.s32 $0xAD80  }
0x247: {  	[tilespmem:s20], [sflag:$0x1] =	stream.indirect.gather [spmem:s5], $0x1, s8, s28, $0xb8;
	[tilespmem:$0x10380] =	vst v63  }
0x248: {  	s8 =	simm.s32 $0xE00;
	s20 =	simm.s32 $0xAE00  }
0x249: {  	[tilespmem:s20], [sflag:$0x1] =	stream.indirect.gather [spmem:s5], $0x1, s8, s28, $0xb8;
	[tilespmem:$0x10380] =	vst v63  }
0x24a: {  	s8 =	simm.s32 $0xE80;
	s20 =	simm.s32 $0xAE80  }
0x24b: {  	[tilespmem:s20], [sflag:$0x1] =	stream.indirect.gather [spmem:s5], $0x1, s8, s28, $0xb8;
	[tilespmem:$0x10380] =	vst v63  }
0x24c: {  	s8 =	simm.s32 $0xF00;
	s20 =	simm.s32 $0xAF00  }
0x24d: {  	[tilespmem:s20], [sflag:$0x1] =	stream.indirect.gather [spmem:s5], $0x1, s8, s28, $0xb8;
	[tilespmem:$0x10380] =	vst v63  }
0x24e: {  	s8 =	simm.s32 $0xF80;
	s20 =	simm.s32 $0xAF80  }
0x24f: {  	[tilespmem:s20], [sflag:$0x1] =	stream.indirect.gather [spmem:s5], $0x1, s8, s28, $0xb8;
	[tilespmem:$0x10380] =	vst v63  }
0x250: {  	_ =	swait.ge [sflag:s29], $0x80  }
0x251: {  	[sflag:s29] =	ssyncset.done $0x0  }
0x252: {  	[sflag:s29] =	ssyncadd.s32 $0xFFFFFF80  }
0x253: {  	_ =	swait.ge [sflag:s29], $0x80  }
0x254: {  	[sflag:s29] =	ssyncset.done $0x0  }
0x255: {  	[sflag:s29] =	ssyncadd.s32 $0xFFFFFF80  }
0x256: {  	_ =	swait.ge [sflag:s29], $0x80  }
0x257: {  	[sflag:s29] =	ssyncset.done $0x0  }
0x258: {  	[sflag:s29] =	ssyncadd.s32 $0xFFFFFF80  }
0x259: {  	_ =	swait.ge [sflag:s29], $0x80  }
0x25a: {  	[sflag:s29] =	ssyncset.done $0x0  }
0x25b: {  	[sflag:s29] =	ssyncadd.s32 $0xFFFFFF80  }
0x25c: {  	_ =	swait.ge [sflag:s29], $0x80  }
0x25d: {  	[sflag:s29] =	ssyncset.done $0x0  }
0x25e: {  	[sflag:s29] =	ssyncadd.s32 $0xFFFFFF80  }
0x25f: {  	_ =	swait.ge [sflag:s29], $0x80  }
0x260: {  	[sflag:s29] =	ssyncset.done $0x0  }
0x261: {  	[sflag:s29] =	ssyncadd.s32 $0xFFFFFF80  }
0x262: {  	_ =	swait.ge [sflag:s29], $0x80  }
0x263: {  	[sflag:s29] =	ssyncset.done $0x0  }
0x264: {  	[sflag:s29] =	ssyncadd.s32 $0xFFFFFF80  }
0x265: {  	_ =	swait.ge [sflag:s29], $0x80  }
0x266: {  	[sflag:s29] =	ssyncset.done $0x0  }
0x267: {  	s8 =	simm.s32 $0x1000;
	s20 =	simm.s32 $0xB000;
	[sflag:s29] =	ssyncadd.s32 $0xFFFFFF80  }
0x268: {  	[tilespmem:s20], [sflag:$0x1] =	stream.indirect.gather [spmem:s5], $0x1, s8, s28, $0xb8;
	[tilespmem:$0x10380] =	vst v63  }
0x269: {  	s8 =	simm.s32 $0x1080;
	s20 =	simm.s32 $0xB080  }
0x26a: {  	[tilespmem:s20], [sflag:$0x1] =	stream.indirect.gather [spmem:s5], $0x1, s8, s28, $0xb8;
	[tilespmem:$0x10380] =	vst v63  }
0x26b: {  	s8 =	simm.s32 $0x1100;
	s20 =	simm.s32 $0xB100  }
0x26c: {  	[tilespmem:s20], [sflag:$0x1] =	stream.indirect.gather [spmem:s5], $0x1, s8, s28, $0xb8;
	[tilespmem:$0x10380] =	vst v63  }
0x26d: {  	s8 =	simm.s32 $0x1180;
	s20 =	simm.s32 $0xB180  }
0x26e: {  	[tilespmem:s20], [sflag:$0x1] =	stream.indirect.gather [spmem:s5], $0x1, s8, s28, $0xb8;
	[tilespmem:$0x10380] =	vst v63  }
0x26f: {  	s8 =	simm.s32 $0x1200;
	s20 =	simm.s32 $0xB200  }
0x270: {  	[tilespmem:s20], [sflag:$0x1] =	stream.indirect.gather [spmem:s5], $0x1, s8, s28, $0xb8;
	[tilespmem:$0x10380] =	vst v63  }
0x271: {  	s8 =	simm.s32 $0x1280;
	s20 =	simm.s32 $0xB280  }
0x272: {  	[tilespmem:s20], [sflag:$0x1] =	stream.indirect.gather [spmem:s5], $0x1, s8, s28, $0xb8;
	[tilespmem:$0x10380] =	vst v63  }
0x273: {  	s8 =	simm.s32 $0x1300;
	s20 =	simm.s32 $0xB300  }
0x274: {  	[tilespmem:s20], [sflag:$0x1] =	stream.indirect.gather [spmem:s5], $0x1, s8, s28, $0xb8;
	[tilespmem:$0x10380] =	vst v63  }
0x275: {  	s8 =	simm.s32 $0x1380;
	s20 =	simm.s32 $0xB380  }
0x276: {  	[tilespmem:s20], [sflag:$0x1] =	stream.indirect.gather [spmem:s5], $0x1, s8, s28, $0xb8;
	[tilespmem:$0x10380] =	vst v63  }
0x277: {  	_ =	swait.ge [sflag:s29], $0x80  }
0x278: {  	[sflag:s29] =	ssyncset.done $0x0  }
0x279: {  	[sflag:s29] =	ssyncadd.s32 $0xFFFFFF80  }
0x27a: {  	_ =	swait.ge [sflag:s29], $0x80  }
0x27b: {  	[sflag:s29] =	ssyncset.done $0x0  }
0x27c: {  	[sflag:s29] =	ssyncadd.s32 $0xFFFFFF80  }
0x27d: {  	_ =	swait.ge [sflag:s29], $0x80  }
0x27e: {  	[sflag:s29] =	ssyncset.done $0x0  }
0x27f: {  	[sflag:s29] =	ssyncadd.s32 $0xFFFFFF80  }
0x280: {  	_ =	swait.ge [sflag:s29], $0x80  }
0x281: {  	[sflag:s29] =	ssyncset.done $0x0  }
0x282: {  	[sflag:s29] =	ssyncadd.s32 $0xFFFFFF80  }
0x283: {  	_ =	swait.ge [sflag:s29], $0x80  }
0x284: {  	[sflag:s29] =	ssyncset.done $0x0  }
0x285: {  	[sflag:s29] =	ssyncadd.s32 $0xFFFFFF80  }
0x286: {  	_ =	swait.ge [sflag:s29], $0x80  }
0x287: {  	[sflag:s29] =	ssyncset.done $0x0  }
0x288: {  	[sflag:s29] =	ssyncadd.s32 $0xFFFFFF80  }
0x289: {  	_ =	swait.ge [sflag:s29], $0x80  }
0x28a: {  	[sflag:s29] =	ssyncset.done $0x0  }
0x28b: {  	[sflag:s29] =	ssyncadd.s32 $0xFFFFFF80  }
0x28c: {  	_ =	swait.ge [sflag:s29], $0x80  }
0x28d: {  	[sflag:s29] =	ssyncset.done $0x0  }
0x28e: {  	s8 =	simm.s32 $0x1400;
	s20 =	simm.s32 $0xB400;
	[sflag:s29] =	ssyncadd.s32 $0xFFFFFF80  }
0x28f: {  	[tilespmem:s20], [sflag:$0x1] =	stream.indirect.gather [spmem:s5], $0x1, s8, s28, $0xb8;
	[tilespmem:$0x10380] =	vst v63  }
0x290: {  	s8 =	simm.s32 $0x1480;
	s20 =	simm.s32 $0xB480  }
0x291: {  	[tilespmem:s20], [sflag:$0x1] =	stream.indirect.gather [spmem:s5], $0x1, s8, s28, $0xb8;
	[tilespmem:$0x10380] =	vst v63  }
0x292: {  	s8 =	simm.s32 $0x1500;
	s20 =	simm.s32 $0xB500  }
0x293: {  	[tilespmem:s20], [sflag:$0x1] =	stream.indirect.gather [spmem:s5], $0x1, s8, s28, $0xb8;
	[tilespmem:$0x10380] =	vst v63  }
0x294: {  	s8 =	simm.s32 $0x1580;
	s20 =	simm.s32 $0xB580  }
0x295: {  	[tilespmem:s20], [sflag:$0x1] =	stream.indirect.gather [spmem:s5], $0x1, s8, s28, $0xb8;
	[tilespmem:$0x10380] =	vst v63  }
0x296: {  	s8 =	simm.s32 $0x1600;
	s20 =	simm.s32 $0xB600  }
0x297: {  	[tilespmem:s20], [sflag:$0x1] =	stream.indirect.gather [spmem:s5], $0x1, s8, s28, $0xb8;
	[tilespmem:$0x10380] =	vst v63  }
0x298: {  	s8 =	simm.s32 $0x1680;
	s20 =	simm.s32 $0xB680  }
0x299: {  	[tilespmem:s20], [sflag:$0x1] =	stream.indirect.gather [spmem:s5], $0x1, s8, s28, $0xb8;
	[tilespmem:$0x10380] =	vst v63  }
0x29a: {  	s8 =	simm.s32 $0x1700;
	s20 =	simm.s32 $0xB700  }
0x29b: {  	[tilespmem:s20], [sflag:$0x1] =	stream.indirect.gather [spmem:s5], $0x1, s8, s28, $0xb8;
	[tilespmem:$0x10380] =	vst v63  }
0x29c: {  	s8 =	simm.s32 $0x1780;
	s20 =	simm.s32 $0xB780  }
0x29d: {  	[tilespmem:s20], [sflag:$0x1] =	stream.indirect.gather [spmem:s5], $0x1, s8, s28, $0xb8;
	[tilespmem:$0x10380] =	vst v63  }
0x29e: {  	_ =	swait.ge [sflag:s29], $0x80  }
0x29f: {  	[sflag:s29] =	ssyncset.done $0x0  }
0x2a0: {  	[sflag:s29] =	ssyncadd.s32 $0xFFFFFF80  }
0x2a1: {  	_ =	swait.ge [sflag:s29], $0x80  }
0x2a2: {  	[sflag:s29] =	ssyncset.done $0x0  }
0x2a3: {  	[sflag:s29] =	ssyncadd.s32 $0xFFFFFF80  }
0x2a4: {  	_ =	swait.ge [sflag:s29], $0x80  }
0x2a5: {  	[sflag:s29] =	ssyncset.done $0x0  }
0x2a6: {  	[sflag:s29] =	ssyncadd.s32 $0xFFFFFF80  }
0x2a7: {  	_ =	swait.ge [sflag:s29], $0x80  }
0x2a8: {  	[sflag:s29] =	ssyncset.done $0x0  }
0x2a9: {  	[sflag:s29] =	ssyncadd.s32 $0xFFFFFF80  }
0x2aa: {  	_ =	swait.ge [sflag:s29], $0x80  }
0x2ab: {  	[sflag:s29] =	ssyncset.done $0x0  }
0x2ac: {  	[sflag:s29] =	ssyncadd.s32 $0xFFFFFF80  }
0x2ad: {  	_ =	swait.ge [sflag:s29], $0x80  }
0x2ae: {  	[sflag:s29] =	ssyncset.done $0x0  }
0x2af: {  	[sflag:s29] =	ssyncadd.s32 $0xFFFFFF80  }
0x2b0: {  	_ =	swait.ge [sflag:s29], $0x80  }
0x2b1: {  	[sflag:s29] =	ssyncset.done $0x0  }
0x2b2: {  	[sflag:s29] =	ssyncadd.s32 $0xFFFFFF80  }
0x2b3: {  	_ =	swait.ge [sflag:s29], $0x80  }
0x2b4: {  	[sflag:s29] =	ssyncset.done $0x0  }
0x2b5: {  	s8 =	simm.s32 $0x1800;
	s20 =	simm.s32 $0xB800;
	[sflag:s29] =	ssyncadd.s32 $0xFFFFFF80  }
0x2b6: {  	[tilespmem:s20], [sflag:$0x1] =	stream.indirect.gather [spmem:s5], $0x1, s8, s28, $0xb8;
	[tilespmem:$0x10380] =	vst v63  }
0x2b7: {  	s8 =	simm.s32 $0x1880;
	s20 =	simm.s32 $0xB880  }
0x2b8: {  	[tilespmem:s20], [sflag:$0x1] =	stream.indirect.gather [spmem:s5], $0x1, s8, s28, $0xb8;
	[tilespmem:$0x10380] =	vst v63  }
0x2b9: {  	s8 =	simm.s32 $0x1900;
	s20 =	simm.s32 $0xB900  }
0x2ba: {  	[tilespmem:s20], [sflag:$0x1] =	stream.indirect.gather [spmem:s5], $0x1, s8, s28, $0xb8;
	[tilespmem:$0x10380] =	vst v63  }
0x2bb: {  	s8 =	simm.s32 $0x1980;
	s20 =	simm.s32 $0xB980  }
0x2bc: {  	[tilespmem:s20], [sflag:$0x1] =	stream.indirect.gather [spmem:s5], $0x1, s8, s28, $0xb8;
	[tilespmem:$0x10380] =	vst v63  }
0x2bd: {  	s8 =	simm.s32 $0xBA00  }
0x2be: {  	[tilespmem:s8], [sflag:$0x1] =	stream.indirect.gather [spmem:s5], $0x1, s2, s28, $0xb8;
	[tilespmem:$0x10380] =	vst v63  }
0x2bf: {  	s20 =	simm.s32 $0xBA80  }
0x2c0: {  	[tilespmem:s20], [sflag:$0x1] =	stream.indirect.gather [spmem:s5], $0x1, s12, s28, $0xb8;
	[tilespmem:$0x10380] =	vst v63  }
0x2c1: {  	s8 =	simm.s32 $0xBB00  }
0x2c2: {  	[tilespmem:s8], [sflag:$0x1] =	stream.indirect.gather [spmem:s5], $0x1, s26, s28, $0xb8;
	[tilespmem:$0x10380] =	vst v63  }
0x2c3: {  	s20 =	simm.s32 $0xBB80  }
0x2c4: {  	[tilespmem:s20], [sflag:$0x1] =	stream.indirect.gather [spmem:s5], $0x1, s13, s28, $0xb8;
	[tilespmem:$0x10380] =	vst v63  }
0x2c5: {  	_ =	swait.ge [sflag:s29], $0x80  }
0x2c6: {  	[sflag:s29] =	ssyncset.done $0x0  }
0x2c7: {  	[sflag:s29] =	ssyncadd.s32 $0xFFFFFF80  }
0x2c8: {  	_ =	swait.ge [sflag:s29], $0x80  }
0x2c9: {  	[sflag:s29] =	ssyncset.done $0x0  }
0x2ca: {  	[sflag:s29] =	ssyncadd.s32 $0xFFFFFF80  }
0x2cb: {  	_ =	swait.ge [sflag:s29], $0x80  }
0x2cc: {  	[sflag:s29] =	ssyncset.done $0x0  }
0x2cd: {  	[sflag:s29] =	ssyncadd.s32 $0xFFFFFF80  }
0x2ce: {  	_ =	swait.ge [sflag:s29], $0x80  }
0x2cf: {  	[sflag:s29] =	ssyncset.done $0x0  }
0x2d0: {  	[sflag:s29] =	ssyncadd.s32 $0xFFFFFF80  }
0x2d1: {  	_ =	swait.ge [sflag:s29], $0x80  }
0x2d2: {  	[sflag:s29] =	ssyncset.done $0x0  }
0x2d3: {  	[sflag:s29] =	ssyncadd.s32 $0xFFFFFF80  }
0x2d4: {  	_ =	swait.ge [sflag:s29], $0x80  }
0x2d5: {  	[sflag:s29] =	ssyncset.done $0x0  }
0x2d6: {  	[sflag:s29] =	ssyncadd.s32 $0xFFFFFF80  }
0x2d7: {  	_ =	swait.ge [sflag:s29], $0x80  }
0x2d8: {  	[sflag:s29] =	ssyncset.done $0x0  }
0x2d9: {  	[sflag:s29] =	ssyncadd.s32 $0xFFFFFF80  }
0x2da: {  	_ =	swait.ge [sflag:s29], $0x80  }
0x2db: {  	[sflag:s29] =	ssyncset.done $0x0  }
0x2dc: {  	s8 =	simm.s32 $0xBC00;
	[sflag:s29] =	ssyncadd.s32 $0xFFFFFF80  }
0x2dd: {  	[tilespmem:s8], [sflag:$0x1] =	stream.indirect.gather [spmem:s5], $0x1, s14, s28, $0xb8;
	[tilespmem:$0x10380] =	vst v63  }
0x2de: {  	s20 =	simm.s32 $0xBC80  }
0x2df: {  	[tilespmem:s20], [sflag:$0x1] =	stream.indirect.gather [spmem:s5], $0x1, s23, s28, $0xb8;
	[tilespmem:$0x10380] =	vst v63  }
0x2e0: {  	s8 =	simm.s32 $0xBD00  }
0x2e1: {  	[tilespmem:s8], [sflag:$0x1] =	stream.indirect.gather [spmem:s5], $0x1, s15, s28, $0xb8;
	[tilespmem:$0x10380] =	vst v63  }
0x2e2: {  	s20 =	simm.s32 $0xBD80  }
0x2e3: {  	[tilespmem:s20], [sflag:$0x1] =	stream.indirect.gather [spmem:s5], $0x1, s16, s28, $0xb8;
	[tilespmem:$0x10380] =	vst v63  }
0x2e4: {  	s8 =	simm.s32 $0xBE00  }
0x2e5: {  	[tilespmem:s8], [sflag:$0x1] =	stream.indirect.gather [spmem:s5], $0x1, s0, s28, $0xb8;
	[tilespmem:$0x10380] =	vst v63  }
0x2e6: {  	s20 =	simm.s32 $0xBE80  }
0x2e7: {  	[tilespmem:s20], [sflag:$0x1] =	stream.indirect.gather [spmem:s5], $0x1, s17, s28, $0xb8;
	[tilespmem:$0x10380] =	vst v63  }
0x2e8: {  	s8 =	simm.s32 $0xBF00  }
0x2e9: {  	[tilespmem:s8], [sflag:$0x1] =	stream.indirect.gather [spmem:s5], $0x1, s18, s28, $0xb8;
	[tilespmem:$0x10380] =	vst v63  }
0x2ea: {  	s20 =	simm.s32 $0xBF80  }
0x2eb: {  	[tilespmem:s20], [sflag:$0x1] =	stream.indirect.gather [spmem:s5], $0x1, s7, s28, $0xb8;
	[tilespmem:$0x10380] =	vst v63  }
0x2ec: {  	_ =	swait.ge [sflag:s29], $0x80  }
0x2ed: {  	[sflag:s29] =	ssyncset.done $0x0  }
0x2ee: {  	[sflag:s29] =	ssyncadd.s32 $0xFFFFFF80  }
0x2ef: {  	_ =	swait.ge [sflag:s29], $0x80  }
0x2f0: {  	[sflag:s29] =	ssyncset.done $0x0  }
0x2f1: {  	[sflag:s29] =	ssyncadd.s32 $0xFFFFFF80  }
0x2f2: {  	_ =	swait.ge [sflag:s29], $0x80  }
0x2f3: {  	[sflag:s29] =	ssyncset.done $0x0  }
0x2f4: {  	[sflag:s29] =	ssyncadd.s32 $0xFFFFFF80  }
0x2f5: {  	_ =	swait.ge [sflag:s29], $0x80  }
0x2f6: {  	[sflag:s29] =	ssyncset.done $0x0  }
0x2f7: {  	[sflag:s29] =	ssyncadd.s32 $0xFFFFFF80  }
0x2f8: {  	_ =	swait.ge [sflag:s29], $0x80  }
0x2f9: {  	[sflag:s29] =	ssyncset.done $0x0  }
0x2fa: {  	[sflag:s29] =	ssyncadd.s32 $0xFFFFFF80  }
0x2fb: {  	_ =	swait.ge [sflag:s29], $0x80  }
0x2fc: {  	[sflag:s29] =	ssyncset.done $0x0  }
0x2fd: {  	[sflag:s29] =	ssyncadd.s32 $0xFFFFFF80  }
0x2fe: {  	_ =	swait.ge [sflag:s29], $0x80  }
0x2ff: {  	[sflag:s29] =	ssyncset.done $0x0  }
0x300: {  	[sflag:s29] =	ssyncadd.s32 $0xFFFFFF80  }
0x301: {  	_ =	swait.ge [sflag:s29], $0x80  }
0x302: {  	[sflag:s29] =	ssyncset.done $0x0  }
0x303: {  	s1 =	simm.s32 $0x0;
	[sflag:s29] =	ssyncadd.s32 $0xFFFFFF80  }
0x304: {  	v1 =	vld [tilespmem:s1+$0xA070]  }
0x305: {  	v2 =	vld [tilespmem:s1+$0x2070]  }
0x306: {  	v3 =	vld [tilespmem:s1+$0xA000]  }
0x307: {  	v4 =	vld [tilespmem:s1+$0x2000]  }
0x308: {  	v5 =	vld [tilespmem:s1+$0xA010]  }
0x309: {  	v6 =	vld [tilespmem:s1+$0x2010]  }
0x30a: {  	v7 =	vld [tilespmem:s1+$0xA020]  }
0x30b: {  	v8 =	vld [tilespmem:s1+$0xA030]  }
0x30c: {  	v1 =	vmul.f32 v2, v1;
	v2 =	vld [tilespmem:s1+$0x2020]  }
0x30d: {  	v9 =	vld [tilespmem:s1+$0x2030]  }
0x30e: {  	v10 =	vld [tilespmem:s1+$0x2040];
	v3 =	vmul.f32 v4, v3  }
0x30f: {  	[tilespmem:s1+$0xC070] =	vst v1;
	v1 =	vmul.f32 v6, v5;
	v6 =	vld [tilespmem:s1+$0xA040]  }
0x310: {  	v4 =	vld [tilespmem:s1+$0x2050];
	[tilespmem:s1+$0xC000] =	vst v3  }
0x311: {  	v3 =	vld [tilespmem:s1+$0xA050];
	[tilespmem:s1+$0xC010] =	vst v1;
	v1 =	vmul.f32 v2, v7  }
0x312: {  	v5 =	vld [tilespmem:s1+$0x2060];
	v7 =	vmul.f32 v9, v8  }
0x313: {  	s8 =	simm.s32 $0x80;
	[tilespmem:s1+$0xC020] =	vst v1;
	v1 =	vld [tilespmem:s1+$0xA060]  }
0x314: {  	s20 =	simm.s32 $0x400;
	v6 =	vmul.f32 v10, v6;
	v2 =	vld [tilespmem:s8+$0xA070];
	[tilespmem:s1+$0xC030] =	vst v7  }
.LBB2_8:
0x315: {  	p1 =	sne.s32 s20, $0x7E00;
	v7 =	vld [tilespmem:s8+$0x2070]  }
0x316: {  	v8 =	vld [tilespmem:s8+$0xA000];
	[tilespmem:s1+$0xC040] =	vst v6;
	v3 =	vmul.f32 v4, v3  }
0x317: {  	v4 =	vld [tilespmem:s8+$0x2000]  }
0x318: {  	v6 =	vld [tilespmem:s8+$0xA010];
	[tilespmem:s1+$0xC050] =	vst v3;
	v1 =	vmul.f32 v5, v1  }
0x319: {  	v3 =	vld [tilespmem:s8+$0x2010]  }
0x31a: {  	v5 =	vld [tilespmem:s8+$0xA020];
	v2 =	vmul.f32 v7, v2;
	[tilespmem:s1+$0xC060] =	vst v1;
	s1 =	smov.u32 s8  }
0x31b: {  	v1 =	vld [tilespmem:s1+$0x2020]  }
0x31c: {  	v4 =	vmul.f32 v4, v8;
	v7 =	vld [tilespmem:s1+$0xA030];
	[tilespmem:s1+$0xC070] =	vst v2  }
0x31d: {  	v2 =	vld [tilespmem:s1+$0x2030]  }
0x31e: {  	[tilespmem:s1+$0xC000] =	vst v4;
	v3 =	vmul.f32 v3, v6;
	v6 =	vld [tilespmem:s1+$0xA040]  }
0x31f: {  	v8 =	vld [tilespmem:s1+$0x2040]  }
.Ltmp3:
0x320: {  	[tilespmem:s1+$0xC010] =	vst v3;
	v1 =	vmul.f32 v1, v5;
	v3 =	vld [tilespmem:s1+$0xA050];
	(pc) =	sbr.rel @p1 .LBB2_8-.Ltmp3, $4  }
0x321: {  	v4 =	vld [tilespmem:s1+$0x2050]  }
0x322: {  	[tilespmem:s1+$0xC020] =	vst v1;
	v7 =	vmul.f32 v2, v7;
	v1 =	vld [tilespmem:s1+$0xA060]  }
0x323: {  	s8 =	sshra.s32 s20, $0x2;
	v5 =	vld [tilespmem:s1+$0x2060]  }
0x324: {  	s20 =	sadd.s32 $0x200, s20;
	v2 =	vld [tilespmem:s8+$0xA070];
	[tilespmem:s1+$0xC030] =	vst v7;
	v6 =	vmul.f32 v8, v6  }
0x325: {  	v7 =	vld [tilespmem:s8+$0x2070]  }
0x326: {  	v8 =	vld [tilespmem:s8+$0xA000];
	[tilespmem:s1+$0xC040] =	vst v6;
	v3 =	vmul.f32 v4, v3  }
0x327: {  	v57 =	vld [tilespmem:s8+$0x2000]  }
0x328: {  	v6 =	vld [tilespmem:s8+$0xA010];
	[tilespmem:s1+$0xC050] =	vst v3;
	v1 =	vmul.f32 v5, v1  }
0x329: {  	v3 =	vld [tilespmem:s8+$0x2010]  }
0x32a: {  	v58 =	vld [tilespmem:s8+$0xA020];
	[tilespmem:s1+$0xC060] =	vst v1  }
0x32b: {  	v1 =	vmul.f32 v7, v2;
	v2 =	vld [tilespmem:s8+$0x2020]  }
0x32c: {  	v59 =	vld [tilespmem:s8+$0xA030]  }
0x32d: {  	v60 =	vld [tilespmem:s8+$0xA040]  }
0x32e: {  	v61 =	vld [tilespmem:s8+$0x2040]  }
0x32f: {  	v62 =	vld [tilespmem:s8+$0x2050]  }
0x330: {  	[tilespmem:s8+$0xC070] =	vst v1;
	v1 =	vld [tilespmem:s8+$0x2030];
	v3 =	vmul.f32 v3, v6  }
0x331: {  	v63 =	vld [tilespmem:s8+$0x2060];
	v2 =	vmul.f32 v2, v58  }
0x332: {  	[tilespmem:s8+$0xC010] =	vst v3;
	v3 =	vld [tilespmem:s8+$0xA050]  }
0x333: {  	[tilespmem:s8+$0xC020] =	vst v2;
	v2 =	vld [tilespmem:s8+$0xA060]  }
0x334: {  	v4 =	vmul.f32 v57, v8  }
0x335: {  	v1 =	vmul.f32 v1, v59  }
0x336: {  	[tilespmem:s8+$0xC000] =	vst v4;
	v4 =	vmul.f32 v61, v60  }
0x337: {  	[tilespmem:s8+$0xC030] =	vst v1;
	v1 =	vmul.f32 v62, v3  }
0x338: {  	[tilespmem:s8+$0xC040] =	vst v4;
	v2 =	vmul.f32 v63, v2  }
0x339: {  	[tilespmem:s8+$0xC050] =	vst v1  }
0x33a: {  	[tilespmem:s8+$0xC060] =	vst v2;
	s8 =	simm.s32 $0xC000  }
0x33b: {  	[spmem:s4] =	stream.indirect.scatter.add.f32 [tilespmem:s8], [sflag:$0x1], $0x1, s6, s28, $0xb8;
	[tilespmem:$0x10380] =	vst v63  }
0x33c: {  	s20 =	simm.s32 $0xC080  }
0x33d: {  	[spmem:s4] =	stream.indirect.scatter.add.f32 [tilespmem:s20], [sflag:$0x1], $0x1, s28, s28, $0xb8;
	[tilespmem:$0x10380] =	vst v63  }
0x33e: {  	s8 =	simm.s32 $0xC100  }
0x33f: {  	[spmem:s4] =	stream.indirect.scatter.add.f32 [tilespmem:s8], [sflag:$0x1], $0x1, s25, s28, $0xb8;
	[tilespmem:$0x10380] =	vst v63  }
0x340: {  	s20 =	simm.s32 $0xC180  }
0x341: {  	[spmem:s4] =	stream.indirect.scatter.add.f32 [tilespmem:s20], [sflag:$0x1], $0x1, s31, s28, $0xb8;
	[tilespmem:$0x10380] =	vst v63  }
0x342: {  	s25 =	simm.s32 $0x200;
	s31 =	simm.s32 $0xC200  }
0x343: {  	[spmem:s4] =	stream.indirect.scatter.add.f32 [tilespmem:s31], [sflag:$0x1], $0x1, s25, s28, $0xb8;
	[tilespmem:$0x10380] =	vst v63  }
0x344: {  	s8 =	simm.s32 $0x280;
	s20 =	simm.s32 $0xC280  }
0x345: {  	[spmem:s4] =	stream.indirect.scatter.add.f32 [tilespmem:s20], [sflag:$0x1], $0x1, s8, s28, $0xb8;
	[tilespmem:$0x10380] =	vst v63  }
0x346: {  	s25 =	simm.s32 $0x300;
	s31 =	simm.s32 $0xC300  }
0x347: {  	[spmem:s4] =	stream.indirect.scatter.add.f32 [tilespmem:s31], [sflag:$0x1], $0x1, s25, s28, $0xb8;
	[tilespmem:$0x10380] =	vst v63  }
0x348: {  	s8 =	simm.s32 $0x380;
	s20 =	simm.s32 $0xC380  }
0x349: {  	[spmem:s4] =	stream.indirect.scatter.add.f32 [tilespmem:s20], [sflag:$0x1], $0x1, s8, s28, $0xb8;
	[tilespmem:$0x10380] =	vst v63  }
0x34a: {  	_ =	swait.ge [sflag:s29], $0x80  }
0x34b: {  	[sflag:s29] =	ssyncset.done $0x0  }
0x34c: {  	[sflag:s29] =	ssyncadd.s32 $0xFFFFFF80  }
0x34d: {  	_ =	swait.ge [sflag:s29], $0x80  }
0x34e: {  	[sflag:s29] =	ssyncset.done $0x0  }
0x34f: {  	[sflag:s29] =	ssyncadd.s32 $0xFFFFFF80  }
0x350: {  	_ =	swait.ge [sflag:s29], $0x80  }
0x351: {  	[sflag:s29] =	ssyncset.done $0x0  }
0x352: {  	[sflag:s29] =	ssyncadd.s32 $0xFFFFFF80  }
0x353: {  	_ =	swait.ge [sflag:s29], $0x80  }
0x354: {  	[sflag:s29] =	ssyncset.done $0x0  }
0x355: {  	[sflag:s29] =	ssyncadd.s32 $0xFFFFFF80  }
0x356: {  	_ =	swait.ge [sflag:s29], $0x80  }
0x357: {  	[sflag:s29] =	ssyncset.done $0x0  }
0x358: {  	[sflag:s29] =	ssyncadd.s32 $0xFFFFFF80  }
0x359: {  	_ =	swait.ge [sflag:s29], $0x80  }
0x35a: {  	[sflag:s29] =	ssyncset.done $0x0  }
0x35b: {  	[sflag:s29] =	ssyncadd.s32 $0xFFFFFF80  }
0x35c: {  	_ =	swait.ge [sflag:s29], $0x80  }
0x35d: {  	[sflag:s29] =	ssyncset.done $0x0  }
0x35e: {  	[sflag:s29] =	ssyncadd.s32 $0xFFFFFF80  }
0x35f: {  	_ =	swait.ge [sflag:s29], $0x80  }
0x360: {  	[sflag:s29] =	ssyncset.done $0x0  }
0x361: {  	s25 =	simm.s32 $0x400;
	s31 =	simm.s32 $0xC400;
	[sflag:s29] =	ssyncadd.s32 $0xFFFFFF80  }
0x362: {  	[spmem:s4] =	stream.indirect.scatter.add.f32 [tilespmem:s31], [sflag:$0x1], $0x1, s25, s28, $0xb8;
	[tilespmem:$0x10380] =	vst v63  }
0x363: {  	s8 =	simm.s32 $0x480;
	s20 =	simm.s32 $0xC480  }
0x364: {  	[spmem:s4] =	stream.indirect.scatter.add.f32 [tilespmem:s20], [sflag:$0x1], $0x1, s8, s28, $0xb8;
	[tilespmem:$0x10380] =	vst v63  }
0x365: {  	s25 =	simm.s32 $0x500;
	s31 =	simm.s32 $0xC500  }
0x366: {  	[spmem:s4] =	stream.indirect.scatter.add.f32 [tilespmem:s31], [sflag:$0x1], $0x1, s25, s28, $0xb8;
	[tilespmem:$0x10380] =	vst v63  }
0x367: {  	s8 =	simm.s32 $0x580;
	s20 =	simm.s32 $0xC580  }
0x368: {  	[spmem:s4] =	stream.indirect.scatter.add.f32 [tilespmem:s20], [sflag:$0x1], $0x1, s8, s28, $0xb8;
	[tilespmem:$0x10380] =	vst v63  }
0x369: {  	s25 =	simm.s32 $0x600;
	s31 =	simm.s32 $0xC600  }
0x36a: {  	[spmem:s4] =	stream.indirect.scatter.add.f32 [tilespmem:s31], [sflag:$0x1], $0x1, s25, s28, $0xb8;
	[tilespmem:$0x10380] =	vst v63  }
0x36b: {  	s8 =	simm.s32 $0x680;
	s20 =	simm.s32 $0xC680  }
0x36c: {  	[spmem:s4] =	stream.indirect.scatter.add.f32 [tilespmem:s20], [sflag:$0x1], $0x1, s8, s28, $0xb8;
	[tilespmem:$0x10380] =	vst v63  }
0x36d: {  	s25 =	simm.s32 $0x700;
	s31 =	simm.s32 $0xC700  }
0x36e: {  	[spmem:s4] =	stream.indirect.scatter.add.f32 [tilespmem:s31], [sflag:$0x1], $0x1, s25, s28, $0xb8;
	[tilespmem:$0x10380] =	vst v63  }
0x36f: {  	s8 =	simm.s32 $0x780;
	s20 =	simm.s32 $0xC780  }
0x370: {  	[spmem:s4] =	stream.indirect.scatter.add.f32 [tilespmem:s20], [sflag:$0x1], $0x1, s8, s28, $0xb8;
	[tilespmem:$0x10380] =	vst v63  }
0x371: {  	_ =	swait.ge [sflag:s29], $0x80  }
0x372: {  	[sflag:s29] =	ssyncset.done $0x0  }
0x373: {  	[sflag:s29] =	ssyncadd.s32 $0xFFFFFF80  }
0x374: {  	_ =	swait.ge [sflag:s29], $0x80  }
0x375: {  	[sflag:s29] =	ssyncset.done $0x0  }
0x376: {  	[sflag:s29] =	ssyncadd.s32 $0xFFFFFF80  }
0x377: {  	_ =	swait.ge [sflag:s29], $0x80  }
0x378: {  	[sflag:s29] =	ssyncset.done $0x0  }
0x379: {  	[sflag:s29] =	ssyncadd.s32 $0xFFFFFF80  }
0x37a: {  	_ =	swait.ge [sflag:s29], $0x80  }
0x37b: {  	[sflag:s29] =	ssyncset.done $0x0  }
0x37c: {  	[sflag:s29] =	ssyncadd.s32 $0xFFFFFF80  }
0x37d: {  	_ =	swait.ge [sflag:s29], $0x80  }
0x37e: {  	[sflag:s29] =	ssyncset.done $0x0  }
0x37f: {  	[sflag:s29] =	ssyncadd.s32 $0xFFFFFF80  }
0x380: {  	_ =	swait.ge [sflag:s29], $0x80  }
0x381: {  	[sflag:s29] =	ssyncset.done $0x0  }
0x382: {  	[sflag:s29] =	ssyncadd.s32 $0xFFFFFF80  }
0x383: {  	_ =	swait.ge [sflag:s29], $0x80  }
0x384: {  	[sflag:s29] =	ssyncset.done $0x0  }
0x385: {  	[sflag:s29] =	ssyncadd.s32 $0xFFFFFF80  }
0x386: {  	_ =	swait.ge [sflag:s29], $0x80  }
0x387: {  	[sflag:s29] =	ssyncset.done $0x0  }
0x388: {  	s25 =	simm.s32 $0x800;
	s31 =	simm.s32 $0xC800;
	[sflag:s29] =	ssyncadd.s32 $0xFFFFFF80  }
0x389: {  	[spmem:s4] =	stream.indirect.scatter.add.f32 [tilespmem:s31], [sflag:$0x1], $0x1, s25, s28, $0xb8;
	[tilespmem:$0x10380] =	vst v63  }
0x38a: {  	s8 =	simm.s32 $0x880;
	s20 =	simm.s32 $0xC880  }
0x38b: {  	[spmem:s4] =	stream.indirect.scatter.add.f32 [tilespmem:s20], [sflag:$0x1], $0x1, s8, s28, $0xb8;
	[tilespmem:$0x10380] =	vst v63  }
0x38c: {  	s25 =	simm.s32 $0x900;
	s31 =	simm.s32 $0xC900  }
0x38d: {  	[spmem:s4] =	stream.indirect.scatter.add.f32 [tilespmem:s31], [sflag:$0x1], $0x1, s25, s28, $0xb8;
	[tilespmem:$0x10380] =	vst v63  }
0x38e: {  	s8 =	simm.s32 $0x980;
	s20 =	simm.s32 $0xC980  }
0x38f: {  	[spmem:s4] =	stream.indirect.scatter.add.f32 [tilespmem:s20], [sflag:$0x1], $0x1, s8, s28, $0xb8;
	[tilespmem:$0x10380] =	vst v63  }
0x390: {  	s25 =	simm.s32 $0xA00;
	s31 =	simm.s32 $0xCA00  }
0x391: {  	[spmem:s4] =	stream.indirect.scatter.add.f32 [tilespmem:s31], [sflag:$0x1], $0x1, s25, s28, $0xb8;
	[tilespmem:$0x10380] =	vst v63  }
0x392: {  	s8 =	simm.s32 $0xA80;
	s20 =	simm.s32 $0xCA80  }
0x393: {  	[spmem:s4] =	stream.indirect.scatter.add.f32 [tilespmem:s20], [sflag:$0x1], $0x1, s8, s28, $0xb8;
	[tilespmem:$0x10380] =	vst v63  }
0x394: {  	s25 =	simm.s32 $0xB00;
	s31 =	simm.s32 $0xCB00  }
0x395: {  	[spmem:s4] =	stream.indirect.scatter.add.f32 [tilespmem:s31], [sflag:$0x1], $0x1, s25, s28, $0xb8;
	[tilespmem:$0x10380] =	vst v63  }
0x396: {  	s8 =	simm.s32 $0xB80;
	s20 =	simm.s32 $0xCB80  }
0x397: {  	[spmem:s4] =	stream.indirect.scatter.add.f32 [tilespmem:s20], [sflag:$0x1], $0x1, s8, s28, $0xb8;
	[tilespmem:$0x10380] =	vst v63  }
0x398: {  	_ =	swait.ge [sflag:s29], $0x80  }
0x399: {  	[sflag:s29] =	ssyncset.done $0x0  }
0x39a: {  	[sflag:s29] =	ssyncadd.s32 $0xFFFFFF80  }
0x39b: {  	_ =	swait.ge [sflag:s29], $0x80  }
0x39c: {  	[sflag:s29] =	ssyncset.done $0x0  }
0x39d: {  	[sflag:s29] =	ssyncadd.s32 $0xFFFFFF80  }
0x39e: {  	_ =	swait.ge [sflag:s29], $0x80  }
0x39f: {  	[sflag:s29] =	ssyncset.done $0x0  }
0x3a0: {  	[sflag:s29] =	ssyncadd.s32 $0xFFFFFF80  }
0x3a1: {  	_ =	swait.ge [sflag:s29], $0x80  }
0x3a2: {  	[sflag:s29] =	ssyncset.done $0x0  }
0x3a3: {  	[sflag:s29] =	ssyncadd.s32 $0xFFFFFF80  }
0x3a4: {  	_ =	swait.ge [sflag:s29], $0x80  }
0x3a5: {  	[sflag:s29] =	ssyncset.done $0x0  }
0x3a6: {  	[sflag:s29] =	ssyncadd.s32 $0xFFFFFF80  }
0x3a7: {  	_ =	swait.ge [sflag:s29], $0x80  }
0x3a8: {  	[sflag:s29] =	ssyncset.done $0x0  }
0x3a9: {  	[sflag:s29] =	ssyncadd.s32 $0xFFFFFF80  }
0x3aa: {  	_ =	swait.ge [sflag:s29], $0x80  }
0x3ab: {  	[sflag:s29] =	ssyncset.done $0x0  }
0x3ac: {  	[sflag:s29] =	ssyncadd.s32 $0xFFFFFF80  }
0x3ad: {  	_ =	swait.ge [sflag:s29], $0x80  }
0x3ae: {  	[sflag:s29] =	ssyncset.done $0x0  }
0x3af: {  	s25 =	simm.s32 $0xC00;
	s31 =	simm.s32 $0xCC00;
	[sflag:s29] =	ssyncadd.s32 $0xFFFFFF80  }
0x3b0: {  	[spmem:s4] =	stream.indirect.scatter.add.f32 [tilespmem:s31], [sflag:$0x1], $0x1, s25, s28, $0xb8;
	[tilespmem:$0x10380] =	vst v63  }
0x3b1: {  	s8 =	simm.s32 $0xC80;
	s20 =	simm.s32 $0xCC80  }
0x3b2: {  	[spmem:s4] =	stream.indirect.scatter.add.f32 [tilespmem:s20], [sflag:$0x1], $0x1, s8, s28, $0xb8;
	[tilespmem:$0x10380] =	vst v63  }
0x3b3: {  	s25 =	simm.s32 $0xD00;
	s31 =	simm.s32 $0xCD00  }
0x3b4: {  	[spmem:s4] =	stream.indirect.scatter.add.f32 [tilespmem:s31], [sflag:$0x1], $0x1, s25, s28, $0xb8;
	[tilespmem:$0x10380] =	vst v63  }
0x3b5: {  	s8 =	simm.s32 $0xD80;
	s20 =	simm.s32 $0xCD80  }
0x3b6: {  	[spmem:s4] =	stream.indirect.scatter.add.f32 [tilespmem:s20], [sflag:$0x1], $0x1, s8, s28, $0xb8;
	[tilespmem:$0x10380] =	vst v63  }
0x3b7: {  	s25 =	simm.s32 $0xE00;
	s31 =	simm.s32 $0xCE00  }
0x3b8: {  	[spmem:s4] =	stream.indirect.scatter.add.f32 [tilespmem:s31], [sflag:$0x1], $0x1, s25, s28, $0xb8;
	[tilespmem:$0x10380] =	vst v63  }
0x3b9: {  	s8 =	simm.s32 $0xE80;
	s20 =	simm.s32 $0xCE80  }
0x3ba: {  	[spmem:s4] =	stream.indirect.scatter.add.f32 [tilespmem:s20], [sflag:$0x1], $0x1, s8, s28, $0xb8;
	[tilespmem:$0x10380] =	vst v63  }
0x3bb: {  	s25 =	simm.s32 $0xF00;
	s31 =	simm.s32 $0xCF00  }
0x3bc: {  	[spmem:s4] =	stream.indirect.scatter.add.f32 [tilespmem:s31], [sflag:$0x1], $0x1, s25, s28, $0xb8;
	[tilespmem:$0x10380] =	vst v63  }
0x3bd: {  	s8 =	simm.s32 $0xF80;
	s20 =	simm.s32 $0xCF80  }
0x3be: {  	[spmem:s4] =	stream.indirect.scatter.add.f32 [tilespmem:s20], [sflag:$0x1], $0x1, s8, s28, $0xb8;
	[tilespmem:$0x10380] =	vst v63  }
0x3bf: {  	_ =	swait.ge [sflag:s29], $0x80  }
0x3c0: {  	[sflag:s29] =	ssyncset.done $0x0  }
0x3c1: {  	[sflag:s29] =	ssyncadd.s32 $0xFFFFFF80  }
0x3c2: {  	_ =	swait.ge [sflag:s29], $0x80  }
0x3c3: {  	[sflag:s29] =	ssyncset.done $0x0  }
0x3c4: {  	[sflag:s29] =	ssyncadd.s32 $0xFFFFFF80  }
0x3c5: {  	_ =	swait.ge [sflag:s29], $0x80  }
0x3c6: {  	[sflag:s29] =	ssyncset.done $0x0  }
0x3c7: {  	[sflag:s29] =	ssyncadd.s32 $0xFFFFFF80  }
0x3c8: {  	_ =	swait.ge [sflag:s29], $0x80  }
0x3c9: {  	[sflag:s29] =	ssyncset.done $0x0  }
0x3ca: {  	[sflag:s29] =	ssyncadd.s32 $0xFFFFFF80  }
0x3cb: {  	_ =	swait.ge [sflag:s29], $0x80  }
0x3cc: {  	[sflag:s29] =	ssyncset.done $0x0  }
0x3cd: {  	[sflag:s29] =	ssyncadd.s32 $0xFFFFFF80  }
0x3ce: {  	_ =	swait.ge [sflag:s29], $0x80  }
0x3cf: {  	[sflag:s29] =	ssyncset.done $0x0  }
0x3d0: {  	[sflag:s29] =	ssyncadd.s32 $0xFFFFFF80  }
0x3d1: {  	_ =	swait.ge [sflag:s29], $0x80  }
0x3d2: {  	[sflag:s29] =	ssyncset.done $0x0  }
0x3d3: {  	[sflag:s29] =	ssyncadd.s32 $0xFFFFFF80  }
0x3d4: {  	_ =	swait.ge [sflag:s29], $0x80  }
0x3d5: {  	[sflag:s29] =	ssyncset.done $0x0  }
0x3d6: {  	s25 =	simm.s32 $0x1000;
	s31 =	simm.s32 $0xD000;
	[sflag:s29] =	ssyncadd.s32 $0xFFFFFF80  }
0x3d7: {  	[spmem:s4] =	stream.indirect.scatter.add.f32 [tilespmem:s31], [sflag:$0x1], $0x1, s25, s28, $0xb8;
	[tilespmem:$0x10380] =	vst v63  }
0x3d8: {  	s8 =	simm.s32 $0x1080;
	s20 =	simm.s32 $0xD080  }
0x3d9: {  	[spmem:s4] =	stream.indirect.scatter.add.f32 [tilespmem:s20], [sflag:$0x1], $0x1, s8, s28, $0xb8;
	[tilespmem:$0x10380] =	vst v63  }
0x3da: {  	s25 =	simm.s32 $0x1100;
	s31 =	simm.s32 $0xD100  }
0x3db: {  	[spmem:s4] =	stream.indirect.scatter.add.f32 [tilespmem:s31], [sflag:$0x1], $0x1, s25, s28, $0xb8;
	[tilespmem:$0x10380] =	vst v63  }
0x3dc: {  	s8 =	simm.s32 $0x1180;
	s20 =	simm.s32 $0xD180  }
0x3dd: {  	[spmem:s4] =	stream.indirect.scatter.add.f32 [tilespmem:s20], [sflag:$0x1], $0x1, s8, s28, $0xb8;
	[tilespmem:$0x10380] =	vst v63  }
0x3de: {  	s25 =	simm.s32 $0x1200;
	s31 =	simm.s32 $0xD200  }
0x3df: {  	[spmem:s4] =	stream.indirect.scatter.add.f32 [tilespmem:s31], [sflag:$0x1], $0x1, s25, s28, $0xb8;
	[tilespmem:$0x10380] =	vst v63  }
0x3e0: {  	s8 =	simm.s32 $0x1280;
	s20 =	simm.s32 $0xD280  }
0x3e1: {  	[spmem:s4] =	stream.indirect.scatter.add.f32 [tilespmem:s20], [sflag:$0x1], $0x1, s8, s28, $0xb8;
	[tilespmem:$0x10380] =	vst v63  }
0x3e2: {  	s25 =	simm.s32 $0x1300;
	s31 =	simm.s32 $0xD300  }
0x3e3: {  	[spmem:s4] =	stream.indirect.scatter.add.f32 [tilespmem:s31], [sflag:$0x1], $0x1, s25, s28, $0xb8;
	[tilespmem:$0x10380] =	vst v63  }
0x3e4: {  	s8 =	simm.s32 $0x1380;
	s20 =	simm.s32 $0xD380  }
0x3e5: {  	[spmem:s4] =	stream.indirect.scatter.add.f32 [tilespmem:s20], [sflag:$0x1], $0x1, s8, s28, $0xb8;
	[tilespmem:$0x10380] =	vst v63  }
0x3e6: {  	_ =	swait.ge [sflag:s29], $0x80  }
0x3e7: {  	[sflag:s29] =	ssyncset.done $0x0  }
0x3e8: {  	[sflag:s29] =	ssyncadd.s32 $0xFFFFFF80  }
0x3e9: {  	_ =	swait.ge [sflag:s29], $0x80  }
0x3ea: {  	[sflag:s29] =	ssyncset.done $0x0  }
0x3eb: {  	[sflag:s29] =	ssyncadd.s32 $0xFFFFFF80  }
0x3ec: {  	_ =	swait.ge [sflag:s29], $0x80  }
0x3ed: {  	[sflag:s29] =	ssyncset.done $0x0  }
0x3ee: {  	[sflag:s29] =	ssyncadd.s32 $0xFFFFFF80  }
0x3ef: {  	_ =	swait.ge [sflag:s29], $0x80  }
0x3f0: {  	[sflag:s29] =	ssyncset.done $0x0  }
0x3f1: {  	[sflag:s29] =	ssyncadd.s32 $0xFFFFFF80  }
0x3f2: {  	_ =	swait.ge [sflag:s29], $0x80  }
0x3f3: {  	[sflag:s29] =	ssyncset.done $0x0  }
0x3f4: {  	[sflag:s29] =	ssyncadd.s32 $0xFFFFFF80  }
0x3f5: {  	_ =	swait.ge [sflag:s29], $0x80  }
0x3f6: {  	[sflag:s29] =	ssyncset.done $0x0  }
0x3f7: {  	[sflag:s29] =	ssyncadd.s32 $0xFFFFFF80  }
0x3f8: {  	_ =	swait.ge [sflag:s29], $0x80  }
0x3f9: {  	[sflag:s29] =	ssyncset.done $0x0  }
0x3fa: {  	[sflag:s29] =	ssyncadd.s32 $0xFFFFFF80  }
0x3fb: {  	_ =	swait.ge [sflag:s29], $0x80  }
0x3fc: {  	[sflag:s29] =	ssyncset.done $0x0  }
0x3fd: {  	s25 =	simm.s32 $0x1400;
	s31 =	simm.s32 $0xD400;
	[sflag:s29] =	ssyncadd.s32 $0xFFFFFF80  }
0x3fe: {  	[spmem:s4] =	stream.indirect.scatter.add.f32 [tilespmem:s31], [sflag:$0x1], $0x1, s25, s28, $0xb8;
	[tilespmem:$0x10380] =	vst v63  }
0x3ff: {  	s8 =	simm.s32 $0x1480;
	s20 =	simm.s32 $0xD480  }
0x400: {  	[spmem:s4] =	stream.indirect.scatter.add.f32 [tilespmem:s20], [sflag:$0x1], $0x1, s8, s28, $0xb8;
	[tilespmem:$0x10380] =	vst v63  }
0x401: {  	s25 =	simm.s32 $0x1500;
	s31 =	simm.s32 $0xD500  }
0x402: {  	[spmem:s4] =	stream.indirect.scatter.add.f32 [tilespmem:s31], [sflag:$0x1], $0x1, s25, s28, $0xb8;
	[tilespmem:$0x10380] =	vst v63  }
0x403: {  	s8 =	simm.s32 $0x1580;
	s20 =	simm.s32 $0xD580  }
0x404: {  	[spmem:s4] =	stream.indirect.scatter.add.f32 [tilespmem:s20], [sflag:$0x1], $0x1, s8, s28, $0xb8;
	[tilespmem:$0x10380] =	vst v63  }
0x405: {  	s25 =	simm.s32 $0x1600;
	s31 =	simm.s32 $0xD600  }
0x406: {  	[spmem:s4] =	stream.indirect.scatter.add.f32 [tilespmem:s31], [sflag:$0x1], $0x1, s25, s28, $0xb8;
	[tilespmem:$0x10380] =	vst v63  }
0x407: {  	s8 =	simm.s32 $0x1680;
	s20 =	simm.s32 $0xD680  }
0x408: {  	[spmem:s4] =	stream.indirect.scatter.add.f32 [tilespmem:s20], [sflag:$0x1], $0x1, s8, s28, $0xb8;
	[tilespmem:$0x10380] =	vst v63  }
0x409: {  	s25 =	simm.s32 $0x1700;
	s31 =	simm.s32 $0xD700  }
0x40a: {  	[spmem:s4] =	stream.indirect.scatter.add.f32 [tilespmem:s31], [sflag:$0x1], $0x1, s25, s28, $0xb8;
	[tilespmem:$0x10380] =	vst v63  }
0x40b: {  	s8 =	simm.s32 $0x1780;
	s20 =	simm.s32 $0xD780  }
0x40c: {  	[spmem:s4] =	stream.indirect.scatter.add.f32 [tilespmem:s20], [sflag:$0x1], $0x1, s8, s28, $0xb8;
	[tilespmem:$0x10380] =	vst v63  }
0x40d: {  	_ =	swait.ge [sflag:s29], $0x80  }
0x40e: {  	[sflag:s29] =	ssyncset.done $0x0  }
0x40f: {  	[sflag:s29] =	ssyncadd.s32 $0xFFFFFF80  }
0x410: {  	_ =	swait.ge [sflag:s29], $0x80  }
0x411: {  	[sflag:s29] =	ssyncset.done $0x0  }
0x412: {  	[sflag:s29] =	ssyncadd.s32 $0xFFFFFF80  }
0x413: {  	_ =	swait.ge [sflag:s29], $0x80  }
0x414: {  	[sflag:s29] =	ssyncset.done $0x0  }
0x415: {  	[sflag:s29] =	ssyncadd.s32 $0xFFFFFF80  }
0x416: {  	_ =	swait.ge [sflag:s29], $0x80  }
0x417: {  	[sflag:s29] =	ssyncset.done $0x0  }
0x418: {  	[sflag:s29] =	ssyncadd.s32 $0xFFFFFF80  }
0x419: {  	_ =	swait.ge [sflag:s29], $0x80  }
0x41a: {  	[sflag:s29] =	ssyncset.done $0x0  }
0x41b: {  	[sflag:s29] =	ssyncadd.s32 $0xFFFFFF80  }
0x41c: {  	_ =	swait.ge [sflag:s29], $0x80  }
0x41d: {  	[sflag:s29] =	ssyncset.done $0x0  }
0x41e: {  	[sflag:s29] =	ssyncadd.s32 $0xFFFFFF80  }
0x41f: {  	_ =	swait.ge [sflag:s29], $0x80  }
0x420: {  	[sflag:s29] =	ssyncset.done $0x0  }
0x421: {  	[sflag:s29] =	ssyncadd.s32 $0xFFFFFF80  }
0x422: {  	_ =	swait.ge [sflag:s29], $0x80  }
0x423: {  	[sflag:s29] =	ssyncset.done $0x0  }
0x424: {  	s25 =	simm.s32 $0x1800;
	s31 =	simm.s32 $0xD800;
	[sflag:s29] =	ssyncadd.s32 $0xFFFFFF80  }
0x425: {  	[spmem:s4] =	stream.indirect.scatter.add.f32 [tilespmem:s31], [sflag:$0x1], $0x1, s25, s28, $0xb8;
	[tilespmem:$0x10380] =	vst v63  }
0x426: {  	s8 =	simm.s32 $0x1880;
	s20 =	simm.s32 $0xD880  }
0x427: {  	[spmem:s4] =	stream.indirect.scatter.add.f32 [tilespmem:s20], [sflag:$0x1], $0x1, s8, s28, $0xb8;
	[tilespmem:$0x10380] =	vst v63  }
0x428: {  	s25 =	simm.s32 $0x1900;
	s31 =	simm.s32 $0xD900  }
0x429: {  	[spmem:s4] =	stream.indirect.scatter.add.f32 [tilespmem:s31], [sflag:$0x1], $0x1, s25, s28, $0xb8;
	[tilespmem:$0x10380] =	vst v63  }
0x42a: {  	s8 =	simm.s32 $0x1980;
	s20 =	simm.s32 $0xD980  }
0x42b: {  	[spmem:s4] =	stream.indirect.scatter.add.f32 [tilespmem:s20], [sflag:$0x1], $0x1, s8, s28, $0xb8;
	[tilespmem:$0x10380] =	vst v63  }
0x42c: {  	s25 =	simm.s32 $0xDA00  }
0x42d: {  	[spmem:s4] =	stream.indirect.scatter.add.f32 [tilespmem:s25], [sflag:$0x1], $0x1, s2, s28, $0xb8;
	[tilespmem:$0x10380] =	vst v63  }
0x42e: {  	s31 =	simm.s32 $0xDA80  }
0x42f: {  	[spmem:s4] =	stream.indirect.scatter.add.f32 [tilespmem:s31], [sflag:$0x1], $0x1, s12, s28, $0xb8;
	[tilespmem:$0x10380] =	vst v63  }
0x430: {  	s8 =	simm.s32 $0xDB00  }
0x431: {  	[spmem:s4] =	stream.indirect.scatter.add.f32 [tilespmem:s8], [sflag:$0x1], $0x1, s26, s28, $0xb8;
	[tilespmem:$0x10380] =	vst v63  }
0x432: {  	s20 =	simm.s32 $0xDB80  }
0x433: {  	[spmem:s4] =	stream.indirect.scatter.add.f32 [tilespmem:s20], [sflag:$0x1], $0x1, s13, s28, $0xb8;
	[tilespmem:$0x10380] =	vst v63  }
0x434: {  	_ =	swait.ge [sflag:s29], $0x80  }
0x435: {  	[sflag:s29] =	ssyncset.done $0x0  }
0x436: {  	[sflag:s29] =	ssyncadd.s32 $0xFFFFFF80  }
0x437: {  	_ =	swait.ge [sflag:s29], $0x80  }
0x438: {  	[sflag:s29] =	ssyncset.done $0x0  }
0x439: {  	[sflag:s29] =	ssyncadd.s32 $0xFFFFFF80  }
0x43a: {  	_ =	swait.ge [sflag:s29], $0x80  }
0x43b: {  	[sflag:s29] =	ssyncset.done $0x0  }
0x43c: {  	[sflag:s29] =	ssyncadd.s32 $0xFFFFFF80  }
0x43d: {  	_ =	swait.ge [sflag:s29], $0x80  }
0x43e: {  	[sflag:s29] =	ssyncset.done $0x0  }
0x43f: {  	[sflag:s29] =	ssyncadd.s32 $0xFFFFFF80  }
0x440: {  	_ =	swait.ge [sflag:s29], $0x80  }
0x441: {  	[sflag:s29] =	ssyncset.done $0x0  }
0x442: {  	[sflag:s29] =	ssyncadd.s32 $0xFFFFFF80  }
0x443: {  	_ =	swait.ge [sflag:s29], $0x80  }
0x444: {  	[sflag:s29] =	ssyncset.done $0x0  }
0x445: {  	[sflag:s29] =	ssyncadd.s32 $0xFFFFFF80  }
0x446: {  	_ =	swait.ge [sflag:s29], $0x80  }
0x447: {  	[sflag:s29] =	ssyncset.done $0x0  }
0x448: {  	[sflag:s29] =	ssyncadd.s32 $0xFFFFFF80  }
0x449: {  	_ =	swait.ge [sflag:s29], $0x80  }
0x44a: {  	[sflag:s29] =	ssyncset.done $0x0  }
0x44b: {  	s25 =	simm.s32 $0xDC00;
	[sflag:s29] =	ssyncadd.s32 $0xFFFFFF80  }
0x44c: {  	[spmem:s4] =	stream.indirect.scatter.add.f32 [tilespmem:s25], [sflag:$0x1], $0x1, s14, s28, $0xb8;
	[tilespmem:$0x10380] =	vst v63  }
0x44d: {  	s31 =	simm.s32 $0xDC80  }
0x44e: {  	[spmem:s4] =	stream.indirect.scatter.add.f32 [tilespmem:s31], [sflag:$0x1], $0x1, s23, s28, $0xb8;
	[tilespmem:$0x10380] =	vst v63  }
0x44f: {  	s8 =	simm.s32 $0xDD00  }
0x450: {  	[spmem:s4] =	stream.indirect.scatter.add.f32 [tilespmem:s8], [sflag:$0x1], $0x1, s15, s28, $0xb8;
	[tilespmem:$0x10380] =	vst v63  }
0x451: {  	s20 =	simm.s32 $0xDD80  }
0x452: {  	[spmem:s4] =	stream.indirect.scatter.add.f32 [tilespmem:s20], [sflag:$0x1], $0x1, s16, s28, $0xb8;
	[tilespmem:$0x10380] =	vst v63  }
0x453: {  	s25 =	simm.s32 $0xDE00  }
0x454: {  	[spmem:s4] =	stream.indirect.scatter.add.f32 [tilespmem:s25], [sflag:$0x1], $0x1, s0, s28, $0xb8;
	[tilespmem:$0x10380] =	vst v63  }
0x455: {  	s31 =	simm.s32 $0xDE80  }
0x456: {  	[spmem:s4] =	stream.indirect.scatter.add.f32 [tilespmem:s31], [sflag:$0x1], $0x1, s17, s28, $0xb8;
	[tilespmem:$0x10380] =	vst v63  }
0x457: {  	s8 =	simm.s32 $0xDF00  }
0x458: {  	[spmem:s4] =	stream.indirect.scatter.add.f32 [tilespmem:s8], [sflag:$0x1], $0x1, s18, s28, $0xb8;
	[tilespmem:$0x10380] =	vst v63  }
0x459: {  	s20 =	simm.s32 $0xDF80  }
0x45a: {  	[spmem:s4] =	stream.indirect.scatter.add.f32 [tilespmem:s20], [sflag:$0x1], $0x1, s7, s28, $0xb8;
	[tilespmem:$0x10380] =	vst v63  }
0x45b: {  	_ =	swait.ge [sflag:s29], $0x80  }
0x45c: {  	[sflag:s29] =	ssyncset.done $0x0  }
0x45d: {  	[sflag:s29] =	ssyncadd.s32 $0xFFFFFF80  }
0x45e: {  	_ =	swait.ge [sflag:s29], $0x80  }
0x45f: {  	[sflag:s29] =	ssyncset.done $0x0  }
0x460: {  	[sflag:s29] =	ssyncadd.s32 $0xFFFFFF80  }
0x461: {  	_ =	swait.ge [sflag:s29], $0x80  }
0x462: {  	[sflag:s29] =	ssyncset.done $0x0  }
0x463: {  	[sflag:s29] =	ssyncadd.s32 $0xFFFFFF80  }
0x464: {  	_ =	swait.ge [sflag:s29], $0x80  }
0x465: {  	[sflag:s29] =	ssyncset.done $0x0  }
0x466: {  	[sflag:s29] =	ssyncadd.s32 $0xFFFFFF80  }
0x467: {  	_ =	swait.ge [sflag:s29], $0x80  }
0x468: {  	[sflag:s29] =	ssyncset.done $0x0  }
0x469: {  	[sflag:s29] =	ssyncadd.s32 $0xFFFFFF80  }
0x46a: {  	_ =	swait.ge [sflag:s29], $0x80  }
0x46b: {  	[sflag:s29] =	ssyncset.done $0x0  }
0x46c: {  	[sflag:s29] =	ssyncadd.s32 $0xFFFFFF80  }
0x46d: {  	_ =	swait.ge [sflag:s29], $0x80  }
0x46e: {  	[sflag:s29] =	ssyncset.done $0x0  }
0x46f: {  	[sflag:s29] =	ssyncadd.s32 $0xFFFFFF80  }
0x470: {  	_ =	swait.ge [sflag:s29], $0x80  }
0x471: {  	[sflag:s29] =	ssyncset.done $0x0  }
0x472: {  	s1 =	stileid.u32;
	[sflag:s29] =	ssyncadd.s32 $0xFFFFFF80  }
0x473: {  	s1 =	sshll.u32 @!p0 s1, $0x6;
	[bflag:$0x0] =	sbarrier.arrive $0xFFFF  }
0x474: {  	s1 =	sor.u32 @!p0 $0x1C02, s1;
	s8 =	sshrl.u32 @!p0 s4, $0x3;
	s20 =	rddreg [dreg:$0x5]  }
0x475: {  	[hbm:s20], [sflag:s1] =	dma.local @!p0 [spmem:s8], $0x100  }
0x476: {  	s1 =	simm.s32 @!p0 $0x2  }
0x477: {  	_ =	swait.ge @!p0 [sflag:s1], $0x100  }
0x478: {  	[sflag:s1] =	ssyncset.done @!p0 $0x0  }
0x479: {  	s20 =	simm.s32 $0x4000;
	[sflag:s1] =	ssyncadd.s32 @!p0 $0xFFFFFF00  }
0x47a: {  	[tilespmem:s19], [sflag:$0x1] =	stream.indirect.gather [spmem:s4], $0x1, s20, s28, $0xb8;
	[tilespmem:$0x10380] =	vst v63  }
0x47b: {  	s25 =	simm.s32 $0x4080;
	s31 =	simm.s32 $0x7080  }
0x47c: {  	[tilespmem:s31], [sflag:$0x1] =	stream.indirect.gather [spmem:s4], $0x1, s25, s28, $0xb8;
	[tilespmem:$0x10380] =	vst v63  }
0x47d: {  	s25 =	simm.s32 $0x4100;
	s31 =	simm.s32 $0x7100  }
0x47e: {  	[tilespmem:s31], [sflag:$0x1] =	stream.indirect.gather [spmem:s4], $0x1, s25, s28, $0xb8;
	[tilespmem:$0x10380] =	vst v63  }
0x47f: {  	s25 =	simm.s32 $0x4180;
	s31 =	simm.s32 $0x7180  }
0x480: {  	[tilespmem:s31], [sflag:$0x1] =	stream.indirect.gather [spmem:s4], $0x1, s25, s28, $0xb8;
	[tilespmem:$0x10380] =	vst v63  }
0x481: {  	s25 =	simm.s32 $0x4200;
	s31 =	simm.s32 $0x7200  }
0x482: {  	[tilespmem:s31], [sflag:$0x1] =	stream.indirect.gather [spmem:s4], $0x1, s25, s28, $0xb8;
	[tilespmem:$0x10380] =	vst v63  }
0x483: {  	s25 =	simm.s32 $0x4280;
	s31 =	simm.s32 $0x7280  }
0x484: {  	[tilespmem:s31], [sflag:$0x1] =	stream.indirect.gather [spmem:s4], $0x1, s25, s28, $0xb8;
	[tilespmem:$0x10380] =	vst v63  }
0x485: {  	s25 =	simm.s32 $0x4300;
	s31 =	simm.s32 $0x7300  }
0x486: {  	[tilespmem:s31], [sflag:$0x1] =	stream.indirect.gather [spmem:s4], $0x1, s25, s28, $0xb8;
	[tilespmem:$0x10380] =	vst v63  }
0x487: {  	s25 =	simm.s32 $0x4380;
	s31 =	simm.s32 $0x7380  }
0x488: {  	[tilespmem:s31], [sflag:$0x1] =	stream.indirect.gather [spmem:s4], $0x1, s25, s28, $0xb8;
	[tilespmem:$0x10380] =	vst v63  }
0x489: {  	_ =	swait.ge [sflag:s29], $0x80  }
0x48a: {  	[sflag:s29] =	ssyncset.done $0x0  }
0x48b: {  	[sflag:s29] =	ssyncadd.s32 $0xFFFFFF80  }
0x48c: {  	_ =	swait.ge [sflag:s29], $0x80  }
0x48d: {  	[sflag:s29] =	ssyncset.done $0x0  }
0x48e: {  	[sflag:s29] =	ssyncadd.s32 $0xFFFFFF80  }
0x48f: {  	_ =	swait.ge [sflag:s29], $0x80  }
0x490: {  	[sflag:s29] =	ssyncset.done $0x0  }
0x491: {  	[sflag:s29] =	ssyncadd.s32 $0xFFFFFF80  }
0x492: {  	_ =	swait.ge [sflag:s29], $0x80  }
0x493: {  	[sflag:s29] =	ssyncset.done $0x0  }
0x494: {  	[sflag:s29] =	ssyncadd.s32 $0xFFFFFF80  }
0x495: {  	_ =	swait.ge [sflag:s29], $0x80  }
0x496: {  	[sflag:s29] =	ssyncset.done $0x0  }
0x497: {  	[sflag:s29] =	ssyncadd.s32 $0xFFFFFF80  }
0x498: {  	_ =	swait.ge [sflag:s29], $0x80  }
0x499: {  	[sflag:s29] =	ssyncset.done $0x0  }
0x49a: {  	[sflag:s29] =	ssyncadd.s32 $0xFFFFFF80  }
0x49b: {  	_ =	swait.ge [sflag:s29], $0x80  }
0x49c: {  	[sflag:s29] =	ssyncset.done $0x0  }
0x49d: {  	[sflag:s29] =	ssyncadd.s32 $0xFFFFFF80  }
0x49e: {  	_ =	swait.ge [sflag:s29], $0x80  }
0x49f: {  	[sflag:s29] =	ssyncset.done $0x0  }
0x4a0: {  	s25 =	simm.s32 $0x4400;
	s31 =	simm.s32 $0x7400;
	[sflag:s29] =	ssyncadd.s32 $0xFFFFFF80  }
0x4a1: {  	[tilespmem:s31], [sflag:$0x1] =	stream.indirect.gather [spmem:s4], $0x1, s25, s28, $0xb8;
	[tilespmem:$0x10380] =	vst v63  }
0x4a2: {  	s25 =	simm.s32 $0x4480;
	s31 =	simm.s32 $0x7480  }
0x4a3: {  	[tilespmem:s31], [sflag:$0x1] =	stream.indirect.gather [spmem:s4], $0x1, s25, s28, $0xb8;
	[tilespmem:$0x10380] =	vst v63  }
0x4a4: {  	s25 =	simm.s32 $0x4500;
	s31 =	simm.s32 $0x7500  }
0x4a5: {  	[tilespmem:s31], [sflag:$0x1] =	stream.indirect.gather [spmem:s4], $0x1, s25, s28, $0xb8;
	[tilespmem:$0x10380] =	vst v63  }
0x4a6: {  	s25 =	simm.s32 $0x4580;
	s31 =	simm.s32 $0x7580  }
0x4a7: {  	[tilespmem:s31], [sflag:$0x1] =	stream.indirect.gather [spmem:s4], $0x1, s25, s28, $0xb8;
	[tilespmem:$0x10380] =	vst v63  }
0x4a8: {  	s25 =	simm.s32 $0x4600;
	s31 =	simm.s32 $0x7600  }
0x4a9: {  	[tilespmem:s31], [sflag:$0x1] =	stream.indirect.gather [spmem:s4], $0x1, s25, s28, $0xb8;
	[tilespmem:$0x10380] =	vst v63  }
0x4aa: {  	s25 =	simm.s32 $0x4680;
	s31 =	simm.s32 $0x7680  }
0x4ab: {  	[tilespmem:s31], [sflag:$0x1] =	stream.indirect.gather [spmem:s4], $0x1, s25, s28, $0xb8;
	[tilespmem:$0x10380] =	vst v63  }
0x4ac: {  	s25 =	simm.s32 $0x4700;
	s31 =	simm.s32 $0x7700  }
0x4ad: {  	[tilespmem:s31], [sflag:$0x1] =	stream.indirect.gather [spmem:s4], $0x1, s25, s28, $0xb8;
	[tilespmem:$0x10380] =	vst v63  }
0x4ae: {  	s25 =	simm.s32 $0x4780;
	s31 =	simm.s32 $0x7780  }
0x4af: {  	[tilespmem:s31], [sflag:$0x1] =	stream.indirect.gather [spmem:s4], $0x1, s25, s28, $0xb8;
	[tilespmem:$0x10380] =	vst v63  }
0x4b0: {  	_ =	swait.ge [sflag:s29], $0x80  }
0x4b1: {  	[sflag:s29] =	ssyncset.done $0x0  }
0x4b2: {  	[sflag:s29] =	ssyncadd.s32 $0xFFFFFF80  }
0x4b3: {  	_ =	swait.ge [sflag:s29], $0x80  }
0x4b4: {  	[sflag:s29] =	ssyncset.done $0x0  }
0x4b5: {  	[sflag:s29] =	ssyncadd.s32 $0xFFFFFF80  }
0x4b6: {  	_ =	swait.ge [sflag:s29], $0x80  }
0x4b7: {  	[sflag:s29] =	ssyncset.done $0x0  }
0x4b8: {  	[sflag:s29] =	ssyncadd.s32 $0xFFFFFF80  }
0x4b9: {  	_ =	swait.ge [sflag:s29], $0x80  }
0x4ba: {  	[sflag:s29] =	ssyncset.done $0x0  }
0x4bb: {  	[sflag:s29] =	ssyncadd.s32 $0xFFFFFF80  }
0x4bc: {  	_ =	swait.ge [sflag:s29], $0x80  }
0x4bd: {  	[sflag:s29] =	ssyncset.done $0x0  }
0x4be: {  	[sflag:s29] =	ssyncadd.s32 $0xFFFFFF80  }
0x4bf: {  	_ =	swait.ge [sflag:s29], $0x80  }
0x4c0: {  	[sflag:s29] =	ssyncset.done $0x0  }
0x4c1: {  	[sflag:s29] =	ssyncadd.s32 $0xFFFFFF80  }
0x4c2: {  	_ =	swait.ge [sflag:s29], $0x80  }
0x4c3: {  	[sflag:s29] =	ssyncset.done $0x0  }
0x4c4: {  	[sflag:s29] =	ssyncadd.s32 $0xFFFFFF80  }
0x4c5: {  	_ =	swait.ge [sflag:s29], $0x80  }
0x4c6: {  	[sflag:s29] =	ssyncset.done $0x0  }
0x4c7: {  	s25 =	simm.s32 $0x4800;
	s31 =	simm.s32 $0x7800;
	[sflag:s29] =	ssyncadd.s32 $0xFFFFFF80  }
0x4c8: {  	[tilespmem:s31], [sflag:$0x1] =	stream.indirect.gather [spmem:s4], $0x1, s25, s28, $0xb8;
	[tilespmem:$0x10380] =	vst v63  }
0x4c9: {  	s25 =	simm.s32 $0x4880;
	s31 =	simm.s32 $0x7880  }
0x4ca: {  	[tilespmem:s31], [sflag:$0x1] =	stream.indirect.gather [spmem:s4], $0x1, s25, s28, $0xb8;
	[tilespmem:$0x10380] =	vst v63  }
0x4cb: {  	s25 =	simm.s32 $0x4900;
	s31 =	simm.s32 $0x7900  }
0x4cc: {  	[tilespmem:s31], [sflag:$0x1] =	stream.indirect.gather [spmem:s4], $0x1, s25, s28, $0xb8;
	[tilespmem:$0x10380] =	vst v63  }
0x4cd: {  	s25 =	simm.s32 $0x4980;
	s31 =	simm.s32 $0x7980  }
0x4ce: {  	[tilespmem:s31], [sflag:$0x1] =	stream.indirect.gather [spmem:s4], $0x1, s25, s28, $0xb8;
	[tilespmem:$0x10380] =	vst v63  }
0x4cf: {  	s25 =	simm.s32 $0x4A00;
	s31 =	simm.s32 $0x7A00  }
0x4d0: {  	[tilespmem:s31], [sflag:$0x1] =	stream.indirect.gather [spmem:s4], $0x1, s25, s28, $0xb8;
	[tilespmem:$0x10380] =	vst v63  }
0x4d1: {  	s25 =	simm.s32 $0x4A80;
	s31 =	simm.s32 $0x7A80  }
0x4d2: {  	[tilespmem:s31], [sflag:$0x1] =	stream.indirect.gather [spmem:s4], $0x1, s25, s28, $0xb8;
	[tilespmem:$0x10380] =	vst v63  }
0x4d3: {  	s25 =	simm.s32 $0x4B00;
	s31 =	simm.s32 $0x7B00  }
0x4d4: {  	[tilespmem:s31], [sflag:$0x1] =	stream.indirect.gather [spmem:s4], $0x1, s25, s28, $0xb8;
	[tilespmem:$0x10380] =	vst v63  }
0x4d5: {  	s25 =	simm.s32 $0x4B80;
	s31 =	simm.s32 $0x7B80  }
0x4d6: {  	[tilespmem:s31], [sflag:$0x1] =	stream.indirect.gather [spmem:s4], $0x1, s25, s28, $0xb8;
	[tilespmem:$0x10380] =	vst v63  }
0x4d7: {  	_ =	swait.ge [sflag:s29], $0x80  }
0x4d8: {  	[sflag:s29] =	ssyncset.done $0x0  }
0x4d9: {  	[sflag:s29] =	ssyncadd.s32 $0xFFFFFF80  }
0x4da: {  	_ =	swait.ge [sflag:s29], $0x80  }
0x4db: {  	[sflag:s29] =	ssyncset.done $0x0  }
0x4dc: {  	[sflag:s29] =	ssyncadd.s32 $0xFFFFFF80  }
0x4dd: {  	_ =	swait.ge [sflag:s29], $0x80  }
0x4de: {  	[sflag:s29] =	ssyncset.done $0x0  }
0x4df: {  	[sflag:s29] =	ssyncadd.s32 $0xFFFFFF80  }
0x4e0: {  	_ =	swait.ge [sflag:s29], $0x80  }
0x4e1: {  	[sflag:s29] =	ssyncset.done $0x0  }
0x4e2: {  	[sflag:s29] =	ssyncadd.s32 $0xFFFFFF80  }
0x4e3: {  	_ =	swait.ge [sflag:s29], $0x80  }
0x4e4: {  	[sflag:s29] =	ssyncset.done $0x0  }
0x4e5: {  	[sflag:s29] =	ssyncadd.s32 $0xFFFFFF80  }
0x4e6: {  	_ =	swait.ge [sflag:s29], $0x80  }
0x4e7: {  	[sflag:s29] =	ssyncset.done $0x0  }
0x4e8: {  	[sflag:s29] =	ssyncadd.s32 $0xFFFFFF80  }
0x4e9: {  	_ =	swait.ge [sflag:s29], $0x80  }
0x4ea: {  	[sflag:s29] =	ssyncset.done $0x0  }
0x4eb: {  	[sflag:s29] =	ssyncadd.s32 $0xFFFFFF80  }
0x4ec: {  	_ =	swait.ge [sflag:s29], $0x80  }
0x4ed: {  	[sflag:s29] =	ssyncset.done $0x0  }
0x4ee: {  	s25 =	simm.s32 $0x4C00;
	s31 =	simm.s32 $0x7C00;
	[sflag:s29] =	ssyncadd.s32 $0xFFFFFF80  }
0x4ef: {  	[tilespmem:s31], [sflag:$0x1] =	stream.indirect.gather [spmem:s4], $0x1, s25, s28, $0xb8;
	[tilespmem:$0x10380] =	vst v63  }
0x4f0: {  	s25 =	simm.s32 $0x4C80;
	s31 =	simm.s32 $0x7C80  }
0x4f1: {  	[tilespmem:s31], [sflag:$0x1] =	stream.indirect.gather [spmem:s4], $0x1, s25, s28, $0xb8;
	[tilespmem:$0x10380] =	vst v63  }
0x4f2: {  	s25 =	simm.s32 $0x4D00;
	s31 =	simm.s32 $0x7D00  }
0x4f3: {  	[tilespmem:s31], [sflag:$0x1] =	stream.indirect.gather [spmem:s4], $0x1, s25, s28, $0xb8;
	[tilespmem:$0x10380] =	vst v63  }
0x4f4: {  	s25 =	simm.s32 $0x4D80;
	s31 =	simm.s32 $0x7D80  }
0x4f5: {  	[tilespmem:s31], [sflag:$0x1] =	stream.indirect.gather [spmem:s4], $0x1, s25, s28, $0xb8;
	[tilespmem:$0x10380] =	vst v63  }
0x4f6: {  	s25 =	simm.s32 $0x4E00;
	s31 =	simm.s32 $0x7E00  }
0x4f7: {  	[tilespmem:s31], [sflag:$0x1] =	stream.indirect.gather [spmem:s4], $0x1, s25, s28, $0xb8;
	[tilespmem:$0x10380] =	vst v63  }
0x4f8: {  	s25 =	simm.s32 $0x4E80;
	s31 =	simm.s32 $0x7E80  }
0x4f9: {  	[tilespmem:s31], [sflag:$0x1] =	stream.indirect.gather [spmem:s4], $0x1, s25, s28, $0xb8;
	[tilespmem:$0x10380] =	vst v63  }
0x4fa: {  	s25 =	simm.s32 $0x4F00;
	s31 =	simm.s32 $0x7F00  }
0x4fb: {  	[tilespmem:s31], [sflag:$0x1] =	stream.indirect.gather [spmem:s4], $0x1, s25, s28, $0xb8;
	[tilespmem:$0x10380] =	vst v63  }
0x4fc: {  	s25 =	simm.s32 $0x4F80;
	s31 =	simm.s32 $0x7F80  }
0x4fd: {  	[tilespmem:s31], [sflag:$0x1] =	stream.indirect.gather [spmem:s4], $0x1, s25, s28, $0xb8;
	[tilespmem:$0x10380] =	vst v63  }
0x4fe: {  	_ =	swait.ge [sflag:s29], $0x80  }
0x4ff: {  	[sflag:s29] =	ssyncset.done $0x0  }
0x500: {  	[sflag:s29] =	ssyncadd.s32 $0xFFFFFF80  }
0x501: {  	_ =	swait.ge [sflag:s29], $0x80  }
0x502: {  	[sflag:s29] =	ssyncset.done $0x0  }
0x503: {  	[sflag:s29] =	ssyncadd.s32 $0xFFFFFF80  }
0x504: {  	_ =	swait.ge [sflag:s29], $0x80  }
0x505: {  	[sflag:s29] =	ssyncset.done $0x0  }
0x506: {  	[sflag:s29] =	ssyncadd.s32 $0xFFFFFF80  }
0x507: {  	_ =	swait.ge [sflag:s29], $0x80  }
0x508: {  	[sflag:s29] =	ssyncset.done $0x0  }
0x509: {  	[sflag:s29] =	ssyncadd.s32 $0xFFFFFF80  }
0x50a: {  	_ =	swait.ge [sflag:s29], $0x80  }
0x50b: {  	[sflag:s29] =	ssyncset.done $0x0  }
0x50c: {  	[sflag:s29] =	ssyncadd.s32 $0xFFFFFF80  }
0x50d: {  	_ =	swait.ge [sflag:s29], $0x80  }
0x50e: {  	[sflag:s29] =	ssyncset.done $0x0  }
0x50f: {  	[sflag:s29] =	ssyncadd.s32 $0xFFFFFF80  }
0x510: {  	_ =	swait.ge [sflag:s29], $0x80  }
0x511: {  	[sflag:s29] =	ssyncset.done $0x0  }
0x512: {  	[sflag:s29] =	ssyncadd.s32 $0xFFFFFF80  }
0x513: {  	_ =	swait.ge [sflag:s29], $0x80  }
0x514: {  	[sflag:s29] =	ssyncset.done $0x0  }
0x515: {  	s25 =	rddreg [dreg:$0x12];
	[sflag:s29] =	ssyncadd.s32 $0xFFFFFF80  }
0x516: {  	[hbm4b:s25+s6] =	stream.linear.scatter [tilespmem:s19], [sflag:$0x2], $0x1000, $0x38;
	[tilespmem:$0x10380] =	vst v63  }
0x517: {  	_ =	swait.ge [sflag:s22], $0x1000  }
0x518: {  	s24 =	sadd.s32 $0x1, s24;
	s31 =	rddreg [dreg:$0x13]  }
0x519: {  	p1 =	sne.s32 s24, s31  }
.Ltmp4:
0x51a: {  	_ = 	snop;
	(pc) =	sbr.rel @p1 .LBB2_1-.Ltmp4, $3  }
0x51b: {  	_ =	sdelay $0x1  }
0x51c: {  	[sflag:s22] =	ssyncset.done $0x0  }
0x51d: {  	[sflag:s22] =	ssyncadd.s32 $0xFFFFF000  }
0x51e: {  	_ =	sfence.sel $0x180000  }
0x51f: {  	[bflag:$0x0] =	sbarrier.arrive $0xFFFF  }
0x520: {  	_ =	strace $0x90000047  }
0x521: {  	s0 =	stileid.u32;
	[bflag:$0x2] =	sbarrier.arrive $0xFFFF  }
0x522: {  	p0 =	sne.s32 s0, $0x0;
	s0 =	rddreg [dreg:$0x9]  }
0x523: {  	s0 =	sadd.s32 @!p0 $0x100000, s0  }
0x524: {  	[sflag:s0] =	ssyncadd.tile.s32 @!p0 $0x1;
	_ =	shalt  }
.Lfunc_end2:
_tile_overlayer_lowered:
.L_overlay_start_2:
0x525: {  	(tag) =	ssettag $0x2  }
0x526: {  	s0 =	rddreg [dreg:$0x0];
	s2 =	stileid.u32  }
0x527: {  	s1 =	rddreg [dreg:$0x1];
	p0 =	sne.s32 s2, $0x0  }
0x528: {  	s3 =	rddreg [dreg:$0x2];
	[bflag:$0x3] =	sbarrier.arrive $0xFFFF;
	s2 =	simm.s32 @!p0 $0x1C02  }
0x529: {  	[timem:s3], [sflag:s2] =	dma.local @!p0 [hbm:s0], s1  }
0x52a: {  	s0 =	simm.s32 @!p0 $0x2  }
0x52b: {  	_ =	swait.ge @!p0 [sflag:s0], s1  }
0x52c: {  	s1 =	ssub.s32 @!p0 $0x0, s1;
	[sflag:s0] =	ssyncset.done @!p0 $0x0  }
0x52d: {  	[sflag:s0] =	ssyncadd.s32 @!p0 s1  }
0x52e: {  	[bflag:$0x3] =	sbarrier.arrive $0xFFFF  }
0x52f: {  	_ =	shalt  }

</sc_bundles>
